<compile_context>
chip_gen: v7x
topology: tpu7x:2x2x1
jax: 0.10.2.dev20260603
libtpu: 0.0.44.dev20260713+nightly
codegen_flags: <defaults>
</compile_context>

<pallas_src>
import functools

import jax
import jax.numpy as jnp
from jax import lax
from jax.experimental import pallas as pl
from jax.experimental.pallas import tpu as pltpu
from jax.experimental.pallas import tpu_sc as plsc

_N = 10000
_E = 320000
_D = 128
_H = 128
_O = 64
_G = 16

_NP = 10240
_NC = 2
_NS = 16
_EPT = _E // (_NC * _NS)
_CHUNK = 80
_NCHUNK = _EPT // _CHUNK
_NBUF = 5
_RPT = _NP // _NS
_ZROWS = 160

_HIGH = lax.Precision.HIGHEST


def _sc_degree(dst, zeros):
    import dataclasses
    mesh = plsc.VectorSubcoreMesh(core_axis_name="c", subcore_axis_name="s")
    cp = pltpu.CompilerParams()
    if "use_tc_tiling_on_sc" in pltpu.CompilerParams.__dataclass_fields__:
        cp = dataclasses.replace(cp, use_tc_tiling_on_sc=False)

    @functools.partial(
        pl.kernel,
        out_type=jax.ShapeDtypeStruct((_NC, _NP, 16), jnp.float32),
        mesh=mesh,
        compiler_params=cp,
        scratch_types=[
            pltpu.VMEM((_NCHUNK, _CHUNK), jnp.int32),
            pltpu.VMEM((_CHUNK, 16), jnp.float32),
            pltpu.VMEM_SHARED((_NP, 16), jnp.float32),
            pltpu.SemaphoreType.DMA,
        ],
    )
    def k(dst_hbm, zeros_hbm, out_hbm, dbuf, ones, acc, ssem):
        c = lax.axis_index("c")
        s = lax.axis_index("s")
        one16 = jnp.full((16,), 1.0, jnp.float32)

        zcopy = pltpu.async_copy(zeros_hbm.at[:, pl.ds(0, 16)],
                                 acc.at[pl.ds(s * _RPT, _RPT)], ssem)

        @pl.loop(0, _CHUNK)
        def _(i):
            ones[i, pl.ds(0, 16)] = one16

        tile = c * _NS + s
        pltpu.sync_copy(dst_hbm.at[tile], dbuf)
        zcopy.wait()
        plsc.subcore_barrier()

        @pl.loop(0, _NCHUNK // _NBUF)
        def _(grp):
            for b in range(_NBUF):
                pltpu.async_copy(ones, acc.at[dbuf.at[grp * _NBUF + b]],
                                 ssem, add=True)
            for b in range(_NBUF):
                pltpu.make_async_copy(ones, acc.at[dbuf.at[grp * _NBUF + b]],
                                      ssem).wait()

        plsc.subcore_barrier()
        pltpu.sync_copy(acc.at[pl.ds(s * _RPT, _RPT)],
                        out_hbm.at[c, pl.ds(s * _RPT, _RPT)])

    return k(dst, zeros)


def _sc_aggregate(g, src, dst, zeros):
    mesh = plsc.VectorSubcoreMesh(core_axis_name="c", subcore_axis_name="s")
    RING = 3
    ISLOTS = 2 * RING
    BODY = ISLOTS
    NIT = 19
    EPI = _NCHUNK - NIT * BODY

    @functools.partial(
        pl.kernel,
        out_type=jax.ShapeDtypeStruct((_NC, _NP, _H), jnp.float32),
        mesh=mesh,
        scratch_types=(
            [pltpu.VMEM((_CHUNK,), jnp.int32) for _ in range(2 * ISLOTS)]
            + [pltpu.VMEM((_CHUNK, _H), jnp.float32) for _ in range(RING)]
            + [pltpu.VMEM_SHARED((_NP, _H), jnp.float32)]
            + [pltpu.SemaphoreType.DMA for _ in range(ISLOTS + RING + 1)]
        ),
    )
    def k(g_hbm, src_hbm, dst_hbm, zeros_hbm, out_hbm, *rest):
        sidx = rest[:ISLOTS]
        didx = rest[ISLOTS:2 * ISLOTS]
        rows = rest[2 * ISLOTS:2 * ISLOTS + RING]
        acc = rest[2 * ISLOTS + RING]
        isem = rest[2 * ISLOTS + RING + 1:2 * ISLOTS + RING + 1 + ISLOTS]
        gsem = rest[2 * ISLOTS + RING + 1 + ISLOTS:
                    2 * ISLOTS + RING + 1 + ISLOTS + RING]
        zsem = rest[2 * ISLOTS + RING + 1 + ISLOTS + RING]
        c = lax.axis_index("c")
        s = lax.axis_index("s")

        zcopy = pltpu.async_copy(zeros_hbm, acc.at[pl.ds(s * _RPT, _RPT)],
                                 zsem)

        base = (c * _NS + s) * _EPT

        def start_idx(j, i6):
            off = base + j * _CHUNK
            pltpu.async_copy(src_hbm.at[pl.ds(off, _CHUNK)], sidx[i6],
                             isem[i6])
            pltpu.async_copy(dst_hbm.at[pl.ds(off, _CHUNK)], didx[i6],
                             isem[i6])

        def wait_idx(j, i6):
            off = base + j * _CHUNK
            pltpu.make_async_copy(src_hbm.at[pl.ds(off, _CHUNK)], sidx[i6],
                                  isem[i6]).wait()
            pltpu.make_async_copy(dst_hbm.at[pl.ds(off, _CHUNK)], didx[i6],
                                  isem[i6]).wait()

        def start_gather(i6, i3):
            pltpu.async_copy(g_hbm.at[sidx[i6]], rows[i3], gsem[i3])

        def finish_chunk(i6, i3):
            pltpu.make_async_copy(g_hbm.at[sidx[i6]], rows[i3],
                                  gsem[i3]).wait()
            pltpu.sync_copy(rows[i3], acc.at[didx[i6]], add=True)

        for b in range(ISLOTS):
            start_idx(b, b)
        for b in range(RING):
            wait_idx(b, b)
            start_gather(b, b)
        zcopy.wait()
        plsc.subcore_barrier()

        @pl.loop(0, NIT)
        def _(it):
            j0 = it * BODY
            for u in range(BODY):
                j = j0 + u
                finish_chunk(u, u % RING)
                start_idx(j + ISLOTS, u)
                wait_idx(j + RING, (u + RING) % ISLOTS)
                start_gather((u + RING) % ISLOTS, u % RING)

        for j in range(NIT * BODY, _NCHUNK):
            u = j % ISLOTS
            finish_chunk(u, u % RING)
            if j + ISLOTS < _NCHUNK:
                start_idx(j + ISLOTS, u)
            if j + RING < _NCHUNK:
                wait_idx(j + RING, (u + RING) % ISLOTS)
                start_gather((u + RING) % ISLOTS, u % RING)

        plsc.subcore_barrier()
        pltpu.sync_copy(acc.at[pl.ds(s * _RPT, _RPT)],
                        out_hbm.at[c, pl.ds(s * _RPT, _RPT)])

    return k(g, src, dst, zeros)


_BLK = 2000
_NBLK = _N // _BLK


def _dinv_from(dp_ref):
    return lax.rsqrt(dp_ref[0, :, 0:1] + dp_ref[1, :, 0:1] + 1.0)


def _tc_g1(x, w1, dp):
    def body(x_ref, dp_ref, w_ref, o_ref):
        xw = jnp.dot(x_ref[...], w_ref[...],
                     preferred_element_type=jnp.float32,
                     precision=_HIGH)
        o_ref[...] = xw * _dinv_from(dp_ref)

    return pl.pallas_call(
        body,
        grid=(_NBLK,),
        in_specs=[
            pl.BlockSpec((_BLK, _D), lambda i: (i, 0)),
            pl.BlockSpec((_NC, _BLK, 16), lambda i: (0, i, 0)),
            pl.BlockSpec((_D, _H), lambda i: (0, 0)),
        ],
        out_specs=pl.BlockSpec((_BLK, _H), lambda i: (i, 0)),
        out_shape=jax.ShapeDtypeStruct((_N, _H), jnp.float32),
    )(x, dp, w1)


def _tc_layer2(a1, g1, dp, b1, w2):
    def body(a_ref, g_ref, dp_ref, b_ref, w_ref, o_ref):
        dinv = _dinv_from(dp_ref)
        h = jnp.maximum(dinv * (a_ref[0] + a_ref[1] + g_ref[...]) + b_ref[...],
                        0.0)
        o_ref[...] = jnp.dot(h, w_ref[...],
                             preferred_element_type=jnp.float32,
                             precision=_HIGH) * dinv

    return pl.pallas_call(
        body,
        grid=(_NBLK,),
        in_specs=[
            pl.BlockSpec((_NC, _BLK, _H), lambda i: (0, i, 0)),
            pl.BlockSpec((_BLK, _H), lambda i: (i, 0)),
            pl.BlockSpec((_NC, _BLK, 16), lambda i: (0, i, 0)),
            pl.BlockSpec((1, _H), lambda i: (0, 0)),
            pl.BlockSpec((_H, _H), lambda i: (0, 0)),
        ],
        out_specs=pl.BlockSpec((_BLK, _H), lambda i: (i, 0)),
        out_shape=jax.ShapeDtypeStruct((_N, _H), jnp.float32),
    )(a1, g1, dp, b1, w2)


def _tc_head(a2, g2, dp, b2, batch3, wfc, bfc):
    def body(a_ref, g_ref, dp_ref, b_ref, bat_ref, wfc_ref, bfc_ref, o_ref,
             sum_ref, cnt_ref):
        i = pl.program_id(0)

        @pl.when(i == 0)
        def _():
            sum_ref[...] = jnp.zeros((_G, _H), jnp.float32)
            cnt_ref[...] = jnp.zeros((_G, 128), jnp.float32)

        dinv = _dinv_from(dp_ref)
        h = jnp.maximum(dinv * (a_ref[0] + a_ref[1] + g_ref[...]) + b_ref[...],
                        0.0)
        gid = lax.broadcasted_iota(jnp.int32, (_G, _BLK), 0)
        mask = (bat_ref[0] == gid).astype(jnp.float32)
        sum_ref[...] += jnp.dot(mask, h, preferred_element_type=jnp.float32,
                                precision=_HIGH)
        cnt_ref[...] += jnp.sum(mask, axis=1, keepdims=True)

        @pl.when(i == _NBLK - 1)
        def _():
            pooled = sum_ref[...] / jnp.maximum(cnt_ref[:, 0:1], 1.0)
            logits = jnp.dot(pooled, wfc_ref[...],
                             preferred_element_type=jnp.float32,
                             precision=_HIGH) + bfc_ref[...]
            shifted = logits - jnp.max(logits, axis=-1, keepdims=True)
            o_ref[...] = shifted - jnp.log(
                jnp.sum(jnp.exp(shifted), axis=-1, keepdims=True))

    return pl.pallas_call(
        body,
        grid=(_NBLK,),
        in_specs=[
            pl.BlockSpec((_NC, _BLK, _H), lambda i: (0, i, 0)),
            pl.BlockSpec((_BLK, _H), lambda i: (i, 0)),
            pl.BlockSpec((_NC, _BLK, 16), lambda i: (0, i, 0)),
            pl.BlockSpec((1, _H), lambda i: (0, 0)),
            pl.BlockSpec((1, 1, _BLK), lambda i: (i, 0, 0)),
            pl.BlockSpec((_H, _O), lambda i: (0, 0)),
            pl.BlockSpec((1, _O), lambda i: (0, 0)),
        ],
        out_specs=pl.BlockSpec((_G, _O), lambda i: (0, 0)),
        out_shape=jax.ShapeDtypeStruct((_G, _O), jnp.float32),
        scratch_shapes=[
            pltpu.VMEM((_G, _H), jnp.float32),
            pltpu.VMEM((_G, 128), jnp.float32),
        ],
    )(a2, g2, dp, b2, batch3, wfc, bfc)


def kernel(x, edge_index, batch, W1, b1, W2, b2, Wfc, bfc):
    src = edge_index[0]
    dst = edge_index[1]
    dst3 = dst.reshape(_NC * _NS, _NCHUNK, _CHUNK)

    zeros = jnp.zeros((_RPT, _H), jnp.float32)

    dp = _sc_degree(dst3, zeros)
    g1 = _tc_g1(x, W1, dp)
    a1 = _sc_aggregate(g1, src, dst, zeros)
    g2 = _tc_layer2(a1, g1, dp, b1.reshape(1, _H), W2)
    a2 = _sc_aggregate(g2, src, dst, zeros)
    return _tc_head(a2, g2, dp, b2.reshape(1, _H),
                    batch.reshape(_NBLK, 1, _BLK), Wfc, bfc.reshape(1, _O))

# --- scband reference (transcript-rebuilt; emitter-appended) ---
"""Pipeline reference for scband-gcnmodel-87050397156003 (READ-ONLY COPY).

The authoritative reference and input builder live on the scoring server;
editing this copy changes nothing except your own understanding.
"""

import jax, jax.numpy as jnp
import numpy as np

N = 10000
E = 320000
D = 128
H = 128
O = 64
G = 16


def setup_inputs(seed: int = 0) -> dict:
    key = jax.random.key(seed)
    ks = jax.random.split(key, 9)
    x = jax.random.normal(ks[0], (N, D), dtype=jnp.float32)
    edge_index = jax.random.randint(ks[1], (2, E), 0, N, dtype=jnp.int32)
    batch = jnp.sort(jax.random.randint(ks[2], (N,), 0, G, dtype=jnp.int32))
    W1 = jax.random.normal(ks[3], (D, H), dtype=jnp.float32) * (1.0 / np.sqrt(D))
    b1 = jnp.zeros((H,), dtype=jnp.float32)
    W2 = jax.random.normal(ks[4], (H, H), dtype=jnp.float32) * (1.0 / np.sqrt(H))
    b2 = jnp.zeros((H,), dtype=jnp.float32)
    Wfc = jax.random.normal(ks[5], (H, O), dtype=jnp.float32) * (1.0 / np.sqrt(H))
    bfc = jnp.zeros((O,), dtype=jnp.float32)
    return {"x": x, "edge_index": edge_index, "batch": batch,
            "W1": W1, "b1": b1, "W2": W2, "b2": b2, "Wfc": Wfc, "bfc": bfc}


def _gcn_conv(x, src, dst, W, b):
    # GCNConv: h = D^{-1/2} (A + I) D^{-1/2} (x W) + b
    h = x @ W
    loop = jnp.arange(N, dtype=src.dtype)
    s = jnp.concatenate([src, loop])
    d = jnp.concatenate([dst, loop])
    deg = jnp.zeros((N,), x.dtype).at[d].add(1.0)
    dinv = jax.lax.rsqrt(deg)  # deg >= 1 due to self loops
    norm = dinv[s] * dinv[d]
    msg = h[s] * norm[:, None]
    out = jnp.zeros((N, h.shape[1]), x.dtype).at[d].add(msg)
    return out + b


def reference(x, edge_index, batch, W1, b1, W2, b2, Wfc, bfc):
    src = edge_index[0]
    dst = edge_index[1]
    h = jax.nn.relu(_gcn_conv(x, src, dst, W1, b1))
    h = jax.nn.relu(_gcn_conv(h, src, dst, W2, b2))
    # global_mean_pool over graph ids
    summed = jax.ops.segment_sum(h, batch, num_segments=G)
    counts = jax.ops.segment_sum(jnp.ones((N, 1), h.dtype), batch, num_segments=G)
    pooled = summed / jnp.maximum(counts, 1.0)
    logits = pooled @ Wfc + bfc
    return jax.nn.log_softmax(logits, axis=-1)

if __name__ == "__main__":
    import jax
    _d = setup_inputs()
    print(jax.jit(kernel)(*tuple(_d.values())))

</pallas_src>

<mosaic_0001>
#map = affine_map<(d0, d1) -> (0, 0)>
#map1 = affine_map<(d0, d1) -> (0)>
#map2 = affine_map<(d0, d1) -> (0, 0, 0)>
module attributes {stable_mosaic.version = 14 : i64} {
  func.func @k(%arg0: i32, %arg1: i32, %arg2: memref<10000x128xf32, #tpu.memory_space<hbm>>, %arg3: memref<320000xi32, #tpu.memory_space<hbm>>, %arg4: memref<320000xi32, #tpu.memory_space<hbm>>, %arg5: memref<640x128xf32, #tpu.memory_space<hbm>>, %arg6: memref<2x10240x128xf32, #tpu.memory_space<hbm>>, %arg7: memref<80xi32, #tpu.memory_space<vmem>>, %arg8: memref<80xi32, #tpu.memory_space<vmem>>, %arg9: memref<80xi32, #tpu.memory_space<vmem>>, %arg10: memref<80xi32, #tpu.memory_space<vmem>>, %arg11: memref<80xi32, #tpu.memory_space<vmem>>, %arg12: memref<80xi32, #tpu.memory_space<vmem>>, %arg13: memref<80xi32, #tpu.memory_space<vmem>>, %arg14: memref<80xi32, #tpu.memory_space<vmem>>, %arg15: memref<80xi32, #tpu.memory_space<vmem>>, %arg16: memref<80xi32, #tpu.memory_space<vmem>>, %arg17: memref<80xi32, #tpu.memory_space<vmem>>, %arg18: memref<80xi32, #tpu.memory_space<vmem>>, %arg19: memref<80x128xf32, #tpu.memory_space<vmem>>, %arg20: memref<80x128xf32, #tpu.memory_space<vmem>>, %arg21: memref<80x128xf32, #tpu.memory_space<vmem>>, %arg22: memref<10240x128xf32, #tpu.memory_space<vmem_shared>>, %arg23: memref<!tpu.dma_semaphore, #tpu.memory_space<semaphore_mem>>, %arg24: memref<!tpu.dma_semaphore, #tpu.memory_space<semaphore_mem>>, %arg25: memref<!tpu.dma_semaphore, #tpu.memory_space<semaphore_mem>>, %arg26: memref<!tpu.dma_semaphore, #tpu.memory_space<semaphore_mem>>, %arg27: memref<!tpu.dma_semaphore, #tpu.memory_space<semaphore_mem>>, %arg28: memref<!tpu.dma_semaphore, #tpu.memory_space<semaphore_mem>>, %arg29: memref<!tpu.dma_semaphore, #tpu.memory_space<semaphore_mem>>, %arg30: memref<!tpu.dma_semaphore, #tpu.memory_space<semaphore_mem>>, %arg31: memref<!tpu.dma_semaphore, #tpu.memory_space<semaphore_mem>>, %arg32: memref<!tpu.dma_semaphore, #tpu.memory_space<semaphore_mem>>) attributes {dimension_semantics = [#tpu.dimension_semantics<core_parallel>, #tpu.dimension_semantics<subcore_parallel>], iteration_bounds = array<i64: 2, 16>, scalar_prefetch = 0 : i64, scratch_operands = 26 : i64, tpu.core_type = #tpu.core_type<sc_vector_subcore>, window_params = [{transform_indices = #map}, {transform_indices = #map1}, {transform_indices = #map1}, {transform_indices = #map}, {transform_indices = #map2}]} {
    %mul3A = arith.constant 640 : i32
    %mul3A_0 = arith.muli %arg1, %mul3A : i32
    %dma_start3A = arith.constant 0 : i32
    %dma_start3A_1 = tpu.memref_slice %arg22[%mul3A_0, %dma_start3A] : memref<10240x128xf32, #tpu.memory_space<vmem_shared>> -> memref<640x128xf32, #tpu.memory_space<vmem_shared>>
    tpu.enqueue_dma source(%arg5 : memref<640x128xf32, #tpu.memory_space<hbm>>) target(%dma_start3A_1 : memref<640x128xf32, #tpu.memory_space<vmem_shared>>) target_semaphore(%arg32 : memref<!tpu.dma_semaphore, #tpu.memory_space<semaphore_mem>>)
    %mul3A_2 = arith.constant 16 : i32
    %mul3A_3 = arith.muli %arg0, %mul3A_2 : i32
    %add3A = arith.addi %mul3A_3, %arg1 : i32
    %mul3A_4 = arith.constant 10000 : i32
    %mul3A_5 = arith.muli %add3A, %mul3A_4 : i32
    %add3A_6 = arith.constant 0 : i32
    %add3A_7 = arith.addi %mul3A_5, %add3A_6 : i32
    %dma_start3A_8 = tpu.memref_slice %arg3[%add3A_7] : memref<320000xi32, #tpu.memory_space<hbm>> -> memref<80xi32, #tpu.memory_space<hbm>>
    %dma_start3A_9 = tpu.memref_slice %arg3[%add3A_7] : memref<320000xi32, #tpu.memory_space<hbm>> -> memref<80xi32, #tpu.memory_space<hbm>>
    tpu.enqueue_dma source(%dma_start3A_9 : memref<80xi32, #tpu.memory_space<hbm>>) target(%arg7 : memref<80xi32, #tpu.memory_space<vmem>>) target_semaphore(%arg23 : memref<!tpu.dma_semaphore, #tpu.memory_space<semaphore_mem>>)
    %dma_start3A_10 = tpu.memref_slice %arg4[%add3A_7] : memref<320000xi32, #tpu.memory_space<hbm>> -> memref<80xi32, #tpu.memory_space<hbm>>
    %dma_start3A_11 = tpu.memref_slice %arg4[%add3A_7] : memref<320000xi32, #tpu.memory_space<hbm>> -> memref<80xi32, #tpu.memory_space<hbm>>
    tpu.enqueue_dma source(%dma_start3A_11 : memref<80xi32, #tpu.memory_space<hbm>>) target(%arg13 : memref<80xi32, #tpu.memory_space<vmem>>) target_semaphore(%arg23 : memref<!tpu.dma_semaphore, #tpu.memory_space<semaphore_mem>>)
    %add3A_12 = arith.constant 80 : i32
    %add3A_13 = arith.addi %mul3A_5, %add3A_12 : i32
    %dma_start3A_14 = tpu.memref_slice %arg3[%add3A_13] : memref<320000xi32, #tpu.memory_space<hbm>> -> memref<80xi32, #tpu.memory_space<hbm>>
    %dma_start3A_15 = tpu.memref_slice %arg3[%add3A_13] : memref<320000xi32, #tpu.memory_space<hbm>> -> memref<80xi32, #tpu.memory_space<hbm>>
    tpu.enqueue_dma source(%dma_start3A_15 : memref<80xi32, #tpu.memory_space<hbm>>) target(%arg8 : memref<80xi32, #tpu.memory_space<vmem>>) target_semaphore(%arg24 : memref<!tpu.dma_semaphore, #tpu.memory_space<semaphore_mem>>)
    %dma_start3A_16 = tpu.memref_slice %arg4[%add3A_13] : memref<320000xi32, #tpu.memory_space<hbm>> -> memref<80xi32, #tpu.memory_space<hbm>>
    %dma_start3A_17 = tpu.memref_slice %arg4[%add3A_13] : memref<320000xi32, #tpu.memory_space<hbm>> -> memref<80xi32, #tpu.memory_space<hbm>>
    tpu.enqueue_dma source(%dma_start3A_17 : memref<80xi32, #tpu.memory_space<hbm>>) target(%arg14 : memref<80xi32, #tpu.memory_space<vmem>>) target_semaphore(%arg24 : memref<!tpu.dma_semaphore, #tpu.memory_space<semaphore_mem>>)
    %add3A_18 = arith.constant 160 : i32
    %add3A_19 = arith.addi %mul3A_5, %add3A_18 : i32
    %dma_start3A_20 = tpu.memref_slice %arg3[%add3A_19] : memref<320000xi32, #tpu.memory_space<hbm>> -> memref<80xi32, #tpu.memory_space<hbm>>
    %dma_start3A_21 = tpu.memref_slice %arg3[%add3A_19] : memref<320000xi32, #tpu.memory_space<hbm>> -> memref<80xi32, #tpu.memory_space<hbm>>
    tpu.enqueue_dma source(%dma_start3A_21 : memref<80xi32, #tpu.memory_space<hbm>>) target(%arg9 : memref<80xi32, #tpu.memory_space<vmem>>) target_semaphore(%arg25 : memref<!tpu.dma_semaphore, #tpu.memory_space<semaphore_mem>>)
    %dma_start3A_22 = tpu.memref_slice %arg4[%add3A_19] : memref<320000xi32, #tpu.memory_space<hbm>> -> memref<80xi32, #tpu.memory_space<hbm>>
    %dma_start3A_23 = tpu.memref_slice %arg4[%add3A_19] : memref<320000xi32, #tpu.memory_space<hbm>> -> memref<80xi32, #tpu.memory_space<hbm>>
    tpu.enqueue_dma source(%dma_start3A_23 : memref<80xi32, #tpu.memory_space<hbm>>) target(%arg15 : memref<80xi32, #tpu.memory_space<vmem>>) target_semaphore(%arg25 : memref<!tpu.dma_semaphore, #tpu.memory_space<semaphore_mem>>)
    %add3A_24 = arith.constant 240 : i32
    %add3A_25 = arith.addi %mul3A_5, %add3A_24 : i32
    %dma_start3A_26 = tpu.memref_slice %arg3[%add3A_25] : memref<320000xi32, #tpu.memory_space<hbm>> -> memref<80xi32, #tpu.memory_space<hbm>>
    %dma_start3A_27 = tpu.memref_slice %arg3[%add3A_25] : memref<320000xi32, #tpu.memory_space<hbm>> -> memref<80xi32, #tpu.memory_space<hbm>>
    tpu.enqueue_dma source(%dma_start3A_27 : memref<80xi32, #tpu.memory_space<hbm>>) target(%arg10 : memref<80xi32, #tpu.memory_space<vmem>>) target_semaphore(%arg26 : memref<!tpu.dma_semaphore, #tpu.memory_space<semaphore_mem>>)
    %dma_start3A_28 = tpu.memref_slice %arg4[%add3A_25] : memref<320000xi32, #tpu.memory_space<hbm>> -> memref<80xi32, #tpu.memory_space<hbm>>
    %dma_start3A_29 = tpu.memref_slice %arg4[%add3A_25] : memref<320000xi32, #tpu.memory_space<hbm>> -> memref<80xi32, #tpu.memory_space<hbm>>
    tpu.enqueue_dma source(%dma_start3A_29 : memref<80xi32, #tpu.memory_space<hbm>>) target(%arg16 : memref<80xi32, #tpu.memory_space<vmem>>) target_semaphore(%arg26 : memref<!tpu.dma_semaphore, #tpu.memory_space<semaphore_mem>>)
    %add3A_30 = arith.constant 320 : i32
    %add3A_31 = arith.addi %mul3A_5, %add3A_30 : i32
    %dma_start3A_32 = tpu.memref_slice %arg3[%add3A_31] : memref<320000xi32, #tpu.memory_space<hbm>> -> memref<80xi32, #tpu.memory_space<hbm>>
    %dma_start3A_33 = tpu.memref_slice %arg3[%add3A_31] : memref<320000xi32, #tpu.memory_space<hbm>> -> memref<80xi32, #tpu.memory_space<hbm>>
    tpu.enqueue_dma source(%dma_start3A_33 : memref<80xi32, #tpu.memory_space<hbm>>) target(%arg11 : memref<80xi32, #tpu.memory_space<vmem>>) target_semaphore(%arg27 : memref<!tpu.dma_semaphore, #tpu.memory_space<semaphore_mem>>)
    %dma_start3A_34 = tpu.memref_slice %arg4[%add3A_31] : memref<320000xi32, #tpu.memory_space<hbm>> -> memref<80xi32, #tpu.memory_space<hbm>>
    %dma_start3A_35 = tpu.memref_slice %arg4[%add3A_31] : memref<320000xi32, #tpu.memory_space<hbm>> -> memref<80xi32, #tpu.memory_space<hbm>>
    tpu.enqueue_dma source(%dma_start3A_35 : memref<80xi32, #tpu.memory_space<hbm>>) target(%arg17 : memref<80xi32, #tpu.memory_space<vmem>>) target_semaphore(%arg27 : memref<!tpu.dma_semaphore, #tpu.memory_space<semaphore_mem>>)
    %add3A_36 = arith.constant 400 : i32
    %add3A_37 = arith.addi %mul3A_5, %add3A_36 : i32
    %dma_start3A_38 = tpu.memref_slice %arg3[%add3A_37] : memref<320000xi32, #tpu.memory_space<hbm>> -> memref<80xi32, #tpu.memory_space<hbm>>
    %dma_start3A_39 = tpu.memref_slice %arg3[%add3A_37] : memref<320000xi32, #tpu.memory_space<hbm>> -> memref<80xi32, #tpu.memory_space<hbm>>
    tpu.enqueue_dma source(%dma_start3A_39 : memref<80xi32, #tpu.memory_space<hbm>>) target(%arg12 : memref<80xi32, #tpu.memory_space<vmem>>) target_semaphore(%arg28 : memref<!tpu.dma_semaphore, #tpu.memory_space<semaphore_mem>>)
    %dma_start3A_40 = tpu.memref_slice %arg4[%add3A_37] : memref<320000xi32, #tpu.memory_space<hbm>> -> memref<80xi32, #tpu.memory_space<hbm>>
    %dma_start3A_41 = tpu.memref_slice %arg4[%add3A_37] : memref<320000xi32, #tpu.memory_space<hbm>> -> memref<80xi32, #tpu.memory_space<hbm>>
    tpu.enqueue_dma source(%dma_start3A_41 : memref<80xi32, #tpu.memory_space<hbm>>) target(%arg18 : memref<80xi32, #tpu.memory_space<vmem>>) target_semaphore(%arg28 : memref<!tpu.dma_semaphore, #tpu.memory_space<semaphore_mem>>)
    %add3A_42 = arith.constant 0 : i32
    %add3A_43 = arith.addi %mul3A_5, %add3A_42 : i32
    %dma_wait3A = tpu.memref_slice %arg3[%add3A_43] : memref<320000xi32, #tpu.memory_space<hbm>> -> memref<80xi32, #tpu.memory_space<hbm>>
    %dma_wait3A_44 = tpu.memref_slice %arg3[%add3A_43] : memref<320000xi32, #tpu.memory_space<hbm>> -> memref<80xi32, #tpu.memory_space<hbm>>
    tpu.wait_dma2 semaphore(%arg23 : memref<!tpu.dma_semaphore, #tpu.memory_space<semaphore_mem>>) src(%dma_wait3A_44 : memref<80xi32, #tpu.memory_space<hbm>>) dst(%arg7 : memref<80xi32, #tpu.memory_space<vmem>>)
    %dma_wait3A_45 = tpu.memref_slice %arg4[%add3A_43] : memref<320000xi32, #tpu.memory_space<hbm>> -> memref<80xi32, #tpu.memory_space<hbm>>
    %dma_wait3A_46 = tpu.memref_slice %arg4[%add3A_43] : memref<320000xi32, #tpu.memory_space<hbm>> -> memref<80xi32, #tpu.memory_space<hbm>>
    tpu.wait_dma2 semaphore(%arg23 : memref<!tpu.dma_semaphore, #tpu.memory_space<semaphore_mem>>) src(%dma_wait3A_46 : memref<80xi32, #tpu.memory_space<hbm>>) dst(%arg13 : memref<80xi32, #tpu.memory_space<vmem>>)
    %dma_start3A_47 = arith.constant 0 : i32
    %dma_start3A_48 = arith.constant 0 : i32
    %dma_start3A_49 = tpu.memref_slice %arg2[%dma_start3A_47, %dma_start3A_48] : memref<10000x128xf32, #tpu.memory_space<hbm>> -> memref<10000x128xf32, #tpu.memory_space<hbm>>
    tpu.enqueue_indirect_dma source(%dma_start3A_49 : memref<10000x128xf32, #tpu.memory_space<hbm>>) target(%arg19 : memref<80x128xf32, #tpu.memory_space<vmem>>) offsets(%arg7 : memref<80xi32, #tpu.memory_space<vmem>>) semaphore(%arg29 : memref<!tpu.dma_semaphore, #tpu.memory_space<semaphore_mem>>)
    %add3A_50 = arith.constant 80 : i32
    %add3A_51 = arith.addi %mul3A_5, %add3A_50 : i32
    %dma_wait3A_52 = tpu.memref_slice %arg3[%add3A_51] : memref<320000xi32, #tpu.memory_space<hbm>> -> memref<80xi32, #tpu.memory_space<hbm>>
    %dma_wait3A_53 = tpu.memref_slice %arg3[%add3A_51] : memref<320000xi32, #tpu.memory_space<hbm>> -> memref<80xi32, #tpu.memory_space<hbm>>
    tpu.wait_dma2 semaphore(%arg24 : memref<!tpu.dma_semaphore, #tpu.memory_space<semaphore_mem>>) src(%dma_wait3A_53 : memref<80xi32, #tpu.memory_space<hbm>>) dst(%arg8 : memref<80xi32, #tpu.memory_space<vmem>>)
    %dma_wait3A_54 = tpu.memref_slice %arg4[%add3A_51] : memref<320000xi32, #tpu.memory_space<hbm>> -> memref<80xi32, #tpu.memory_space<hbm>>
    %dma_wait3A_55 = tpu.memref_slice %arg4[%add3A_51] : memref<320000xi32, #tpu.memory_space<hbm>> -> memref<80xi32, #tpu.memory_space<hbm>>
    tpu.wait_dma2 semaphore(%arg24 : memref<!tpu.dma_semaphore, #tpu.memory_space<semaphore_mem>>) src(%dma_wait3A_55 : memref<80xi32, #tpu.memory_space<hbm>>) dst(%arg14 : memref<80xi32, #tpu.memory_space<vmem>>)
    %dma_start3A_56 = arith.constant 0 : i32
    %dma_start3A_57 = arith.constant 0 : i32
    %dma_start3A_58 = tpu.memref_slice %arg2[%dma_start3A_56, %dma_start3A_57] : memref<10000x128xf32, #tpu.memory_space<hbm>> -> memref<10000x128xf32, #tpu.memory_space<hbm>>
    tpu.enqueue_indirect_dma source(%dma_start3A_58 : memref<10000x128xf32, #tpu.memory_space<hbm>>) target(%arg20 : memref<80x128xf32, #tpu.memory_space<vmem>>) offsets(%arg8 : memref<80xi32, #tpu.memory_space<vmem>>) semaphore(%arg30 : memref<!tpu.dma_semaphore, #tpu.memory_space<semaphore_mem>>)
    %add3A_59 = arith.constant 160 : i32
    %add3A_60 = arith.addi %mul3A_5, %add3A_59 : i32
    %dma_wait3A_61 = tpu.memref_slice %arg3[%add3A_60] : memref<320000xi32, #tpu.memory_space<hbm>> -> memref<80xi32, #tpu.memory_space<hbm>>
    %dma_wait3A_62 = tpu.memref_slice %arg3[%add3A_60] : memref<320000xi32, #tpu.memory_space<hbm>> -> memref<80xi32, #tpu.memory_space<hbm>>
    tpu.wait_dma2 semaphore(%arg25 : memref<!tpu.dma_semaphore, #tpu.memory_space<semaphore_mem>>) src(%dma_wait3A_62 : memref<80xi32, #tpu.memory_space<hbm>>) dst(%arg9 : memref<80xi32, #tpu.memory_space<vmem>>)
    %dma_wait3A_63 = tpu.memref_slice %arg4[%add3A_60] : memref<320000xi32, #tpu.memory_space<hbm>> -> memref<80xi32, #tpu.memory_space<hbm>>
    %dma_wait3A_64 = tpu.memref_slice %arg4[%add3A_60] : memref<320000xi32, #tpu.memory_space<hbm>> -> memref<80xi32, #tpu.memory_space<hbm>>
    tpu.wait_dma2 semaphore(%arg25 : memref<!tpu.dma_semaphore, #tpu.memory_space<semaphore_mem>>) src(%dma_wait3A_64 : memref<80xi32, #tpu.memory_space<hbm>>) dst(%arg15 : memref<80xi32, #tpu.memory_space<vmem>>)
    %dma_start3A_65 = arith.constant 0 : i32
    %dma_start3A_66 = arith.constant 0 : i32
    %dma_start3A_67 = tpu.memref_slice %arg2[%dma_start3A_65, %dma_start3A_66] : memref<10000x128xf32, #tpu.memory_space<hbm>> -> memref<10000x128xf32, #tpu.memory_space<hbm>>
    tpu.enqueue_indirect_dma source(%dma_start3A_67 : memref<10000x128xf32, #tpu.memory_space<hbm>>) target(%arg21 : memref<80x128xf32, #tpu.memory_space<vmem>>) offsets(%arg9 : memref<80xi32, #tpu.memory_space<vmem>>) semaphore(%arg31 : memref<!tpu.dma_semaphore, #tpu.memory_space<semaphore_mem>>)
    %dma_wait3A_68 = arith.constant 0 : i32
    %dma_wait3A_69 = tpu.memref_slice %arg22[%mul3A_0, %dma_wait3A_68] : memref<10240x128xf32, #tpu.memory_space<vmem_shared>> -> memref<640x128xf32, #tpu.memory_space<vmem_shared>>
    tpu.wait_dma2 semaphore(%arg32 : memref<!tpu.dma_semaphore, #tpu.memory_space<semaphore_mem>>) src(%arg5 : memref<640x128xf32, #tpu.memory_space<hbm>>) dst(%dma_wait3A_69 : memref<640x128xf32, #tpu.memory_space<vmem_shared>>)
    %barrier3A = arith.constant 0 : index
    tpu.barrier barrier_id(%barrier3A)
    %scan3A = arith.constant 0 : i32
    %scan3A_70 = arith.constant 19 : i32
    %scan3A_71 = arith.addi %scan3A, %scan3A_70 : i32
    %scan3A_72 = arith.constant 1 : i32
    scf.for %scan3A_214 = %scan3A to %scan3A_71 step %scan3A_72  : i32 {
      %mul3A_215 = arith.constant 1 : i32
      %mul3A_216 = arith.muli %scan3A_214, %mul3A_215 : i32
      %add3A_217 = arith.constant 0 : i32
      %add3A_218 = arith.addi %add3A_217, %mul3A_216 : i32
      %mul3A_219 = arith.constant 6 : i32
      %mul3A_220 = arith.muli %add3A_218, %mul3A_219 : i32
      %add3A_221 = arith.constant 0 : i32
      %add3A_222 = arith.addi %mul3A_220, %add3A_221 : i32
      %dma_wait3A_223 = arith.constant 0 : i32
      %dma_wait3A_224 = arith.constant 0 : i32
      %dma_wait3A_225 = tpu.memref_slice %arg2[%dma_wait3A_223, %dma_wait3A_224] : memref<10000x128xf32, #tpu.memory_space<hbm>> -> memref<10000x128xf32, #tpu.memory_space<hbm>>
      tpu.wait_indirect_dma semaphore(%arg29 : memref<!tpu.dma_semaphore, #tpu.memory_space<semaphore_mem>>) src(%dma_wait3A_225 : memref<10000x128xf32, #tpu.memory_space<hbm>>) dst(%arg19 : memref<80x128xf32, #tpu.memory_space<vmem>>)
      "tpu.region"() ({
        %run_scoped3A = tpu.sem_alloc : memref<!tpu.dma_semaphore, #tpu.memory_space<semaphore_mem>>
        %dma_start3A_377 = arith.constant 0 : i32
        %dma_start3A_378 = arith.constant 0 : i32
        %dma_start3A_379 = tpu.memref_slice %arg22[%dma_start3A_377, %dma_start3A_378] : memref<10240x128xf32, #tpu.memory_space<vmem_shared>> -> memref<10240x128xf32, #tpu.memory_space<vmem_shared>>
        tpu.enqueue_indirect_dma source(%arg19 : memref<80x128xf32, #tpu.memory_space<vmem>>) target(%dma_start3A_379 : memref<10240x128xf32, #tpu.memory_space<vmem_shared>>) offsets(%arg13 : memref<80xi32, #tpu.memory_space<vmem>>) semaphore(%run_scoped3A : memref<!tpu.dma_semaphore, #tpu.memory_space<semaphore_mem>>) {add = true}
        %dma_wait3A_380 = arith.constant 0 : i32
        %dma_wait3A_381 = arith.constant 0 : i32
        %dma_wait3A_382 = tpu.memref_slice %arg22[%dma_wait3A_380, %dma_wait3A_381] : memref<10240x128xf32, #tpu.memory_space<vmem_shared>> -> memref<10240x128xf32, #tpu.memory_space<vmem_shared>>
        tpu.wait_indirect_dma semaphore(%run_scoped3A : memref<!tpu.dma_semaphore, #tpu.memory_space<semaphore_mem>>) src(%arg19 : memref<80x128xf32, #tpu.memory_space<vmem>>) dst(%dma_wait3A_382 : memref<10240x128xf32, #tpu.memory_space<vmem_shared>>)
        tpu.yield
      }) : () -> ()
      %add3A_226 = arith.constant 6 : i32
      %add3A_227 = arith.addi %add3A_222, %add3A_226 : i32
      %mul3A_228 = arith.constant 80 : i32
      %mul3A_229 = arith.muli %add3A_227, %mul3A_228 : i32
      %add3A_230 = arith.addi %mul3A_5, %mul3A_229 : i32
      %dma_start3A_231 = tpu.memref_slice %arg3[%add3A_230] : memref<320000xi32, #tpu.memory_space<hbm>> -> memref<80xi32, #tpu.memory_space<hbm>>
      %dma_start3A_232 = tpu.memref_slice %arg3[%add3A_230] : memref<320000xi32, #tpu.memory_space<hbm>> -> memref<80xi32, #tpu.memory_space<hbm>>
      tpu.enqueue_dma source(%dma_start3A_232 : memref<80xi32, #tpu.memory_space<hbm>>) target(%arg7 : memref<80xi32, #tpu.memory_space<vmem>>) target_semaphore(%arg23 : memref<!tpu.dma_semaphore, #tpu.memory_space<semaphore_mem>>)
      %dma_start3A_233 = tpu.memref_slice %arg4[%add3A_230] : memref<320000xi32, #tpu.memory_space<hbm>> -> memref<80xi32, #tpu.memory_space<hbm>>
      %dma_start3A_234 = tpu.memref_slice %arg4[%add3A_230] : memref<320000xi32, #tpu.memory_space<hbm>> -> memref<80xi32, #tpu.memory_space<hbm>>
      tpu.enqueue_dma source(%dma_start3A_234 : memref<80xi32, #tpu.memory_space<hbm>>) target(%arg13 : memref<80xi32, #tpu.memory_space<vmem>>) target_semaphore(%arg23 : memref<!tpu.dma_semaphore, #tpu.memory_space<semaphore_mem>>)
      %add3A_235 = arith.constant 3 : i32
      %add3A_236 = arith.addi %add3A_222, %add3A_235 : i32
      %mul3A_237 = arith.constant 80 : i32
      %mul3A_238 = arith.muli %add3A_236, %mul3A_237 : i32
      %add3A_239 = arith.addi %mul3A_5, %mul3A_238 : i32
      %dma_wait3A_240 = tpu.memref_slice %arg3[%add3A_239] : memref<320000xi32, #tpu.memory_space<hbm>> -> memref<80xi32, #tpu.memory_space<hbm>>
      %dma_wait3A_241 = tpu.memref_slice %arg3[%add3A_239] : memref<320000xi32, #tpu.memory_space<hbm>> -> memref<80xi32, #tpu.memory_space<hbm>>
      tpu.wait_dma2 semaphore(%arg26 : memref<!tpu.dma_semaphore, #tpu.memory_space<semaphore_mem>>) src(%dma_wait3A_241 : memref<80xi32, #tpu.memory_space<hbm>>) dst(%arg10 : memref<80xi32, #tpu.memory_space<vmem>>)
      %dma_wait3A_242 = tpu.memref_slice %arg4[%add3A_239] : memref<320000xi32, #tpu.memory_space<hbm>> -> memref<80xi32, #tpu.memory_space<hbm>>
      %dma_wait3A_243 = tpu.memref_slice %arg4[%add3A_239] : memref<320000xi32, #tpu.memory_space<hbm>> -> memref<80xi32, #tpu.memory_space<hbm>>
      tpu.wait_dma2 semaphore(%arg26 : memref<!tpu.dma_semaphore, #tpu.memory_space<semaphore_mem>>) src(%dma_wait3A_243 : memref<80xi32, #tpu.memory_space<hbm>>) dst(%arg16 : memref<80xi32, #tpu.memory_space<vmem>>)
      %dma_start3A_244 = arith.constant 0 : i32
      %dma_start3A_245 = arith.constant 0 : i32
      %dma_start3A_246 = tpu.memref_slice %arg2[%dma_start3A_244, %dma_start3A_245] : memref<10000x128xf32, #tpu.memory_space<hbm>> -> memref<10000x128xf32, #tpu.memory_space<hbm>>
      tpu.enqueue_indirect_dma source(%dma_start3A_246 : memref<10000x128xf32, #tpu.memory_space<hbm>>) target(%arg19 : memref<80x128xf32, #tpu.memory_space<vmem>>) offsets(%arg10 : memref<80xi32, #tpu.memory_space<vmem>>) semaphore(%arg29 : memref<!tpu.dma_semaphore, #tpu.memory_space<semaphore_mem>>)
      %add3A_247 = arith.constant 1 : i32
      %add3A_248 = arith.addi %mul3A_220, %add3A_247 : i32
      %dma_wait3A_249 = arith.constant 0 : i32
      %dma_wait3A_250 = arith.constant 0 : i32
      %dma_wait3A_251 = tpu.memref_slice %arg2[%dma_wait3A_249, %dma_wait3A_250] : memref<10000x128xf32, #tpu.memory_space<hbm>> -> memref<10000x128xf32, #tpu.memory_space<hbm>>
      tpu.wait_indirect_dma semaphore(%arg30 : memref<!tpu.dma_semaphore, #tpu.memory_space<semaphore_mem>>) src(%dma_wait3A_251 : memref<10000x128xf32, #tpu.memory_space<hbm>>) dst(%arg20 : memref<80x128xf32, #tpu.memory_space<vmem>>)
      "tpu.region"() ({
        %run_scoped3A = tpu.sem_alloc : memref<!tpu.dma_semaphore, #tpu.memory_space<semaphore_mem>>
        %dma_start3A_377 = arith.constant 0 : i32
        %dma_start3A_378 = arith.constant 0 : i32
        %dma_start3A_379 = tpu.memref_slice %arg22[%dma_start3A_377, %dma_start3A_378] : memref<10240x128xf32, #tpu.memory_space<vmem_shared>> -> memref<10240x128xf32, #tpu.memory_space<vmem_shared>>
        tpu.enqueue_indirect_dma source(%arg20 : memref<80x128xf32, #tpu.memory_space<vmem>>) target(%dma_start3A_379 : memref<10240x128xf32, #tpu.memory_space<vmem_shared>>) offsets(%arg14 : memref<80xi32, #tpu.memory_space<vmem>>) semaphore(%run_scoped3A : memref<!tpu.dma_semaphore, #tpu.memory_space<semaphore_mem>>) {add = true}
        %dma_wait3A_380 = arith.constant 0 : i32
        %dma_wait3A_381 = arith.constant 0 : i32
        %dma_wait3A_382 = tpu.memref_slice %arg22[%dma_wait3A_380, %dma_wait3A_381] : memref<10240x128xf32, #tpu.memory_space<vmem_shared>> -> memref<10240x128xf32, #tpu.memory_space<vmem_shared>>
        tpu.wait_indirect_dma semaphore(%run_scoped3A : memref<!tpu.dma_semaphore, #tpu.memory_space<semaphore_mem>>) src(%arg20 : memref<80x128xf32, #tpu.memory_space<vmem>>) dst(%dma_wait3A_382 : memref<10240x128xf32, #tpu.memory_space<vmem_shared>>)
        tpu.yield
      }) : () -> ()
      %add3A_252 = arith.constant 6 : i32
      %add3A_253 = arith.addi %add3A_248, %add3A_252 : i32
      %mul3A_254 = arith.constant 80 : i32
      %mul3A_255 = arith.muli %add3A_253, %mul3A_254 : i32
      %add3A_256 = arith.addi %mul3A_5, %mul3A_255 : i32
      %dma_start3A_257 = tpu.memref_slice %arg3[%add3A_256] : memref<320000xi32, #tpu.memory_space<hbm>> -> memref<80xi32, #tpu.memory_space<hbm>>
      %dma_start3A_258 = tpu.memref_slice %arg3[%add3A_256] : memref<320000xi32, #tpu.memory_space<hbm>> -> memref<80xi32, #tpu.memory_space<hbm>>
      tpu.enqueue_dma source(%dma_start3A_258 : memref<80xi32, #tpu.memory_space<hbm>>) target(%arg8 : memref<80xi32, #tpu.memory_space<vmem>>) target_semaphore(%arg24 : memref<!tpu.dma_semaphore, #tpu.memory_space<semaphore_mem>>)
      %dma_start3A_259 = tpu.memref_slice %arg4[%add3A_256] : memref<320000xi32, #tpu.memory_space<hbm>> -> memref<80xi32, #tpu.memory_space<hbm>>
      %dma_start3A_260 = tpu.memref_slice %arg4[%add3A_256] : memref<320000xi32, #tpu.memory_space<hbm>> -> memref<80xi32, #tpu.memory_space<hbm>>
      tpu.enqueue_dma source(%dma_start3A_260 : memref<80xi32, #tpu.memory_space<hbm>>) target(%arg14 : memref<80xi32, #tpu.memory_space<vmem>>) target_semaphore(%arg24 : memref<!tpu.dma_semaphore, #tpu.memory_space<semaphore_mem>>)
      %add3A_261 = arith.constant 3 : i32
      %add3A_262 = arith.addi %add3A_248, %add3A_261 : i32
      %mul3A_263 = arith.constant 80 : i32
      %mul3A_264 = arith.muli %add3A_262, %mul3A_263 : i32
      %add3A_265 = arith.addi %mul3A_5, %mul3A_264 : i32
      %dma_wait3A_266 = tpu.memref_slice %arg3[%add3A_265] : memref<320000xi32, #tpu.memory_space<hbm>> -> memref<80xi32, #tpu.memory_space<hbm>>
      %dma_wait3A_267 = tpu.memref_slice %arg3[%add3A_265] : memref<320000xi32, #tpu.memory_space<hbm>> -> memref<80xi32, #tpu.memory_space<hbm>>
      tpu.wait_dma2 semaphore(%arg27 : memref<!tpu.dma_semaphore, #tpu.memory_space<semaphore_mem>>) src(%dma_wait3A_267 : memref<80xi32, #tpu.memory_space<hbm>>) dst(%arg11 : memref<80xi32, #tpu.memory_space<vmem>>)
      %dma_wait3A_268 = tpu.memref_slice %arg4[%add3A_265] : memref<320000xi32, #tpu.memory_space<hbm>> -> memref<80xi32, #tpu.memory_space<hbm>>
      %dma_wait3A_269 = tpu.memref_slice %arg4[%add3A_265] : memref<320000xi32, #tpu.memory_space<hbm>> -> memref<80xi32, #tpu.memory_space<hbm>>
      tpu.wait_dma2 semaphore(%arg27 : memref<!tpu.dma_semaphore, #tpu.memory_space<semaphore_mem>>) src(%dma_wait3A_269 : memref<80xi32, #tpu.memory_space<hbm>>) dst(%arg17 : memref<80xi32, #tpu.memory_space<vmem>>)
      %dma_start3A_270 = arith.constant 0 : i32
      %dma_start3A_271 = arith.constant 0 : i32
      %dma_start3A_272 = tpu.memref_slice %arg2[%dma_start3A_270, %dma_start3A_271] : memref<10000x128xf32, #tpu.memory_space<hbm>> -> memref<10000x128xf32, #tpu.memory_space<hbm>>
      tpu.enqueue_indirect_dma source(%dma_start3A_272 : memref<10000x128xf32, #tpu.memory_space<hbm>>) target(%arg20 : memref<80x128xf32, #tpu.memory_space<vmem>>) offsets(%arg11 : memref<80xi32, #tpu.memory_space<vmem>>) semaphore(%arg30 : memref<!tpu.dma_semaphore, #tpu.memory_space<semaphore_mem>>)
      %add3A_273 = arith.constant 2 : i32
      %add3A_274 = arith.addi %mul3A_220, %add3A_273 : i32
      %dma_wait3A_275 = arith.constant 0 : i32
      %dma_wait3A_276 = arith.constant 0 : i32
      %dma_wait3A_277 = tpu.memref_slice %arg2[%dma_wait3A_275, %dma_wait3A_276] : memref<10000x128xf32, #tpu.memory_space<hbm>> -> memref<10000x128xf32, #tpu.memory_space<hbm>>
      tpu.wait_indirect_dma semaphore(%arg31 : memref<!tpu.dma_semaphore, #tpu.memory_space<semaphore_mem>>) src(%dma_wait3A_277 : memref<10000x128xf32, #tpu.memory_space<hbm>>) dst(%arg21 : memref<80x128xf32, #tpu.memory_space<vmem>>)
      "tpu.region"() ({
        %run_scoped3A = tpu.sem_alloc : memref<!tpu.dma_semaphore, #tpu.memory_space<semaphore_mem>>
        %dma_start3A_377 = arith.constant 0 : i32
        %dma_start3A_378 = arith.constant 0 : i32
        %dma_start3A_379 = tpu.memref_slice %arg22[%dma_start3A_377, %dma_start3A_378] : memref<10240x128xf32, #tpu.memory_space<vmem_shared>> -> memref<10240x128xf32, #tpu.memory_space<vmem_shared>>
        tpu.enqueue_indirect_dma source(%arg21 : memref<80x128xf32, #tpu.memory_space<vmem>>) target(%dma_start3A_379 : memref<10240x128xf32, #tpu.memory_space<vmem_shared>>) offsets(%arg15 : memref<80xi32, #tpu.memory_space<vmem>>) semaphore(%run_scoped3A : memref<!tpu.dma_semaphore, #tpu.memory_space<semaphore_mem>>) {add = true}
        %dma_wait3A_380 = arith.constant 0 : i32
        %dma_wait3A_381 = arith.constant 0 : i32
        %dma_wait3A_382 = tpu.memref_slice %arg22[%dma_wait3A_380, %dma_wait3A_381] : memref<10240x128xf32, #tpu.memory_space<vmem_shared>> -> memref<10240x128xf32, #tpu.memory_space<vmem_shared>>
        tpu.wait_indirect_dma semaphore(%run_scoped3A : memref<!tpu.dma_semaphore, #tpu.memory_space<semaphore_mem>>) src(%arg21 : memref<80x128xf32, #tpu.memory_space<vmem>>) dst(%dma_wait3A_382 : memref<10240x128xf32, #tpu.memory_space<vmem_shared>>)
        tpu.yield
      }) : () -> ()
      %add3A_278 = arith.constant 6 : i32
      %add3A_279 = arith.addi %add3A_274, %add3A_278 : i32
      %mul3A_280 = arith.constant 80 : i32
      %mul3A_281 = arith.muli %add3A_279, %mul3A_280 : i32
      %add3A_282 = arith.addi %mul3A_5, %mul3A_281 : i32
      %dma_start3A_283 = tpu.memref_slice %arg3[%add3A_282] : memref<320000xi32, #tpu.memory_space<hbm>> -> memref<80xi32, #tpu.memory_space<hbm>>
      %dma_start3A_284 = tpu.memref_slice %arg3[%add3A_282] : memref<320000xi32, #tpu.memory_space<hbm>> -> memref<80xi32, #tpu.memory_space<hbm>>
      tpu.enqueue_dma source(%dma_start3A_284 : memref<80xi32, #tpu.memory_space<hbm>>) target(%arg9 : memref<80xi32, #tpu.memory_space<vmem>>) target_semaphore(%arg25 : memref<!tpu.dma_semaphore, #tpu.memory_space<semaphore_mem>>)
      %dma_start3A_285 = tpu.memref_slice %arg4[%add3A_282] : memref<320000xi32, #tpu.memory_space<hbm>> -> memref<80xi32, #tpu.memory_space<hbm>>
      %dma_start3A_286 = tpu.memref_slice %arg4[%add3A_282] : memref<320000xi32, #tpu.memory_space<hbm>> -> memref<80xi32, #tpu.memory_space<hbm>>
      tpu.enqueue_dma source(%dma_start3A_286 : memref<80xi32, #tpu.memory_space<hbm>>) target(%arg15 : memref<80xi32, #tpu.memory_space<vmem>>) target_semaphore(%arg25 : memref<!tpu.dma_semaphore, #tpu.memory_space<semaphore_mem>>)
      %add3A_287 = arith.constant 3 : i32
      %add3A_288 = arith.addi %add3A_274, %add3A_287 : i32
      %mul3A_289 = arith.constant 80 : i32
      %mul3A_290 = arith.muli %add3A_288, %mul3A_289 : i32
      %add3A_291 = arith.addi %mul3A_5, %mul3A_290 : i32
      %dma_wait3A_292 = tpu.memref_slice %arg3[%add3A_291] : memref<320000xi32, #tpu.memory_space<hbm>> -> memref<80xi32, #tpu.memory_space<hbm>>
      %dma_wait3A_293 = tpu.memref_slice %arg3[%add3A_291] : memref<320000xi32, #tpu.memory_space<hbm>> -> memref<80xi32, #tpu.memory_space<hbm>>
      tpu.wait_dma2 semaphore(%arg28 : memref<!tpu.dma_semaphore, #tpu.memory_space<semaphore_mem>>) src(%dma_wait3A_293 : memref<80xi32, #tpu.memory_space<hbm>>) dst(%arg12 : memref<80xi32, #tpu.memory_space<vmem>>)
      %dma_wait3A_294 = tpu.memref_slice %arg4[%add3A_291] : memref<320000xi32, #tpu.memory_space<hbm>> -> memref<80xi32, #tpu.memory_space<hbm>>
      %dma_wait3A_295 = tpu.memref_slice %arg4[%add3A_291] : memref<320000xi32, #tpu.memory_space<hbm>> -> memref<80xi32, #tpu.memory_space<hbm>>
      tpu.wait_dma2 semaphore(%arg28 : memref<!tpu.dma_semaphore, #tpu.memory_space<semaphore_mem>>) src(%dma_wait3A_295 : memref<80xi32, #tpu.memory_space<hbm>>) dst(%arg18 : memref<80xi32, #tpu.memory_space<vmem>>)
      %dma_start3A_296 = arith.constant 0 : i32
      %dma_start3A_297 = arith.constant 0 : i32
      %dma_start3A_298 = tpu.memref_slice %arg2[%dma_start3A_296, %dma_start3A_297] : memref<10000x128xf32, #tpu.memory_space<hbm>> -> memref<10000x128xf32, #tpu.memory_space<hbm>>
      tpu.enqueue_indirect_dma source(%dma_start3A_298 : memref<10000x128xf32, #tpu.memory_space<hbm>>) target(%arg21 : memref<80x128xf32, #tpu.memory_space<vmem>>) offsets(%arg12 : memref<80xi32, #tpu.memory_space<vmem>>) semaphore(%arg31 : memref<!tpu.dma_semaphore, #tpu.memory_space<semaphore_mem>>)
      %add3A_299 = arith.constant 3 : i32
      %add3A_300 = arith.addi %mul3A_220, %add3A_299 : i32
      %dma_wait3A_301 = arith.constant 0 : i32
      %dma_wait3A_302 = arith.constant 0 : i32
      %dma_wait3A_303 = tpu.memref_slice %arg2[%dma_wait3A_301, %dma_wait3A_302] : memref<10000x128xf32, #tpu.memory_space<hbm>> -> memref<10000x128xf32, #tpu.memory_space<hbm>>
      tpu.wait_indirect_dma semaphore(%arg29 : memref<!tpu.dma_semaphore, #tpu.memory_space<semaphore_mem>>) src(%dma_wait3A_303 : memref<10000x128xf32, #tpu.memory_space<hbm>>) dst(%arg19 : memref<80x128xf32, #tpu.memory_space<vmem>>)
      "tpu.region"() ({
        %run_scoped3A = tpu.sem_alloc : memref<!tpu.dma_semaphore, #tpu.memory_space<semaphore_mem>>
        %dma_start3A_377 = arith.constant 0 : i32
        %dma_start3A_378 = arith.constant 0 : i32
        %dma_start3A_379 = tpu.memref_slice %arg22[%dma_start3A_377, %dma_start3A_378] : memref<10240x128xf32, #tpu.memory_space<vmem_shared>> -> memref<10240x128xf32, #tpu.memory_space<vmem_shared>>
        tpu.enqueue_indirect_dma source(%arg19 : memref<80x128xf32, #tpu.memory_space<vmem>>) target(%dma_start3A_379 : memref<10240x128xf32, #tpu.memory_space<vmem_shared>>) offsets(%arg16 : memref<80xi32, #tpu.memory_space<vmem>>) semaphore(%run_scoped3A : memref<!tpu.dma_semaphore, #tpu.memory_space<semaphore_mem>>) {add = true}
        %dma_wait3A_380 = arith.constant 0 : i32
        %dma_wait3A_381 = arith.constant 0 : i32
        %dma_wait3A_382 = tpu.memref_slice %arg22[%dma_wait3A_380, %dma_wait3A_381] : memref<10240x128xf32, #tpu.memory_space<vmem_shared>> -> memref<10240x128xf32, #tpu.memory_space<vmem_shared>>
        tpu.wait_indirect_dma semaphore(%run_scoped3A : memref<!tpu.dma_semaphore, #tpu.memory_space<semaphore_mem>>) src(%arg19 : memref<80x128xf32, #tpu.memory_space<vmem>>) dst(%dma_wait3A_382 : memref<10240x128xf32, #tpu.memory_space<vmem_shared>>)
        tpu.yield
      }) : () -> ()
      %add3A_304 = arith.constant 6 : i32
      %add3A_305 = arith.addi %add3A_300, %add3A_304 : i32
      %mul3A_306 = arith.constant 80 : i32
      %mul3A_307 = arith.muli %add3A_305, %mul3A_306 : i32
      %add3A_308 = arith.addi %mul3A_5, %mul3A_307 : i32
      %dma_start3A_309 = tpu.memref_slice %arg3[%add3A_308] : memref<320000xi32, #tpu.memory_space<hbm>> -> memref<80xi32, #tpu.memory_space<hbm>>
      %dma_start3A_310 = tpu.memref_slice %arg3[%add3A_308] : memref<320000xi32, #tpu.memory_space<hbm>> -> memref<80xi32, #tpu.memory_space<hbm>>
      tpu.enqueue_dma source(%dma_start3A_310 : memref<80xi32, #tpu.memory_space<hbm>>) target(%arg10 : memref<80xi32, #tpu.memory_space<vmem>>) target_semaphore(%arg26 : memref<!tpu.dma_semaphore, #tpu.memory_space<semaphore_mem>>)
      %dma_start3A_311 = tpu.memref_slice %arg4[%add3A_308] : memref<320000xi32, #tpu.memory_space<hbm>> -> memref<80xi32, #tpu.memory_space<hbm>>
      %dma_start3A_312 = tpu.memref_slice %arg4[%add3A_308] : memref<320000xi32, #tpu.memory_space<hbm>> -> memref<80xi32, #tpu.memory_space<hbm>>
      tpu.enqueue_dma source(%dma_start3A_312 : memref<80xi32, #tpu.memory_space<hbm>>) target(%arg16 : memref<80xi32, #tpu.memory_space<vmem>>) target_semaphore(%arg26 : memref<!tpu.dma_semaphore, #tpu.memory_space<semaphore_mem>>)
      %add3A_313 = arith.constant 3 : i32
      %add3A_314 = arith.addi %add3A_300, %add3A_313 : i32
      %mul3A_315 = arith.constant 80 : i32
      %mul3A_316 = arith.muli %add3A_314, %mul3A_315 : i32
      %add3A_317 = arith.addi %mul3A_5, %mul3A_316 : i32
      %dma_wait3A_318 = tpu.memref_slice %arg3[%add3A_317] : memref<320000xi32, #tpu.memory_space<hbm>> -> memref<80xi32, #tpu.memory_space<hbm>>
      %dma_wait3A_319 = tpu.memref_slice %arg3[%add3A_317] : memref<320000xi32, #tpu.memory_space<hbm>> -> memref<80xi32, #tpu.memory_space<hbm>>
      tpu.wait_dma2 semaphore(%arg23 : memref<!tpu.dma_semaphore, #tpu.memory_space<semaphore_mem>>) src(%dma_wait3A_319 : memref<80xi32, #tpu.memory_space<hbm>>) dst(%arg7 : memref<80xi32, #tpu.memory_space<vmem>>)
      %dma_wait3A_320 = tpu.memref_slice %arg4[%add3A_317] : memref<320000xi32, #tpu.memory_space<hbm>> -> memref<80xi32, #tpu.memory_space<hbm>>
      %dma_wait3A_321 = tpu.memref_slice %arg4[%add3A_317] : memref<320000xi32, #tpu.memory_space<hbm>> -> memref<80xi32, #tpu.memory_space<hbm>>
      tpu.wait_dma2 semaphore(%arg23 : memref<!tpu.dma_semaphore, #tpu.memory_space<semaphore_mem>>) src(%dma_wait3A_321 : memref<80xi32, #tpu.memory_space<hbm>>) dst(%arg13 : memref<80xi32, #tpu.memory_space<vmem>>)
      %dma_start3A_322 = arith.constant 0 : i32
      %dma_start3A_323 = arith.constant 0 : i32
      %dma_start3A_324 = tpu.memref_slice %arg2[%dma_start3A_322, %dma_start3A_323] : memref<10000x128xf32, #tpu.memory_space<hbm>> -> memref<10000x128xf32, #tpu.memory_space<hbm>>
      tpu.enqueue_indirect_dma source(%dma_start3A_324 : memref<10000x128xf32, #tpu.memory_space<hbm>>) target(%arg19 : memref<80x128xf32, #tpu.memory_space<vmem>>) offsets(%arg7 : memref<80xi32, #tpu.memory_space<vmem>>) semaphore(%arg29 : memref<!tpu.dma_semaphore, #tpu.memory_space<semaphore_mem>>)
      %add3A_325 = arith.constant 4 : i32
      %add3A_326 = arith.addi %mul3A_220, %add3A_325 : i32
      %dma_wait3A_327 = arith.constant 0 : i32
      %dma_wait3A_328 = arith.constant 0 : i32
      %dma_wait3A_329 = tpu.memref_slice %arg2[%dma_wait3A_327, %dma_wait3A_328] : memref<10000x128xf32, #tpu.memory_space<hbm>> -> memref<10000x128xf32, #tpu.memory_space<hbm>>
      tpu.wait_indirect_dma semaphore(%arg30 : memref<!tpu.dma_semaphore, #tpu.memory_space<semaphore_mem>>) src(%dma_wait3A_329 : memref<10000x128xf32, #tpu.memory_space<hbm>>) dst(%arg20 : memref<80x128xf32, #tpu.memory_space<vmem>>)
      "tpu.region"() ({
        %run_scoped3A = tpu.sem_alloc : memref<!tpu.dma_semaphore, #tpu.memory_space<semaphore_mem>>
        %dma_start3A_377 = arith.constant 0 : i32
        %dma_start3A_378 = arith.constant 0 : i32
        %dma_start3A_379 = tpu.memref_slice %arg22[%dma_start3A_377, %dma_start3A_378] : memref<10240x128xf32, #tpu.memory_space<vmem_shared>> -> memref<10240x128xf32, #tpu.memory_space<vmem_shared>>
        tpu.enqueue_indirect_dma source(%arg20 : memref<80x128xf32, #tpu.memory_space<vmem>>) target(%dma_start3A_379 : memref<10240x128xf32, #tpu.memory_space<vmem_shared>>) offsets(%arg17 : memref<80xi32, #tpu.memory_space<vmem>>) semaphore(%run_scoped3A : memref<!tpu.dma_semaphore, #tpu.memory_space<semaphore_mem>>) {add = true}
        %dma_wait3A_380 = arith.constant 0 : i32
        %dma_wait3A_381 = arith.constant 0 : i32
        %dma_wait3A_382 = tpu.memref_slice %arg22[%dma_wait3A_380, %dma_wait3A_381] : memref<10240x128xf32, #tpu.memory_space<vmem_shared>> -> memref<10240x128xf32, #tpu.memory_space<vmem_shared>>
        tpu.wait_indirect_dma semaphore(%run_scoped3A : memref<!tpu.dma_semaphore, #tpu.memory_space<semaphore_mem>>) src(%arg20 : memref<80x128xf32, #tpu.memory_space<vmem>>) dst(%dma_wait3A_382 : memref<10240x128xf32, #tpu.memory_space<vmem_shared>>)
        tpu.yield
      }) : () -> ()
      %add3A_330 = arith.constant 6 : i32
      %add3A_331 = arith.addi %add3A_326, %add3A_330 : i32
      %mul3A_332 = arith.constant 80 : i32
      %mul3A_333 = arith.muli %add3A_331, %mul3A_332 : i32
      %add3A_334 = arith.addi %mul3A_5, %mul3A_333 : i32
      %dma_start3A_335 = tpu.memref_slice %arg3[%add3A_334] : memref<320000xi32, #tpu.memory_space<hbm>> -> memref<80xi32, #tpu.memory_space<hbm>>
      %dma_start3A_336 = tpu.memref_slice %arg3[%add3A_334] : memref<320000xi32, #tpu.memory_space<hbm>> -> memref<80xi32, #tpu.memory_space<hbm>>
      tpu.enqueue_dma source(%dma_start3A_336 : memref<80xi32, #tpu.memory_space<hbm>>) target(%arg11 : memref<80xi32, #tpu.memory_space<vmem>>) target_semaphore(%arg27 : memref<!tpu.dma_semaphore, #tpu.memory_space<semaphore_mem>>)
      %dma_start3A_337 = tpu.memref_slice %arg4[%add3A_334] : memref<320000xi32, #tpu.memory_space<hbm>> -> memref<80xi32, #tpu.memory_space<hbm>>
      %dma_start3A_338 = tpu.memref_slice %arg4[%add3A_334] : memref<320000xi32, #tpu.memory_space<hbm>> -> memref<80xi32, #tpu.memory_space<hbm>>
      tpu.enqueue_dma source(%dma_start3A_338 : memref<80xi32, #tpu.memory_space<hbm>>) target(%arg17 : memref<80xi32, #tpu.memory_space<vmem>>) target_semaphore(%arg27 : memref<!tpu.dma_semaphore, #tpu.memory_space<semaphore_mem>>)
      %add3A_339 = arith.constant 3 : i32
      %add3A_340 = arith.addi %add3A_326, %add3A_339 : i32
      %mul3A_341 = arith.constant 80 : i32
      %mul3A_342 = arith.muli %add3A_340, %mul3A_341 : i32
      %add3A_343 = arith.addi %mul3A_5, %mul3A_342 : i32
      %dma_wait3A_344 = tpu.memref_slice %arg3[%add3A_343] : memref<320000xi32, #tpu.memory_space<hbm>> -> memref<80xi32, #tpu.memory_space<hbm>>
      %dma_wait3A_345 = tpu.memref_slice %arg3[%add3A_343] : memref<320000xi32, #tpu.memory_space<hbm>> -> memref<80xi32, #tpu.memory_space<hbm>>
      tpu.wait_dma2 semaphore(%arg24 : memref<!tpu.dma_semaphore, #tpu.memory_space<semaphore_mem>>) src(%dma_wait3A_345 : memref<80xi32, #tpu.memory_space<hbm>>) dst(%arg8 : memref<80xi32, #tpu.memory_space<vmem>>)
      %dma_wait3A_346 = tpu.memref_slice %arg4[%add3A_343] : memref<320000xi32, #tpu.memory_space<hbm>> -> memref<80xi32, #tpu.memory_space<hbm>>
      %dma_wait3A_347 = tpu.memref_slice %arg4[%add3A_343] : memref<320000xi32, #tpu.memory_space<hbm>> -> memref<80xi32, #tpu.memory_space<hbm>>
      tpu.wait_dma2 semaphore(%arg24 : memref<!tpu.dma_semaphore, #tpu.memory_space<semaphore_mem>>) src(%dma_wait3A_347 : memref<80xi32, #tpu.memory_space<hbm>>) dst(%arg14 : memref<80xi32, #tpu.memory_space<vmem>>)
      %dma_start3A_348 = arith.constant 0 : i32
      %dma_start3A_349 = arith.constant 0 : i32
      %dma_start3A_350 = tpu.memref_slice %arg2[%dma_start3A_348, %dma_start3A_349] : memref<10000x128xf32, #tpu.memory_space<hbm>> -> memref<10000x128xf32, #tpu.memory_space<hbm>>
      tpu.enqueue_indirect_dma source(%dma_start3A_350 : memref<10000x128xf32, #tpu.memory_space<hbm>>) target(%arg20 : memref<80x128xf32, #tpu.memory_space<vmem>>) offsets(%arg8 : memref<80xi32, #tpu.memory_space<vmem>>) semaphore(%arg30 : memref<!tpu.dma_semaphore, #tpu.memory_space<semaphore_mem>>)
      %add3A_351 = arith.constant 5 : i32
      %add3A_352 = arith.addi %mul3A_220, %add3A_351 : i32
      %dma_wait3A_353 = arith.constant 0 : i32
      %dma_wait3A_354 = arith.constant 0 : i32
      %dma_wait3A_355 = tpu.memref_slice %arg2[%dma_wait3A_353, %dma_wait3A_354] : memref<10000x128xf32, #tpu.memory_space<hbm>> -> memref<10000x128xf32, #tpu.memory_space<hbm>>
      tpu.wait_indirect_dma semaphore(%arg31 : memref<!tpu.dma_semaphore, #tpu.memory_space<semaphore_mem>>) src(%dma_wait3A_355 : memref<10000x128xf32, #tpu.memory_space<hbm>>) dst(%arg21 : memref<80x128xf32, #tpu.memory_space<vmem>>)
      "tpu.region"() ({
        %run_scoped3A = tpu.sem_alloc : memref<!tpu.dma_semaphore, #tpu.memory_space<semaphore_mem>>
        %dma_start3A_377 = arith.constant 0 : i32
        %dma_start3A_378 = arith.constant 0 : i32
        %dma_start3A_379 = tpu.memref_slice %arg22[%dma_start3A_377, %dma_start3A_378] : memref<10240x128xf32, #tpu.memory_space<vmem_shared>> -> memref<10240x128xf32, #tpu.memory_space<vmem_shared>>
        tpu.enqueue_indirect_dma source(%arg21 : memref<80x128xf32, #tpu.memory_space<vmem>>) target(%dma_start3A_379 : memref<10240x128xf32, #tpu.memory_space<vmem_shared>>) offsets(%arg18 : memref<80xi32, #tpu.memory_space<vmem>>) semaphore(%run_scoped3A : memref<!tpu.dma_semaphore, #tpu.memory_space<semaphore_mem>>) {add = true}
        %dma_wait3A_380 = arith.constant 0 : i32
        %dma_wait3A_381 = arith.constant 0 : i32
        %dma_wait3A_382 = tpu.memref_slice %arg22[%dma_wait3A_380, %dma_wait3A_381] : memref<10240x128xf32, #tpu.memory_space<vmem_shared>> -> memref<10240x128xf32, #tpu.memory_space<vmem_shared>>
        tpu.wait_indirect_dma semaphore(%run_scoped3A : memref<!tpu.dma_semaphore, #tpu.memory_space<semaphore_mem>>) src(%arg21 : memref<80x128xf32, #tpu.memory_space<vmem>>) dst(%dma_wait3A_382 : memref<10240x128xf32, #tpu.memory_space<vmem_shared>>)
        tpu.yield
      }) : () -> ()
      %add3A_356 = arith.constant 6 : i32
      %add3A_357 = arith.addi %add3A_352, %add3A_356 : i32
      %mul3A_358 = arith.constant 80 : i32
      %mul3A_359 = arith.muli %add3A_357, %mul3A_358 : i32
      %add3A_360 = arith.addi %mul3A_5, %mul3A_359 : i32
      %dma_start3A_361 = tpu.memref_slice %arg3[%add3A_360] : memref<320000xi32, #tpu.memory_space<hbm>> -> memref<80xi32, #tpu.memory_space<hbm>>
      %dma_start3A_362 = tpu.memref_slice %arg3[%add3A_360] : memref<320000xi32, #tpu.memory_space<hbm>> -> memref<80xi32, #tpu.memory_space<hbm>>
      tpu.enqueue_dma source(%dma_start3A_362 : memref<80xi32, #tpu.memory_space<hbm>>) target(%arg12 : memref<80xi32, #tpu.memory_space<vmem>>) target_semaphore(%arg28 : memref<!tpu.dma_semaphore, #tpu.memory_space<semaphore_mem>>)
      %dma_start3A_363 = tpu.memref_slice %arg4[%add3A_360] : memref<320000xi32, #tpu.memory_space<hbm>> -> memref<80xi32, #tpu.memory_space<hbm>>
      %dma_start3A_364 = tpu.memref_slice %arg4[%add3A_360] : memref<320000xi32, #tpu.memory_space<hbm>> -> memref<80xi32, #tpu.memory_space<hbm>>
      tpu.enqueue_dma source(%dma_start3A_364 : memref<80xi32, #tpu.memory_space<hbm>>) target(%arg18 : memref<80xi32, #tpu.memory_space<vmem>>) target_semaphore(%arg28 : memref<!tpu.dma_semaphore, #tpu.memory_space<semaphore_mem>>)
      %add3A_365 = arith.constant 3 : i32
      %add3A_366 = arith.addi %add3A_352, %add3A_365 : i32
      %mul3A_367 = arith.constant 80 : i32
      %mul3A_368 = arith.muli %add3A_366, %mul3A_367 : i32
      %add3A_369 = arith.addi %mul3A_5, %mul3A_368 : i32
      %dma_wait3A_370 = tpu.memref_slice %arg3[%add3A_369] : memref<320000xi32, #tpu.memory_space<hbm>> -> memref<80xi32, #tpu.memory_space<hbm>>
      %dma_wait3A_371 = tpu.memref_slice %arg3[%add3A_369] : memref<320000xi32, #tpu.memory_space<hbm>> -> memref<80xi32, #tpu.memory_space<hbm>>
      tpu.wait_dma2 semaphore(%arg25 : memref<!tpu.dma_semaphore, #tpu.memory_space<semaphore_mem>>) src(%dma_wait3A_371 : memref<80xi32, #tpu.memory_space<hbm>>) dst(%arg9 : memref<80xi32, #tpu.memory_space<vmem>>)
      %dma_wait3A_372 = tpu.memref_slice %arg4[%add3A_369] : memref<320000xi32, #tpu.memory_space<hbm>> -> memref<80xi32, #tpu.memory_space<hbm>>
      %dma_wait3A_373 = tpu.memref_slice %arg4[%add3A_369] : memref<320000xi32, #tpu.memory_space<hbm>> -> memref<80xi32, #tpu.memory_space<hbm>>
      tpu.wait_dma2 semaphore(%arg25 : memref<!tpu.dma_semaphore, #tpu.memory_space<semaphore_mem>>) src(%dma_wait3A_373 : memref<80xi32, #tpu.memory_space<hbm>>) dst(%arg15 : memref<80xi32, #tpu.memory_space<vmem>>)
      %dma_start3A_374 = arith.constant 0 : i32
      %dma_start3A_375 = arith.constant 0 : i32
      %dma_start3A_376 = tpu.memref_slice %arg2[%dma_start3A_374, %dma_start3A_375] : memref<10000x128xf32, #tpu.memory_space<hbm>> -> memref<10000x128xf32, #tpu.memory_space<hbm>>
      tpu.enqueue_indirect_dma source(%dma_start3A_376 : memref<10000x128xf32, #tpu.memory_space<hbm>>) target(%arg21 : memref<80x128xf32, #tpu.memory_space<vmem>>) offsets(%arg9 : memref<80xi32, #tpu.memory_space<vmem>>) semaphore(%arg31 : memref<!tpu.dma_semaphore, #tpu.memory_space<semaphore_mem>>)
    }
    %scan3A_73 = arith.constant 19 : i32
    %dma_wait3A_74 = arith.constant 0 : i32
    %dma_wait3A_75 = arith.constant 0 : i32
    %dma_wait3A_76 = tpu.memref_slice %arg2[%dma_wait3A_74, %dma_wait3A_75] : memref<10000x128xf32, #tpu.memory_space<hbm>> -> memref<10000x128xf32, #tpu.memory_space<hbm>>
    tpu.wait_indirect_dma semaphore(%arg29 : memref<!tpu.dma_semaphore, #tpu.memory_space<semaphore_mem>>) src(%dma_wait3A_76 : memref<10000x128xf32, #tpu.memory_space<hbm>>) dst(%arg19 : memref<80x128xf32, #tpu.memory_space<vmem>>)
    "tpu.region"() ({
      %run_scoped3A = tpu.sem_alloc : memref<!tpu.dma_semaphore, #tpu.memory_space<semaphore_mem>>
      %dma_start3A_214 = arith.constant 0 : i32
      %dma_start3A_215 = arith.constant 0 : i32
      %dma_start3A_216 = tpu.memref_slice %arg22[%dma_start3A_214, %dma_start3A_215] : memref<10240x128xf32, #tpu.memory_space<vmem_shared>> -> memref<10240x128xf32, #tpu.memory_space<vmem_shared>>
      tpu.enqueue_indirect_dma source(%arg19 : memref<80x128xf32, #tpu.memory_space<vmem>>) target(%dma_start3A_216 : memref<10240x128xf32, #tpu.memory_space<vmem_shared>>) offsets(%arg13 : memref<80xi32, #tpu.memory_space<vmem>>) semaphore(%run_scoped3A : memref<!tpu.dma_semaphore, #tpu.memory_space<semaphore_mem>>) {add = true}
      %dma_wait3A_217 = arith.constant 0 : i32
      %dma_wait3A_218 = arith.constant 0 : i32
      %dma_wait3A_219 = tpu.memref_slice %arg22[%dma_wait3A_217, %dma_wait3A_218] : memref<10240x128xf32, #tpu.memory_space<vmem_shared>> -> memref<10240x128xf32, #tpu.memory_space<vmem_shared>>
      tpu.wait_indirect_dma semaphore(%run_scoped3A : memref<!tpu.dma_semaphore, #tpu.memory_space<semaphore_mem>>) src(%arg19 : memref<80x128xf32, #tpu.memory_space<vmem>>) dst(%dma_wait3A_219 : memref<10240x128xf32, #tpu.memory_space<vmem_shared>>)
      tpu.yield
    }) : () -> ()
    %add3A_77 = arith.constant 9600 : i32
    %add3A_78 = arith.addi %mul3A_5, %add3A_77 : i32
    %dma_start3A_79 = tpu.memref_slice %arg3[%add3A_78] : memref<320000xi32, #tpu.memory_space<hbm>> -> memref<80xi32, #tpu.memory_space<hbm>>
    %dma_start3A_80 = tpu.memref_slice %arg3[%add3A_78] : memref<320000xi32, #tpu.memory_space<hbm>> -> memref<80xi32, #tpu.memory_space<hbm>>
    tpu.enqueue_dma source(%dma_start3A_80 : memref<80xi32, #tpu.memory_space<hbm>>) target(%arg7 : memref<80xi32, #tpu.memory_space<vmem>>) target_semaphore(%arg23 : memref<!tpu.dma_semaphore, #tpu.memory_space<semaphore_mem>>)
    %dma_start3A_81 = tpu.memref_slice %arg4[%add3A_78] : memref<320000xi32, #tpu.memory_space<hbm>> -> memref<80xi32, #tpu.memory_space<hbm>>
    %dma_start3A_82 = tpu.memref_slice %arg4[%add3A_78] : memref<320000xi32, #tpu.memory_space<hbm>> -> memref<80xi32, #tpu.memory_space<hbm>>
    tpu.enqueue_dma source(%dma_start3A_82 : memref<80xi32, #tpu.memory_space<hbm>>) target(%arg13 : memref<80xi32, #tpu.memory_space<vmem>>) target_semaphore(%arg23 : memref<!tpu.dma_semaphore, #tpu.memory_space<semaphore_mem>>)
    %add3A_83 = arith.constant 9360 : i32
    %add3A_84 = arith.addi %mul3A_5, %add3A_83 : i32
    %dma_wait3A_85 = tpu.memref_slice %arg3[%add3A_84] : memref<320000xi32, #tpu.memory_space<hbm>> -> memref<80xi32, #tpu.memory_space<hbm>>
    %dma_wait3A_86 = tpu.memref_slice %arg3[%add3A_84] : memref<320000xi32, #tpu.memory_space<hbm>> -> memref<80xi32, #tpu.memory_space<hbm>>
    tpu.wait_dma2 semaphore(%arg26 : memref<!tpu.dma_semaphore, #tpu.memory_space<semaphore_mem>>) src(%dma_wait3A_86 : memref<80xi32, #tpu.memory_space<hbm>>) dst(%arg10 : memref<80xi32, #tpu.memory_space<vmem>>)
    %dma_wait3A_87 = tpu.memref_slice %arg4[%add3A_84] : memref<320000xi32, #tpu.memory_space<hbm>> -> memref<80xi32, #tpu.memory_space<hbm>>
    %dma_wait3A_88 = tpu.memref_slice %arg4[%add3A_84] : memref<320000xi32, #tpu.memory_space<hbm>> -> memref<80xi32, #tpu.memory_space<hbm>>
    tpu.wait_dma2 semaphore(%arg26 : memref<!tpu.dma_semaphore, #tpu.memory_space<semaphore_mem>>) src(%dma_wait3A_88 : memref<80xi32, #tpu.memory_space<hbm>>) dst(%arg16 : memref<80xi32, #tpu.memory_space<vmem>>)
    %dma_start3A_89 = arith.constant 0 : i32
    %dma_start3A_90 = arith.constant 0 : i32
    %dma_start3A_91 = tpu.memref_slice %arg2[%dma_start3A_89, %dma_start3A_90] : memref<10000x128xf32, #tpu.memory_space<hbm>> -> memref<10000x128xf32, #tpu.memory_space<hbm>>
    tpu.enqueue_indirect_dma source(%dma_start3A_91 : memref<10000x128xf32, #tpu.memory_space<hbm>>) target(%arg19 : memref<80x128xf32, #tpu.memory_space<vmem>>) offsets(%arg10 : memref<80xi32, #tpu.memory_space<vmem>>) semaphore(%arg29 : memref<!tpu.dma_semaphore, #tpu.memory_space<semaphore_mem>>)
    %dma_wait3A_92 = arith.constant 0 : i32
    %dma_wait3A_93 = arith.constant 0 : i32
    %dma_wait3A_94 = tpu.memref_slice %arg2[%dma_wait3A_92, %dma_wait3A_93] : memref<10000x128xf32, #tpu.memory_space<hbm>> -> memref<10000x128xf32, #tpu.memory_space<hbm>>
    tpu.wait_indirect_dma semaphore(%arg30 : memref<!tpu.dma_semaphore, #tpu.memory_space<semaphore_mem>>) src(%dma_wait3A_94 : memref<10000x128xf32, #tpu.memory_space<hbm>>) dst(%arg20 : memref<80x128xf32, #tpu.memory_space<vmem>>)
    "tpu.region"() ({
      %run_scoped3A = tpu.sem_alloc : memref<!tpu.dma_semaphore, #tpu.memory_space<semaphore_mem>>
      %dma_start3A_214 = arith.constant 0 : i32
      %dma_start3A_215 = arith.constant 0 : i32
      %dma_start3A_216 = tpu.memref_slice %arg22[%dma_start3A_214, %dma_start3A_215] : memref<10240x128xf32, #tpu.memory_space<vmem_shared>> -> memref<10240x128xf32, #tpu.memory_space<vmem_shared>>
      tpu.enqueue_indirect_dma source(%arg20 : memref<80x128xf32, #tpu.memory_space<vmem>>) target(%dma_start3A_216 : memref<10240x128xf32, #tpu.memory_space<vmem_shared>>) offsets(%arg14 : memref<80xi32, #tpu.memory_space<vmem>>) semaphore(%run_scoped3A : memref<!tpu.dma_semaphore, #tpu.memory_space<semaphore_mem>>) {add = true}
      %dma_wait3A_217 = arith.constant 0 : i32
      %dma_wait3A_218 = arith.constant 0 : i32
      %dma_wait3A_219 = tpu.memref_slice %arg22[%dma_wait3A_217, %dma_wait3A_218] : memref<10240x128xf32, #tpu.memory_space<vmem_shared>> -> memref<10240x128xf32, #tpu.memory_space<vmem_shared>>
      tpu.wait_indirect_dma semaphore(%run_scoped3A : memref<!tpu.dma_semaphore, #tpu.memory_space<semaphore_mem>>) src(%arg20 : memref<80x128xf32, #tpu.memory_space<vmem>>) dst(%dma_wait3A_219 : memref<10240x128xf32, #tpu.memory_space<vmem_shared>>)
      tpu.yield
    }) : () -> ()
    %add3A_95 = arith.constant 9680 : i32
    %add3A_96 = arith.addi %mul3A_5, %add3A_95 : i32
    %dma_start3A_97 = tpu.memref_slice %arg3[%add3A_96] : memref<320000xi32, #tpu.memory_space<hbm>> -> memref<80xi32, #tpu.memory_space<hbm>>
    %dma_start3A_98 = tpu.memref_slice %arg3[%add3A_96] : memref<320000xi32, #tpu.memory_space<hbm>> -> memref<80xi32, #tpu.memory_space<hbm>>
    tpu.enqueue_dma source(%dma_start3A_98 : memref<80xi32, #tpu.memory_space<hbm>>) target(%arg8 : memref<80xi32, #tpu.memory_space<vmem>>) target_semaphore(%arg24 : memref<!tpu.dma_semaphore, #tpu.memory_space<semaphore_mem>>)
    %dma_start3A_99 = tpu.memref_slice %arg4[%add3A_96] : memref<320000xi32, #tpu.memory_space<hbm>> -> memref<80xi32, #tpu.memory_space<hbm>>
    %dma_start3A_100 = tpu.memref_slice %arg4[%add3A_96] : memref<320000xi32, #tpu.memory_space<hbm>> -> memref<80xi32, #tpu.memory_space<hbm>>
    tpu.enqueue_dma source(%dma_start3A_100 : memref<80xi32, #tpu.memory_space<hbm>>) target(%arg14 : memref<80xi32, #tpu.memory_space<vmem>>) target_semaphore(%arg24 : memref<!tpu.dma_semaphore, #tpu.memory_space<semaphore_mem>>)
    %add3A_101 = arith.constant 9440 : i32
    %add3A_102 = arith.addi %mul3A_5, %add3A_101 : i32
    %dma_wait3A_103 = tpu.memref_slice %arg3[%add3A_102] : memref<320000xi32, #tpu.memory_space<hbm>> -> memref<80xi32, #tpu.memory_space<hbm>>
    %dma_wait3A_104 = tpu.memref_slice %arg3[%add3A_102] : memref<320000xi32, #tpu.memory_space<hbm>> -> memref<80xi32, #tpu.memory_space<hbm>>
    tpu.wait_dma2 semaphore(%arg27 : memref<!tpu.dma_semaphore, #tpu.memory_space<semaphore_mem>>) src(%dma_wait3A_104 : memref<80xi32, #tpu.memory_space<hbm>>) dst(%arg11 : memref<80xi32, #tpu.memory_space<vmem>>)
    %dma_wait3A_105 = tpu.memref_slice %arg4[%add3A_102] : memref<320000xi32, #tpu.memory_space<hbm>> -> memref<80xi32, #tpu.memory_space<hbm>>
    %dma_wait3A_106 = tpu.memref_slice %arg4[%add3A_102] : memref<320000xi32, #tpu.memory_space<hbm>> -> memref<80xi32, #tpu.memory_space<hbm>>
    tpu.wait_dma2 semaphore(%arg27 : memref<!tpu.dma_semaphore, #tpu.memory_space<semaphore_mem>>) src(%dma_wait3A_106 : memref<80xi32, #tpu.memory_space<hbm>>) dst(%arg17 : memref<80xi32, #tpu.memory_space<vmem>>)
    %dma_start3A_107 = arith.constant 0 : i32
    %dma_start3A_108 = arith.constant 0 : i32
    %dma_start3A_109 = tpu.memref_slice %arg2[%dma_start3A_107, %dma_start3A_108] : memref<10000x128xf32, #tpu.memory_space<hbm>> -> memref<10000x128xf32, #tpu.memory_space<hbm>>
    tpu.enqueue_indirect_dma source(%dma_start3A_109 : memref<10000x128xf32, #tpu.memory_space<hbm>>) target(%arg20 : memref<80x128xf32, #tpu.memory_space<vmem>>) offsets(%arg11 : memref<80xi32, #tpu.memory_space<vmem>>) semaphore(%arg30 : memref<!tpu.dma_semaphore, #tpu.memory_space<semaphore_mem>>)
    %dma_wait3A_110 = arith.constant 0 : i32
    %dma_wait3A_111 = arith.constant 0 : i32
    %dma_wait3A_112 = tpu.memref_slice %arg2[%dma_wait3A_110, %dma_wait3A_111] : memref<10000x128xf32, #tpu.memory_space<hbm>> -> memref<10000x128xf32, #tpu.memory_space<hbm>>
    tpu.wait_indirect_dma semaphore(%arg31 : memref<!tpu.dma_semaphore, #tpu.memory_space<semaphore_mem>>) src(%dma_wait3A_112 : memref<10000x128xf32, #tpu.memory_space<hbm>>) dst(%arg21 : memref<80x128xf32, #tpu.memory_space<vmem>>)
    "tpu.region"() ({
      %run_scoped3A = tpu.sem_alloc : memref<!tpu.dma_semaphore, #tpu.memory_space<semaphore_mem>>
      %dma_start3A_214 = arith.constant 0 : i32
      %dma_start3A_215 = arith.constant 0 : i32
      %dma_start3A_216 = tpu.memref_slice %arg22[%dma_start3A_214, %dma_start3A_215] : memref<10240x128xf32, #tpu.memory_space<vmem_shared>> -> memref<10240x128xf32, #tpu.memory_space<vmem_shared>>
      tpu.enqueue_indirect_dma source(%arg21 : memref<80x128xf32, #tpu.memory_space<vmem>>) target(%dma_start3A_216 : memref<10240x128xf32, #tpu.memory_space<vmem_shared>>) offsets(%arg15 : memref<80xi32, #tpu.memory_space<vmem>>) semaphore(%run_scoped3A : memref<!tpu.dma_semaphore, #tpu.memory_space<semaphore_mem>>) {add = true}
      %dma_wait3A_217 = arith.constant 0 : i32
      %dma_wait3A_218 = arith.constant 0 : i32
      %dma_wait3A_219 = tpu.memref_slice %arg22[%dma_wait3A_217, %dma_wait3A_218] : memref<10240x128xf32, #tpu.memory_space<vmem_shared>> -> memref<10240x128xf32, #tpu.memory_space<vmem_shared>>
      tpu.wait_indirect_dma semaphore(%run_scoped3A : memref<!tpu.dma_semaphore, #tpu.memory_space<semaphore_mem>>) src(%arg21 : memref<80x128xf32, #tpu.memory_space<vmem>>) dst(%dma_wait3A_219 : memref<10240x128xf32, #tpu.memory_space<vmem_shared>>)
      tpu.yield
    }) : () -> ()
    %add3A_113 = arith.constant 9760 : i32
    %add3A_114 = arith.addi %mul3A_5, %add3A_113 : i32
    %dma_start3A_115 = tpu.memref_slice %arg3[%add3A_114] : memref<320000xi32, #tpu.memory_space<hbm>> -> memref<80xi32, #tpu.memory_space<hbm>>
    %dma_start3A_116 = tpu.memref_slice %arg3[%add3A_114] : memref<320000xi32, #tpu.memory_space<hbm>> -> memref<80xi32, #tpu.memory_space<hbm>>
    tpu.enqueue_dma source(%dma_start3A_116 : memref<80xi32, #tpu.memory_space<hbm>>) target(%arg9 : memref<80xi32, #tpu.memory_space<vmem>>) target_semaphore(%arg25 : memref<!tpu.dma_semaphore, #tpu.memory_space<semaphore_mem>>)
    %dma_start3A_117 = tpu.memref_slice %arg4[%add3A_114] : memref<320000xi32, #tpu.memory_space<hbm>> -> memref<80xi32, #tpu.memory_space<hbm>>
    %dma_start3A_118 = tpu.memref_slice %arg4[%add3A_114] : memref<320000xi32, #tpu.memory_space<hbm>> -> memref<80xi32, #tpu.memory_space<hbm>>
    tpu.enqueue_dma source(%dma_start3A_118 : memref<80xi32, #tpu.memory_space<hbm>>) target(%arg15 : memref<80xi32, #tpu.memory_space<vmem>>) target_semaphore(%arg25 : memref<!tpu.dma_semaphore, #tpu.memory_space<semaphore_mem>>)
    %add3A_119 = arith.constant 9520 : i32
    %add3A_120 = arith.addi %mul3A_5, %add3A_119 : i32
    %dma_wait3A_121 = tpu.memref_slice %arg3[%add3A_120] : memref<320000xi32, #tpu.memory_space<hbm>> -> memref<80xi32, #tpu.memory_space<hbm>>
    %dma_wait3A_122 = tpu.memref_slice %arg3[%add3A_120] : memref<320000xi32, #tpu.memory_space<hbm>> -> memref<80xi32, #tpu.memory_space<hbm>>
    tpu.wait_dma2 semaphore(%arg28 : memref<!tpu.dma_semaphore, #tpu.memory_space<semaphore_mem>>) src(%dma_wait3A_122 : memref<80xi32, #tpu.memory_space<hbm>>) dst(%arg12 : memref<80xi32, #tpu.memory_space<vmem>>)
    %dma_wait3A_123 = tpu.memref_slice %arg4[%add3A_120] : memref<320000xi32, #tpu.memory_space<hbm>> -> memref<80xi32, #tpu.memory_space<hbm>>
    %dma_wait3A_124 = tpu.memref_slice %arg4[%add3A_120] : memref<320000xi32, #tpu.memory_space<hbm>> -> memref<80xi32, #tpu.memory_space<hbm>>
    tpu.wait_dma2 semaphore(%arg28 : memref<!tpu.dma_semaphore, #tpu.memory_space<semaphore_mem>>) src(%dma_wait3A_124 : memref<80xi32, #tpu.memory_space<hbm>>) dst(%arg18 : memref<80xi32, #tpu.memory_space<vmem>>)
    %dma_start3A_125 = arith.constant 0 : i32
    %dma_start3A_126 = arith.constant 0 : i32
    %dma_start3A_127 = tpu.memref_slice %arg2[%dma_start3A_125, %dma_start3A_126] : memref<10000x128xf32, #tpu.memory_space<hbm>> -> memref<10000x128xf32, #tpu.memory_space<hbm>>
    tpu.enqueue_indirect_dma source(%dma_start3A_127 : memref<10000x128xf32, #tpu.memory_space<hbm>>) target(%arg21 : memref<80x128xf32, #tpu.memory_space<vmem>>) offsets(%arg12 : memref<80xi32, #tpu.memory_space<vmem>>) semaphore(%arg31 : memref<!tpu.dma_semaphore, #tpu.memory_space<semaphore_mem>>)
    %dma_wait3A_128 = arith.constant 0 : i32
    %dma_wait3A_129 = arith.constant 0 : i32
    %dma_wait3A_130 = tpu.memref_slice %arg2[%dma_wait3A_128, %dma_wait3A_129] : memref<10000x128xf32, #tpu.memory_space<hbm>> -> memref<10000x128xf32, #tpu.memory_space<hbm>>
    tpu.wait_indirect_dma semaphore(%arg29 : memref<!tpu.dma_semaphore, #tpu.memory_space<semaphore_mem>>) src(%dma_wait3A_130 : memref<10000x128xf32, #tpu.memory_space<hbm>>) dst(%arg19 : memref<80x128xf32, #tpu.memory_space<vmem>>)
    "tpu.region"() ({
      %run_scoped3A = tpu.sem_alloc : memref<!tpu.dma_semaphore, #tpu.memory_space<semaphore_mem>>
      %dma_start3A_214 = arith.constant 0 : i32
      %dma_start3A_215 = arith.constant 0 : i32
      %dma_start3A_216 = tpu.memref_slice %arg22[%dma_start3A_214, %dma_start3A_215] : memref<10240x128xf32, #tpu.memory_space<vmem_shared>> -> memref<10240x128xf32, #tpu.memory_space<vmem_shared>>
      tpu.enqueue_indirect_dma source(%arg19 : memref<80x128xf32, #tpu.memory_space<vmem>>) target(%dma_start3A_216 : memref<10240x128xf32, #tpu.memory_space<vmem_shared>>) offsets(%arg16 : memref<80xi32, #tpu.memory_space<vmem>>) semaphore(%run_scoped3A : memref<!tpu.dma_semaphore, #tpu.memory_space<semaphore_mem>>) {add = true}
      %dma_wait3A_217 = arith.constant 0 : i32
      %dma_wait3A_218 = arith.constant 0 : i32
      %dma_wait3A_219 = tpu.memref_slice %arg22[%dma_wait3A_217, %dma_wait3A_218] : memref<10240x128xf32, #tpu.memory_space<vmem_shared>> -> memref<10240x128xf32, #tpu.memory_space<vmem_shared>>
      tpu.wait_indirect_dma semaphore(%run_scoped3A : memref<!tpu.dma_semaphore, #tpu.memory_space<semaphore_mem>>) src(%arg19 : memref<80x128xf32, #tpu.memory_space<vmem>>) dst(%dma_wait3A_219 : memref<10240x128xf32, #tpu.memory_space<vmem_shared>>)
      tpu.yield
    }) : () -> ()
    %add3A_131 = arith.constant 9840 : i32
    %add3A_132 = arith.addi %mul3A_5, %add3A_131 : i32
    %dma_start3A_133 = tpu.memref_slice %arg3[%add3A_132] : memref<320000xi32, #tpu.memory_space<hbm>> -> memref<80xi32, #tpu.memory_space<hbm>>
    %dma_start3A_134 = tpu.memref_slice %arg3[%add3A_132] : memref<320000xi32, #tpu.memory_space<hbm>> -> memref<80xi32, #tpu.memory_space<hbm>>
    tpu.enqueue_dma source(%dma_start3A_134 : memref<80xi32, #tpu.memory_space<hbm>>) target(%arg10 : memref<80xi32, #tpu.memory_space<vmem>>) target_semaphore(%arg26 : memref<!tpu.dma_semaphore, #tpu.memory_space<semaphore_mem>>)
    %dma_start3A_135 = tpu.memref_slice %arg4[%add3A_132] : memref<320000xi32, #tpu.memory_space<hbm>> -> memref<80xi32, #tpu.memory_space<hbm>>
    %dma_start3A_136 = tpu.memref_slice %arg4[%add3A_132] : memref<320000xi32, #tpu.memory_space<hbm>> -> memref<80xi32, #tpu.memory_space<hbm>>
    tpu.enqueue_dma source(%dma_start3A_136 : memref<80xi32, #tpu.memory_space<hbm>>) target(%arg16 : memref<80xi32, #tpu.memory_space<vmem>>) target_semaphore(%arg26 : memref<!tpu.dma_semaphore, #tpu.memory_space<semaphore_mem>>)
    %add3A_137 = arith.constant 9600 : i32
    %add3A_138 = arith.addi %mul3A_5, %add3A_137 : i32
    %dma_wait3A_139 = tpu.memref_slice %arg3[%add3A_138] : memref<320000xi32, #tpu.memory_space<hbm>> -> memref<80xi32, #tpu.memory_space<hbm>>
    %dma_wait3A_140 = tpu.memref_slice %arg3[%add3A_138] : memref<320000xi32, #tpu.memory_space<hbm>> -> memref<80xi32, #tpu.memory_space<hbm>>
    tpu.wait_dma2 semaphore(%arg23 : memref<!tpu.dma_semaphore, #tpu.memory_space<semaphore_mem>>) src(%dma_wait3A_140 : memref<80xi32, #tpu.memory_space<hbm>>) dst(%arg7 : memref<80xi32, #tpu.memory_space<vmem>>)
    %dma_wait3A_141 = tpu.memref_slice %arg4[%add3A_138] : memref<320000xi32, #tpu.memory_space<hbm>> -> memref<80xi32, #tpu.memory_space<hbm>>
    %dma_wait3A_142 = tpu.memref_slice %arg4[%add3A_138] : memref<320000xi32, #tpu.memory_space<hbm>> -> memref<80xi32, #tpu.memory_space<hbm>>
    tpu.wait_dma2 semaphore(%arg23 : memref<!tpu.dma_semaphore, #tpu.memory_space<semaphore_mem>>) src(%dma_wait3A_142 : memref<80xi32, #tpu.memory_space<hbm>>) dst(%arg13 : memref<80xi32, #tpu.memory_space<vmem>>)
    %dma_start3A_143 = arith.constant 0 : i32
    %dma_start3A_144 = arith.constant 0 : i32
    %dma_start3A_145 = tpu.memref_slice %arg2[%dma_start3A_143, %dma_start3A_144] : memref<10000x128xf32, #tpu.memory_space<hbm>> -> memref<10000x128xf32, #tpu.memory_space<hbm>>
    tpu.enqueue_indirect_dma source(%dma_start3A_145 : memref<10000x128xf32, #tpu.memory_space<hbm>>) target(%arg19 : memref<80x128xf32, #tpu.memory_space<vmem>>) offsets(%arg7 : memref<80xi32, #tpu.memory_space<vmem>>) semaphore(%arg29 : memref<!tpu.dma_semaphore, #tpu.memory_space<semaphore_mem>>)
    %dma_wait3A_146 = arith.constant 0 : i32
    %dma_wait3A_147 = arith.constant 0 : i32
    %dma_wait3A_148 = tpu.memref_slice %arg2[%dma_wait3A_146, %dma_wait3A_147] : memref<10000x128xf32, #tpu.memory_space<hbm>> -> memref<10000x128xf32, #tpu.memory_space<hbm>>
    tpu.wait_indirect_dma semaphore(%arg30 : memref<!tpu.dma_semaphore, #tpu.memory_space<semaphore_mem>>) src(%dma_wait3A_148 : memref<10000x128xf32, #tpu.memory_space<hbm>>) dst(%arg20 : memref<80x128xf32, #tpu.memory_space<vmem>>)
    "tpu.region"() ({
      %run_scoped3A = tpu.sem_alloc : memref<!tpu.dma_semaphore, #tpu.memory_space<semaphore_mem>>
      %dma_start3A_214 = arith.constant 0 : i32
      %dma_start3A_215 = arith.constant 0 : i32
      %dma_start3A_216 = tpu.memref_slice %arg22[%dma_start3A_214, %dma_start3A_215] : memref<10240x128xf32, #tpu.memory_space<vmem_shared>> -> memref<10240x128xf32, #tpu.memory_space<vmem_shared>>
      tpu.enqueue_indirect_dma source(%arg20 : memref<80x128xf32, #tpu.memory_space<vmem>>) target(%dma_start3A_216 : memref<10240x128xf32, #tpu.memory_space<vmem_shared>>) offsets(%arg17 : memref<80xi32, #tpu.memory_space<vmem>>) semaphore(%run_scoped3A : memref<!tpu.dma_semaphore, #tpu.memory_space<semaphore_mem>>) {add = true}
      %dma_wait3A_217 = arith.constant 0 : i32
      %dma_wait3A_218 = arith.constant 0 : i32
      %dma_wait3A_219 = tpu.memref_slice %arg22[%dma_wait3A_217, %dma_wait3A_218] : memref<10240x128xf32, #tpu.memory_space<vmem_shared>> -> memref<10240x128xf32, #tpu.memory_space<vmem_shared>>
      tpu.wait_indirect_dma semaphore(%run_scoped3A : memref<!tpu.dma_semaphore, #tpu.memory_space<semaphore_mem>>) src(%arg20 : memref<80x128xf32, #tpu.memory_space<vmem>>) dst(%dma_wait3A_219 : memref<10240x128xf32, #tpu.memory_space<vmem_shared>>)
      tpu.yield
    }) : () -> ()
    %add3A_149 = arith.constant 9920 : i32
    %add3A_150 = arith.addi %mul3A_5, %add3A_149 : i32
    %dma_start3A_151 = tpu.memref_slice %arg3[%add3A_150] : memref<320000xi32, #tpu.memory_space<hbm>> -> memref<80xi32, #tpu.memory_space<hbm>>
    %dma_start3A_152 = tpu.memref_slice %arg3[%add3A_150] : memref<320000xi32, #tpu.memory_space<hbm>> -> memref<80xi32, #tpu.memory_space<hbm>>
    tpu.enqueue_dma source(%dma_start3A_152 : memref<80xi32, #tpu.memory_space<hbm>>) target(%arg11 : memref<80xi32, #tpu.memory_space<vmem>>) target_semaphore(%arg27 : memref<!tpu.dma_semaphore, #tpu.memory_space<semaphore_mem>>)
    %dma_start3A_153 = tpu.memref_slice %arg4[%add3A_150] : memref<320000xi32, #tpu.memory_space<hbm>> -> memref<80xi32, #tpu.memory_space<hbm>>
    %dma_start3A_154 = tpu.memref_slice %arg4[%add3A_150] : memref<320000xi32, #tpu.memory_space<hbm>> -> memref<80xi32, #tpu.memory_space<hbm>>
    tpu.enqueue_dma source(%dma_start3A_154 : memref<80xi32, #tpu.memory_space<hbm>>) target(%arg17 : memref<80xi32, #tpu.memory_space<vmem>>) target_semaphore(%arg27 : memref<!tpu.dma_semaphore, #tpu.memory_space<semaphore_mem>>)
    %add3A_155 = arith.constant 9680 : i32
    %add3A_156 = arith.addi %mul3A_5, %add3A_155 : i32
    %dma_wait3A_157 = tpu.memref_slice %arg3[%add3A_156] : memref<320000xi32, #tpu.memory_space<hbm>> -> memref<80xi32, #tpu.memory_space<hbm>>
    %dma_wait3A_158 = tpu.memref_slice %arg3[%add3A_156] : memref<320000xi32, #tpu.memory_space<hbm>> -> memref<80xi32, #tpu.memory_space<hbm>>
    tpu.wait_dma2 semaphore(%arg24 : memref<!tpu.dma_semaphore, #tpu.memory_space<semaphore_mem>>) src(%dma_wait3A_158 : memref<80xi32, #tpu.memory_space<hbm>>) dst(%arg8 : memref<80xi32, #tpu.memory_space<vmem>>)
    %dma_wait3A_159 = tpu.memref_slice %arg4[%add3A_156] : memref<320000xi32, #tpu.memory_space<hbm>> -> memref<80xi32, #tpu.memory_space<hbm>>
    %dma_wait3A_160 = tpu.memref_slice %arg4[%add3A_156] : memref<320000xi32, #tpu.memory_space<hbm>> -> memref<80xi32, #tpu.memory_space<hbm>>
    tpu.wait_dma2 semaphore(%arg24 : memref<!tpu.dma_semaphore, #tpu.memory_space<semaphore_mem>>) src(%dma_wait3A_160 : memref<80xi32, #tpu.memory_space<hbm>>) dst(%arg14 : memref<80xi32, #tpu.memory_space<vmem>>)
    %dma_start3A_161 = arith.constant 0 : i32
    %dma_start3A_162 = arith.constant 0 : i32
    %dma_start3A_163 = tpu.memref_slice %arg2[%dma_start3A_161, %dma_start3A_162] : memref<10000x128xf32, #tpu.memory_space<hbm>> -> memref<10000x128xf32, #tpu.memory_space<hbm>>
    tpu.enqueue_indirect_dma source(%dma_start3A_163 : memref<10000x128xf32, #tpu.memory_space<hbm>>) target(%arg20 : memref<80x128xf32, #tpu.memory_space<vmem>>) offsets(%arg8 : memref<80xi32, #tpu.memory_space<vmem>>) semaphore(%arg30 : memref<!tpu.dma_semaphore, #tpu.memory_space<semaphore_mem>>)
    %dma_wait3A_164 = arith.constant 0 : i32
    %dma_wait3A_165 = arith.constant 0 : i32
    %dma_wait3A_166 = tpu.memref_slice %arg2[%dma_wait3A_164, %dma_wait3A_165] : memref<10000x128xf32, #tpu.memory_space<hbm>> -> memref<10000x128xf32, #tpu.memory_space<hbm>>
    tpu.wait_indirect_dma semaphore(%arg31 : memref<!tpu.dma_semaphore, #tpu.memory_space<semaphore_mem>>) src(%dma_wait3A_166 : memref<10000x128xf32, #tpu.memory_space<hbm>>) dst(%arg21 : memref<80x128xf32, #tpu.memory_space<vmem>>)
    "tpu.region"() ({
      %run_scoped3A = tpu.sem_alloc : memref<!tpu.dma_semaphore, #tpu.memory_space<semaphore_mem>>
      %dma_start3A_214 = arith.constant 0 : i32
      %dma_start3A_215 = arith.constant 0 : i32
      %dma_start3A_216 = tpu.memref_slice %arg22[%dma_start3A_214, %dma_start3A_215] : memref<10240x128xf32, #tpu.memory_space<vmem_shared>> -> memref<10240x128xf32, #tpu.memory_space<vmem_shared>>
      tpu.enqueue_indirect_dma source(%arg21 : memref<80x128xf32, #tpu.memory_space<vmem>>) target(%dma_start3A_216 : memref<10240x128xf32, #tpu.memory_space<vmem_shared>>) offsets(%arg18 : memref<80xi32, #tpu.memory_space<vmem>>) semaphore(%run_scoped3A : memref<!tpu.dma_semaphore, #tpu.memory_space<semaphore_mem>>) {add = true}
      %dma_wait3A_217 = arith.constant 0 : i32
      %dma_wait3A_218 = arith.constant 0 : i32
      %dma_wait3A_219 = tpu.memref_slice %arg22[%dma_wait3A_217, %dma_wait3A_218] : memref<10240x128xf32, #tpu.memory_space<vmem_shared>> -> memref<10240x128xf32, #tpu.memory_space<vmem_shared>>
      tpu.wait_indirect_dma semaphore(%run_scoped3A : memref<!tpu.dma_semaphore, #tpu.memory_space<semaphore_mem>>) src(%arg21 : memref<80x128xf32, #tpu.memory_space<vmem>>) dst(%dma_wait3A_219 : memref<10240x128xf32, #tpu.memory_space<vmem_shared>>)
      tpu.yield
    }) : () -> ()
    %add3A_167 = arith.constant 9760 : i32
    %add3A_168 = arith.addi %mul3A_5, %add3A_167 : i32
    %dma_wait3A_169 = tpu.memref_slice %arg3[%add3A_168] : memref<320000xi32, #tpu.memory_space<hbm>> -> memref<80xi32, #tpu.memory_space<hbm>>
    %dma_wait3A_170 = tpu.memref_slice %arg3[%add3A_168] : memref<320000xi32, #tpu.memory_space<hbm>> -> memref<80xi32, #tpu.memory_space<hbm>>
    tpu.wait_dma2 semaphore(%arg25 : memref<!tpu.dma_semaphore, #tpu.memory_space<semaphore_mem>>) src(%dma_wait3A_170 : memref<80xi32, #tpu.memory_space<hbm>>) dst(%arg9 : memref<80xi32, #tpu.memory_space<vmem>>)
    %dma_wait3A_171 = tpu.memref_slice %arg4[%add3A_168] : memref<320000xi32, #tpu.memory_space<hbm>> -> memref<80xi32, #tpu.memory_space<hbm>>
    %dma_wait3A_172 = tpu.memref_slice %arg4[%add3A_168] : memref<320000xi32, #tpu.memory_space<hbm>> -> memref<80xi32, #tpu.memory_space<hbm>>
    tpu.wait_dma2 semaphore(%arg25 : memref<!tpu.dma_semaphore, #tpu.memory_space<semaphore_mem>>) src(%dma_wait3A_172 : memref<80xi32, #tpu.memory_space<hbm>>) dst(%arg15 : memref<80xi32, #tpu.memory_space<vmem>>)
    %dma_start3A_173 = arith.constant 0 : i32
    %dma_start3A_174 = arith.constant 0 : i32
    %dma_start3A_175 = tpu.memref_slice %arg2[%dma_start3A_173, %dma_start3A_174] : memref<10000x128xf32, #tpu.memory_space<hbm>> -> memref<10000x128xf32, #tpu.memory_space<hbm>>
    tpu.enqueue_indirect_dma source(%dma_start3A_175 : memref<10000x128xf32, #tpu.memory_space<hbm>>) target(%arg21 : memref<80x128xf32, #tpu.memory_space<vmem>>) offsets(%arg9 : memref<80xi32, #tpu.memory_space<vmem>>) semaphore(%arg31 : memref<!tpu.dma_semaphore, #tpu.memory_space<semaphore_mem>>)
    %dma_wait3A_176 = arith.constant 0 : i32
    %dma_wait3A_177 = arith.constant 0 : i32
    %dma_wait3A_178 = tpu.memref_slice %arg2[%dma_wait3A_176, %dma_wait3A_177] : memref<10000x128xf32, #tpu.memory_space<hbm>> -> memref<10000x128xf32, #tpu.memory_space<hbm>>
    tpu.wait_indirect_dma semaphore(%arg29 : memref<!tpu.dma_semaphore, #tpu.memory_space<semaphore_mem>>) src(%dma_wait3A_178 : memref<10000x128xf32, #tpu.memory_space<hbm>>) dst(%arg19 : memref<80x128xf32, #tpu.memory_space<vmem>>)
    "tpu.region"() ({
      %run_scoped3A = tpu.sem_alloc : memref<!tpu.dma_semaphore, #tpu.memory_space<semaphore_mem>>
      %dma_start3A_214 = arith.constant 0 : i32
      %dma_start3A_215 = arith.constant 0 : i32
      %dma_start3A_216 = tpu.memref_slice %arg22[%dma_start3A_214, %dma_start3A_215] : memref<10240x128xf32, #tpu.memory_space<vmem_shared>> -> memref<10240x128xf32, #tpu.memory_space<vmem_shared>>
      tpu.enqueue_indirect_dma source(%arg19 : memref<80x128xf32, #tpu.memory_space<vmem>>) target(%dma_start3A_216 : memref<10240x128xf32, #tpu.memory_space<vmem_shared>>) offsets(%arg13 : memref<80xi32, #tpu.memory_space<vmem>>) semaphore(%run_scoped3A : memref<!tpu.dma_semaphore, #tpu.memory_space<semaphore_mem>>) {add = true}
      %dma_wait3A_217 = arith.constant 0 : i32
      %dma_wait3A_218 = arith.constant 0 : i32
      %dma_wait3A_219 = tpu.memref_slice %arg22[%dma_wait3A_217, %dma_wait3A_218] : memref<10240x128xf32, #tpu.memory_space<vmem_shared>> -> memref<10240x128xf32, #tpu.memory_space<vmem_shared>>
      tpu.wait_indirect_dma semaphore(%run_scoped3A : memref<!tpu.dma_semaphore, #tpu.memory_space<semaphore_mem>>) src(%arg19 : memref<80x128xf32, #tpu.memory_space<vmem>>) dst(%dma_wait3A_219 : memref<10240x128xf32, #tpu.memory_space<vmem_shared>>)
      tpu.yield
    }) : () -> ()
    %add3A_179 = arith.constant 9840 : i32
    %add3A_180 = arith.addi %mul3A_5, %add3A_179 : i32
    %dma_wait3A_181 = tpu.memref_slice %arg3[%add3A_180] : memref<320000xi32, #tpu.memory_space<hbm>> -> memref<80xi32, #tpu.memory_space<hbm>>
    %dma_wait3A_182 = tpu.memref_slice %arg3[%add3A_180] : memref<320000xi32, #tpu.memory_space<hbm>> -> memref<80xi32, #tpu.memory_space<hbm>>
    tpu.wait_dma2 semaphore(%arg26 : memref<!tpu.dma_semaphore, #tpu.memory_space<semaphore_mem>>) src(%dma_wait3A_182 : memref<80xi32, #tpu.memory_space<hbm>>) dst(%arg10 : memref<80xi32, #tpu.memory_space<vmem>>)
    %dma_wait3A_183 = tpu.memref_slice %arg4[%add3A_180] : memref<320000xi32, #tpu.memory_space<hbm>> -> memref<80xi32, #tpu.memory_space<hbm>>
    %dma_wait3A_184 = tpu.memref_slice %arg4[%add3A_180] : memref<320000xi32, #tpu.memory_space<hbm>> -> memref<80xi32, #tpu.memory_space<hbm>>
    tpu.wait_dma2 semaphore(%arg26 : memref<!tpu.dma_semaphore, #tpu.memory_space<semaphore_mem>>) src(%dma_wait3A_184 : memref<80xi32, #tpu.memory_space<hbm>>) dst(%arg16 : memref<80xi32, #tpu.memory_space<vmem>>)
    %dma_start3A_185 = arith.constant 0 : i32
    %dma_start3A_186 = arith.constant 0 : i32
    %dma_start3A_187 = tpu.memref_slice %arg2[%dma_start3A_185, %dma_start3A_186] : memref<10000x128xf32, #tpu.memory_space<hbm>> -> memref<10000x128xf32, #tpu.memory_space<hbm>>
    tpu.enqueue_indirect_dma source(%dma_start3A_187 : memref<10000x128xf32, #tpu.memory_space<hbm>>) target(%arg19 : memref<80x128xf32, #tpu.memory_space<vmem>>) offsets(%arg10 : memref<80xi32, #tpu.memory_space<vmem>>) semaphore(%arg29 : memref<!tpu.dma_semaphore, #tpu.memory_space<semaphore_mem>>)
    %dma_wait3A_188 = arith.constant 0 : i32
    %dma_wait3A_189 = arith.constant 0 : i32
    %dma_wait3A_190 = tpu.memref_slice %arg2[%dma_wait3A_188, %dma_wait3A_189] : memref<10000x128xf32, #tpu.memory_space<hbm>> -> memref<10000x128xf32, #tpu.memory_space<hbm>>
    tpu.wait_indirect_dma semaphore(%arg30 : memref<!tpu.dma_semaphore, #tpu.memory_space<semaphore_mem>>) src(%dma_wait3A_190 : memref<10000x128xf32, #tpu.memory_space<hbm>>) dst(%arg20 : memref<80x128xf32, #tpu.memory_space<vmem>>)
    "tpu.region"() ({
      %run_scoped3A = tpu.sem_alloc : memref<!tpu.dma_semaphore, #tpu.memory_space<semaphore_mem>>
      %dma_start3A_214 = arith.constant 0 : i32
      %dma_start3A_215 = arith.constant 0 : i32
      %dma_start3A_216 = tpu.memref_slice %arg22[%dma_start3A_214, %dma_start3A_215] : memref<10240x128xf32, #tpu.memory_space<vmem_shared>> -> memref<10240x128xf32, #tpu.memory_space<vmem_shared>>
      tpu.enqueue_indirect_dma source(%arg20 : memref<80x128xf32, #tpu.memory_space<vmem>>) target(%dma_start3A_216 : memref<10240x128xf32, #tpu.memory_space<vmem_shared>>) offsets(%arg14 : memref<80xi32, #tpu.memory_space<vmem>>) semaphore(%run_scoped3A : memref<!tpu.dma_semaphore, #tpu.memory_space<semaphore_mem>>) {add = true}
      %dma_wait3A_217 = arith.constant 0 : i32
      %dma_wait3A_218 = arith.constant 0 : i32
      %dma_wait3A_219 = tpu.memref_slice %arg22[%dma_wait3A_217, %dma_wait3A_218] : memref<10240x128xf32, #tpu.memory_space<vmem_shared>> -> memref<10240x128xf32, #tpu.memory_space<vmem_shared>>
      tpu.wait_indirect_dma semaphore(%run_scoped3A : memref<!tpu.dma_semaphore, #tpu.memory_space<semaphore_mem>>) src(%arg20 : memref<80x128xf32, #tpu.memory_space<vmem>>) dst(%dma_wait3A_219 : memref<10240x128xf32, #tpu.memory_space<vmem_shared>>)
      tpu.yield
    }) : () -> ()
    %add3A_191 = arith.constant 9920 : i32
    %add3A_192 = arith.addi %mul3A_5, %add3A_191 : i32
    %dma_wait3A_193 = tpu.memref_slice %arg3[%add3A_192] : memref<320000xi32, #tpu.memory_space<hbm>> -> memref<80xi32, #tpu.memory_space<hbm>>
    %dma_wait3A_194 = tpu.memref_slice %arg3[%add3A_192] : memref<320000xi32, #tpu.memory_space<hbm>> -> memref<80xi32, #tpu.memory_space<hbm>>
    tpu.wait_dma2 semaphore(%arg27 : memref<!tpu.dma_semaphore, #tpu.memory_space<semaphore_mem>>) src(%dma_wait3A_194 : memref<80xi32, #tpu.memory_space<hbm>>) dst(%arg11 : memref<80xi32, #tpu.memory_space<vmem>>)
    %dma_wait3A_195 = tpu.memref_slice %arg4[%add3A_192] : memref<320000xi32, #tpu.memory_space<hbm>> -> memref<80xi32, #tpu.memory_space<hbm>>
    %dma_wait3A_196 = tpu.memref_slice %arg4[%add3A_192] : memref<320000xi32, #tpu.memory_space<hbm>> -> memref<80xi32, #tpu.memory_space<hbm>>
    tpu.wait_dma2 semaphore(%arg27 : memref<!tpu.dma_semaphore, #tpu.memory_space<semaphore_mem>>) src(%dma_wait3A_196 : memref<80xi32, #tpu.memory_space<hbm>>) dst(%arg17 : memref<80xi32, #tpu.memory_space<vmem>>)
    %dma_start3A_197 = arith.constant 0 : i32
    %dma_start3A_198 = arith.constant 0 : i32
    %dma_start3A_199 = tpu.memref_slice %arg2[%dma_start3A_197, %dma_start3A_198] : memref<10000x128xf32, #tpu.memory_space<hbm>> -> memref<10000x128xf32, #tpu.memory_space<hbm>>
    tpu.enqueue_indirect_dma source(%dma_start3A_199 : memref<10000x128xf32, #tpu.memory_space<hbm>>) target(%arg20 : memref<80x128xf32, #tpu.memory_space<vmem>>) offsets(%arg11 : memref<80xi32, #tpu.memory_space<vmem>>) semaphore(%arg30 : memref<!tpu.dma_semaphore, #tpu.memory_space<semaphore_mem>>)
    %dma_wait3A_200 = arith.constant 0 : i32
    %dma_wait3A_201 = arith.constant 0 : i32
    %dma_wait3A_202 = tpu.memref_slice %arg2[%dma_wait3A_200, %dma_wait3A_201] : memref<10000x128xf32, #tpu.memory_space<hbm>> -> memref<10000x128xf32, #tpu.memory_space<hbm>>
    tpu.wait_indirect_dma semaphore(%arg31 : memref<!tpu.dma_semaphore, #tpu.memory_space<semaphore_mem>>) src(%dma_wait3A_202 : memref<10000x128xf32, #tpu.memory_space<hbm>>) dst(%arg21 : memref<80x128xf32, #tpu.memory_space<vmem>>)
    "tpu.region"() ({
      %run_scoped3A = tpu.sem_alloc : memref<!tpu.dma_semaphore, #tpu.memory_space<semaphore_mem>>
      %dma_start3A_214 = arith.constant 0 : i32
      %dma_start3A_215 = arith.constant 0 : i32
      %dma_start3A_216 = tpu.memref_slice %arg22[%dma_start3A_214, %dma_start3A_215] : memref<10240x128xf32, #tpu.memory_space<vmem_shared>> -> memref<10240x128xf32, #tpu.memory_space<vmem_shared>>
      tpu.enqueue_indirect_dma source(%arg21 : memref<80x128xf32, #tpu.memory_space<vmem>>) target(%dma_start3A_216 : memref<10240x128xf32, #tpu.memory_space<vmem_shared>>) offsets(%arg15 : memref<80xi32, #tpu.memory_space<vmem>>) semaphore(%run_scoped3A : memref<!tpu.dma_semaphore, #tpu.memory_space<semaphore_mem>>) {add = true}
      %dma_wait3A_217 = arith.constant 0 : i32
      %dma_wait3A_218 = arith.constant 0 : i32
      %dma_wait3A_219 = tpu.memref_slice %arg22[%dma_wait3A_217, %dma_wait3A_218] : memref<10240x128xf32, #tpu.memory_space<vmem_shared>> -> memref<10240x128xf32, #tpu.memory_space<vmem_shared>>
      tpu.wait_indirect_dma semaphore(%run_scoped3A : memref<!tpu.dma_semaphore, #tpu.memory_space<semaphore_mem>>) src(%arg21 : memref<80x128xf32, #tpu.memory_space<vmem>>) dst(%dma_wait3A_219 : memref<10240x128xf32, #tpu.memory_space<vmem_shared>>)
      tpu.yield
    }) : () -> ()
    %dma_wait3A_203 = arith.constant 0 : i32
    %dma_wait3A_204 = arith.constant 0 : i32
    %dma_wait3A_205 = tpu.memref_slice %arg2[%dma_wait3A_203, %dma_wait3A_204] : memref<10000x128xf32, #tpu.memory_space<hbm>> -> memref<10000x128xf32, #tpu.memory_space<hbm>>
    tpu.wait_indirect_dma semaphore(%arg29 : memref<!tpu.dma_semaphore, #tpu.memory_space<semaphore_mem>>) src(%dma_wait3A_205 : memref<10000x128xf32, #tpu.memory_space<hbm>>) dst(%arg19 : memref<80x128xf32, #tpu.memory_space<vmem>>)
    "tpu.region"() ({
      %run_scoped3A = tpu.sem_alloc : memref<!tpu.dma_semaphore, #tpu.memory_space<semaphore_mem>>
      %dma_start3A_214 = arith.constant 0 : i32
      %dma_start3A_215 = arith.constant 0 : i32
      %dma_start3A_216 = tpu.memref_slice %arg22[%dma_start3A_214, %dma_start3A_215] : memref<10240x128xf32, #tpu.memory_space<vmem_shared>> -> memref<10240x128xf32, #tpu.memory_space<vmem_shared>>
      tpu.enqueue_indirect_dma source(%arg19 : memref<80x128xf32, #tpu.memory_space<vmem>>) target(%dma_start3A_216 : memref<10240x128xf32, #tpu.memory_space<vmem_shared>>) offsets(%arg16 : memref<80xi32, #tpu.memory_space<vmem>>) semaphore(%run_scoped3A : memref<!tpu.dma_semaphore, #tpu.memory_space<semaphore_mem>>) {add = true}
      %dma_wait3A_217 = arith.constant 0 : i32
      %dma_wait3A_218 = arith.constant 0 : i32
      %dma_wait3A_219 = tpu.memref_slice %arg22[%dma_wait3A_217, %dma_wait3A_218] : memref<10240x128xf32, #tpu.memory_space<vmem_shared>> -> memref<10240x128xf32, #tpu.memory_space<vmem_shared>>
      tpu.wait_indirect_dma semaphore(%run_scoped3A : memref<!tpu.dma_semaphore, #tpu.memory_space<semaphore_mem>>) src(%arg19 : memref<80x128xf32, #tpu.memory_space<vmem>>) dst(%dma_wait3A_219 : memref<10240x128xf32, #tpu.memory_space<vmem_shared>>)
      tpu.yield
    }) : () -> ()
    %dma_wait3A_206 = arith.constant 0 : i32
    %dma_wait3A_207 = arith.constant 0 : i32
    %dma_wait3A_208 = tpu.memref_slice %arg2[%dma_wait3A_206, %dma_wait3A_207] : memref<10000x128xf32, #tpu.memory_space<hbm>> -> memref<10000x128xf32, #tpu.memory_space<hbm>>
    tpu.wait_indirect_dma semaphore(%arg30 : memref<!tpu.dma_semaphore, #tpu.memory_space<semaphore_mem>>) src(%dma_wait3A_208 : memref<10000x128xf32, #tpu.memory_space<hbm>>) dst(%arg20 : memref<80x128xf32, #tpu.memory_space<vmem>>)
    "tpu.region"() ({
      %run_scoped3A = tpu.sem_alloc : memref<!tpu.dma_semaphore, #tpu.memory_space<semaphore_mem>>
      %dma_start3A_214 = arith.constant 0 : i32
      %dma_start3A_215 = arith.constant 0 : i32
      %dma_start3A_216 = tpu.memref_slice %arg22[%dma_start3A_214, %dma_start3A_215] : memref<10240x128xf32, #tpu.memory_space<vmem_shared>> -> memref<10240x128xf32, #tpu.memory_space<vmem_shared>>
      tpu.enqueue_indirect_dma source(%arg20 : memref<80x128xf32, #tpu.memory_space<vmem>>) target(%dma_start3A_216 : memref<10240x128xf32, #tpu.memory_space<vmem_shared>>) offsets(%arg17 : memref<80xi32, #tpu.memory_space<vmem>>) semaphore(%run_scoped3A : memref<!tpu.dma_semaphore, #tpu.memory_space<semaphore_mem>>) {add = true}
      %dma_wait3A_217 = arith.constant 0 : i32
      %dma_wait3A_218 = arith.constant 0 : i32
      %dma_wait3A_219 = tpu.memref_slice %arg22[%dma_wait3A_217, %dma_wait3A_218] : memref<10240x128xf32, #tpu.memory_space<vmem_shared>> -> memref<10240x128xf32, #tpu.memory_space<vmem_shared>>
      tpu.wait_indirect_dma semaphore(%run_scoped3A : memref<!tpu.dma_semaphore, #tpu.memory_space<semaphore_mem>>) src(%arg20 : memref<80x128xf32, #tpu.memory_space<vmem>>) dst(%dma_wait3A_219 : memref<10240x128xf32, #tpu.memory_space<vmem_shared>>)
      tpu.yield
    }) : () -> ()
    %barrier3A_209 = arith.constant 0 : index
    tpu.barrier barrier_id(%barrier3A_209)
    %mul3A_210 = arith.constant 640 : i32
    %mul3A_211 = arith.muli %arg1, %mul3A_210 : i32
    %mul3A_212 = arith.constant 640 : i32
    %mul3A_213 = arith.muli %arg1, %mul3A_212 : i32
    "tpu.region"() ({
      %run_scoped3A = tpu.sem_alloc : memref<!tpu.dma_semaphore, #tpu.memory_space<semaphore_mem>>
      %dma_start3A_214 = arith.constant 0 : i32
      %dma_start3A_215 = tpu.memref_slice %arg6[%arg0, %mul3A_213, %dma_start3A_214] : memref<2x10240x128xf32, #tpu.memory_space<hbm>> -> memref<1x640x128xf32, #tpu.memory_space<hbm>>
      %dma_start3A_216 = tpu.memref_squeeze %dma_start3A_215 : memref<1x640x128xf32, #tpu.memory_space<hbm>> -> memref<640x128xf32, #tpu.memory_space<hbm>>
      %dma_start3A_217 = arith.constant 0 : i32
      %dma_start3A_218 = tpu.memref_slice %arg22[%mul3A_211, %dma_start3A_217] : memref<10240x128xf32, #tpu.memory_space<vmem_shared>> -> memref<640x128xf32, #tpu.memory_space<vmem_shared>>
      tpu.enqueue_dma source(%dma_start3A_218 : memref<640x128xf32, #tpu.memory_space<vmem_shared>>) target(%dma_start3A_216 : memref<640x128xf32, #tpu.memory_space<hbm>>) target_semaphore(%run_scoped3A : memref<!tpu.dma_semaphore, #tpu.memory_space<semaphore_mem>>)
      %dma_wait3A_219 = arith.constant 0 : i32
      %dma_wait3A_220 = tpu.memref_slice %arg6[%arg0, %mul3A_213, %dma_wait3A_219] : memref<2x10240x128xf32, #tpu.memory_space<hbm>> -> memref<1x640x128xf32, #tpu.memory_space<hbm>>
      %dma_wait3A_221 = tpu.memref_squeeze %dma_wait3A_220 : memref<1x640x128xf32, #tpu.memory_space<hbm>> -> memref<640x128xf32, #tpu.memory_space<hbm>>
      %dma_wait3A_222 = arith.constant 0 : i32
      %dma_wait3A_223 = tpu.memref_slice %arg22[%mul3A_211, %dma_wait3A_222] : memref<10240x128xf32, #tpu.memory_space<vmem_shared>> -> memref<640x128xf32, #tpu.memory_space<vmem_shared>>
      tpu.wait_dma2 semaphore(%run_scoped3A : memref<!tpu.dma_semaphore, #tpu.memory_space<semaphore_mem>>) src(%dma_wait3A_223 : memref<640x128xf32, #tpu.memory_space<vmem_shared>>) dst(%dma_wait3A_221 : memref<640x128xf32, #tpu.memory_space<hbm>>)
      tpu.yield
    }) : () -> ()
    return
  }
}

#map = affine_map<(d0, d1) -> (0, 0, 0)>
#map1 = affine_map<(d0, d1) -> (0, 0)>
module attributes {stable_mosaic.version = 14 : i64} {
  func.func @k(%arg0: i32, %arg1: i32, %arg2: memref<32x125x80xi32, #tpu.memory_space<hbm>>, %arg3: memref<640x128xf32, #tpu.memory_space<hbm>>, %arg4: memref<2x10240x16xf32, #tpu.memory_space<hbm>>, %arg5: memref<125x80xi32, #tpu.memory_space<vmem>>, %arg6: memref<80x16xf32, #tpu.memory_space<vmem>>, %arg7: memref<10240x16xf32, #tpu.memory_space<vmem_shared>>, %arg8: memref<!tpu.dma_semaphore, #tpu.memory_space<semaphore_mem>>) attributes {dimension_semantics = [#tpu.dimension_semantics<core_parallel>, #tpu.dimension_semantics<subcore_parallel>], iteration_bounds = array<i64: 2, 16>, scalar_prefetch = 0 : i64, scratch_operands = 4 : i64, tpu.core_type = #tpu.core_type<sc_vector_subcore>, window_params = [{transform_indices = #map}, {transform_indices = #map1}, {transform_indices = #map}]} {
    %broadcast_in_dim3A = arith.constant 1.000000e+00 : f32
    %broadcast_in_dim3A_0 = vector.broadcast %broadcast_in_dim3A : f32 to vector<16xf32>
    %mul3A = arith.constant 640 : i32
    %mul3A_1 = arith.muli %arg1, %mul3A : i32
    %dma_start3A = arith.constant 0 : i32
    %dma_start3A_2 = tpu.memref_slice %arg7[%mul3A_1, %dma_start3A] : memref<10240x16xf32, #tpu.memory_space<vmem_shared>> -> memref<640x16xf32, #tpu.memory_space<vmem_shared>>
    %dma_start3A_3 = arith.constant 0 : i32
    %dma_start3A_4 = arith.constant 0 : i32
    %dma_start3A_5 = tpu.memref_slice %arg3[%dma_start3A_3, %dma_start3A_4] : memref<640x128xf32, #tpu.memory_space<hbm>> -> memref<640x16xf32, #tpu.memory_space<hbm>>
    tpu.enqueue_dma source(%dma_start3A_5 : memref<640x16xf32, #tpu.memory_space<hbm>>) target(%dma_start3A_2 : memref<640x16xf32, #tpu.memory_space<vmem_shared>>) target_semaphore(%arg8 : memref<!tpu.dma_semaphore, #tpu.memory_space<semaphore_mem>>)
    %scan3A = arith.constant 0 : i32
    %scan3A_6 = arith.constant 80 : i32
    %scan3A_7 = arith.addi %scan3A, %scan3A_6 : i32
    %scan3A_8 = arith.constant 1 : i32
    scf.for %scan3A_26 = %scan3A to %scan3A_7 step %scan3A_8  : i32 {
      %mul3A_27 = arith.constant 1 : i32
      %mul3A_28 = arith.muli %scan3A_26, %mul3A_27 : i32
      %add3A_29 = arith.constant 0 : i32
      %add3A_30 = arith.addi %add3A_29, %mul3A_28 : i32
      %swap3A = arith.index_cast %add3A_30 : i32 to index
      %swap3A_31 = arith.constant 0 : index
      %swap3A_32 = tpu.vector_load %arg6[%swap3A, %swap3A_31] {strides = array<i32>} : memref<80x16xf32, #tpu.memory_space<vmem>>, vector<1x16xf32>,
      %swap3A_33 = vector.shape_cast %swap3A_32 : vector<1x16xf32> to vector<16xf32>
      %swap3A_34 = vector.shape_cast %broadcast_in_dim3A_0 : vector<16xf32> to vector<1x16xf32>
      tpu.vector_store %arg6[%swap3A, %swap3A_31], %swap3A_34 {strides = array<i32>} : memref<80x16xf32, #tpu.memory_space<vmem>>, vector<1x16xf32>,
    }
    %scan3A_9 = arith.constant 80 : i32
    %mul3A_10 = arith.constant 16 : i32
    %mul3A_11 = arith.muli %arg0, %mul3A_10 : i32
    %add3A = arith.addi %mul3A_11, %arg1 : i32
    "tpu.region"() ({
      %run_scoped3A = tpu.sem_alloc : memref<!tpu.dma_semaphore, #tpu.memory_space<semaphore_mem>>
      %dma_start3A_26 = arith.constant 0 : i32
      %dma_start3A_27 = arith.constant 0 : i32
      %dma_start3A_28 = tpu.memref_slice %arg2[%add3A, %dma_start3A_26, %dma_start3A_27] : memref<32x125x80xi32, #tpu.memory_space<hbm>> -> memref<1x125x80xi32, #tpu.memory_space<hbm>>
      %dma_start3A_29 = tpu.memref_squeeze %dma_start3A_28 : memref<1x125x80xi32, #tpu.memory_space<hbm>> -> memref<125x80xi32, #tpu.memory_space<hbm>>
      %dma_start3A_30 = arith.constant 0 : i32
      %dma_start3A_31 = arith.constant 0 : i32
      %dma_start3A_32 = tpu.memref_slice %arg2[%add3A, %dma_start3A_30, %dma_start3A_31] : memref<32x125x80xi32, #tpu.memory_space<hbm>> -> memref<1x125x80xi32, #tpu.memory_space<hbm>>
      %dma_start3A_33 = tpu.memref_squeeze %dma_start3A_32 : memref<1x125x80xi32, #tpu.memory_space<hbm>> -> memref<125x80xi32, #tpu.memory_space<hbm>>
      tpu.enqueue_dma source(%dma_start3A_33 : memref<125x80xi32, #tpu.memory_space<hbm>>) target(%arg5 : memref<125x80xi32, #tpu.memory_space<vmem>>) target_semaphore(%run_scoped3A : memref<!tpu.dma_semaphore, #tpu.memory_space<semaphore_mem>>)
      %dma_wait3A_34 = arith.constant 0 : i32
      %dma_wait3A_35 = arith.constant 0 : i32
      %dma_wait3A_36 = tpu.memref_slice %arg2[%add3A, %dma_wait3A_34, %dma_wait3A_35] : memref<32x125x80xi32, #tpu.memory_space<hbm>> -> memref<1x125x80xi32, #tpu.memory_space<hbm>>
      %dma_wait3A_37 = tpu.memref_squeeze %dma_wait3A_36 : memref<1x125x80xi32, #tpu.memory_space<hbm>> -> memref<125x80xi32, #tpu.memory_space<hbm>>
      %dma_wait3A_38 = arith.constant 0 : i32
      %dma_wait3A_39 = arith.constant 0 : i32
      %dma_wait3A_40 = tpu.memref_slice %arg2[%add3A, %dma_wait3A_38, %dma_wait3A_39] : memref<32x125x80xi32, #tpu.memory_space<hbm>> -> memref<1x125x80xi32, #tpu.memory_space<hbm>>
      %dma_wait3A_41 = tpu.memref_squeeze %dma_wait3A_40 : memref<1x125x80xi32, #tpu.memory_space<hbm>> -> memref<125x80xi32, #tpu.memory_space<hbm>>
      tpu.wait_dma2 semaphore(%run_scoped3A : memref<!tpu.dma_semaphore, #tpu.memory_space<semaphore_mem>>) src(%dma_wait3A_41 : memref<125x80xi32, #tpu.memory_space<hbm>>) dst(%arg5 : memref<125x80xi32, #tpu.memory_space<vmem>>)
      tpu.yield
    }) : () -> ()
    %dma_wait3A = arith.constant 0 : i32
    %dma_wait3A_12 = tpu.memref_slice %arg7[%mul3A_1, %dma_wait3A] : memref<10240x16xf32, #tpu.memory_space<vmem_shared>> -> memref<640x16xf32, #tpu.memory_space<vmem_shared>>
    %dma_wait3A_13 = arith.constant 0 : i32
    %dma_wait3A_14 = arith.constant 0 : i32
    %dma_wait3A_15 = tpu.memref_slice %arg3[%dma_wait3A_13, %dma_wait3A_14] : memref<640x128xf32, #tpu.memory_space<hbm>> -> memref<640x16xf32, #tpu.memory_space<hbm>>
    tpu.wait_dma2 semaphore(%arg8 : memref<!tpu.dma_semaphore, #tpu.memory_space<semaphore_mem>>) src(%dma_wait3A_15 : memref<640x16xf32, #tpu.memory_space<hbm>>) dst(%dma_wait3A_12 : memref<640x16xf32, #tpu.memory_space<vmem_shared>>)
    %barrier3A = arith.constant 0 : index
    tpu.barrier barrier_id(%barrier3A)
    %scan3A_16 = arith.constant 0 : i32
    %scan3A_17 = arith.constant 25 : i32
    %scan3A_18 = arith.addi %scan3A_16, %scan3A_17 : i32
    %scan3A_19 = arith.constant 1 : i32
    scf.for %scan3A_26 = %scan3A_16 to %scan3A_18 step %scan3A_19  : i32 {
      %mul3A_27 = arith.constant 1 : i32
      %mul3A_28 = arith.muli %scan3A_26, %mul3A_27 : i32
      %add3A_29 = arith.constant 0 : i32
      %add3A_30 = arith.addi %add3A_29, %mul3A_28 : i32
      %mul3A_31 = arith.constant 5 : i32
      %mul3A_32 = arith.muli %add3A_30, %mul3A_31 : i32
      %add3A_33 = arith.constant 0 : i32
      %add3A_34 = arith.addi %mul3A_32, %add3A_33 : i32
      %dma_start3A_35 = arith.constant 0 : i32
      %dma_start3A_36 = tpu.memref_slice %arg5[%add3A_34, %dma_start3A_35] : memref<125x80xi32, #tpu.memory_space<vmem>> -> memref<1x80xi32, #tpu.memory_space<vmem>>
      %dma_start3A_37 = tpu.memref_squeeze %dma_start3A_36 : memref<1x80xi32, #tpu.memory_space<vmem>> -> memref<80xi32, #tpu.memory_space<vmem>>
      %dma_start3A_38 = arith.constant 0 : i32
      %dma_start3A_39 = arith.constant 0 : i32
      %dma_start3A_40 = tpu.memref_slice %arg7[%dma_start3A_38, %dma_start3A_39] : memref<10240x16xf32, #tpu.memory_space<vmem_shared>> -> memref<10240x16xf32, #tpu.memory_space<vmem_shared>>
      tpu.enqueue_indirect_dma source(%arg6 : memref<80x16xf32, #tpu.memory_space<vmem>>) target(%dma_start3A_40 : memref<10240x16xf32, #tpu.memory_space<vmem_shared>>) offsets(%dma_start3A_37 : memref<80xi32, #tpu.memory_space<vmem>>) semaphore(%arg8 : memref<!tpu.dma_semaphore, #tpu.memory_space<semaphore_mem>>) {add = true}
      %mul3A_41 = arith.constant 5 : i32
      %mul3A_42 = arith.muli %add3A_30, %mul3A_41 : i32
      %add3A_43 = arith.constant 1 : i32
      %add3A_44 = arith.addi %mul3A_42, %add3A_43 : i32
      %dma_start3A_45 = arith.constant 0 : i32
      %dma_start3A_46 = tpu.memref_slice %arg5[%add3A_44, %dma_start3A_45] : memref<125x80xi32, #tpu.memory_space<vmem>> -> memref<1x80xi32, #tpu.memory_space<vmem>>
      %dma_start3A_47 = tpu.memref_squeeze %dma_start3A_46 : memref<1x80xi32, #tpu.memory_space<vmem>> -> memref<80xi32, #tpu.memory_space<vmem>>
      %dma_start3A_48 = arith.constant 0 : i32
      %dma_start3A_49 = arith.constant 0 : i32
      %dma_start3A_50 = tpu.memref_slice %arg7[%dma_start3A_48, %dma_start3A_49] : memref<10240x16xf32, #tpu.memory_space<vmem_shared>> -> memref<10240x16xf32, #tpu.memory_space<vmem_shared>>
      tpu.enqueue_indirect_dma source(%arg6 : memref<80x16xf32, #tpu.memory_space<vmem>>) target(%dma_start3A_50 : memref<10240x16xf32, #tpu.memory_space<vmem_shared>>) offsets(%dma_start3A_47 : memref<80xi32, #tpu.memory_space<vmem>>) semaphore(%arg8 : memref<!tpu.dma_semaphore, #tpu.memory_space<semaphore_mem>>) {add = true}
      %mul3A_51 = arith.constant 5 : i32
      %mul3A_52 = arith.muli %add3A_30, %mul3A_51 : i32
      %add3A_53 = arith.constant 2 : i32
      %add3A_54 = arith.addi %mul3A_52, %add3A_53 : i32
      %dma_start3A_55 = arith.constant 0 : i32
      %dma_start3A_56 = tpu.memref_slice %arg5[%add3A_54, %dma_start3A_55] : memref<125x80xi32, #tpu.memory_space<vmem>> -> memref<1x80xi32, #tpu.memory_space<vmem>>
      %dma_start3A_57 = tpu.memref_squeeze %dma_start3A_56 : memref<1x80xi32, #tpu.memory_space<vmem>> -> memref<80xi32, #tpu.memory_space<vmem>>
      %dma_start3A_58 = arith.constant 0 : i32
      %dma_start3A_59 = arith.constant 0 : i32
      %dma_start3A_60 = tpu.memref_slice %arg7[%dma_start3A_58, %dma_start3A_59] : memref<10240x16xf32, #tpu.memory_space<vmem_shared>> -> memref<10240x16xf32, #tpu.memory_space<vmem_shared>>
      tpu.enqueue_indirect_dma source(%arg6 : memref<80x16xf32, #tpu.memory_space<vmem>>) target(%dma_start3A_60 : memref<10240x16xf32, #tpu.memory_space<vmem_shared>>) offsets(%dma_start3A_57 : memref<80xi32, #tpu.memory_space<vmem>>) semaphore(%arg8 : memref<!tpu.dma_semaphore, #tpu.memory_space<semaphore_mem>>) {add = true}
      %mul3A_61 = arith.constant 5 : i32
      %mul3A_62 = arith.muli %add3A_30, %mul3A_61 : i32
      %add3A_63 = arith.constant 3 : i32
      %add3A_64 = arith.addi %mul3A_62, %add3A_63 : i32
      %dma_start3A_65 = arith.constant 0 : i32
      %dma_start3A_66 = tpu.memref_slice %arg5[%add3A_64, %dma_start3A_65] : memref<125x80xi32, #tpu.memory_space<vmem>> -> memref<1x80xi32, #tpu.memory_space<vmem>>
      %dma_start3A_67 = tpu.memref_squeeze %dma_start3A_66 : memref<1x80xi32, #tpu.memory_space<vmem>> -> memref<80xi32, #tpu.memory_space<vmem>>
      %dma_start3A_68 = arith.constant 0 : i32
      %dma_start3A_69 = arith.constant 0 : i32
      %dma_start3A_70 = tpu.memref_slice %arg7[%dma_start3A_68, %dma_start3A_69] : memref<10240x16xf32, #tpu.memory_space<vmem_shared>> -> memref<10240x16xf32, #tpu.memory_space<vmem_shared>>
      tpu.enqueue_indirect_dma source(%arg6 : memref<80x16xf32, #tpu.memory_space<vmem>>) target(%dma_start3A_70 : memref<10240x16xf32, #tpu.memory_space<vmem_shared>>) offsets(%dma_start3A_67 : memref<80xi32, #tpu.memory_space<vmem>>) semaphore(%arg8 : memref<!tpu.dma_semaphore, #tpu.memory_space<semaphore_mem>>) {add = true}
      %mul3A_71 = arith.constant 5 : i32
      %mul3A_72 = arith.muli %add3A_30, %mul3A_71 : i32
      %add3A_73 = arith.constant 4 : i32
      %add3A_74 = arith.addi %mul3A_72, %add3A_73 : i32
      %dma_start3A_75 = arith.constant 0 : i32
      %dma_start3A_76 = tpu.memref_slice %arg5[%add3A_74, %dma_start3A_75] : memref<125x80xi32, #tpu.memory_space<vmem>> -> memref<1x80xi32, #tpu.memory_space<vmem>>
      %dma_start3A_77 = tpu.memref_squeeze %dma_start3A_76 : memref<1x80xi32, #tpu.memory_space<vmem>> -> memref<80xi32, #tpu.memory_space<vmem>>
      %dma_start3A_78 = arith.constant 0 : i32
      %dma_start3A_79 = arith.constant 0 : i32
      %dma_start3A_80 = tpu.memref_slice %arg7[%dma_start3A_78, %dma_start3A_79] : memref<10240x16xf32, #tpu.memory_space<vmem_shared>> -> memref<10240x16xf32, #tpu.memory_space<vmem_shared>>
      tpu.enqueue_indirect_dma source(%arg6 : memref<80x16xf32, #tpu.memory_space<vmem>>) target(%dma_start3A_80 : memref<10240x16xf32, #tpu.memory_space<vmem_shared>>) offsets(%dma_start3A_77 : memref<80xi32, #tpu.memory_space<vmem>>) semaphore(%arg8 : memref<!tpu.dma_semaphore, #tpu.memory_space<semaphore_mem>>) {add = true}
      %mul3A_81 = arith.constant 5 : i32
      %mul3A_82 = arith.muli %add3A_30, %mul3A_81 : i32
      %add3A_83 = arith.constant 0 : i32
      %add3A_84 = arith.addi %mul3A_82, %add3A_83 : i32
      %dma_wait3A_85 = arith.constant 0 : i32
      %dma_wait3A_86 = tpu.memref_slice %arg5[%add3A_84, %dma_wait3A_85] : memref<125x80xi32, #tpu.memory_space<vmem>> -> memref<1x80xi32, #tpu.memory_space<vmem>>
      %dma_wait3A_87 = tpu.memref_squeeze %dma_wait3A_86 : memref<1x80xi32, #tpu.memory_space<vmem>> -> memref<80xi32, #tpu.memory_space<vmem>>
      %dma_wait3A_88 = arith.constant 0 : i32
      %dma_wait3A_89 = arith.constant 0 : i32
      %dma_wait3A_90 = tpu.memref_slice %arg7[%dma_wait3A_88, %dma_wait3A_89] : memref<10240x16xf32, #tpu.memory_space<vmem_shared>> -> memref<10240x16xf32, #tpu.memory_space<vmem_shared>>
      tpu.wait_indirect_dma semaphore(%arg8 : memref<!tpu.dma_semaphore, #tpu.memory_space<semaphore_mem>>) src(%arg6 : memref<80x16xf32, #tpu.memory_space<vmem>>) dst(%dma_wait3A_90 : memref<10240x16xf32, #tpu.memory_space<vmem_shared>>)
      %mul3A_91 = arith.constant 5 : i32
      %mul3A_92 = arith.muli %add3A_30, %mul3A_91 : i32
      %add3A_93 = arith.constant 1 : i32
      %add3A_94 = arith.addi %mul3A_92, %add3A_93 : i32
      %dma_wait3A_95 = arith.constant 0 : i32
      %dma_wait3A_96 = tpu.memref_slice %arg5[%add3A_94, %dma_wait3A_95] : memref<125x80xi32, #tpu.memory_space<vmem>> -> memref<1x80xi32, #tpu.memory_space<vmem>>
      %dma_wait3A_97 = tpu.memref_squeeze %dma_wait3A_96 : memref<1x80xi32, #tpu.memory_space<vmem>> -> memref<80xi32, #tpu.memory_space<vmem>>
      %dma_wait3A_98 = arith.constant 0 : i32
      %dma_wait3A_99 = arith.constant 0 : i32
      %dma_wait3A_100 = tpu.memref_slice %arg7[%dma_wait3A_98, %dma_wait3A_99] : memref<10240x16xf32, #tpu.memory_space<vmem_shared>> -> memref<10240x16xf32, #tpu.memory_space<vmem_shared>>
      tpu.wait_indirect_dma semaphore(%arg8 : memref<!tpu.dma_semaphore, #tpu.memory_space<semaphore_mem>>) src(%arg6 : memref<80x16xf32, #tpu.memory_space<vmem>>) dst(%dma_wait3A_100 : memref<10240x16xf32, #tpu.memory_space<vmem_shared>>)
      %mul3A_101 = arith.constant 5 : i32
      %mul3A_102 = arith.muli %add3A_30, %mul3A_101 : i32
      %add3A_103 = arith.constant 2 : i32
      %add3A_104 = arith.addi %mul3A_102, %add3A_103 : i32
      %dma_wait3A_105 = arith.constant 0 : i32
      %dma_wait3A_106 = tpu.memref_slice %arg5[%add3A_104, %dma_wait3A_105] : memref<125x80xi32, #tpu.memory_space<vmem>> -> memref<1x80xi32, #tpu.memory_space<vmem>>
      %dma_wait3A_107 = tpu.memref_squeeze %dma_wait3A_106 : memref<1x80xi32, #tpu.memory_space<vmem>> -> memref<80xi32, #tpu.memory_space<vmem>>
      %dma_wait3A_108 = arith.constant 0 : i32
      %dma_wait3A_109 = arith.constant 0 : i32
      %dma_wait3A_110 = tpu.memref_slice %arg7[%dma_wait3A_108, %dma_wait3A_109] : memref<10240x16xf32, #tpu.memory_space<vmem_shared>> -> memref<10240x16xf32, #tpu.memory_space<vmem_shared>>
      tpu.wait_indirect_dma semaphore(%arg8 : memref<!tpu.dma_semaphore, #tpu.memory_space<semaphore_mem>>) src(%arg6 : memref<80x16xf32, #tpu.memory_space<vmem>>) dst(%dma_wait3A_110 : memref<10240x16xf32, #tpu.memory_space<vmem_shared>>)
      %mul3A_111 = arith.constant 5 : i32
      %mul3A_112 = arith.muli %add3A_30, %mul3A_111 : i32
      %add3A_113 = arith.constant 3 : i32
      %add3A_114 = arith.addi %mul3A_112, %add3A_113 : i32
      %dma_wait3A_115 = arith.constant 0 : i32
      %dma_wait3A_116 = tpu.memref_slice %arg5[%add3A_114, %dma_wait3A_115] : memref<125x80xi32, #tpu.memory_space<vmem>> -> memref<1x80xi32, #tpu.memory_space<vmem>>
      %dma_wait3A_117 = tpu.memref_squeeze %dma_wait3A_116 : memref<1x80xi32, #tpu.memory_space<vmem>> -> memref<80xi32, #tpu.memory_space<vmem>>
      %dma_wait3A_118 = arith.constant 0 : i32
      %dma_wait3A_119 = arith.constant 0 : i32
      %dma_wait3A_120 = tpu.memref_slice %arg7[%dma_wait3A_118, %dma_wait3A_119] : memref<10240x16xf32, #tpu.memory_space<vmem_shared>> -> memref<10240x16xf32, #tpu.memory_space<vmem_shared>>
      tpu.wait_indirect_dma semaphore(%arg8 : memref<!tpu.dma_semaphore, #tpu.memory_space<semaphore_mem>>) src(%arg6 : memref<80x16xf32, #tpu.memory_space<vmem>>) dst(%dma_wait3A_120 : memref<10240x16xf32, #tpu.memory_space<vmem_shared>>)
      %mul3A_121 = arith.constant 5 : i32
      %mul3A_122 = arith.muli %add3A_30, %mul3A_121 : i32
      %add3A_123 = arith.constant 4 : i32
      %add3A_124 = arith.addi %mul3A_122, %add3A_123 : i32
      %dma_wait3A_125 = arith.constant 0 : i32
      %dma_wait3A_126 = tpu.memref_slice %arg5[%add3A_124, %dma_wait3A_125] : memref<125x80xi32, #tpu.memory_space<vmem>> -> memref<1x80xi32, #tpu.memory_space<vmem>>
      %dma_wait3A_127 = tpu.memref_squeeze %dma_wait3A_126 : memref<1x80xi32, #tpu.memory_space<vmem>> -> memref<80xi32, #tpu.memory_space<vmem>>
      %dma_wait3A_128 = arith.constant 0 : i32
      %dma_wait3A_129 = arith.constant 0 : i32
      %dma_wait3A_130 = tpu.memref_slice %arg7[%dma_wait3A_128, %dma_wait3A_129] : memref<10240x16xf32, #tpu.memory_space<vmem_shared>> -> memref<10240x16xf32, #tpu.memory_space<vmem_shared>>
      tpu.wait_indirect_dma semaphore(%arg8 : memref<!tpu.dma_semaphore, #tpu.memory_space<semaphore_mem>>) src(%arg6 : memref<80x16xf32, #tpu.memory_space<vmem>>) dst(%dma_wait3A_130 : memref<10240x16xf32, #tpu.memory_space<vmem_shared>>)
    }
    %scan3A_20 = arith.constant 25 : i32
    %barrier3A_21 = arith.constant 0 : index
    tpu.barrier barrier_id(%barrier3A_21)
    %mul3A_22 = arith.constant 640 : i32
    %mul3A_23 = arith.muli %arg1, %mul3A_22 : i32
    %mul3A_24 = arith.constant 640 : i32
    %mul3A_25 = arith.muli %arg1, %mul3A_24 : i32
    "tpu.region"() ({
      %run_scoped3A = tpu.sem_alloc : memref<!tpu.dma_semaphore, #tpu.memory_space<semaphore_mem>>
      %dma_start3A_26 = arith.constant 0 : i32
      %dma_start3A_27 = tpu.memref_slice %arg4[%arg0, %mul3A_25, %dma_start3A_26] : memref<2x10240x16xf32, #tpu.memory_space<hbm>> -> memref<1x640x16xf32, #tpu.memory_space<hbm>>
      %dma_start3A_28 = tpu.memref_squeeze %dma_start3A_27 : memref<1x640x16xf32, #tpu.memory_space<hbm>> -> memref<640x16xf32, #tpu.memory_space<hbm>>
      %dma_start3A_29 = arith.constant 0 : i32
      %dma_start3A_30 = tpu.memref_slice %arg7[%mul3A_23, %dma_start3A_29] : memref<10240x16xf32, #tpu.memory_space<vmem_shared>> -> memref<640x16xf32, #tpu.memory_space<vmem_shared>>
      tpu.enqueue_dma source(%dma_start3A_30 : memref<640x16xf32, #tpu.memory_space<vmem_shared>>) target(%dma_start3A_28 : memref<640x16xf32, #tpu.memory_space<hbm>>) target_semaphore(%run_scoped3A : memref<!tpu.dma_semaphore, #tpu.memory_space<semaphore_mem>>)
      %dma_wait3A_31 = arith.constant 0 : i32
      %dma_wait3A_32 = tpu.memref_slice %arg4[%arg0, %mul3A_25, %dma_wait3A_31] : memref<2x10240x16xf32, #tpu.memory_space<hbm>> -> memref<1x640x16xf32, #tpu.memory_space<hbm>>
      %dma_wait3A_33 = tpu.memref_squeeze %dma_wait3A_32 : memref<1x640x16xf32, #tpu.memory_space<hbm>> -> memref<640x16xf32, #tpu.memory_space<hbm>>
      %dma_wait3A_34 = arith.constant 0 : i32
      %dma_wait3A_35 = tpu.memref_slice %arg7[%mul3A_23, %dma_wait3A_34] : memref<10240x16xf32, #tpu.memory_space<vmem_shared>> -> memref<640x16xf32, #tpu.memory_space<vmem_shared>>
      tpu.wait_dma2 semaphore(%run_scoped3A : memref<!tpu.dma_semaphore, #tpu.memory_space<semaphore_mem>>) src(%dma_wait3A_35 : memref<640x16xf32, #tpu.memory_space<vmem_shared>>) dst(%dma_wait3A_33 : memref<640x16xf32, #tpu.memory_space<hbm>>)
      tpu.yield
    }) : () -> ()
    return
  }
}

#map = affine_map<(d0, d1) -> (0, 0)>
#map1 = affine_map<(d0, d1) -> (0)>
#map2 = affine_map<(d0, d1) -> (0, 0, 0)>
module attributes {stable_mosaic.version = 14 : i64} {
  func.func @k(%arg0: i32, %arg1: i32, %arg2: memref<10000x128xf32, #tpu.memory_space<hbm>>, %arg3: memref<320000xi32, #tpu.memory_space<hbm>>, %arg4: memref<320000xi32, #tpu.memory_space<hbm>>, %arg5: memref<640x128xf32, #tpu.memory_space<hbm>>, %arg6: memref<2x10240x128xf32, #tpu.memory_space<hbm>>, %arg7: memref<80xi32, #tpu.memory_space<vmem>>, %arg8: memref<80xi32, #tpu.memory_space<vmem>>, %arg9: memref<80xi32, #tpu.memory_space<vmem>>, %arg10: memref<80xi32, #tpu.memory_space<vmem>>, %arg11: memref<80xi32, #tpu.memory_space<vmem>>, %arg12: memref<80xi32, #tpu.memory_space<vmem>>, %arg13: memref<80xi32, #tpu.memory_space<vmem>>, %arg14: memref<80xi32, #tpu.memory_space<vmem>>, %arg15: memref<80xi32, #tpu.memory_space<vmem>>, %arg16: memref<80xi32, #tpu.memory_space<vmem>>, %arg17: memref<80xi32, #tpu.memory_space<vmem>>, %arg18: memref<80xi32, #tpu.memory_space<vmem>>, %arg19: memref<80x128xf32, #tpu.memory_space<vmem>>, %arg20: memref<80x128xf32, #tpu.memory_space<vmem>>, %arg21: memref<80x128xf32, #tpu.memory_space<vmem>>, %arg22: memref<10240x128xf32, #tpu.memory_space<vmem_shared>>, %arg23: memref<!tpu.dma_semaphore, #tpu.memory_space<semaphore_mem>>, %arg24: memref<!tpu.dma_semaphore, #tpu.memory_space<semaphore_mem>>, %arg25: memref<!tpu.dma_semaphore, #tpu.memory_space<semaphore_mem>>, %arg26: memref<!tpu.dma_semaphore, #tpu.memory_space<semaphore_mem>>, %arg27: memref<!tpu.dma_semaphore, #tpu.memory_space<semaphore_mem>>, %arg28: memref<!tpu.dma_semaphore, #tpu.memory_space<semaphore_mem>>, %arg29: memref<!tpu.dma_semaphore, #tpu.memory_space<semaphore_mem>>, %arg30: memref<!tpu.dma_semaphore, #tpu.memory_space<semaphore_mem>>, %arg31: memref<!tpu.dma_semaphore, #tpu.memory_space<semaphore_mem>>, %arg32: memref<!tpu.dma_semaphore, #tpu.memory_space<semaphore_mem>>) attributes {dimension_semantics = [#tpu.dimension_semantics<core_parallel>, #tpu.dimension_semantics<subcore_parallel>], iteration_bounds = array<i64: 2, 16>, scalar_prefetch = 0 : i64, scratch_operands = 26 : i64, tpu.core_type = #tpu.core_type<sc_vector_subcore>, window_params = [{transform_indices = #map}, {transform_indices = #map1}, {transform_indices = #map1}, {transform_indices = #map}, {transform_indices = #map2}]} {
    %mul3A = arith.constant 640 : i32
    %mul3A_0 = arith.muli %arg1, %mul3A : i32
    %dma_start3A = arith.constant 0 : i32
    %dma_start3A_1 = tpu.memref_slice %arg22[%mul3A_0, %dma_start3A] : memref<10240x128xf32, #tpu.memory_space<vmem_shared>> -> memref<640x128xf32, #tpu.memory_space<vmem_shared>>
    tpu.enqueue_dma source(%arg5 : memref<640x128xf32, #tpu.memory_space<hbm>>) target(%dma_start3A_1 : memref<640x128xf32, #tpu.memory_space<vmem_shared>>) target_semaphore(%arg32 : memref<!tpu.dma_semaphore, #tpu.memory_space<semaphore_mem>>)
    %mul3A_2 = arith.constant 16 : i32
    %mul3A_3 = arith.muli %arg0, %mul3A_2 : i32
    %add3A = arith.addi %mul3A_3, %arg1 : i32
    %mul3A_4 = arith.constant 10000 : i32
    %mul3A_5 = arith.muli %add3A, %mul3A_4 : i32
    %add3A_6 = arith.constant 0 : i32
    %add3A_7 = arith.addi %mul3A_5, %add3A_6 : i32
    %dma_start3A_8 = tpu.memref_slice %arg3[%add3A_7] : memref<320000xi32, #tpu.memory_space<hbm>> -> memref<80xi32, #tpu.memory_space<hbm>>
    %dma_start3A_9 = tpu.memref_slice %arg3[%add3A_7] : memref<320000xi32, #tpu.memory_space<hbm>> -> memref<80xi32, #tpu.memory_space<hbm>>
    tpu.enqueue_dma source(%dma_start3A_9 : memref<80xi32, #tpu.memory_space<hbm>>) target(%arg7 : memref<80xi32, #tpu.memory_space<vmem>>) target_semaphore(%arg23 : memref<!tpu.dma_semaphore, #tpu.memory_space<semaphore_mem>>)
    %dma_start3A_10 = tpu.memref_slice %arg4[%add3A_7] : memref<320000xi32, #tpu.memory_space<hbm>> -> memref<80xi32, #tpu.memory_space<hbm>>
    %dma_start3A_11 = tpu.memref_slice %arg4[%add3A_7] : memref<320000xi32, #tpu.memory_space<hbm>> -> memref<80xi32, #tpu.memory_space<hbm>>
    tpu.enqueue_dma source(%dma_start3A_11 : memref<80xi32, #tpu.memory_space<hbm>>) target(%arg13 : memref<80xi32, #tpu.memory_space<vmem>>) target_semaphore(%arg23 : memref<!tpu.dma_semaphore, #tpu.memory_space<semaphore_mem>>)
    %add3A_12 = arith.constant 80 : i32
    %add3A_13 = arith.addi %mul3A_5, %add3A_12 : i32
    %dma_start3A_14 = tpu.memref_slice %arg3[%add3A_13] : memref<320000xi32, #tpu.memory_space<hbm>> -> memref<80xi32, #tpu.memory_space<hbm>>
    %dma_start3A_15 = tpu.memref_slice %arg3[%add3A_13] : memref<320000xi32, #tpu.memory_space<hbm>> -> memref<80xi32, #tpu.memory_space<hbm>>
    tpu.enqueue_dma source(%dma_start3A_15 : memref<80xi32, #tpu.memory_space<hbm>>) target(%arg8 : memref<80xi32, #tpu.memory_space<vmem>>) target_semaphore(%arg24 : memref<!tpu.dma_semaphore, #tpu.memory_space<semaphore_mem>>)
    %dma_start3A_16 = tpu.memref_slice %arg4[%add3A_13] : memref<320000xi32, #tpu.memory_space<hbm>> -> memref<80xi32, #tpu.memory_space<hbm>>
    %dma_start3A_17 = tpu.memref_slice %arg4[%add3A_13] : memref<320000xi32, #tpu.memory_space<hbm>> -> memref<80xi32, #tpu.memory_space<hbm>>
    tpu.enqueue_dma source(%dma_start3A_17 : memref<80xi32, #tpu.memory_space<hbm>>) target(%arg14 : memref<80xi32, #tpu.memory_space<vmem>>) target_semaphore(%arg24 : memref<!tpu.dma_semaphore, #tpu.memory_space<semaphore_mem>>)
    %add3A_18 = arith.constant 160 : i32
    %add3A_19 = arith.addi %mul3A_5, %add3A_18 : i32
    %dma_start3A_20 = tpu.memref_slice %arg3[%add3A_19] : memref<320000xi32, #tpu.memory_space<hbm>> -> memref<80xi32, #tpu.memory_space<hbm>>
    %dma_start3A_21 = tpu.memref_slice %arg3[%add3A_19] : memref<320000xi32, #tpu.memory_space<hbm>> -> memref<80xi32, #tpu.memory_space<hbm>>
    tpu.enqueue_dma source(%dma_start3A_21 : memref<80xi32, #tpu.memory_space<hbm>>) target(%arg9 : memref<80xi32, #tpu.memory_space<vmem>>) target_semaphore(%arg25 : memref<!tpu.dma_semaphore, #tpu.memory_space<semaphore_mem>>)
    %dma_start3A_22 = tpu.memref_slice %arg4[%add3A_19] : memref<320000xi32, #tpu.memory_space<hbm>> -> memref<80xi32, #tpu.memory_space<hbm>>
    %dma_start3A_23 = tpu.memref_slice %arg4[%add3A_19] : memref<320000xi32, #tpu.memory_space<hbm>> -> memref<80xi32, #tpu.memory_space<hbm>>
    tpu.enqueue_dma source(%dma_start3A_23 : memref<80xi32, #tpu.memory_space<hbm>>) target(%arg15 : memref<80xi32, #tpu.memory_space<vmem>>) target_semaphore(%arg25 : memref<!tpu.dma_semaphore, #tpu.memory_space<semaphore_mem>>)
    %add3A_24 = arith.constant 240 : i32
    %add3A_25 = arith.addi %mul3A_5, %add3A_24 : i32
    %dma_start3A_26 = tpu.memref_slice %arg3[%add3A_25] : memref<320000xi32, #tpu.memory_space<hbm>> -> memref<80xi32, #tpu.memory_space<hbm>>
    %dma_start3A_27 = tpu.memref_slice %arg3[%add3A_25] : memref<320000xi32, #tpu.memory_space<hbm>> -> memref<80xi32, #tpu.memory_space<hbm>>
    tpu.enqueue_dma source(%dma_start3A_27 : memref<80xi32, #tpu.memory_space<hbm>>) target(%arg10 : memref<80xi32, #tpu.memory_space<vmem>>) target_semaphore(%arg26 : memref<!tpu.dma_semaphore, #tpu.memory_space<semaphore_mem>>)
    %dma_start3A_28 = tpu.memref_slice %arg4[%add3A_25] : memref<320000xi32, #tpu.memory_space<hbm>> -> memref<80xi32, #tpu.memory_space<hbm>>
    %dma_start3A_29 = tpu.memref_slice %arg4[%add3A_25] : memref<320000xi32, #tpu.memory_space<hbm>> -> memref<80xi32, #tpu.memory_space<hbm>>
    tpu.enqueue_dma source(%dma_start3A_29 : memref<80xi32, #tpu.memory_space<hbm>>) target(%arg16 : memref<80xi32, #tpu.memory_space<vmem>>) target_semaphore(%arg26 : memref<!tpu.dma_semaphore, #tpu.memory_space<semaphore_mem>>)
    %add3A_30 = arith.constant 320 : i32
    %add3A_31 = arith.addi %mul3A_5, %add3A_30 : i32
    %dma_start3A_32 = tpu.memref_slice %arg3[%add3A_31] : memref<320000xi32, #tpu.memory_space<hbm>> -> memref<80xi32, #tpu.memory_space<hbm>>
    %dma_start3A_33 = tpu.memref_slice %arg3[%add3A_31] : memref<320000xi32, #tpu.memory_space<hbm>> -> memref<80xi32, #tpu.memory_space<hbm>>
    tpu.enqueue_dma source(%dma_start3A_33 : memref<80xi32, #tpu.memory_space<hbm>>) target(%arg11 : memref<80xi32, #tpu.memory_space<vmem>>) target_semaphore(%arg27 : memref<!tpu.dma_semaphore, #tpu.memory_space<semaphore_mem>>)
    %dma_start3A_34 = tpu.memref_slice %arg4[%add3A_31] : memref<320000xi32, #tpu.memory_space<hbm>> -> memref<80xi32, #tpu.memory_space<hbm>>
    %dma_start3A_35 = tpu.memref_slice %arg4[%add3A_31] : memref<320000xi32, #tpu.memory_space<hbm>> -> memref<80xi32, #tpu.memory_space<hbm>>
    tpu.enqueue_dma source(%dma_start3A_35 : memref<80xi32, #tpu.memory_space<hbm>>) target(%arg17 : memref<80xi32, #tpu.memory_space<vmem>>) target_semaphore(%arg27 : memref<!tpu.dma_semaphore, #tpu.memory_space<semaphore_mem>>)
    %add3A_36 = arith.constant 400 : i32
    %add3A_37 = arith.addi %mul3A_5, %add3A_36 : i32
    %dma_start3A_38 = tpu.memref_slice %arg3[%add3A_37] : memref<320000xi32, #tpu.memory_space<hbm>> -> memref<80xi32, #tpu.memory_space<hbm>>
    %dma_start3A_39 = tpu.memref_slice %arg3[%add3A_37] : memref<320000xi32, #tpu.memory_space<hbm>> -> memref<80xi32, #tpu.memory_space<hbm>>
    tpu.enqueue_dma source(%dma_start3A_39 : memref<80xi32, #tpu.memory_space<hbm>>) target(%arg12 : memref<80xi32, #tpu.memory_space<vmem>>) target_semaphore(%arg28 : memref<!tpu.dma_semaphore, #tpu.memory_space<semaphore_mem>>)
    %dma_start3A_40 = tpu.memref_slice %arg4[%add3A_37] : memref<320000xi32, #tpu.memory_space<hbm>> -> memref<80xi32, #tpu.memory_space<hbm>>
    %dma_start3A_41 = tpu.memref_slice %arg4[%add3A_37] : memref<320000xi32, #tpu.memory_space<hbm>> -> memref<80xi32, #tpu.memory_space<hbm>>
    tpu.enqueue_dma source(%dma_start3A_41 : memref<80xi32, #tpu.memory_space<hbm>>) target(%arg18 : memref<80xi32, #tpu.memory_space<vmem>>) target_semaphore(%arg28 : memref<!tpu.dma_semaphore, #tpu.memory_space<semaphore_mem>>)
    %add3A_42 = arith.constant 0 : i32
    %add3A_43 = arith.addi %mul3A_5, %add3A_42 : i32
    %dma_wait3A = tpu.memref_slice %arg3[%add3A_43] : memref<320000xi32, #tpu.memory_space<hbm>> -> memref<80xi32, #tpu.memory_space<hbm>>
    %dma_wait3A_44 = tpu.memref_slice %arg3[%add3A_43] : memref<320000xi32, #tpu.memory_space<hbm>> -> memref<80xi32, #tpu.memory_space<hbm>>
    tpu.wait_dma2 semaphore(%arg23 : memref<!tpu.dma_semaphore, #tpu.memory_space<semaphore_mem>>) src(%dma_wait3A_44 : memref<80xi32, #tpu.memory_space<hbm>>) dst(%arg7 : memref<80xi32, #tpu.memory_space<vmem>>)
    %dma_wait3A_45 = tpu.memref_slice %arg4[%add3A_43] : memref<320000xi32, #tpu.memory_space<hbm>> -> memref<80xi32, #tpu.memory_space<hbm>>
    %dma_wait3A_46 = tpu.memref_slice %arg4[%add3A_43] : memref<320000xi32, #tpu.memory_space<hbm>> -> memref<80xi32, #tpu.memory_space<hbm>>
    tpu.wait_dma2 semaphore(%arg23 : memref<!tpu.dma_semaphore, #tpu.memory_space<semaphore_mem>>) src(%dma_wait3A_46 : memref<80xi32, #tpu.memory_space<hbm>>) dst(%arg13 : memref<80xi32, #tpu.memory_space<vmem>>)
    %dma_start3A_47 = arith.constant 0 : i32
    %dma_start3A_48 = arith.constant 0 : i32
    %dma_start3A_49 = tpu.memref_slice %arg2[%dma_start3A_47, %dma_start3A_48] : memref<10000x128xf32, #tpu.memory_space<hbm>> -> memref<10000x128xf32, #tpu.memory_space<hbm>>
    tpu.enqueue_indirect_dma source(%dma_start3A_49 : memref<10000x128xf32, #tpu.memory_space<hbm>>) target(%arg19 : memref<80x128xf32, #tpu.memory_space<vmem>>) offsets(%arg7 : memref<80xi32, #tpu.memory_space<vmem>>) semaphore(%arg29 : memref<!tpu.dma_semaphore, #tpu.memory_space<semaphore_mem>>)
    %add3A_50 = arith.constant 80 : i32
    %add3A_51 = arith.addi %mul3A_5, %add3A_50 : i32
    %dma_wait3A_52 = tpu.memref_slice %arg3[%add3A_51] : memref<320000xi32, #tpu.memory_space<hbm>> -> memref<80xi32, #tpu.memory_space<hbm>>
    %dma_wait3A_53 = tpu.memref_slice %arg3[%add3A_51] : memref<320000xi32, #tpu.memory_space<hbm>> -> memref<80xi32, #tpu.memory_space<hbm>>
    tpu.wait_dma2 semaphore(%arg24 : memref<!tpu.dma_semaphore, #tpu.memory_space<semaphore_mem>>) src(%dma_wait3A_53 : memref<80xi32, #tpu.memory_space<hbm>>) dst(%arg8 : memref<80xi32, #tpu.memory_space<vmem>>)
    %dma_wait3A_54 = tpu.memref_slice %arg4[%add3A_51] : memref<320000xi32, #tpu.memory_space<hbm>> -> memref<80xi32, #tpu.memory_space<hbm>>
    %dma_wait3A_55 = tpu.memref_slice %arg4[%add3A_51] : memref<320000xi32, #tpu.memory_space<hbm>> -> memref<80xi32, #tpu.memory_space<hbm>>
    tpu.wait_dma2 semaphore(%arg24 : memref<!tpu.dma_semaphore, #tpu.memory_space<semaphore_mem>>) src(%dma_wait3A_55 : memref<80xi32, #tpu.memory_space<hbm>>) dst(%arg14 : memref<80xi32, #tpu.memory_space<vmem>>)
    %dma_start3A_56 = arith.constant 0 : i32
    %dma_start3A_57 = arith.constant 0 : i32
    %dma_start3A_58 = tpu.memref_slice %arg2[%dma_start3A_56, %dma_start3A_57] : memref<10000x128xf32, #tpu.memory_space<hbm>> -> memref<10000x128xf32, #tpu.memory_space<hbm>>
    tpu.enqueue_indirect_dma source(%dma_start3A_58 : memref<10000x128xf32, #tpu.memory_space<hbm>>) target(%arg20 : memref<80x128xf32, #tpu.memory_space<vmem>>) offsets(%arg8 : memref<80xi32, #tpu.memory_space<vmem>>) semaphore(%arg30 : memref<!tpu.dma_semaphore, #tpu.memory_space<semaphore_mem>>)
    %add3A_59 = arith.constant 160 : i32
    %add3A_60 = arith.addi %mul3A_5, %add3A_59 : i32
    %dma_wait3A_61 = tpu.memref_slice %arg3[%add3A_60] : memref<320000xi32, #tpu.memory_space<hbm>> -> memref<80xi32, #tpu.memory_space<hbm>>
    %dma_wait3A_62 = tpu.memref_slice %arg3[%add3A_60] : memref<320000xi32, #tpu.memory_space<hbm>> -> memref<80xi32, #tpu.memory_space<hbm>>
    tpu.wait_dma2 semaphore(%arg25 : memref<!tpu.dma_semaphore, #tpu.memory_space<semaphore_mem>>) src(%dma_wait3A_62 : memref<80xi32, #tpu.memory_space<hbm>>) dst(%arg9 : memref<80xi32, #tpu.memory_space<vmem>>)
    %dma_wait3A_63 = tpu.memref_slice %arg4[%add3A_60] : memref<320000xi32, #tpu.memory_space<hbm>> -> memref<80xi32, #tpu.memory_space<hbm>>
    %dma_wait3A_64 = tpu.memref_slice %arg4[%add3A_60] : memref<320000xi32, #tpu.memory_space<hbm>> -> memref<80xi32, #tpu.memory_space<hbm>>
    tpu.wait_dma2 semaphore(%arg25 : memref<!tpu.dma_semaphore, #tpu.memory_space<semaphore_mem>>) src(%dma_wait3A_64 : memref<80xi32, #tpu.memory_space<hbm>>) dst(%arg15 : memref<80xi32, #tpu.memory_space<vmem>>)
    %dma_start3A_65 = arith.constant 0 : i32
    %dma_start3A_66 = arith.constant 0 : i32
    %dma_start3A_67 = tpu.memref_slice %arg2[%dma_start3A_65, %dma_start3A_66] : memref<10000x128xf32, #tpu.memory_space<hbm>> -> memref<10000x128xf32, #tpu.memory_space<hbm>>
    tpu.enqueue_indirect_dma source(%dma_start3A_67 : memref<10000x128xf32, #tpu.memory_space<hbm>>) target(%arg21 : memref<80x128xf32, #tpu.memory_space<vmem>>) offsets(%arg9 : memref<80xi32, #tpu.memory_space<vmem>>) semaphore(%arg31 : memref<!tpu.dma_semaphore, #tpu.memory_space<semaphore_mem>>)
    %dma_wait3A_68 = arith.constant 0 : i32
    %dma_wait3A_69 = tpu.memref_slice %arg22[%mul3A_0, %dma_wait3A_68] : memref<10240x128xf32, #tpu.memory_space<vmem_shared>> -> memref<640x128xf32, #tpu.memory_space<vmem_shared>>
    tpu.wait_dma2 semaphore(%arg32 : memref<!tpu.dma_semaphore, #tpu.memory_space<semaphore_mem>>) src(%arg5 : memref<640x128xf32, #tpu.memory_space<hbm>>) dst(%dma_wait3A_69 : memref<640x128xf32, #tpu.memory_space<vmem_shared>>)
    %barrier3A = arith.constant 0 : index
    tpu.barrier barrier_id(%barrier3A)
    %scan3A = arith.constant 0 : i32
    %scan3A_70 = arith.constant 19 : i32
    %scan3A_71 = arith.addi %scan3A, %scan3A_70 : i32
    %scan3A_72 = arith.constant 1 : i32
    scf.for %scan3A_214 = %scan3A to %scan3A_71 step %scan3A_72  : i32 {
      %mul3A_215 = arith.constant 1 : i32
      %mul3A_216 = arith.muli %scan3A_214, %mul3A_215 : i32
      %add3A_217 = arith.constant 0 : i32
      %add3A_218 = arith.addi %add3A_217, %mul3A_216 : i32
      %mul3A_219 = arith.constant 6 : i32
      %mul3A_220 = arith.muli %add3A_218, %mul3A_219 : i32
      %add3A_221 = arith.constant 0 : i32
      %add3A_222 = arith.addi %mul3A_220, %add3A_221 : i32
      %dma_wait3A_223 = arith.constant 0 : i32
      %dma_wait3A_224 = arith.constant 0 : i32
      %dma_wait3A_225 = tpu.memref_slice %arg2[%dma_wait3A_223, %dma_wait3A_224] : memref<10000x128xf32, #tpu.memory_space<hbm>> -> memref<10000x128xf32, #tpu.memory_space<hbm>>
      tpu.wait_indirect_dma semaphore(%arg29 : memref<!tpu.dma_semaphore, #tpu.memory_space<semaphore_mem>>) src(%dma_wait3A_225 : memref<10000x128xf32, #tpu.memory_space<hbm>>) dst(%arg19 : memref<80x128xf32, #tpu.memory_space<vmem>>)
      "tpu.region"() ({
        %run_scoped3A = tpu.sem_alloc : memref<!tpu.dma_semaphore, #tpu.memory_space<semaphore_mem>>
        %dma_start3A_377 = arith.constant 0 : i32
        %dma_start3A_378 = arith.constant 0 : i32
        %dma_start3A_379 = tpu.memref_slice %arg22[%dma_start3A_377, %dma_start3A_378] : memref<10240x128xf32, #tpu.memory_space<vmem_shared>> -> memref<10240x128xf32, #tpu.memory_space<vmem_shared>>
        tpu.enqueue_indirect_dma source(%arg19 : memref<80x128xf32, #tpu.memory_space<vmem>>) target(%dma_start3A_379 : memref<10240x128xf32, #tpu.memory_space<vmem_shared>>) offsets(%arg13 : memref<80xi32, #tpu.memory_space<vmem>>) semaphore(%run_scoped3A : memref<!tpu.dma_semaphore, #tpu.memory_space<semaphore_mem>>) {add = true}
        %dma_wait3A_380 = arith.constant 0 : i32
        %dma_wait3A_381 = arith.constant 0 : i32
        %dma_wait3A_382 = tpu.memref_slice %arg22[%dma_wait3A_380, %dma_wait3A_381] : memref<10240x128xf32, #tpu.memory_space<vmem_shared>> -> memref<10240x128xf32, #tpu.memory_space<vmem_shared>>
        tpu.wait_indirect_dma semaphore(%run_scoped3A : memref<!tpu.dma_semaphore, #tpu.memory_space<semaphore_mem>>) src(%arg19 : memref<80x128xf32, #tpu.memory_space<vmem>>) dst(%dma_wait3A_382 : memref<10240x128xf32, #tpu.memory_space<vmem_shared>>)
        tpu.yield
      }) : () -> ()
      %add3A_226 = arith.constant 6 : i32
      %add3A_227 = arith.addi %add3A_222, %add3A_226 : i32
      %mul3A_228 = arith.constant 80 : i32
      %mul3A_229 = arith.muli %add3A_227, %mul3A_228 : i32
      %add3A_230 = arith.addi %mul3A_5, %mul3A_229 : i32
      %dma_start3A_231 = tpu.memref_slice %arg3[%add3A_230] : memref<320000xi32, #tpu.memory_space<hbm>> -> memref<80xi32, #tpu.memory_space<hbm>>
      %dma_start3A_232 = tpu.memref_slice %arg3[%add3A_230] : memref<320000xi32, #tpu.memory_space<hbm>> -> memref<80xi32, #tpu.memory_space<hbm>>
      tpu.enqueue_dma source(%dma_start3A_232 : memref<80xi32, #tpu.memory_space<hbm>>) target(%arg7 : memref<80xi32, #tpu.memory_space<vmem>>) target_semaphore(%arg23 : memref<!tpu.dma_semaphore, #tpu.memory_space<semaphore_mem>>)
      %dma_start3A_233 = tpu.memref_slice %arg4[%add3A_230] : memref<320000xi32, #tpu.memory_space<hbm>> -> memref<80xi32, #tpu.memory_space<hbm>>
      %dma_start3A_234 = tpu.memref_slice %arg4[%add3A_230] : memref<320000xi32, #tpu.memory_space<hbm>> -> memref<80xi32, #tpu.memory_space<hbm>>
      tpu.enqueue_dma source(%dma_start3A_234 : memref<80xi32, #tpu.memory_space<hbm>>) target(%arg13 : memref<80xi32, #tpu.memory_space<vmem>>) target_semaphore(%arg23 : memref<!tpu.dma_semaphore, #tpu.memory_space<semaphore_mem>>)
      %add3A_235 = arith.constant 3 : i32
      %add3A_236 = arith.addi %add3A_222, %add3A_235 : i32
      %mul3A_237 = arith.constant 80 : i32
      %mul3A_238 = arith.muli %add3A_236, %mul3A_237 : i32
      %add3A_239 = arith.addi %mul3A_5, %mul3A_238 : i32
      %dma_wait3A_240 = tpu.memref_slice %arg3[%add3A_239] : memref<320000xi32, #tpu.memory_space<hbm>> -> memref<80xi32, #tpu.memory_space<hbm>>
      %dma_wait3A_241 = tpu.memref_slice %arg3[%add3A_239] : memref<320000xi32, #tpu.memory_space<hbm>> -> memref<80xi32, #tpu.memory_space<hbm>>
      tpu.wait_dma2 semaphore(%arg26 : memref<!tpu.dma_semaphore, #tpu.memory_space<semaphore_mem>>) src(%dma_wait3A_241 : memref<80xi32, #tpu.memory_space<hbm>>) dst(%arg10 : memref<80xi32, #tpu.memory_space<vmem>>)
      %dma_wait3A_242 = tpu.memref_slice %arg4[%add3A_239] : memref<320000xi32, #tpu.memory_space<hbm>> -> memref<80xi32, #tpu.memory_space<hbm>>
      %dma_wait3A_243 = tpu.memref_slice %arg4[%add3A_239] : memref<320000xi32, #tpu.memory_space<hbm>> -> memref<80xi32, #tpu.memory_space<hbm>>
      tpu.wait_dma2 semaphore(%arg26 : memref<!tpu.dma_semaphore, #tpu.memory_space<semaphore_mem>>) src(%dma_wait3A_243 : memref<80xi32, #tpu.memory_space<hbm>>) dst(%arg16 : memref<80xi32, #tpu.memory_space<vmem>>)
      %dma_start3A_244 = arith.constant 0 : i32
      %dma_start3A_245 = arith.constant 0 : i32
      %dma_start3A_246 = tpu.memref_slice %arg2[%dma_start3A_244, %dma_start3A_245] : memref<10000x128xf32, #tpu.memory_space<hbm>> -> memref<10000x128xf32, #tpu.memory_space<hbm>>
      tpu.enqueue_indirect_dma source(%dma_start3A_246 : memref<10000x128xf32, #tpu.memory_space<hbm>>) target(%arg19 : memref<80x128xf32, #tpu.memory_space<vmem>>) offsets(%arg10 : memref<80xi32, #tpu.memory_space<vmem>>) semaphore(%arg29 : memref<!tpu.dma_semaphore, #tpu.memory_space<semaphore_mem>>)
      %add3A_247 = arith.constant 1 : i32
      %add3A_248 = arith.addi %mul3A_220, %add3A_247 : i32
      %dma_wait3A_249 = arith.constant 0 : i32
      %dma_wait3A_250 = arith.constant 0 : i32
      %dma_wait3A_251 = tpu.memref_slice %arg2[%dma_wait3A_249, %dma_wait3A_250] : memref<10000x128xf32, #tpu.memory_space<hbm>> -> memref<10000x128xf32, #tpu.memory_space<hbm>>
      tpu.wait_indirect_dma semaphore(%arg30 : memref<!tpu.dma_semaphore, #tpu.memory_space<semaphore_mem>>) src(%dma_wait3A_251 : memref<10000x128xf32, #tpu.memory_space<hbm>>) dst(%arg20 : memref<80x128xf32, #tpu.memory_space<vmem>>)
      "tpu.region"() ({
        %run_scoped3A = tpu.sem_alloc : memref<!tpu.dma_semaphore, #tpu.memory_space<semaphore_mem>>
        %dma_start3A_377 = arith.constant 0 : i32
        %dma_start3A_378 = arith.constant 0 : i32
        %dma_start3A_379 = tpu.memref_slice %arg22[%dma_start3A_377, %dma_start3A_378] : memref<10240x128xf32, #tpu.memory_space<vmem_shared>> -> memref<10240x128xf32, #tpu.memory_space<vmem_shared>>
        tpu.enqueue_indirect_dma source(%arg20 : memref<80x128xf32, #tpu.memory_space<vmem>>) target(%dma_start3A_379 : memref<10240x128xf32, #tpu.memory_space<vmem_shared>>) offsets(%arg14 : memref<80xi32, #tpu.memory_space<vmem>>) semaphore(%run_scoped3A : memref<!tpu.dma_semaphore, #tpu.memory_space<semaphore_mem>>) {add = true}
        %dma_wait3A_380 = arith.constant 0 : i32
        %dma_wait3A_381 = arith.constant 0 : i32
        %dma_wait3A_382 = tpu.memref_slice %arg22[%dma_wait3A_380, %dma_wait3A_381] : memref<10240x128xf32, #tpu.memory_space<vmem_shared>> -> memref<10240x128xf32, #tpu.memory_space<vmem_shared>>
        tpu.wait_indirect_dma semaphore(%run_scoped3A : memref<!tpu.dma_semaphore, #tpu.memory_space<semaphore_mem>>) src(%arg20 : memref<80x128xf32, #tpu.memory_space<vmem>>) dst(%dma_wait3A_382 : memref<10240x128xf32, #tpu.memory_space<vmem_shared>>)
        tpu.yield
      }) : () -> ()
      %add3A_252 = arith.constant 6 : i32
      %add3A_253 = arith.addi %add3A_248, %add3A_252 : i32
      %mul3A_254 = arith.constant 80 : i32
      %mul3A_255 = arith.muli %add3A_253, %mul3A_254 : i32
      %add3A_256 = arith.addi %mul3A_5, %mul3A_255 : i32
      %dma_start3A_257 = tpu.memref_slice %arg3[%add3A_256] : memref<320000xi32, #tpu.memory_space<hbm>> -> memref<80xi32, #tpu.memory_space<hbm>>
      %dma_start3A_258 = tpu.memref_slice %arg3[%add3A_256] : memref<320000xi32, #tpu.memory_space<hbm>> -> memref<80xi32, #tpu.memory_space<hbm>>
      tpu.enqueue_dma source(%dma_start3A_258 : memref<80xi32, #tpu.memory_space<hbm>>) target(%arg8 : memref<80xi32, #tpu.memory_space<vmem>>) target_semaphore(%arg24 : memref<!tpu.dma_semaphore, #tpu.memory_space<semaphore_mem>>)
      %dma_start3A_259 = tpu.memref_slice %arg4[%add3A_256] : memref<320000xi32, #tpu.memory_space<hbm>> -> memref<80xi32, #tpu.memory_space<hbm>>
      %dma_start3A_260 = tpu.memref_slice %arg4[%add3A_256] : memref<320000xi32, #tpu.memory_space<hbm>> -> memref<80xi32, #tpu.memory_space<hbm>>
      tpu.enqueue_dma source(%dma_start3A_260 : memref<80xi32, #tpu.memory_space<hbm>>) target(%arg14 : memref<80xi32, #tpu.memory_space<vmem>>) target_semaphore(%arg24 : memref<!tpu.dma_semaphore, #tpu.memory_space<semaphore_mem>>)
      %add3A_261 = arith.constant 3 : i32
      %add3A_262 = arith.addi %add3A_248, %add3A_261 : i32
      %mul3A_263 = arith.constant 80 : i32
      %mul3A_264 = arith.muli %add3A_262, %mul3A_263 : i32
      %add3A_265 = arith.addi %mul3A_5, %mul3A_264 : i32
      %dma_wait3A_266 = tpu.memref_slice %arg3[%add3A_265] : memref<320000xi32, #tpu.memory_space<hbm>> -> memref<80xi32, #tpu.memory_space<hbm>>
      %dma_wait3A_267 = tpu.memref_slice %arg3[%add3A_265] : memref<320000xi32, #tpu.memory_space<hbm>> -> memref<80xi32, #tpu.memory_space<hbm>>
      tpu.wait_dma2 semaphore(%arg27 : memref<!tpu.dma_semaphore, #tpu.memory_space<semaphore_mem>>) src(%dma_wait3A_267 : memref<80xi32, #tpu.memory_space<hbm>>) dst(%arg11 : memref<80xi32, #tpu.memory_space<vmem>>)
      %dma_wait3A_268 = tpu.memref_slice %arg4[%add3A_265] : memref<320000xi32, #tpu.memory_space<hbm>> -> memref<80xi32, #tpu.memory_space<hbm>>
      %dma_wait3A_269 = tpu.memref_slice %arg4[%add3A_265] : memref<320000xi32, #tpu.memory_space<hbm>> -> memref<80xi32, #tpu.memory_space<hbm>>
      tpu.wait_dma2 semaphore(%arg27 : memref<!tpu.dma_semaphore, #tpu.memory_space<semaphore_mem>>) src(%dma_wait3A_269 : memref<80xi32, #tpu.memory_space<hbm>>) dst(%arg17 : memref<80xi32, #tpu.memory_space<vmem>>)
      %dma_start3A_270 = arith.constant 0 : i32
      %dma_start3A_271 = arith.constant 0 : i32
      %dma_start3A_272 = tpu.memref_slice %arg2[%dma_start3A_270, %dma_start3A_271] : memref<10000x128xf32, #tpu.memory_space<hbm>> -> memref<10000x128xf32, #tpu.memory_space<hbm>>
      tpu.enqueue_indirect_dma source(%dma_start3A_272 : memref<10000x128xf32, #tpu.memory_space<hbm>>) target(%arg20 : memref<80x128xf32, #tpu.memory_space<vmem>>) offsets(%arg11 : memref<80xi32, #tpu.memory_space<vmem>>) semaphore(%arg30 : memref<!tpu.dma_semaphore, #tpu.memory_space<semaphore_mem>>)
      %add3A_273 = arith.constant 2 : i32
      %add3A_274 = arith.addi %mul3A_220, %add3A_273 : i32
      %dma_wait3A_275 = arith.constant 0 : i32
      %dma_wait3A_276 = arith.constant 0 : i32
      %dma_wait3A_277 = tpu.memref_slice %arg2[%dma_wait3A_275, %dma_wait3A_276] : memref<10000x128xf32, #tpu.memory_space<hbm>> -> memref<10000x128xf32, #tpu.memory_space<hbm>>
      tpu.wait_indirect_dma semaphore(%arg31 : memref<!tpu.dma_semaphore, #tpu.memory_space<semaphore_mem>>) src(%dma_wait3A_277 : memref<10000x128xf32, #tpu.memory_space<hbm>>) dst(%arg21 : memref<80x128xf32, #tpu.memory_space<vmem>>)
      "tpu.region"() ({
        %run_scoped3A = tpu.sem_alloc : memref<!tpu.dma_semaphore, #tpu.memory_space<semaphore_mem>>
        %dma_start3A_377 = arith.constant 0 : i32
        %dma_start3A_378 = arith.constant 0 : i32
        %dma_start3A_379 = tpu.memref_slice %arg22[%dma_start3A_377, %dma_start3A_378] : memref<10240x128xf32, #tpu.memory_space<vmem_shared>> -> memref<10240x128xf32, #tpu.memory_space<vmem_shared>>
        tpu.enqueue_indirect_dma source(%arg21 : memref<80x128xf32, #tpu.memory_space<vmem>>) target(%dma_start3A_379 : memref<10240x128xf32, #tpu.memory_space<vmem_shared>>) offsets(%arg15 : memref<80xi32, #tpu.memory_space<vmem>>) semaphore(%run_scoped3A : memref<!tpu.dma_semaphore, #tpu.memory_space<semaphore_mem>>) {add = true}
        %dma_wait3A_380 = arith.constant 0 : i32
        %dma_wait3A_381 = arith.constant 0 : i32
        %dma_wait3A_382 = tpu.memref_slice %arg22[%dma_wait3A_380, %dma_wait3A_381] : memref<10240x128xf32, #tpu.memory_space<vmem_shared>> -> memref<10240x128xf32, #tpu.memory_space<vmem_shared>>
        tpu.wait_indirect_dma semaphore(%run_scoped3A : memref<!tpu.dma_semaphore, #tpu.memory_space<semaphore_mem>>) src(%arg21 : memref<80x128xf32, #tpu.memory_space<vmem>>) dst(%dma_wait3A_382 : memref<10240x128xf32, #tpu.memory_space<vmem_shared>>)
        tpu.yield
      }) : () -> ()
      %add3A_278 = arith.constant 6 : i32
      %add3A_279 = arith.addi %add3A_274, %add3A_278 : i32
      %mul3A_280 = arith.constant 80 : i32
      %mul3A_281 = arith.muli %add3A_279, %mul3A_280 : i32
      %add3A_282 = arith.addi %mul3A_5, %mul3A_281 : i32
      %dma_start3A_283 = tpu.memref_slice %arg3[%add3A_282] : memref<320000xi32, #tpu.memory_space<hbm>> -> memref<80xi32, #tpu.memory_space<hbm>>
      %dma_start3A_284 = tpu.memref_slice %arg3[%add3A_282] : memref<320000xi32, #tpu.memory_space<hbm>> -> memref<80xi32, #tpu.memory_space<hbm>>
      tpu.enqueue_dma source(%dma_start3A_284 : memref<80xi32, #tpu.memory_space<hbm>>) target(%arg9 : memref<80xi32, #tpu.memory_space<vmem>>) target_semaphore(%arg25 : memref<!tpu.dma_semaphore, #tpu.memory_space<semaphore_mem>>)
      %dma_start3A_285 = tpu.memref_slice %arg4[%add3A_282] : memref<320000xi32, #tpu.memory_space<hbm>> -> memref<80xi32, #tpu.memory_space<hbm>>
      %dma_start3A_286 = tpu.memref_slice %arg4[%add3A_282] : memref<320000xi32, #tpu.memory_space<hbm>> -> memref<80xi32, #tpu.memory_space<hbm>>
      tpu.enqueue_dma source(%dma_start3A_286 : memref<80xi32, #tpu.memory_space<hbm>>) target(%arg15 : memref<80xi32, #tpu.memory_space<vmem>>) target_semaphore(%arg25 : memref<!tpu.dma_semaphore, #tpu.memory_space<semaphore_mem>>)
      %add3A_287 = arith.constant 3 : i32
      %add3A_288 = arith.addi %add3A_274, %add3A_287 : i32
      %mul3A_289 = arith.constant 80 : i32
      %mul3A_290 = arith.muli %add3A_288, %mul3A_289 : i32
      %add3A_291 = arith.addi %mul3A_5, %mul3A_290 : i32
      %dma_wait3A_292 = tpu.memref_slice %arg3[%add3A_291] : memref<320000xi32, #tpu.memory_space<hbm>> -> memref<80xi32, #tpu.memory_space<hbm>>
      %dma_wait3A_293 = tpu.memref_slice %arg3[%add3A_291] : memref<320000xi32, #tpu.memory_space<hbm>> -> memref<80xi32, #tpu.memory_space<hbm>>
      tpu.wait_dma2 semaphore(%arg28 : memref<!tpu.dma_semaphore, #tpu.memory_space<semaphore_mem>>) src(%dma_wait3A_293 : memref<80xi32, #tpu.memory_space<hbm>>) dst(%arg12 : memref<80xi32, #tpu.memory_space<vmem>>)
      %dma_wait3A_294 = tpu.memref_slice %arg4[%add3A_291] : memref<320000xi32, #tpu.memory_space<hbm>> -> memref<80xi32, #tpu.memory_space<hbm>>
      %dma_wait3A_295 = tpu.memref_slice %arg4[%add3A_291] : memref<320000xi32, #tpu.memory_space<hbm>> -> memref<80xi32, #tpu.memory_space<hbm>>
      tpu.wait_dma2 semaphore(%arg28 : memref<!tpu.dma_semaphore, #tpu.memory_space<semaphore_mem>>) src(%dma_wait3A_295 : memref<80xi32, #tpu.memory_space<hbm>>) dst(%arg18 : memref<80xi32, #tpu.memory_space<vmem>>)
      %dma_start3A_296 = arith.constant 0 : i32
      %dma_start3A_297 = arith.constant 0 : i32
      %dma_start3A_298 = tpu.memref_slice %arg2[%dma_start3A_296, %dma_start3A_297] : memref<10000x128xf32, #tpu.memory_space<hbm>> -> memref<10000x128xf32, #tpu.memory_space<hbm>>
      tpu.enqueue_indirect_dma source(%dma_start3A_298 : memref<10000x128xf32, #tpu.memory_space<hbm>>) target(%arg21 : memref<80x128xf32, #tpu.memory_space<vmem>>) offsets(%arg12 : memref<80xi32, #tpu.memory_space<vmem>>) semaphore(%arg31 : memref<!tpu.dma_semaphore, #tpu.memory_space<semaphore_mem>>)
      %add3A_299 = arith.constant 3 : i32
      %add3A_300 = arith.addi %mul3A_220, %add3A_299 : i32
      %dma_wait3A_301 = arith.constant 0 : i32
      %dma_wait3A_302 = arith.constant 0 : i32
      %dma_wait3A_303 = tpu.memref_slice %arg2[%dma_wait3A_301, %dma_wait3A_302] : memref<10000x128xf32, #tpu.memory_space<hbm>> -> memref<10000x128xf32, #tpu.memory_space<hbm>>
      tpu.wait_indirect_dma semaphore(%arg29 : memref<!tpu.dma_semaphore, #tpu.memory_space<semaphore_mem>>) src(%dma_wait3A_303 : memref<10000x128xf32, #tpu.memory_space<hbm>>) dst(%arg19 : memref<80x128xf32, #tpu.memory_space<vmem>>)
      "tpu.region"() ({
        %run_scoped3A = tpu.sem_alloc : memref<!tpu.dma_semaphore, #tpu.memory_space<semaphore_mem>>
        %dma_start3A_377 = arith.constant 0 : i32
        %dma_start3A_378 = arith.constant 0 : i32
        %dma_start3A_379 = tpu.memref_slice %arg22[%dma_start3A_377, %dma_start3A_378] : memref<10240x128xf32, #tpu.memory_space<vmem_shared>> -> memref<10240x128xf32, #tpu.memory_space<vmem_shared>>
        tpu.enqueue_indirect_dma source(%arg19 : memref<80x128xf32, #tpu.memory_space<vmem>>) target(%dma_start3A_379 : memref<10240x128xf32, #tpu.memory_space<vmem_shared>>) offsets(%arg16 : memref<80xi32, #tpu.memory_space<vmem>>) semaphore(%run_scoped3A : memref<!tpu.dma_semaphore, #tpu.memory_space<semaphore_mem>>) {add = true}
        %dma_wait3A_380 = arith.constant 0 : i32
        %dma_wait3A_381 = arith.constant 0 : i32
        %dma_wait3A_382 = tpu.memref_slice %arg22[%dma_wait3A_380, %dma_wait3A_381] : memref<10240x128xf32, #tpu.memory_space<vmem_shared>> -> memref<10240x128xf32, #tpu.memory_space<vmem_shared>>
        tpu.wait_indirect_dma semaphore(%run_scoped3A : memref<!tpu.dma_semaphore, #tpu.memory_space<semaphore_mem>>) src(%arg19 : memref<80x128xf32, #tpu.memory_space<vmem>>) dst(%dma_wait3A_382 : memref<10240x128xf32, #tpu.memory_space<vmem_shared>>)
        tpu.yield
      }) : () -> ()
      %add3A_304 = arith.constant 6 : i32
      %add3A_305 = arith.addi %add3A_300, %add3A_304 : i32
      %mul3A_306 = arith.constant 80 : i32
      %mul3A_307 = arith.muli %add3A_305, %mul3A_306 : i32
      %add3A_308 = arith.addi %mul3A_5, %mul3A_307 : i32
      %dma_start3A_309 = tpu.memref_slice %arg3[%add3A_308] : memref<320000xi32, #tpu.memory_space<hbm>> -> memref<80xi32, #tpu.memory_space<hbm>>
      %dma_start3A_310 = tpu.memref_slice %arg3[%add3A_308] : memref<320000xi32, #tpu.memory_space<hbm>> -> memref<80xi32, #tpu.memory_space<hbm>>
      tpu.enqueue_dma source(%dma_start3A_310 : memref<80xi32, #tpu.memory_space<hbm>>) target(%arg10 : memref<80xi32, #tpu.memory_space<vmem>>) target_semaphore(%arg26 : memref<!tpu.dma_semaphore, #tpu.memory_space<semaphore_mem>>)
      %dma_start3A_311 = tpu.memref_slice %arg4[%add3A_308] : memref<320000xi32, #tpu.memory_space<hbm>> -> memref<80xi32, #tpu.memory_space<hbm>>
      %dma_start3A_312 = tpu.memref_slice %arg4[%add3A_308] : memref<320000xi32, #tpu.memory_space<hbm>> -> memref<80xi32, #tpu.memory_space<hbm>>
      tpu.enqueue_dma source(%dma_start3A_312 : memref<80xi32, #tpu.memory_space<hbm>>) target(%arg16 : memref<80xi32, #tpu.memory_space<vmem>>) target_semaphore(%arg26 : memref<!tpu.dma_semaphore, #tpu.memory_space<semaphore_mem>>)
      %add3A_313 = arith.constant 3 : i32
      %add3A_314 = arith.addi %add3A_300, %add3A_313 : i32
      %mul3A_315 = arith.constant 80 : i32
      %mul3A_316 = arith.muli %add3A_314, %mul3A_315 : i32
      %add3A_317 = arith.addi %mul3A_5, %mul3A_316 : i32
      %dma_wait3A_318 = tpu.memref_slice %arg3[%add3A_317] : memref<320000xi32, #tpu.memory_space<hbm>> -> memref<80xi32, #tpu.memory_space<hbm>>
      %dma_wait3A_319 = tpu.memref_slice %arg3[%add3A_317] : memref<320000xi32, #tpu.memory_space<hbm>> -> memref<80xi32, #tpu.memory_space<hbm>>
      tpu.wait_dma2 semaphore(%arg23 : memref<!tpu.dma_semaphore, #tpu.memory_space<semaphore_mem>>) src(%dma_wait3A_319 : memref<80xi32, #tpu.memory_space<hbm>>) dst(%arg7 : memref<80xi32, #tpu.memory_space<vmem>>)
      %dma_wait3A_320 = tpu.memref_slice %arg4[%add3A_317] : memref<320000xi32, #tpu.memory_space<hbm>> -> memref<80xi32, #tpu.memory_space<hbm>>
      %dma_wait3A_321 = tpu.memref_slice %arg4[%add3A_317] : memref<320000xi32, #tpu.memory_space<hbm>> -> memref<80xi32, #tpu.memory_space<hbm>>
      tpu.wait_dma2 semaphore(%arg23 : memref<!tpu.dma_semaphore, #tpu.memory_space<semaphore_mem>>) src(%dma_wait3A_321 : memref<80xi32, #tpu.memory_space<hbm>>) dst(%arg13 : memref<80xi32, #tpu.memory_space<vmem>>)
      %dma_start3A_322 = arith.constant 0 : i32
      %dma_start3A_323 = arith.constant 0 : i32
      %dma_start3A_324 = tpu.memref_slice %arg2[%dma_start3A_322, %dma_start3A_323] : memref<10000x128xf32, #tpu.memory_space<hbm>> -> memref<10000x128xf32, #tpu.memory_space<hbm>>
      tpu.enqueue_indirect_dma source(%dma_start3A_324 : memref<10000x128xf32, #tpu.memory_space<hbm>>) target(%arg19 : memref<80x128xf32, #tpu.memory_space<vmem>>) offsets(%arg7 : memref<80xi32, #tpu.memory_space<vmem>>) semaphore(%arg29 : memref<!tpu.dma_semaphore, #tpu.memory_space<semaphore_mem>>)
      %add3A_325 = arith.constant 4 : i32
      %add3A_326 = arith.addi %mul3A_220, %add3A_325 : i32
      %dma_wait3A_327 = arith.constant 0 : i32
      %dma_wait3A_328 = arith.constant 0 : i32
      %dma_wait3A_329 = tpu.memref_slice %arg2[%dma_wait3A_327, %dma_wait3A_328] : memref<10000x128xf32, #tpu.memory_space<hbm>> -> memref<10000x128xf32, #tpu.memory_space<hbm>>
      tpu.wait_indirect_dma semaphore(%arg30 : memref<!tpu.dma_semaphore, #tpu.memory_space<semaphore_mem>>) src(%dma_wait3A_329 : memref<10000x128xf32, #tpu.memory_space<hbm>>) dst(%arg20 : memref<80x128xf32, #tpu.memory_space<vmem>>)
      "tpu.region"() ({
        %run_scoped3A = tpu.sem_alloc : memref<!tpu.dma_semaphore, #tpu.memory_space<semaphore_mem>>
        %dma_start3A_377 = arith.constant 0 : i32
        %dma_start3A_378 = arith.constant 0 : i32
        %dma_start3A_379 = tpu.memref_slice %arg22[%dma_start3A_377, %dma_start3A_378] : memref<10240x128xf32, #tpu.memory_space<vmem_shared>> -> memref<10240x128xf32, #tpu.memory_space<vmem_shared>>
        tpu.enqueue_indirect_dma source(%arg20 : memref<80x128xf32, #tpu.memory_space<vmem>>) target(%dma_start3A_379 : memref<10240x128xf32, #tpu.memory_space<vmem_shared>>) offsets(%arg17 : memref<80xi32, #tpu.memory_space<vmem>>) semaphore(%run_scoped3A : memref<!tpu.dma_semaphore, #tpu.memory_space<semaphore_mem>>) {add = true}
        %dma_wait3A_380 = arith.constant 0 : i32
        %dma_wait3A_381 = arith.constant 0 : i32
        %dma_wait3A_382 = tpu.memref_slice %arg22[%dma_wait3A_380, %dma_wait3A_381] : memref<10240x128xf32, #tpu.memory_space<vmem_shared>> -> memref<10240x128xf32, #tpu.memory_space<vmem_shared>>
        tpu.wait_indirect_dma semaphore(%run_scoped3A : memref<!tpu.dma_semaphore, #tpu.memory_space<semaphore_mem>>) src(%arg20 : memref<80x128xf32, #tpu.memory_space<vmem>>) dst(%dma_wait3A_382 : memref<10240x128xf32, #tpu.memory_space<vmem_shared>>)
        tpu.yield
      }) : () -> ()
      %add3A_330 = arith.constant 6 : i32
      %add3A_331 = arith.addi %add3A_326, %add3A_330 : i32
      %mul3A_332 = arith.constant 80 : i32
      %mul3A_333 = arith.muli %add3A_331, %mul3A_332 : i32
      %add3A_334 = arith.addi %mul3A_5, %mul3A_333 : i32
      %dma_start3A_335 = tpu.memref_slice %arg3[%add3A_334] : memref<320000xi32, #tpu.memory_space<hbm>> -> memref<80xi32, #tpu.memory_space<hbm>>
      %dma_start3A_336 = tpu.memref_slice %arg3[%add3A_334] : memref<320000xi32, #tpu.memory_space<hbm>> -> memref<80xi32, #tpu.memory_space<hbm>>
      tpu.enqueue_dma source(%dma_start3A_336 : memref<80xi32, #tpu.memory_space<hbm>>) target(%arg11 : memref<80xi32, #tpu.memory_space<vmem>>) target_semaphore(%arg27 : memref<!tpu.dma_semaphore, #tpu.memory_space<semaphore_mem>>)
      %dma_start3A_337 = tpu.memref_slice %arg4[%add3A_334] : memref<320000xi32, #tpu.memory_space<hbm>> -> memref<80xi32, #tpu.memory_space<hbm>>
      %dma_start3A_338 = tpu.memref_slice %arg4[%add3A_334] : memref<320000xi32, #tpu.memory_space<hbm>> -> memref<80xi32, #tpu.memory_space<hbm>>
      tpu.enqueue_dma source(%dma_start3A_338 : memref<80xi32, #tpu.memory_space<hbm>>) target(%arg17 : memref<80xi32, #tpu.memory_space<vmem>>) target_semaphore(%arg27 : memref<!tpu.dma_semaphore, #tpu.memory_space<semaphore_mem>>)
      %add3A_339 = arith.constant 3 : i32
      %add3A_340 = arith.addi %add3A_326, %add3A_339 : i32
      %mul3A_341 = arith.constant 80 : i32
      %mul3A_342 = arith.muli %add3A_340, %mul3A_341 : i32
      %add3A_343 = arith.addi %mul3A_5, %mul3A_342 : i32
      %dma_wait3A_344 = tpu.memref_slice %arg3[%add3A_343] : memref<320000xi32, #tpu.memory_space<hbm>> -> memref<80xi32, #tpu.memory_space<hbm>>
      %dma_wait3A_345 = tpu.memref_slice %arg3[%add3A_343] : memref<320000xi32, #tpu.memory_space<hbm>> -> memref<80xi32, #tpu.memory_space<hbm>>
      tpu.wait_dma2 semaphore(%arg24 : memref<!tpu.dma_semaphore, #tpu.memory_space<semaphore_mem>>) src(%dma_wait3A_345 : memref<80xi32, #tpu.memory_space<hbm>>) dst(%arg8 : memref<80xi32, #tpu.memory_space<vmem>>)
      %dma_wait3A_346 = tpu.memref_slice %arg4[%add3A_343] : memref<320000xi32, #tpu.memory_space<hbm>> -> memref<80xi32, #tpu.memory_space<hbm>>
      %dma_wait3A_347 = tpu.memref_slice %arg4[%add3A_343] : memref<320000xi32, #tpu.memory_space<hbm>> -> memref<80xi32, #tpu.memory_space<hbm>>
      tpu.wait_dma2 semaphore(%arg24 : memref<!tpu.dma_semaphore, #tpu.memory_space<semaphore_mem>>) src(%dma_wait3A_347 : memref<80xi32, #tpu.memory_space<hbm>>) dst(%arg14 : memref<80xi32, #tpu.memory_space<vmem>>)
      %dma_start3A_348 = arith.constant 0 : i32
      %dma_start3A_349 = arith.constant 0 : i32
      %dma_start3A_350 = tpu.memref_slice %arg2[%dma_start3A_348, %dma_start3A_349] : memref<10000x128xf32, #tpu.memory_space<hbm>> -> memref<10000x128xf32, #tpu.memory_space<hbm>>
      tpu.enqueue_indirect_dma source(%dma_start3A_350 : memref<10000x128xf32, #tpu.memory_space<hbm>>) target(%arg20 : memref<80x128xf32, #tpu.memory_space<vmem>>) offsets(%arg8 : memref<80xi32, #tpu.memory_space<vmem>>) semaphore(%arg30 : memref<!tpu.dma_semaphore, #tpu.memory_space<semaphore_mem>>)
      %add3A_351 = arith.constant 5 : i32
      %add3A_352 = arith.addi %mul3A_220, %add3A_351 : i32
      %dma_wait3A_353 = arith.constant 0 : i32
      %dma_wait3A_354 = arith.constant 0 : i32
      %dma_wait3A_355 = tpu.memref_slice %arg2[%dma_wait3A_353, %dma_wait3A_354] : memref<10000x128xf32, #tpu.memory_space<hbm>> -> memref<10000x128xf32, #tpu.memory_space<hbm>>
      tpu.wait_indirect_dma semaphore(%arg31 : memref<!tpu.dma_semaphore, #tpu.memory_space<semaphore_mem>>) src(%dma_wait3A_355 : memref<10000x128xf32, #tpu.memory_space<hbm>>) dst(%arg21 : memref<80x128xf32, #tpu.memory_space<vmem>>)
      "tpu.region"() ({
        %run_scoped3A = tpu.sem_alloc : memref<!tpu.dma_semaphore, #tpu.memory_space<semaphore_mem>>
        %dma_start3A_377 = arith.constant 0 : i32
        %dma_start3A_378 = arith.constant 0 : i32
        %dma_start3A_379 = tpu.memref_slice %arg22[%dma_start3A_377, %dma_start3A_378] : memref<10240x128xf32, #tpu.memory_space<vmem_shared>> -> memref<10240x128xf32, #tpu.memory_space<vmem_shared>>
        tpu.enqueue_indirect_dma source(%arg21 : memref<80x128xf32, #tpu.memory_space<vmem>>) target(%dma_start3A_379 : memref<10240x128xf32, #tpu.memory_space<vmem_shared>>) offsets(%arg18 : memref<80xi32, #tpu.memory_space<vmem>>) semaphore(%run_scoped3A : memref<!tpu.dma_semaphore, #tpu.memory_space<semaphore_mem>>) {add = true}
        %dma_wait3A_380 = arith.constant 0 : i32
        %dma_wait3A_381 = arith.constant 0 : i32
        %dma_wait3A_382 = tpu.memref_slice %arg22[%dma_wait3A_380, %dma_wait3A_381] : memref<10240x128xf32, #tpu.memory_space<vmem_shared>> -> memref<10240x128xf32, #tpu.memory_space<vmem_shared>>
        tpu.wait_indirect_dma semaphore(%run_scoped3A : memref<!tpu.dma_semaphore, #tpu.memory_space<semaphore_mem>>) src(%arg21 : memref<80x128xf32, #tpu.memory_space<vmem>>) dst(%dma_wait3A_382 : memref<10240x128xf32, #tpu.memory_space<vmem_shared>>)
        tpu.yield
      }) : () -> ()
      %add3A_356 = arith.constant 6 : i32
      %add3A_357 = arith.addi %add3A_352, %add3A_356 : i32
      %mul3A_358 = arith.constant 80 : i32
      %mul3A_359 = arith.muli %add3A_357, %mul3A_358 : i32
      %add3A_360 = arith.addi %mul3A_5, %mul3A_359 : i32
      %dma_start3A_361 = tpu.memref_slice %arg3[%add3A_360] : memref<320000xi32, #tpu.memory_space<hbm>> -> memref<80xi32, #tpu.memory_space<hbm>>
      %dma_start3A_362 = tpu.memref_slice %arg3[%add3A_360] : memref<320000xi32, #tpu.memory_space<hbm>> -> memref<80xi32, #tpu.memory_space<hbm>>
      tpu.enqueue_dma source(%dma_start3A_362 : memref<80xi32, #tpu.memory_space<hbm>>) target(%arg12 : memref<80xi32, #tpu.memory_space<vmem>>) target_semaphore(%arg28 : memref<!tpu.dma_semaphore, #tpu.memory_space<semaphore_mem>>)
      %dma_start3A_363 = tpu.memref_slice %arg4[%add3A_360] : memref<320000xi32, #tpu.memory_space<hbm>> -> memref<80xi32, #tpu.memory_space<hbm>>
      %dma_start3A_364 = tpu.memref_slice %arg4[%add3A_360] : memref<320000xi32, #tpu.memory_space<hbm>> -> memref<80xi32, #tpu.memory_space<hbm>>
      tpu.enqueue_dma source(%dma_start3A_364 : memref<80xi32, #tpu.memory_space<hbm>>) target(%arg18 : memref<80xi32, #tpu.memory_space<vmem>>) target_semaphore(%arg28 : memref<!tpu.dma_semaphore, #tpu.memory_space<semaphore_mem>>)
      %add3A_365 = arith.constant 3 : i32
      %add3A_366 = arith.addi %add3A_352, %add3A_365 : i32
      %mul3A_367 = arith.constant 80 : i32
      %mul3A_368 = arith.muli %add3A_366, %mul3A_367 : i32
      %add3A_369 = arith.addi %mul3A_5, %mul3A_368 : i32
      %dma_wait3A_370 = tpu.memref_slice %arg3[%add3A_369] : memref<320000xi32, #tpu.memory_space<hbm>> -> memref<80xi32, #tpu.memory_space<hbm>>
      %dma_wait3A_371 = tpu.memref_slice %arg3[%add3A_369] : memref<320000xi32, #tpu.memory_space<hbm>> -> memref<80xi32, #tpu.memory_space<hbm>>
      tpu.wait_dma2 semaphore(%arg25 : memref<!tpu.dma_semaphore, #tpu.memory_space<semaphore_mem>>) src(%dma_wait3A_371 : memref<80xi32, #tpu.memory_space<hbm>>) dst(%arg9 : memref<80xi32, #tpu.memory_space<vmem>>)
      %dma_wait3A_372 = tpu.memref_slice %arg4[%add3A_369] : memref<320000xi32, #tpu.memory_space<hbm>> -> memref<80xi32, #tpu.memory_space<hbm>>
      %dma_wait3A_373 = tpu.memref_slice %arg4[%add3A_369] : memref<320000xi32, #tpu.memory_space<hbm>> -> memref<80xi32, #tpu.memory_space<hbm>>
      tpu.wait_dma2 semaphore(%arg25 : memref<!tpu.dma_semaphore, #tpu.memory_space<semaphore_mem>>) src(%dma_wait3A_373 : memref<80xi32, #tpu.memory_space<hbm>>) dst(%arg15 : memref<80xi32, #tpu.memory_space<vmem>>)
      %dma_start3A_374 = arith.constant 0 : i32
      %dma_start3A_375 = arith.constant 0 : i32
      %dma_start3A_376 = tpu.memref_slice %arg2[%dma_start3A_374, %dma_start3A_375] : memref<10000x128xf32, #tpu.memory_space<hbm>> -> memref<10000x128xf32, #tpu.memory_space<hbm>>
      tpu.enqueue_indirect_dma source(%dma_start3A_376 : memref<10000x128xf32, #tpu.memory_space<hbm>>) target(%arg21 : memref<80x128xf32, #tpu.memory_space<vmem>>) offsets(%arg9 : memref<80xi32, #tpu.memory_space<vmem>>) semaphore(%arg31 : memref<!tpu.dma_semaphore, #tpu.memory_space<semaphore_mem>>)
    }
    %scan3A_73 = arith.constant 19 : i32
    %dma_wait3A_74 = arith.constant 0 : i32
    %dma_wait3A_75 = arith.constant 0 : i32
    %dma_wait3A_76 = tpu.memref_slice %arg2[%dma_wait3A_74, %dma_wait3A_75] : memref<10000x128xf32, #tpu.memory_space<hbm>> -> memref<10000x128xf32, #tpu.memory_space<hbm>>
    tpu.wait_indirect_dma semaphore(%arg29 : memref<!tpu.dma_semaphore, #tpu.memory_space<semaphore_mem>>) src(%dma_wait3A_76 : memref<10000x128xf32, #tpu.memory_space<hbm>>) dst(%arg19 : memref<80x128xf32, #tpu.memory_space<vmem>>)
    "tpu.region"() ({
      %run_scoped3A = tpu.sem_alloc : memref<!tpu.dma_semaphore, #tpu.memory_space<semaphore_mem>>
      %dma_start3A_214 = arith.constant 0 : i32
      %dma_start3A_215 = arith.constant 0 : i32
      %dma_start3A_216 = tpu.memref_slice %arg22[%dma_start3A_214, %dma_start3A_215] : memref<10240x128xf32, #tpu.memory_space<vmem_shared>> -> memref<10240x128xf32, #tpu.memory_space<vmem_shared>>
      tpu.enqueue_indirect_dma source(%arg19 : memref<80x128xf32, #tpu.memory_space<vmem>>) target(%dma_start3A_216 : memref<10240x128xf32, #tpu.memory_space<vmem_shared>>) offsets(%arg13 : memref<80xi32, #tpu.memory_space<vmem>>) semaphore(%run_scoped3A : memref<!tpu.dma_semaphore, #tpu.memory_space<semaphore_mem>>) {add = true}
      %dma_wait3A_217 = arith.constant 0 : i32
      %dma_wait3A_218 = arith.constant 0 : i32
      %dma_wait3A_219 = tpu.memref_slice %arg22[%dma_wait3A_217, %dma_wait3A_218] : memref<10240x128xf32, #tpu.memory_space<vmem_shared>> -> memref<10240x128xf32, #tpu.memory_space<vmem_shared>>
      tpu.wait_indirect_dma semaphore(%run_scoped3A : memref<!tpu.dma_semaphore, #tpu.memory_space<semaphore_mem>>) src(%arg19 : memref<80x128xf32, #tpu.memory_space<vmem>>) dst(%dma_wait3A_219 : memref<10240x128xf32, #tpu.memory_space<vmem_shared>>)
      tpu.yield
    }) : () -> ()
    %add3A_77 = arith.constant 9600 : i32
    %add3A_78 = arith.addi %mul3A_5, %add3A_77 : i32
    %dma_start3A_79 = tpu.memref_slice %arg3[%add3A_78] : memref<320000xi32, #tpu.memory_space<hbm>> -> memref<80xi32, #tpu.memory_space<hbm>>
    %dma_start3A_80 = tpu.memref_slice %arg3[%add3A_78] : memref<320000xi32, #tpu.memory_space<hbm>> -> memref<80xi32, #tpu.memory_space<hbm>>
    tpu.enqueue_dma source(%dma_start3A_80 : memref<80xi32, #tpu.memory_space<hbm>>) target(%arg7 : memref<80xi32, #tpu.memory_space<vmem>>) target_semaphore(%arg23 : memref<!tpu.dma_semaphore, #tpu.memory_space<semaphore_mem>>)
    %dma_start3A_81 = tpu.memref_slice %arg4[%add3A_78] : memref<320000xi32, #tpu.memory_space<hbm>> -> memref<80xi32, #tpu.memory_space<hbm>>
    %dma_start3A_82 = tpu.memref_slice %arg4[%add3A_78] : memref<320000xi32, #tpu.memory_space<hbm>> -> memref<80xi32, #tpu.memory_space<hbm>>
    tpu.enqueue_dma source(%dma_start3A_82 : memref<80xi32, #tpu.memory_space<hbm>>) target(%arg13 : memref<80xi32, #tpu.memory_space<vmem>>) target_semaphore(%arg23 : memref<!tpu.dma_semaphore, #tpu.memory_space<semaphore_mem>>)
    %add3A_83 = arith.constant 9360 : i32
    %add3A_84 = arith.addi %mul3A_5, %add3A_83 : i32
    %dma_wait3A_85 = tpu.memref_slice %arg3[%add3A_84] : memref<320000xi32, #tpu.memory_space<hbm>> -> memref<80xi32, #tpu.memory_space<hbm>>
    %dma_wait3A_86 = tpu.memref_slice %arg3[%add3A_84] : memref<320000xi32, #tpu.memory_space<hbm>> -> memref<80xi32, #tpu.memory_space<hbm>>
    tpu.wait_dma2 semaphore(%arg26 : memref<!tpu.dma_semaphore, #tpu.memory_space<semaphore_mem>>) src(%dma_wait3A_86 : memref<80xi32, #tpu.memory_space<hbm>>) dst(%arg10 : memref<80xi32, #tpu.memory_space<vmem>>)
    %dma_wait3A_87 = tpu.memref_slice %arg4[%add3A_84] : memref<320000xi32, #tpu.memory_space<hbm>> -> memref<80xi32, #tpu.memory_space<hbm>>
    %dma_wait3A_88 = tpu.memref_slice %arg4[%add3A_84] : memref<320000xi32, #tpu.memory_space<hbm>> -> memref<80xi32, #tpu.memory_space<hbm>>
    tpu.wait_dma2 semaphore(%arg26 : memref<!tpu.dma_semaphore, #tpu.memory_space<semaphore_mem>>) src(%dma_wait3A_88 : memref<80xi32, #tpu.memory_space<hbm>>) dst(%arg16 : memref<80xi32, #tpu.memory_space<vmem>>)
    %dma_start3A_89 = arith.constant 0 : i32
    %dma_start3A_90 = arith.constant 0 : i32
    %dma_start3A_91 = tpu.memref_slice %arg2[%dma_start3A_89, %dma_start3A_90] : memref<10000x128xf32, #tpu.memory_space<hbm>> -> memref<10000x128xf32, #tpu.memory_space<hbm>>
    tpu.enqueue_indirect_dma source(%dma_start3A_91 : memref<10000x128xf32, #tpu.memory_space<hbm>>) target(%arg19 : memref<80x128xf32, #tpu.memory_space<vmem>>) offsets(%arg10 : memref<80xi32, #tpu.memory_space<vmem>>) semaphore(%arg29 : memref<!tpu.dma_semaphore, #tpu.memory_space<semaphore_mem>>)
    %dma_wait3A_92 = arith.constant 0 : i32
    %dma_wait3A_93 = arith.constant 0 : i32
    %dma_wait3A_94 = tpu.memref_slice %arg2[%dma_wait3A_92, %dma_wait3A_93] : memref<10000x128xf32, #tpu.memory_space<hbm>> -> memref<10000x128xf32, #tpu.memory_space<hbm>>
    tpu.wait_indirect_dma semaphore(%arg30 : memref<!tpu.dma_semaphore, #tpu.memory_space<semaphore_mem>>) src(%dma_wait3A_94 : memref<10000x128xf32, #tpu.memory_space<hbm>>) dst(%arg20 : memref<80x128xf32, #tpu.memory_space<vmem>>)
    "tpu.region"() ({
      %run_scoped3A = tpu.sem_alloc : memref<!tpu.dma_semaphore, #tpu.memory_space<semaphore_mem>>
      %dma_start3A_214 = arith.constant 0 : i32
      %dma_start3A_215 = arith.constant 0 : i32
      %dma_start3A_216 = tpu.memref_slice %arg22[%dma_start3A_214, %dma_start3A_215] : memref<10240x128xf32, #tpu.memory_space<vmem_shared>> -> memref<10240x128xf32, #tpu.memory_space<vmem_shared>>
      tpu.enqueue_indirect_dma source(%arg20 : memref<80x128xf32, #tpu.memory_space<vmem>>) target(%dma_start3A_216 : memref<10240x128xf32, #tpu.memory_space<vmem_shared>>) offsets(%arg14 : memref<80xi32, #tpu.memory_space<vmem>>) semaphore(%run_scoped3A : memref<!tpu.dma_semaphore, #tpu.memory_space<semaphore_mem>>) {add = true}
      %dma_wait3A_217 = arith.constant 0 : i32
      %dma_wait3A_218 = arith.constant 0 : i32
      %dma_wait3A_219 = tpu.memref_slice %arg22[%dma_wait3A_217, %dma_wait3A_218] : memref<10240x128xf32, #tpu.memory_space<vmem_shared>> -> memref<10240x128xf32, #tpu.memory_space<vmem_shared>>
      tpu.wait_indirect_dma semaphore(%run_scoped3A : memref<!tpu.dma_semaphore, #tpu.memory_space<semaphore_mem>>) src(%arg20 : memref<80x128xf32, #tpu.memory_space<vmem>>) dst(%dma_wait3A_219 : memref<10240x128xf32, #tpu.memory_space<vmem_shared>>)
      tpu.yield
    }) : () -> ()
    %add3A_95 = arith.constant 9680 : i32
    %add3A_96 = arith.addi %mul3A_5, %add3A_95 : i32
    %dma_start3A_97 = tpu.memref_slice %arg3[%add3A_96] : memref<320000xi32, #tpu.memory_space<hbm>> -> memref<80xi32, #tpu.memory_space<hbm>>
    %dma_start3A_98 = tpu.memref_slice %arg3[%add3A_96] : memref<320000xi32, #tpu.memory_space<hbm>> -> memref<80xi32, #tpu.memory_space<hbm>>
    tpu.enqueue_dma source(%dma_start3A_98 : memref<80xi32, #tpu.memory_space<hbm>>) target(%arg8 : memref<80xi32, #tpu.memory_space<vmem>>) target_semaphore(%arg24 : memref<!tpu.dma_semaphore, #tpu.memory_space<semaphore_mem>>)
    %dma_start3A_99 = tpu.memref_slice %arg4[%add3A_96] : memref<320000xi32, #tpu.memory_space<hbm>> -> memref<80xi32, #tpu.memory_space<hbm>>
    %dma_start3A_100 = tpu.memref_slice %arg4[%add3A_96] : memref<320000xi32, #tpu.memory_space<hbm>> -> memref<80xi32, #tpu.memory_space<hbm>>
    tpu.enqueue_dma source(%dma_start3A_100 : memref<80xi32, #tpu.memory_space<hbm>>) target(%arg14 : memref<80xi32, #tpu.memory_space<vmem>>) target_semaphore(%arg24 : memref<!tpu.dma_semaphore, #tpu.memory_space<semaphore_mem>>)
    %add3A_101 = arith.constant 9440 : i32
    %add3A_102 = arith.addi %mul3A_5, %add3A_101 : i32
    %dma_wait3A_103 = tpu.memref_slice %arg3[%add3A_102] : memref<320000xi32, #tpu.memory_space<hbm>> -> memref<80xi32, #tpu.memory_space<hbm>>
    %dma_wait3A_104 = tpu.memref_slice %arg3[%add3A_102] : memref<320000xi32, #tpu.memory_space<hbm>> -> memref<80xi32, #tpu.memory_space<hbm>>
    tpu.wait_dma2 semaphore(%arg27 : memref<!tpu.dma_semaphore, #tpu.memory_space<semaphore_mem>>) src(%dma_wait3A_104 : memref<80xi32, #tpu.memory_space<hbm>>) dst(%arg11 : memref<80xi32, #tpu.memory_space<vmem>>)
    %dma_wait3A_105 = tpu.memref_slice %arg4[%add3A_102] : memref<320000xi32, #tpu.memory_space<hbm>> -> memref<80xi32, #tpu.memory_space<hbm>>
    %dma_wait3A_106 = tpu.memref_slice %arg4[%add3A_102] : memref<320000xi32, #tpu.memory_space<hbm>> -> memref<80xi32, #tpu.memory_space<hbm>>
    tpu.wait_dma2 semaphore(%arg27 : memref<!tpu.dma_semaphore, #tpu.memory_space<semaphore_mem>>) src(%dma_wait3A_106 : memref<80xi32, #tpu.memory_space<hbm>>) dst(%arg17 : memref<80xi32, #tpu.memory_space<vmem>>)
    %dma_start3A_107 = arith.constant 0 : i32
    %dma_start3A_108 = arith.constant 0 : i32
    %dma_start3A_109 = tpu.memref_slice %arg2[%dma_start3A_107, %dma_start3A_108] : memref<10000x128xf32, #tpu.memory_space<hbm>> -> memref<10000x128xf32, #tpu.memory_space<hbm>>
    tpu.enqueue_indirect_dma source(%dma_start3A_109 : memref<10000x128xf32, #tpu.memory_space<hbm>>) target(%arg20 : memref<80x128xf32, #tpu.memory_space<vmem>>) offsets(%arg11 : memref<80xi32, #tpu.memory_space<vmem>>) semaphore(%arg30 : memref<!tpu.dma_semaphore, #tpu.memory_space<semaphore_mem>>)
    %dma_wait3A_110 = arith.constant 0 : i32
    %dma_wait3A_111 = arith.constant 0 : i32
    %dma_wait3A_112 = tpu.memref_slice %arg2[%dma_wait3A_110, %dma_wait3A_111] : memref<10000x128xf32, #tpu.memory_space<hbm>> -> memref<10000x128xf32, #tpu.memory_space<hbm>>
    tpu.wait_indirect_dma semaphore(%arg31 : memref<!tpu.dma_semaphore, #tpu.memory_space<semaphore_mem>>) src(%dma_wait3A_112 : memref<10000x128xf32, #tpu.memory_space<hbm>>) dst(%arg21 : memref<80x128xf32, #tpu.memory_space<vmem>>)
    "tpu.region"() ({
      %run_scoped3A = tpu.sem_alloc : memref<!tpu.dma_semaphore, #tpu.memory_space<semaphore_mem>>
      %dma_start3A_214 = arith.constant 0 : i32
      %dma_start3A_215 = arith.constant 0 : i32
      %dma_start3A_216 = tpu.memref_slice %arg22[%dma_start3A_214, %dma_start3A_215] : memref<10240x128xf32, #tpu.memory_space<vmem_shared>> -> memref<10240x128xf32, #tpu.memory_space<vmem_shared>>
      tpu.enqueue_indirect_dma source(%arg21 : memref<80x128xf32, #tpu.memory_space<vmem>>) target(%dma_start3A_216 : memref<10240x128xf32, #tpu.memory_space<vmem_shared>>) offsets(%arg15 : memref<80xi32, #tpu.memory_space<vmem>>) semaphore(%run_scoped3A : memref<!tpu.dma_semaphore, #tpu.memory_space<semaphore_mem>>) {add = true}
      %dma_wait3A_217 = arith.constant 0 : i32
      %dma_wait3A_218 = arith.constant 0 : i32
      %dma_wait3A_219 = tpu.memref_slice %arg22[%dma_wait3A_217, %dma_wait3A_218] : memref<10240x128xf32, #tpu.memory_space<vmem_shared>> -> memref<10240x128xf32, #tpu.memory_space<vmem_shared>>
      tpu.wait_indirect_dma semaphore(%run_scoped3A : memref<!tpu.dma_semaphore, #tpu.memory_space<semaphore_mem>>) src(%arg21 : memref<80x128xf32, #tpu.memory_space<vmem>>) dst(%dma_wait3A_219 : memref<10240x128xf32, #tpu.memory_space<vmem_shared>>)
      tpu.yield
    }) : () -> ()
    %add3A_113 = arith.constant 9760 : i32
    %add3A_114 = arith.addi %mul3A_5, %add3A_113 : i32
    %dma_start3A_115 = tpu.memref_slice %arg3[%add3A_114] : memref<320000xi32, #tpu.memory_space<hbm>> -> memref<80xi32, #tpu.memory_space<hbm>>
    %dma_start3A_116 = tpu.memref_slice %arg3[%add3A_114] : memref<320000xi32, #tpu.memory_space<hbm>> -> memref<80xi32, #tpu.memory_space<hbm>>
    tpu.enqueue_dma source(%dma_start3A_116 : memref<80xi32, #tpu.memory_space<hbm>>) target(%arg9 : memref<80xi32, #tpu.memory_space<vmem>>) target_semaphore(%arg25 : memref<!tpu.dma_semaphore, #tpu.memory_space<semaphore_mem>>)
    %dma_start3A_117 = tpu.memref_slice %arg4[%add3A_114] : memref<320000xi32, #tpu.memory_space<hbm>> -> memref<80xi32, #tpu.memory_space<hbm>>
    %dma_start3A_118 = tpu.memref_slice %arg4[%add3A_114] : memref<320000xi32, #tpu.memory_space<hbm>> -> memref<80xi32, #tpu.memory_space<hbm>>
    tpu.enqueue_dma source(%dma_start3A_118 : memref<80xi32, #tpu.memory_space<hbm>>) target(%arg15 : memref<80xi32, #tpu.memory_space<vmem>>) target_semaphore(%arg25 : memref<!tpu.dma_semaphore, #tpu.memory_space<semaphore_mem>>)
    %add3A_119 = arith.constant 9520 : i32
    %add3A_120 = arith.addi %mul3A_5, %add3A_119 : i32
    %dma_wait3A_121 = tpu.memref_slice %arg3[%add3A_120] : memref<320000xi32, #tpu.memory_space<hbm>> -> memref<80xi32, #tpu.memory_space<hbm>>
    %dma_wait3A_122 = tpu.memref_slice %arg3[%add3A_120] : memref<320000xi32, #tpu.memory_space<hbm>> -> memref<80xi32, #tpu.memory_space<hbm>>
    tpu.wait_dma2 semaphore(%arg28 : memref<!tpu.dma_semaphore, #tpu.memory_space<semaphore_mem>>) src(%dma_wait3A_122 : memref<80xi32, #tpu.memory_space<hbm>>) dst(%arg12 : memref<80xi32, #tpu.memory_space<vmem>>)
    %dma_wait3A_123 = tpu.memref_slice %arg4[%add3A_120] : memref<320000xi32, #tpu.memory_space<hbm>> -> memref<80xi32, #tpu.memory_space<hbm>>
    %dma_wait3A_124 = tpu.memref_slice %arg4[%add3A_120] : memref<320000xi32, #tpu.memory_space<hbm>> -> memref<80xi32, #tpu.memory_space<hbm>>
    tpu.wait_dma2 semaphore(%arg28 : memref<!tpu.dma_semaphore, #tpu.memory_space<semaphore_mem>>) src(%dma_wait3A_124 : memref<80xi32, #tpu.memory_space<hbm>>) dst(%arg18 : memref<80xi32, #tpu.memory_space<vmem>>)
    %dma_start3A_125 = arith.constant 0 : i32
    %dma_start3A_126 = arith.constant 0 : i32
    %dma_start3A_127 = tpu.memref_slice %arg2[%dma_start3A_125, %dma_start3A_126] : memref<10000x128xf32, #tpu.memory_space<hbm>> -> memref<10000x128xf32, #tpu.memory_space<hbm>>
    tpu.enqueue_indirect_dma source(%dma_start3A_127 : memref<10000x128xf32, #tpu.memory_space<hbm>>) target(%arg21 : memref<80x128xf32, #tpu.memory_space<vmem>>) offsets(%arg12 : memref<80xi32, #tpu.memory_space<vmem>>) semaphore(%arg31 : memref<!tpu.dma_semaphore, #tpu.memory_space<semaphore_mem>>)
    %dma_wait3A_128 = arith.constant 0 : i32
    %dma_wait3A_129 = arith.constant 0 : i32
    %dma_wait3A_130 = tpu.memref_slice %arg2[%dma_wait3A_128, %dma_wait3A_129] : memref<10000x128xf32, #tpu.memory_space<hbm>> -> memref<10000x128xf32, #tpu.memory_space<hbm>>
    tpu.wait_indirect_dma semaphore(%arg29 : memref<!tpu.dma_semaphore, #tpu.memory_space<semaphore_mem>>) src(%dma_wait3A_130 : memref<10000x128xf32, #tpu.memory_space<hbm>>) dst(%arg19 : memref<80x128xf32, #tpu.memory_space<vmem>>)
    "tpu.region"() ({
      %run_scoped3A = tpu.sem_alloc : memref<!tpu.dma_semaphore, #tpu.memory_space<semaphore_mem>>
      %dma_start3A_214 = arith.constant 0 : i32
      %dma_start3A_215 = arith.constant 0 : i32
      %dma_start3A_216 = tpu.memref_slice %arg22[%dma_start3A_214, %dma_start3A_215] : memref<10240x128xf32, #tpu.memory_space<vmem_shared>> -> memref<10240x128xf32, #tpu.memory_space<vmem_shared>>
      tpu.enqueue_indirect_dma source(%arg19 : memref<80x128xf32, #tpu.memory_space<vmem>>) target(%dma_start3A_216 : memref<10240x128xf32, #tpu.memory_space<vmem_shared>>) offsets(%arg16 : memref<80xi32, #tpu.memory_space<vmem>>) semaphore(%run_scoped3A : memref<!tpu.dma_semaphore, #tpu.memory_space<semaphore_mem>>) {add = true}
      %dma_wait3A_217 = arith.constant 0 : i32
      %dma_wait3A_218 = arith.constant 0 : i32
      %dma_wait3A_219 = tpu.memref_slice %arg22[%dma_wait3A_217, %dma_wait3A_218] : memref<10240x128xf32, #tpu.memory_space<vmem_shared>> -> memref<10240x128xf32, #tpu.memory_space<vmem_shared>>
      tpu.wait_indirect_dma semaphore(%run_scoped3A : memref<!tpu.dma_semaphore, #tpu.memory_space<semaphore_mem>>) src(%arg19 : memref<80x128xf32, #tpu.memory_space<vmem>>) dst(%dma_wait3A_219 : memref<10240x128xf32, #tpu.memory_space<vmem_shared>>)
      tpu.yield
    }) : () -> ()
    %add3A_131 = arith.constant 9840 : i32
    %add3A_132 = arith.addi %mul3A_5, %add3A_131 : i32
    %dma_start3A_133 = tpu.memref_slice %arg3[%add3A_132] : memref<320000xi32, #tpu.memory_space<hbm>> -> memref<80xi32, #tpu.memory_space<hbm>>
    %dma_start3A_134 = tpu.memref_slice %arg3[%add3A_132] : memref<320000xi32, #tpu.memory_space<hbm>> -> memref<80xi32, #tpu.memory_space<hbm>>
    tpu.enqueue_dma source(%dma_start3A_134 : memref<80xi32, #tpu.memory_space<hbm>>) target(%arg10 : memref<80xi32, #tpu.memory_space<vmem>>) target_semaphore(%arg26 : memref<!tpu.dma_semaphore, #tpu.memory_space<semaphore_mem>>)
    %dma_start3A_135 = tpu.memref_slice %arg4[%add3A_132] : memref<320000xi32, #tpu.memory_space<hbm>> -> memref<80xi32, #tpu.memory_space<hbm>>
    %dma_start3A_136 = tpu.memref_slice %arg4[%add3A_132] : memref<320000xi32, #tpu.memory_space<hbm>> -> memref<80xi32, #tpu.memory_space<hbm>>
    tpu.enqueue_dma source(%dma_start3A_136 : memref<80xi32, #tpu.memory_space<hbm>>) target(%arg16 : memref<80xi32, #tpu.memory_space<vmem>>) target_semaphore(%arg26 : memref<!tpu.dma_semaphore, #tpu.memory_space<semaphore_mem>>)
    %add3A_137 = arith.constant 9600 : i32
    %add3A_138 = arith.addi %mul3A_5, %add3A_137 : i32
    %dma_wait3A_139 = tpu.memref_slice %arg3[%add3A_138] : memref<320000xi32, #tpu.memory_space<hbm>> -> memref<80xi32, #tpu.memory_space<hbm>>
    %dma_wait3A_140 = tpu.memref_slice %arg3[%add3A_138] : memref<320000xi32, #tpu.memory_space<hbm>> -> memref<80xi32, #tpu.memory_space<hbm>>
    tpu.wait_dma2 semaphore(%arg23 : memref<!tpu.dma_semaphore, #tpu.memory_space<semaphore_mem>>) src(%dma_wait3A_140 : memref<80xi32, #tpu.memory_space<hbm>>) dst(%arg7 : memref<80xi32, #tpu.memory_space<vmem>>)
    %dma_wait3A_141 = tpu.memref_slice %arg4[%add3A_138] : memref<320000xi32, #tpu.memory_space<hbm>> -> memref<80xi32, #tpu.memory_space<hbm>>
    %dma_wait3A_142 = tpu.memref_slice %arg4[%add3A_138] : memref<320000xi32, #tpu.memory_space<hbm>> -> memref<80xi32, #tpu.memory_space<hbm>>
    tpu.wait_dma2 semaphore(%arg23 : memref<!tpu.dma_semaphore, #tpu.memory_space<semaphore_mem>>) src(%dma_wait3A_142 : memref<80xi32, #tpu.memory_space<hbm>>) dst(%arg13 : memref<80xi32, #tpu.memory_space<vmem>>)
    %dma_start3A_143 = arith.constant 0 : i32
    %dma_start3A_144 = arith.constant 0 : i32
    %dma_start3A_145 = tpu.memref_slice %arg2[%dma_start3A_143, %dma_start3A_144] : memref<10000x128xf32, #tpu.memory_space<hbm>> -> memref<10000x128xf32, #tpu.memory_space<hbm>>
    tpu.enqueue_indirect_dma source(%dma_start3A_145 : memref<10000x128xf32, #tpu.memory_space<hbm>>) target(%arg19 : memref<80x128xf32, #tpu.memory_space<vmem>>) offsets(%arg7 : memref<80xi32, #tpu.memory_space<vmem>>) semaphore(%arg29 : memref<!tpu.dma_semaphore, #tpu.memory_space<semaphore_mem>>)
    %dma_wait3A_146 = arith.constant 0 : i32
    %dma_wait3A_147 = arith.constant 0 : i32
    %dma_wait3A_148 = tpu.memref_slice %arg2[%dma_wait3A_146, %dma_wait3A_147] : memref<10000x128xf32, #tpu.memory_space<hbm>> -> memref<10000x128xf32, #tpu.memory_space<hbm>>
    tpu.wait_indirect_dma semaphore(%arg30 : memref<!tpu.dma_semaphore, #tpu.memory_space<semaphore_mem>>) src(%dma_wait3A_148 : memref<10000x128xf32, #tpu.memory_space<hbm>>) dst(%arg20 : memref<80x128xf32, #tpu.memory_space<vmem>>)
    "tpu.region"() ({
      %run_scoped3A = tpu.sem_alloc : memref<!tpu.dma_semaphore, #tpu.memory_space<semaphore_mem>>
      %dma_start3A_214 = arith.constant 0 : i32
      %dma_start3A_215 = arith.constant 0 : i32
      %dma_start3A_216 = tpu.memref_slice %arg22[%dma_start3A_214, %dma_start3A_215] : memref<10240x128xf32, #tpu.memory_space<vmem_shared>> -> memref<10240x128xf32, #tpu.memory_space<vmem_shared>>
      tpu.enqueue_indirect_dma source(%arg20 : memref<80x128xf32, #tpu.memory_space<vmem>>) target(%dma_start3A_216 : memref<10240x128xf32, #tpu.memory_space<vmem_shared>>) offsets(%arg17 : memref<80xi32, #tpu.memory_space<vmem>>) semaphore(%run_scoped3A : memref<!tpu.dma_semaphore, #tpu.memory_space<semaphore_mem>>) {add = true}
      %dma_wait3A_217 = arith.constant 0 : i32
      %dma_wait3A_218 = arith.constant 0 : i32
      %dma_wait3A_219 = tpu.memref_slice %arg22[%dma_wait3A_217, %dma_wait3A_218] : memref<10240x128xf32, #tpu.memory_space<vmem_shared>> -> memref<10240x128xf32, #tpu.memory_space<vmem_shared>>
      tpu.wait_indirect_dma semaphore(%run_scoped3A : memref<!tpu.dma_semaphore, #tpu.memory_space<semaphore_mem>>) src(%arg20 : memref<80x128xf32, #tpu.memory_space<vmem>>) dst(%dma_wait3A_219 : memref<10240x128xf32, #tpu.memory_space<vmem_shared>>)
      tpu.yield
    }) : () -> ()
    %add3A_149 = arith.constant 9920 : i32
    %add3A_150 = arith.addi %mul3A_5, %add3A_149 : i32
    %dma_start3A_151 = tpu.memref_slice %arg3[%add3A_150] : memref<320000xi32, #tpu.memory_space<hbm>> -> memref<80xi32, #tpu.memory_space<hbm>>
    %dma_start3A_152 = tpu.memref_slice %arg3[%add3A_150] : memref<320000xi32, #tpu.memory_space<hbm>> -> memref<80xi32, #tpu.memory_space<hbm>>
    tpu.enqueue_dma source(%dma_start3A_152 : memref<80xi32, #tpu.memory_space<hbm>>) target(%arg11 : memref<80xi32, #tpu.memory_space<vmem>>) target_semaphore(%arg27 : memref<!tpu.dma_semaphore, #tpu.memory_space<semaphore_mem>>)
    %dma_start3A_153 = tpu.memref_slice %arg4[%add3A_150] : memref<320000xi32, #tpu.memory_space<hbm>> -> memref<80xi32, #tpu.memory_space<hbm>>
    %dma_start3A_154 = tpu.memref_slice %arg4[%add3A_150] : memref<320000xi32, #tpu.memory_space<hbm>> -> memref<80xi32, #tpu.memory_space<hbm>>
    tpu.enqueue_dma source(%dma_start3A_154 : memref<80xi32, #tpu.memory_space<hbm>>) target(%arg17 : memref<80xi32, #tpu.memory_space<vmem>>) target_semaphore(%arg27 : memref<!tpu.dma_semaphore, #tpu.memory_space<semaphore_mem>>)
    %add3A_155 = arith.constant 9680 : i32
    %add3A_156 = arith.addi %mul3A_5, %add3A_155 : i32
    %dma_wait3A_157 = tpu.memref_slice %arg3[%add3A_156] : memref<320000xi32, #tpu.memory_space<hbm>> -> memref<80xi32, #tpu.memory_space<hbm>>
    %dma_wait3A_158 = tpu.memref_slice %arg3[%add3A_156] : memref<320000xi32, #tpu.memory_space<hbm>> -> memref<80xi32, #tpu.memory_space<hbm>>
    tpu.wait_dma2 semaphore(%arg24 : memref<!tpu.dma_semaphore, #tpu.memory_space<semaphore_mem>>) src(%dma_wait3A_158 : memref<80xi32, #tpu.memory_space<hbm>>) dst(%arg8 : memref<80xi32, #tpu.memory_space<vmem>>)
    %dma_wait3A_159 = tpu.memref_slice %arg4[%add3A_156] : memref<320000xi32, #tpu.memory_space<hbm>> -> memref<80xi32, #tpu.memory_space<hbm>>
    %dma_wait3A_160 = tpu.memref_slice %arg4[%add3A_156] : memref<320000xi32, #tpu.memory_space<hbm>> -> memref<80xi32, #tpu.memory_space<hbm>>
    tpu.wait_dma2 semaphore(%arg24 : memref<!tpu.dma_semaphore, #tpu.memory_space<semaphore_mem>>) src(%dma_wait3A_160 : memref<80xi32, #tpu.memory_space<hbm>>) dst(%arg14 : memref<80xi32, #tpu.memory_space<vmem>>)
    %dma_start3A_161 = arith.constant 0 : i32
    %dma_start3A_162 = arith.constant 0 : i32
    %dma_start3A_163 = tpu.memref_slice %arg2[%dma_start3A_161, %dma_start3A_162] : memref<10000x128xf32, #tpu.memory_space<hbm>> -> memref<10000x128xf32, #tpu.memory_space<hbm>>
    tpu.enqueue_indirect_dma source(%dma_start3A_163 : memref<10000x128xf32, #tpu.memory_space<hbm>>) target(%arg20 : memref<80x128xf32, #tpu.memory_space<vmem>>) offsets(%arg8 : memref<80xi32, #tpu.memory_space<vmem>>) semaphore(%arg30 : memref<!tpu.dma_semaphore, #tpu.memory_space<semaphore_mem>>)
    %dma_wait3A_164 = arith.constant 0 : i32
    %dma_wait3A_165 = arith.constant 0 : i32
    %dma_wait3A_166 = tpu.memref_slice %arg2[%dma_wait3A_164, %dma_wait3A_165] : memref<10000x128xf32, #tpu.memory_space<hbm>> -> memref<10000x128xf32, #tpu.memory_space<hbm>>
    tpu.wait_indirect_dma semaphore(%arg31 : memref<!tpu.dma_semaphore, #tpu.memory_space<semaphore_mem>>) src(%dma_wait3A_166 : memref<10000x128xf32, #tpu.memory_space<hbm>>) dst(%arg21 : memref<80x128xf32, #tpu.memory_space<vmem>>)
    "tpu.region"() ({
      %run_scoped3A = tpu.sem_alloc : memref<!tpu.dma_semaphore, #tpu.memory_space<semaphore_mem>>
      %dma_start3A_214 = arith.constant 0 : i32
      %dma_start3A_215 = arith.constant 0 : i32
      %dma_start3A_216 = tpu.memref_slice %arg22[%dma_start3A_214, %dma_start3A_215] : memref<10240x128xf32, #tpu.memory_space<vmem_shared>> -> memref<10240x128xf32, #tpu.memory_space<vmem_shared>>
      tpu.enqueue_indirect_dma source(%arg21 : memref<80x128xf32, #tpu.memory_space<vmem>>) target(%dma_start3A_216 : memref<10240x128xf32, #tpu.memory_space<vmem_shared>>) offsets(%arg18 : memref<80xi32, #tpu.memory_space<vmem>>) semaphore(%run_scoped3A : memref<!tpu.dma_semaphore, #tpu.memory_space<semaphore_mem>>) {add = true}
      %dma_wait3A_217 = arith.constant 0 : i32
      %dma_wait3A_218 = arith.constant 0 : i32
      %dma_wait3A_219 = tpu.memref_slice %arg22[%dma_wait3A_217, %dma_wait3A_218] : memref<10240x128xf32, #tpu.memory_space<vmem_shared>> -> memref<10240x128xf32, #tpu.memory_space<vmem_shared>>
      tpu.wait_indirect_dma semaphore(%run_scoped3A : memref<!tpu.dma_semaphore, #tpu.memory_space<semaphore_mem>>) src(%arg21 : memref<80x128xf32, #tpu.memory_space<vmem>>) dst(%dma_wait3A_219 : memref<10240x128xf32, #tpu.memory_space<vmem_shared>>)
      tpu.yield
    }) : () -> ()
    %add3A_167 = arith.constant 9760 : i32
    %add3A_168 = arith.addi %mul3A_5, %add3A_167 : i32
    %dma_wait3A_169 = tpu.memref_slice %arg3[%add3A_168] : memref<320000xi32, #tpu.memory_space<hbm>> -> memref<80xi32, #tpu.memory_space<hbm>>
    %dma_wait3A_170 = tpu.memref_slice %arg3[%add3A_168] : memref<320000xi32, #tpu.memory_space<hbm>> -> memref<80xi32, #tpu.memory_space<hbm>>
    tpu.wait_dma2 semaphore(%arg25 : memref<!tpu.dma_semaphore, #tpu.memory_space<semaphore_mem>>) src(%dma_wait3A_170 : memref<80xi32, #tpu.memory_space<hbm>>) dst(%arg9 : memref<80xi32, #tpu.memory_space<vmem>>)
    %dma_wait3A_171 = tpu.memref_slice %arg4[%add3A_168] : memref<320000xi32, #tpu.memory_space<hbm>> -> memref<80xi32, #tpu.memory_space<hbm>>
    %dma_wait3A_172 = tpu.memref_slice %arg4[%add3A_168] : memref<320000xi32, #tpu.memory_space<hbm>> -> memref<80xi32, #tpu.memory_space<hbm>>
    tpu.wait_dma2 semaphore(%arg25 : memref<!tpu.dma_semaphore, #tpu.memory_space<semaphore_mem>>) src(%dma_wait3A_172 : memref<80xi32, #tpu.memory_space<hbm>>) dst(%arg15 : memref<80xi32, #tpu.memory_space<vmem>>)
    %dma_start3A_173 = arith.constant 0 : i32
    %dma_start3A_174 = arith.constant 0 : i32
    %dma_start3A_175 = tpu.memref_slice %arg2[%dma_start3A_173, %dma_start3A_174] : memref<10000x128xf32, #tpu.memory_space<hbm>> -> memref<10000x128xf32, #tpu.memory_space<hbm>>
    tpu.enqueue_indirect_dma source(%dma_start3A_175 : memref<10000x128xf32, #tpu.memory_space<hbm>>) target(%arg21 : memref<80x128xf32, #tpu.memory_space<vmem>>) offsets(%arg9 : memref<80xi32, #tpu.memory_space<vmem>>) semaphore(%arg31 : memref<!tpu.dma_semaphore, #tpu.memory_space<semaphore_mem>>)
    %dma_wait3A_176 = arith.constant 0 : i32
    %dma_wait3A_177 = arith.constant 0 : i32
    %dma_wait3A_178 = tpu.memref_slice %arg2[%dma_wait3A_176, %dma_wait3A_177] : memref<10000x128xf32, #tpu.memory_space<hbm>> -> memref<10000x128xf32, #tpu.memory_space<hbm>>
    tpu.wait_indirect_dma semaphore(%arg29 : memref<!tpu.dma_semaphore, #tpu.memory_space<semaphore_mem>>) src(%dma_wait3A_178 : memref<10000x128xf32, #tpu.memory_space<hbm>>) dst(%arg19 : memref<80x128xf32, #tpu.memory_space<vmem>>)
    "tpu.region"() ({
      %run_scoped3A = tpu.sem_alloc : memref<!tpu.dma_semaphore, #tpu.memory_space<semaphore_mem>>
      %dma_start3A_214 = arith.constant 0 : i32
      %dma_start3A_215 = arith.constant 0 : i32
      %dma_start3A_216 = tpu.memref_slice %arg22[%dma_start3A_214, %dma_start3A_215] : memref<10240x128xf32, #tpu.memory_space<vmem_shared>> -> memref<10240x128xf32, #tpu.memory_space<vmem_shared>>
      tpu.enqueue_indirect_dma source(%arg19 : memref<80x128xf32, #tpu.memory_space<vmem>>) target(%dma_start3A_216 : memref<10240x128xf32, #tpu.memory_space<vmem_shared>>) offsets(%arg13 : memref<80xi32, #tpu.memory_space<vmem>>) semaphore(%run_scoped3A : memref<!tpu.dma_semaphore, #tpu.memory_space<semaphore_mem>>) {add = true}
      %dma_wait3A_217 = arith.constant 0 : i32
      %dma_wait3A_218 = arith.constant 0 : i32
      %dma_wait3A_219 = tpu.memref_slice %arg22[%dma_wait3A_217, %dma_wait3A_218] : memref<10240x128xf32, #tpu.memory_space<vmem_shared>> -> memref<10240x128xf32, #tpu.memory_space<vmem_shared>>
      tpu.wait_indirect_dma semaphore(%run_scoped3A : memref<!tpu.dma_semaphore, #tpu.memory_space<semaphore_mem>>) src(%arg19 : memref<80x128xf32, #tpu.memory_space<vmem>>) dst(%dma_wait3A_219 : memref<10240x128xf32, #tpu.memory_space<vmem_shared>>)
      tpu.yield
    }) : () -> ()
    %add3A_179 = arith.constant 9840 : i32
    %add3A_180 = arith.addi %mul3A_5, %add3A_179 : i32
    %dma_wait3A_181 = tpu.memref_slice %arg3[%add3A_180] : memref<320000xi32, #tpu.memory_space<hbm>> -> memref<80xi32, #tpu.memory_space<hbm>>
    %dma_wait3A_182 = tpu.memref_slice %arg3[%add3A_180] : memref<320000xi32, #tpu.memory_space<hbm>> -> memref<80xi32, #tpu.memory_space<hbm>>
    tpu.wait_dma2 semaphore(%arg26 : memref<!tpu.dma_semaphore, #tpu.memory_space<semaphore_mem>>) src(%dma_wait3A_182 : memref<80xi32, #tpu.memory_space<hbm>>) dst(%arg10 : memref<80xi32, #tpu.memory_space<vmem>>)
    %dma_wait3A_183 = tpu.memref_slice %arg4[%add3A_180] : memref<320000xi32, #tpu.memory_space<hbm>> -> memref<80xi32, #tpu.memory_space<hbm>>
    %dma_wait3A_184 = tpu.memref_slice %arg4[%add3A_180] : memref<320000xi32, #tpu.memory_space<hbm>> -> memref<80xi32, #tpu.memory_space<hbm>>
    tpu.wait_dma2 semaphore(%arg26 : memref<!tpu.dma_semaphore, #tpu.memory_space<semaphore_mem>>) src(%dma_wait3A_184 : memref<80xi32, #tpu.memory_space<hbm>>) dst(%arg16 : memref<80xi32, #tpu.memory_space<vmem>>)
    %dma_start3A_185 = arith.constant 0 : i32
    %dma_start3A_186 = arith.constant 0 : i32
    %dma_start3A_187 = tpu.memref_slice %arg2[%dma_start3A_185, %dma_start3A_186] : memref<10000x128xf32, #tpu.memory_space<hbm>> -> memref<10000x128xf32, #tpu.memory_space<hbm>>
    tpu.enqueue_indirect_dma source(%dma_start3A_187 : memref<10000x128xf32, #tpu.memory_space<hbm>>) target(%arg19 : memref<80x128xf32, #tpu.memory_space<vmem>>) offsets(%arg10 : memref<80xi32, #tpu.memory_space<vmem>>) semaphore(%arg29 : memref<!tpu.dma_semaphore, #tpu.memory_space<semaphore_mem>>)
    %dma_wait3A_188 = arith.constant 0 : i32
    %dma_wait3A_189 = arith.constant 0 : i32
    %dma_wait3A_190 = tpu.memref_slice %arg2[%dma_wait3A_188, %dma_wait3A_189] : memref<10000x128xf32, #tpu.memory_space<hbm>> -> memref<10000x128xf32, #tpu.memory_space<hbm>>
    tpu.wait_indirect_dma semaphore(%arg30 : memref<!tpu.dma_semaphore, #tpu.memory_space<semaphore_mem>>) src(%dma_wait3A_190 : memref<10000x128xf32, #tpu.memory_space<hbm>>) dst(%arg20 : memref<80x128xf32, #tpu.memory_space<vmem>>)
    "tpu.region"() ({
      %run_scoped3A = tpu.sem_alloc : memref<!tpu.dma_semaphore, #tpu.memory_space<semaphore_mem>>
      %dma_start3A_214 = arith.constant 0 : i32
      %dma_start3A_215 = arith.constant 0 : i32
      %dma_start3A_216 = tpu.memref_slice %arg22[%dma_start3A_214, %dma_start3A_215] : memref<10240x128xf32, #tpu.memory_space<vmem_shared>> -> memref<10240x128xf32, #tpu.memory_space<vmem_shared>>
      tpu.enqueue_indirect_dma source(%arg20 : memref<80x128xf32, #tpu.memory_space<vmem>>) target(%dma_start3A_216 : memref<10240x128xf32, #tpu.memory_space<vmem_shared>>) offsets(%arg14 : memref<80xi32, #tpu.memory_space<vmem>>) semaphore(%run_scoped3A : memref<!tpu.dma_semaphore, #tpu.memory_space<semaphore_mem>>) {add = true}
      %dma_wait3A_217 = arith.constant 0 : i32
      %dma_wait3A_218 = arith.constant 0 : i32
      %dma_wait3A_219 = tpu.memref_slice %arg22[%dma_wait3A_217, %dma_wait3A_218] : memref<10240x128xf32, #tpu.memory_space<vmem_shared>> -> memref<10240x128xf32, #tpu.memory_space<vmem_shared>>
      tpu.wait_indirect_dma semaphore(%run_scoped3A : memref<!tpu.dma_semaphore, #tpu.memory_space<semaphore_mem>>) src(%arg20 : memref<80x128xf32, #tpu.memory_space<vmem>>) dst(%dma_wait3A_219 : memref<10240x128xf32, #tpu.memory_space<vmem_shared>>)
      tpu.yield
    }) : () -> ()
    %add3A_191 = arith.constant 9920 : i32
    %add3A_192 = arith.addi %mul3A_5, %add3A_191 : i32
    %dma_wait3A_193 = tpu.memref_slice %arg3[%add3A_192] : memref<320000xi32, #tpu.memory_space<hbm>> -> memref<80xi32, #tpu.memory_space<hbm>>
    %dma_wait3A_194 = tpu.memref_slice %arg3[%add3A_192] : memref<320000xi32, #tpu.memory_space<hbm>> -> memref<80xi32, #tpu.memory_space<hbm>>
    tpu.wait_dma2 semaphore(%arg27 : memref<!tpu.dma_semaphore, #tpu.memory_space<semaphore_mem>>) src(%dma_wait3A_194 : memref<80xi32, #tpu.memory_space<hbm>>) dst(%arg11 : memref<80xi32, #tpu.memory_space<vmem>>)
    %dma_wait3A_195 = tpu.memref_slice %arg4[%add3A_192] : memref<320000xi32, #tpu.memory_space<hbm>> -> memref<80xi32, #tpu.memory_space<hbm>>
    %dma_wait3A_196 = tpu.memref_slice %arg4[%add3A_192] : memref<320000xi32, #tpu.memory_space<hbm>> -> memref<80xi32, #tpu.memory_space<hbm>>
    tpu.wait_dma2 semaphore(%arg27 : memref<!tpu.dma_semaphore, #tpu.memory_space<semaphore_mem>>) src(%dma_wait3A_196 : memref<80xi32, #tpu.memory_space<hbm>>) dst(%arg17 : memref<80xi32, #tpu.memory_space<vmem>>)
    %dma_start3A_197 = arith.constant 0 : i32
    %dma_start3A_198 = arith.constant 0 : i32
    %dma_start3A_199 = tpu.memref_slice %arg2[%dma_start3A_197, %dma_start3A_198] : memref<10000x128xf32, #tpu.memory_space<hbm>> -> memref<10000x128xf32, #tpu.memory_space<hbm>>
    tpu.enqueue_indirect_dma source(%dma_start3A_199 : memref<10000x128xf32, #tpu.memory_space<hbm>>) target(%arg20 : memref<80x128xf32, #tpu.memory_space<vmem>>) offsets(%arg11 : memref<80xi32, #tpu.memory_space<vmem>>) semaphore(%arg30 : memref<!tpu.dma_semaphore, #tpu.memory_space<semaphore_mem>>)
    %dma_wait3A_200 = arith.constant 0 : i32
    %dma_wait3A_201 = arith.constant 0 : i32
    %dma_wait3A_202 = tpu.memref_slice %arg2[%dma_wait3A_200, %dma_wait3A_201] : memref<10000x128xf32, #tpu.memory_space<hbm>> -> memref<10000x128xf32, #tpu.memory_space<hbm>>
    tpu.wait_indirect_dma semaphore(%arg31 : memref<!tpu.dma_semaphore, #tpu.memory_space<semaphore_mem>>) src(%dma_wait3A_202 : memref<10000x128xf32, #tpu.memory_space<hbm>>) dst(%arg21 : memref<80x128xf32, #tpu.memory_space<vmem>>)
    "tpu.region"() ({
      %run_scoped3A = tpu.sem_alloc : memref<!tpu.dma_semaphore, #tpu.memory_space<semaphore_mem>>
      %dma_start3A_214 = arith.constant 0 : i32
      %dma_start3A_215 = arith.constant 0 : i32
      %dma_start3A_216 = tpu.memref_slice %arg22[%dma_start3A_214, %dma_start3A_215] : memref<10240x128xf32, #tpu.memory_space<vmem_shared>> -> memref<10240x128xf32, #tpu.memory_space<vmem_shared>>
      tpu.enqueue_indirect_dma source(%arg21 : memref<80x128xf32, #tpu.memory_space<vmem>>) target(%dma_start3A_216 : memref<10240x128xf32, #tpu.memory_space<vmem_shared>>) offsets(%arg15 : memref<80xi32, #tpu.memory_space<vmem>>) semaphore(%run_scoped3A : memref<!tpu.dma_semaphore, #tpu.memory_space<semaphore_mem>>) {add = true}
      %dma_wait3A_217 = arith.constant 0 : i32
      %dma_wait3A_218 = arith.constant 0 : i32
      %dma_wait3A_219 = tpu.memref_slice %arg22[%dma_wait3A_217, %dma_wait3A_218] : memref<10240x128xf32, #tpu.memory_space<vmem_shared>> -> memref<10240x128xf32, #tpu.memory_space<vmem_shared>>
      tpu.wait_indirect_dma semaphore(%run_scoped3A : memref<!tpu.dma_semaphore, #tpu.memory_space<semaphore_mem>>) src(%arg21 : memref<80x128xf32, #tpu.memory_space<vmem>>) dst(%dma_wait3A_219 : memref<10240x128xf32, #tpu.memory_space<vmem_shared>>)
      tpu.yield
    }) : () -> ()
    %dma_wait3A_203 = arith.constant 0 : i32
    %dma_wait3A_204 = arith.constant 0 : i32
    %dma_wait3A_205 = tpu.memref_slice %arg2[%dma_wait3A_203, %dma_wait3A_204] : memref<10000x128xf32, #tpu.memory_space<hbm>> -> memref<10000x128xf32, #tpu.memory_space<hbm>>
    tpu.wait_indirect_dma semaphore(%arg29 : memref<!tpu.dma_semaphore, #tpu.memory_space<semaphore_mem>>) src(%dma_wait3A_205 : memref<10000x128xf32, #tpu.memory_space<hbm>>) dst(%arg19 : memref<80x128xf32, #tpu.memory_space<vmem>>)
    "tpu.region"() ({
      %run_scoped3A = tpu.sem_alloc : memref<!tpu.dma_semaphore, #tpu.memory_space<semaphore_mem>>
      %dma_start3A_214 = arith.constant 0 : i32
      %dma_start3A_215 = arith.constant 0 : i32
      %dma_start3A_216 = tpu.memref_slice %arg22[%dma_start3A_214, %dma_start3A_215] : memref<10240x128xf32, #tpu.memory_space<vmem_shared>> -> memref<10240x128xf32, #tpu.memory_space<vmem_shared>>
      tpu.enqueue_indirect_dma source(%arg19 : memref<80x128xf32, #tpu.memory_space<vmem>>) target(%dma_start3A_216 : memref<10240x128xf32, #tpu.memory_space<vmem_shared>>) offsets(%arg16 : memref<80xi32, #tpu.memory_space<vmem>>) semaphore(%run_scoped3A : memref<!tpu.dma_semaphore, #tpu.memory_space<semaphore_mem>>) {add = true}
      %dma_wait3A_217 = arith.constant 0 : i32
      %dma_wait3A_218 = arith.constant 0 : i32
      %dma_wait3A_219 = tpu.memref_slice %arg22[%dma_wait3A_217, %dma_wait3A_218] : memref<10240x128xf32, #tpu.memory_space<vmem_shared>> -> memref<10240x128xf32, #tpu.memory_space<vmem_shared>>
      tpu.wait_indirect_dma semaphore(%run_scoped3A : memref<!tpu.dma_semaphore, #tpu.memory_space<semaphore_mem>>) src(%arg19 : memref<80x128xf32, #tpu.memory_space<vmem>>) dst(%dma_wait3A_219 : memref<10240x128xf32, #tpu.memory_space<vmem_shared>>)
      tpu.yield
    }) : () -> ()
    %dma_wait3A_206 = arith.constant 0 : i32
    %dma_wait3A_207 = arith.constant 0 : i32
    %dma_wait3A_208 = tpu.memref_slice %arg2[%dma_wait3A_206, %dma_wait3A_207] : memref<10000x128xf32, #tpu.memory_space<hbm>> -> memref<10000x128xf32, #tpu.memory_space<hbm>>
    tpu.wait_indirect_dma semaphore(%arg30 : memref<!tpu.dma_semaphore, #tpu.memory_space<semaphore_mem>>) src(%dma_wait3A_208 : memref<10000x128xf32, #tpu.memory_space<hbm>>) dst(%arg20 : memref<80x128xf32, #tpu.memory_space<vmem>>)
    "tpu.region"() ({
      %run_scoped3A = tpu.sem_alloc : memref<!tpu.dma_semaphore, #tpu.memory_space<semaphore_mem>>
      %dma_start3A_214 = arith.constant 0 : i32
      %dma_start3A_215 = arith.constant 0 : i32
      %dma_start3A_216 = tpu.memref_slice %arg22[%dma_start3A_214, %dma_start3A_215] : memref<10240x128xf32, #tpu.memory_space<vmem_shared>> -> memref<10240x128xf32, #tpu.memory_space<vmem_shared>>
      tpu.enqueue_indirect_dma source(%arg20 : memref<80x128xf32, #tpu.memory_space<vmem>>) target(%dma_start3A_216 : memref<10240x128xf32, #tpu.memory_space<vmem_shared>>) offsets(%arg17 : memref<80xi32, #tpu.memory_space<vmem>>) semaphore(%run_scoped3A : memref<!tpu.dma_semaphore, #tpu.memory_space<semaphore_mem>>) {add = true}
      %dma_wait3A_217 = arith.constant 0 : i32
      %dma_wait3A_218 = arith.constant 0 : i32
      %dma_wait3A_219 = tpu.memref_slice %arg22[%dma_wait3A_217, %dma_wait3A_218] : memref<10240x128xf32, #tpu.memory_space<vmem_shared>> -> memref<10240x128xf32, #tpu.memory_space<vmem_shared>>
      tpu.wait_indirect_dma semaphore(%run_scoped3A : memref<!tpu.dma_semaphore, #tpu.memory_space<semaphore_mem>>) src(%arg20 : memref<80x128xf32, #tpu.memory_space<vmem>>) dst(%dma_wait3A_219 : memref<10240x128xf32, #tpu.memory_space<vmem_shared>>)
      tpu.yield
    }) : () -> ()
    %barrier3A_209 = arith.constant 0 : index
    tpu.barrier barrier_id(%barrier3A_209)
    %mul3A_210 = arith.constant 640 : i32
    %mul3A_211 = arith.muli %arg1, %mul3A_210 : i32
    %mul3A_212 = arith.constant 640 : i32
    %mul3A_213 = arith.muli %arg1, %mul3A_212 : i32
    "tpu.region"() ({
      %run_scoped3A = tpu.sem_alloc : memref<!tpu.dma_semaphore, #tpu.memory_space<semaphore_mem>>
      %dma_start3A_214 = arith.constant 0 : i32
      %dma_start3A_215 = tpu.memref_slice %arg6[%arg0, %mul3A_213, %dma_start3A_214] : memref<2x10240x128xf32, #tpu.memory_space<hbm>> -> memref<1x640x128xf32, #tpu.memory_space<hbm>>
      %dma_start3A_216 = tpu.memref_squeeze %dma_start3A_215 : memref<1x640x128xf32, #tpu.memory_space<hbm>> -> memref<640x128xf32, #tpu.memory_space<hbm>>
      %dma_start3A_217 = arith.constant 0 : i32
      %dma_start3A_218 = tpu.memref_slice %arg22[%mul3A_211, %dma_start3A_217] : memref<10240x128xf32, #tpu.memory_space<vmem_shared>> -> memref<640x128xf32, #tpu.memory_space<vmem_shared>>
      tpu.enqueue_dma source(%dma_start3A_218 : memref<640x128xf32, #tpu.memory_space<vmem_shared>>) target(%dma_start3A_216 : memref<640x128xf32, #tpu.memory_space<hbm>>) target_semaphore(%run_scoped3A : memref<!tpu.dma_semaphore, #tpu.memory_space<semaphore_mem>>)
      %dma_wait3A_219 = arith.constant 0 : i32
      %dma_wait3A_220 = tpu.memref_slice %arg6[%arg0, %mul3A_213, %dma_wait3A_219] : memref<2x10240x128xf32, #tpu.memory_space<hbm>> -> memref<1x640x128xf32, #tpu.memory_space<hbm>>
      %dma_wait3A_221 = tpu.memref_squeeze %dma_wait3A_220 : memref<1x640x128xf32, #tpu.memory_space<hbm>> -> memref<640x128xf32, #tpu.memory_space<hbm>>
      %dma_wait3A_222 = arith.constant 0 : i32
      %dma_wait3A_223 = tpu.memref_slice %arg22[%mul3A_211, %dma_wait3A_222] : memref<10240x128xf32, #tpu.memory_space<vmem_shared>> -> memref<640x128xf32, #tpu.memory_space<vmem_shared>>
      tpu.wait_dma2 semaphore(%run_scoped3A : memref<!tpu.dma_semaphore, #tpu.memory_space<semaphore_mem>>) src(%dma_wait3A_223 : memref<640x128xf32, #tpu.memory_space<vmem_shared>>) dst(%dma_wait3A_221 : memref<640x128xf32, #tpu.memory_space<hbm>>)
      tpu.yield
    }) : () -> ()
    return
  }
}

module attributes {stable_mosaic.version = 14 : i64} {
  func.func @body(%arg0: i32, %arg1: memref<2000x128xf32, #tpu.memory_space<vmem>>, %arg2: memref<2x2000x16xf32, #tpu.memory_space<vmem>>, %arg3: memref<128x128xf32, #tpu.memory_space<vmem>>, %arg4: memref<2000x128xf32, #tpu.memory_space<vmem>>) attributes {dimension_semantics = [#tpu.dimension_semantics<arbitrary>], iteration_bounds = array<i64: 5>, scalar_prefetch = 0 : i64, scratch_operands = 0 : i64, tpu.core_type = #tpu.core_type<tc>, window_params = [{transform_indices = @transform_0, window_bounds = array<i64: 2000, 128>}, {transform_indices = @transform_1, window_bounds = array<i64: 2, 2000, 16>}, {pipeline_mode = #tpu.pipeline_mode<synchronous>, transform_indices = @transform_2, window_bounds = array<i64: 128, 128>}, {transform_indices = @transform_3, window_bounds = array<i64: 2000, 128>}]} {
    %get3A = arith.constant 0 : index
    %get3A_0 = arith.constant 0 : index
    %get3A_1 = vector.load %arg1[%get3A, %get3A_0] : memref<2000x128xf32, #tpu.memory_space<vmem>>, vector<2000x128xf32>
    %get3A_2 = arith.constant 0 : index
    %get3A_3 = arith.constant 0 : index
    %get3A_4 = vector.load %arg3[%get3A_2, %get3A_3] : memref<128x128xf32, #tpu.memory_space<vmem>>, vector<128x128xf32>
    %dot_general3A = arith.constant dense<0.000000e+00> : vector<2000x128xf32>
    %dot_general3A_5 = tpu.matmul %get3A_1, %get3A_4, %dot_general3A {dimension_numbers = #tpu.dot_dimension_numbers<[1], [0], [0], [1], [0, 0, 1, 1], [], []>, precision = #tpu.contract_precision<fp32>, transpose_lhs_hint = false} : vector<2000x128xf32>, vector<128x128xf32>, vector<2000x128xf32> -> vector<2000x128xf32>
    %get3A_6 = arith.constant 0 : index
    %get3A_7 = arith.constant 0 : index
    %get3A_8 = arith.constant 0 : index
    %get3A_9 = vector.load %arg2[%get3A_6, %get3A_7, %get3A_8] : memref<2x2000x16xf32, #tpu.memory_space<vmem>>, vector<1x2000x1xf32>
    %get3A_10 = vector.shape_cast %get3A_9 : vector<1x2000x1xf32> to vector<2000x1xf32>
    %get3A_11 = arith.constant 1 : index
    %get3A_12 = arith.constant 0 : index
    %get3A_13 = arith.constant 0 : index
    %get3A_14 = vector.load %arg2[%get3A_11, %get3A_12, %get3A_13] : memref<2x2000x16xf32, #tpu.memory_space<vmem>>, vector<1x2000x1xf32>
    %get3A_15 = vector.shape_cast %get3A_14 : vector<1x2000x1xf32> to vector<2000x1xf32>
    %add3A = arith.addf %get3A_10, %get3A_15 : vector<2000x1xf32>
    %add3A_16 = arith.constant 1.000000e+00 : f32
    %add3A_17 = vector.broadcast %add3A_16 : f32 to vector<2000x1xf32>
    %add3A_18 = arith.addf %add3A, %add3A_17 : vector<2000x1xf32>
    %rsqrt3A = math.rsqrt %add3A_18 : vector<2000x1xf32>
    %mul3A = vector.broadcast %rsqrt3A : vector<2000x1xf32> to vector<2000x128xf32>
    %mul3A_19 = arith.mulf %dot_general3A_5, %mul3A : vector<2000x128xf32>
    %swap3A = arith.constant 0 : index
    %swap3A_20 = arith.constant 0 : index
    %swap3A_21 = vector.load %arg4[%swap3A, %swap3A_20] : memref<2000x128xf32, #tpu.memory_space<vmem>>, vector<2000x128xf32>
    tpu.vector_store %arg4[%swap3A, %swap3A_20], %mul3A_19 {strides = array<i32>} : memref<2000x128xf32, #tpu.memory_space<vmem>>, vector<2000x128xf32>,
    return
  }
  func.func @transform_0(%arg0: i32) -> (i32, i32) {
    %c0_i32 = arith.constant 0 : i32
    %c0_i32_0 = arith.constant 0 : i32
    return %arg0, %c0_i32 : i32, i32
  }
  func.func @transform_1(%arg0: i32) -> (i32, i32, i32) {
    %c0_i32 = arith.constant 0 : i32
    %c0_i32_0 = arith.constant 0 : i32
    %c0_i32_1 = arith.constant 0 : i32
    return %c0_i32, %arg0, %c0_i32_0 : i32, i32, i32
  }
  func.func @transform_2(%arg0: i32) -> (i32, i32) {
    %c0_i32 = arith.constant 0 : i32
    %c0_i32_0 = arith.constant 0 : i32
    %c0_i32_1 = arith.constant 0 : i32
    return %c0_i32, %c0_i32_0 : i32, i32
  }
  func.func @transform_3(%arg0: i32) -> (i32, i32) {
    %c0_i32 = arith.constant 0 : i32
    %c0_i32_0 = arith.constant 0 : i32
    return %arg0, %c0_i32 : i32, i32
  }
}

module attributes {stable_mosaic.version = 14 : i64} {
  func.func @body(%arg0: i32, %arg1: memref<2x2000x128xf32, #tpu.memory_space<vmem>>, %arg2: memref<2000x128xf32, #tpu.memory_space<vmem>>, %arg3: memref<2x2000x16xf32, #tpu.memory_space<vmem>>, %arg4: memref<1x128xf32, #tpu.memory_space<vmem>>, %arg5: memref<128x128xf32, #tpu.memory_space<vmem>>, %arg6: memref<2000x128xf32, #tpu.memory_space<vmem>>) attributes {dimension_semantics = [#tpu.dimension_semantics<arbitrary>], iteration_bounds = array<i64: 5>, scalar_prefetch = 0 : i64, scratch_operands = 0 : i64, tpu.core_type = #tpu.core_type<tc>, window_params = [{transform_indices = @transform_0, window_bounds = array<i64: 2, 2000, 128>}, {transform_indices = @transform_1, window_bounds = array<i64: 2000, 128>}, {transform_indices = @transform_2, window_bounds = array<i64: 2, 2000, 16>}, {pipeline_mode = #tpu.pipeline_mode<synchronous>, transform_indices = @transform_3, window_bounds = array<i64: 1, 128>}, {pipeline_mode = #tpu.pipeline_mode<synchronous>, transform_indices = @transform_4, window_bounds = array<i64: 128, 128>}, {transform_indices = @transform_5, window_bounds = array<i64: 2000, 128>}]} {
    %get3A = arith.constant 0 : index
    %get3A_0 = arith.constant 0 : index
    %get3A_1 = arith.constant 0 : index
    %get3A_2 = vector.load %arg3[%get3A, %get3A_0, %get3A_1] : memref<2x2000x16xf32, #tpu.memory_space<vmem>>, vector<1x2000x1xf32>
    %get3A_3 = vector.shape_cast %get3A_2 : vector<1x2000x1xf32> to vector<2000x1xf32>
    %get3A_4 = arith.constant 1 : index
    %get3A_5 = arith.constant 0 : index
    %get3A_6 = arith.constant 0 : index
    %get3A_7 = vector.load %arg3[%get3A_4, %get3A_5, %get3A_6] : memref<2x2000x16xf32, #tpu.memory_space<vmem>>, vector<1x2000x1xf32>
    %get3A_8 = vector.shape_cast %get3A_7 : vector<1x2000x1xf32> to vector<2000x1xf32>
    %add3A = arith.addf %get3A_3, %get3A_8 : vector<2000x1xf32>
    %add3A_9 = arith.constant 1.000000e+00 : f32
    %add3A_10 = vector.broadcast %add3A_9 : f32 to vector<2000x1xf32>
    %add3A_11 = arith.addf %add3A, %add3A_10 : vector<2000x1xf32>
    %rsqrt3A = math.rsqrt %add3A_11 : vector<2000x1xf32>
    %get3A_12 = arith.constant 0 : index
    %get3A_13 = arith.constant 0 : index
    %get3A_14 = arith.constant 0 : index
    %get3A_15 = vector.load %arg1[%get3A_12, %get3A_13, %get3A_14] : memref<2x2000x128xf32, #tpu.memory_space<vmem>>, vector<1x2000x128xf32>
    %get3A_16 = vector.shape_cast %get3A_15 : vector<1x2000x128xf32> to vector<2000x128xf32>
    %get3A_17 = arith.constant 1 : index
    %get3A_18 = arith.constant 0 : index
    %get3A_19 = arith.constant 0 : index
    %get3A_20 = vector.load %arg1[%get3A_17, %get3A_18, %get3A_19] : memref<2x2000x128xf32, #tpu.memory_space<vmem>>, vector<1x2000x128xf32>
    %get3A_21 = vector.shape_cast %get3A_20 : vector<1x2000x128xf32> to vector<2000x128xf32>
    %add3A_22 = arith.addf %get3A_16, %get3A_21 : vector<2000x128xf32>
    %get3A_23 = arith.constant 0 : index
    %get3A_24 = arith.constant 0 : index
    %get3A_25 = vector.load %arg2[%get3A_23, %get3A_24] : memref<2000x128xf32, #tpu.memory_space<vmem>>, vector<2000x128xf32>
    %add3A_26 = arith.addf %add3A_22, %get3A_25 : vector<2000x128xf32>
    %mul3A = vector.broadcast %rsqrt3A : vector<2000x1xf32> to vector<2000x128xf32>
    %mul3A_27 = arith.mulf %mul3A, %add3A_26 : vector<2000x128xf32>
    %get3A_28 = arith.constant 0 : index
    %get3A_29 = arith.constant 0 : index
    %get3A_30 = vector.load %arg4[%get3A_28, %get3A_29] : memref<1x128xf32, #tpu.memory_space<vmem>>, vector<1x128xf32>
    %add3A_31 = vector.broadcast %get3A_30 : vector<1x128xf32> to vector<2000x128xf32>
    %add3A_32 = arith.addf %mul3A_27, %add3A_31 : vector<2000x128xf32>
    %max3A = arith.constant 0.000000e+00 : f32
    %max3A_33 = vector.broadcast %max3A : f32 to vector<2000x128xf32>
    %max3A_34 = arith.maximumf %add3A_32, %max3A_33 : vector<2000x128xf32>
    %get3A_35 = arith.constant 0 : index
    %get3A_36 = arith.constant 0 : index
    %get3A_37 = vector.load %arg5[%get3A_35, %get3A_36] : memref<128x128xf32, #tpu.memory_space<vmem>>, vector<128x128xf32>
    %dot_general3A = arith.constant dense<0.000000e+00> : vector<2000x128xf32>
    %dot_general3A_38 = tpu.matmul %max3A_34, %get3A_37, %dot_general3A {dimension_numbers = #tpu.dot_dimension_numbers<[1], [0], [0], [1], [0, 0, 1, 1], [], []>, precision = #tpu.contract_precision<fp32>, transpose_lhs_hint = false} : vector<2000x128xf32>, vector<128x128xf32>, vector<2000x128xf32> -> vector<2000x128xf32>
    %mul3A_39 = vector.broadcast %rsqrt3A : vector<2000x1xf32> to vector<2000x128xf32>
    %mul3A_40 = arith.mulf %dot_general3A_38, %mul3A_39 : vector<2000x128xf32>
    %swap3A = arith.constant 0 : index
    %swap3A_41 = arith.constant 0 : index
    %swap3A_42 = vector.load %arg6[%swap3A, %swap3A_41] : memref<2000x128xf32, #tpu.memory_space<vmem>>, vector<2000x128xf32>
    tpu.vector_store %arg6[%swap3A, %swap3A_41], %mul3A_40 {strides = array<i32>} : memref<2000x128xf32, #tpu.memory_space<vmem>>, vector<2000x128xf32>,
    return
  }
  func.func @transform_0(%arg0: i32) -> (i32, i32, i32) {
    %c0_i32 = arith.constant 0 : i32
    %c0_i32_0 = arith.constant 0 : i32
    %c0_i32_1 = arith.constant 0 : i32
    return %c0_i32, %arg0, %c0_i32_0 : i32, i32, i32
  }
  func.func @transform_1(%arg0: i32) -> (i32, i32) {
    %c0_i32 = arith.constant 0 : i32
    %c0_i32_0 = arith.constant 0 : i32
    return %arg0, %c0_i32 : i32, i32
  }
  func.func @transform_2(%arg0: i32) -> (i32, i32, i32) {
    %c0_i32 = arith.constant 0 : i32
    %c0_i32_0 = arith.constant 0 : i32
    %c0_i32_1 = arith.constant 0 : i32
    return %c0_i32, %arg0, %c0_i32_0 : i32, i32, i32
  }
  func.func @transform_3(%arg0: i32) -> (i32, i32) {
    %c0_i32 = arith.constant 0 : i32
    %c0_i32_0 = arith.constant 0 : i32
    %c0_i32_1 = arith.constant 0 : i32
    return %c0_i32, %c0_i32_0 : i32, i32
  }
  func.func @transform_4(%arg0: i32) -> (i32, i32) {
    %c0_i32 = arith.constant 0 : i32
    %c0_i32_0 = arith.constant 0 : i32
    %c0_i32_1 = arith.constant 0 : i32
    return %c0_i32, %c0_i32_0 : i32, i32
  }
  func.func @transform_5(%arg0: i32) -> (i32, i32) {
    %c0_i32 = arith.constant 0 : i32
    %c0_i32_0 = arith.constant 0 : i32
    return %arg0, %c0_i32 : i32, i32
  }
}

module attributes {stable_mosaic.version = 14 : i64} {
  func.func @body(%arg0: i32, %arg1: memref<2x2000x128xf32, #tpu.memory_space<vmem>>, %arg2: memref<2000x128xf32, #tpu.memory_space<vmem>>, %arg3: memref<2x2000x16xf32, #tpu.memory_space<vmem>>, %arg4: memref<1x128xf32, #tpu.memory_space<vmem>>, %arg5: memref<1x1x2000xi32, #tpu.memory_space<vmem>>, %arg6: memref<128x64xf32, #tpu.memory_space<vmem>>, %arg7: memref<1x64xf32, #tpu.memory_space<vmem>>, %arg8: memref<16x64xf32, #tpu.memory_space<vmem>>, %arg9: memref<16x128xf32, #tpu.memory_space<vmem>>, %arg10: memref<16x128xf32, #tpu.memory_space<vmem>>) attributes {dimension_semantics = [#tpu.dimension_semantics<arbitrary>], iteration_bounds = array<i64: 5>, scalar_prefetch = 0 : i64, scratch_operands = 2 : i64, tpu.core_type = #tpu.core_type<tc>, window_params = [{transform_indices = @transform_0, window_bounds = array<i64: 2, 2000, 128>}, {transform_indices = @transform_1, window_bounds = array<i64: 2000, 128>}, {transform_indices = @transform_2, window_bounds = array<i64: 2, 2000, 16>}, {pipeline_mode = #tpu.pipeline_mode<synchronous>, transform_indices = @transform_3, window_bounds = array<i64: 1, 128>}, {transform_indices = @transform_4, window_bounds = array<i64: 1, 1, 2000>}, {pipeline_mode = #tpu.pipeline_mode<synchronous>, transform_indices = @transform_5, window_bounds = array<i64: 128, 64>}, {pipeline_mode = #tpu.pipeline_mode<synchronous>, transform_indices = @transform_6, window_bounds = array<i64: 1, 64>}, {pipeline_mode = #tpu.pipeline_mode<synchronous>, transform_indices = @transform_7, window_bounds = array<i64: 16, 64>}]} {
    %eq3A = arith.constant 0 : i32
    %eq3A_0 = arith.cmpi eq, %arg0, %eq3A : i32
    %convert_element_type3A = arith.extui %eq3A_0 : i1 to i32
    %cond3A = arith.constant 0 : i32
    %cond3A_1 = arith.cmpi ne, %convert_element_type3A, %cond3A : i32
    scf.if %cond3A_1 {
      %broadcast_in_dim3A_67 = arith.constant 0.000000e+00 : f32
      %broadcast_in_dim3A_68 = vector.broadcast %broadcast_in_dim3A_67 : f32 to vector<16x128xf32>
      %swap3A_69 = arith.constant 0 : index
      %swap3A_70 = arith.constant 0 : index
      %swap3A_71 = vector.load %arg9[%swap3A_69, %swap3A_70] : memref<16x128xf32, #tpu.memory_space<vmem>>, vector<16x128xf32>
      tpu.vector_store %arg9[%swap3A_69, %swap3A_70], %broadcast_in_dim3A_68 {strides = array<i32>} : memref<16x128xf32, #tpu.memory_space<vmem>>, vector<16x128xf32>,
      %broadcast_in_dim3A_72 = arith.constant 0.000000e+00 : f32
      %broadcast_in_dim3A_73 = vector.broadcast %broadcast_in_dim3A_72 : f32 to vector<16x128xf32>
      %swap3A_74 = arith.constant 0 : index
      %swap3A_75 = arith.constant 0 : index
      %swap3A_76 = vector.load %arg10[%swap3A_74, %swap3A_75] : memref<16x128xf32, #tpu.memory_space<vmem>>, vector<16x128xf32>
      tpu.vector_store %arg10[%swap3A_74, %swap3A_75], %broadcast_in_dim3A_73 {strides = array<i32>} : memref<16x128xf32, #tpu.memory_space<vmem>>, vector<16x128xf32>,
    } else {
    }
    %get3A = arith.constant 0 : index
    %get3A_2 = arith.constant 0 : index
    %get3A_3 = arith.constant 0 : index
    %get3A_4 = vector.load %arg3[%get3A, %get3A_2, %get3A_3] : memref<2x2000x16xf32, #tpu.memory_space<vmem>>, vector<1x2000x1xf32>
    %get3A_5 = vector.shape_cast %get3A_4 : vector<1x2000x1xf32> to vector<2000x1xf32>
    %get3A_6 = arith.constant 1 : index
    %get3A_7 = arith.constant 0 : index
    %get3A_8 = arith.constant 0 : index
    %get3A_9 = vector.load %arg3[%get3A_6, %get3A_7, %get3A_8] : memref<2x2000x16xf32, #tpu.memory_space<vmem>>, vector<1x2000x1xf32>
    %get3A_10 = vector.shape_cast %get3A_9 : vector<1x2000x1xf32> to vector<2000x1xf32>
    %add3A = arith.addf %get3A_5, %get3A_10 : vector<2000x1xf32>
    %add3A_11 = arith.constant 1.000000e+00 : f32
    %add3A_12 = vector.broadcast %add3A_11 : f32 to vector<2000x1xf32>
    %add3A_13 = arith.addf %add3A, %add3A_12 : vector<2000x1xf32>
    %rsqrt3A = math.rsqrt %add3A_13 : vector<2000x1xf32>
    %get3A_14 = arith.constant 0 : index
    %get3A_15 = arith.constant 0 : index
    %get3A_16 = arith.constant 0 : index
    %get3A_17 = vector.load %arg1[%get3A_14, %get3A_15, %get3A_16] : memref<2x2000x128xf32, #tpu.memory_space<vmem>>, vector<1x2000x128xf32>
    %get3A_18 = vector.shape_cast %get3A_17 : vector<1x2000x128xf32> to vector<2000x128xf32>
    %get3A_19 = arith.constant 1 : index
    %get3A_20 = arith.constant 0 : index
    %get3A_21 = arith.constant 0 : index
    %get3A_22 = vector.load %arg1[%get3A_19, %get3A_20, %get3A_21] : memref<2x2000x128xf32, #tpu.memory_space<vmem>>, vector<1x2000x128xf32>
    %get3A_23 = vector.shape_cast %get3A_22 : vector<1x2000x128xf32> to vector<2000x128xf32>
    %add3A_24 = arith.addf %get3A_18, %get3A_23 : vector<2000x128xf32>
    %get3A_25 = arith.constant 0 : index
    %get3A_26 = arith.constant 0 : index
    %get3A_27 = vector.load %arg2[%get3A_25, %get3A_26] : memref<2000x128xf32, #tpu.memory_space<vmem>>, vector<2000x128xf32>
    %add3A_28 = arith.addf %add3A_24, %get3A_27 : vector<2000x128xf32>
    %mul3A = vector.broadcast %rsqrt3A : vector<2000x1xf32> to vector<2000x128xf32>
    %mul3A_29 = arith.mulf %mul3A, %add3A_28 : vector<2000x128xf32>
    %get3A_30 = arith.constant 0 : index
    %get3A_31 = arith.constant 0 : index
    %get3A_32 = vector.load %arg4[%get3A_30, %get3A_31] : memref<1x128xf32, #tpu.memory_space<vmem>>, vector<1x128xf32>
    %add3A_33 = vector.broadcast %get3A_32 : vector<1x128xf32> to vector<2000x128xf32>
    %add3A_34 = arith.addf %mul3A_29, %add3A_33 : vector<2000x128xf32>
    %max3A = arith.constant 0.000000e+00 : f32
    %max3A_35 = vector.broadcast %max3A : f32 to vector<2000x128xf32>
    %max3A_36 = arith.maximumf %add3A_34, %max3A_35 : vector<2000x128xf32>
    %iota3A = tpu.iota {dimensions = array<i32: 0>} : vector<16x2000xi32>
    %get3A_37 = arith.constant 0 : index
    %get3A_38 = arith.constant 0 : index
    %get3A_39 = arith.constant 0 : index
    %get3A_40 = vector.load %arg5[%get3A_37, %get3A_38, %get3A_39] : memref<1x1x2000xi32, #tpu.memory_space<vmem>>, vector<1x1x2000xi32>
    %get3A_41 = vector.shape_cast %get3A_40 : vector<1x1x2000xi32> to vector<1x2000xi32>
    %eq3A_42 = vector.broadcast %get3A_41 : vector<1x2000xi32> to vector<16x2000xi32>
    %eq3A_43 = arith.cmpi eq, %eq3A_42, %iota3A : vector<16x2000xi32>
    %convert_element_type3A_44 = arith.extui %eq3A_43 : vector<16x2000xi1> to vector<16x2000xi32>
    %convert_element_type3A_45 = arith.sitofp %convert_element_type3A_44 : vector<16x2000xi32> to vector<16x2000xf32>
    %get3A_46 = arith.constant 0 : index
    %get3A_47 = arith.constant 0 : index
    %get3A_48 = vector.load %arg9[%get3A_46, %get3A_47] : memref<16x128xf32, #tpu.memory_space<vmem>>, vector<16x128xf32>
    %dot_general3A = arith.constant dense<0.000000e+00> : vector<16x128xf32>
    %dot_general3A_49 = tpu.matmul %convert_element_type3A_45, %max3A_36, %dot_general3A {dimension_numbers = #tpu.dot_dimension_numbers<[1], [0], [0], [1], [0, 0, 1, 1], [], []>, precision = #tpu.contract_precision<fp32>, transpose_lhs_hint = false} : vector<16x2000xf32>, vector<2000x128xf32>, vector<16x128xf32> -> vector<16x128xf32>
    %add3A_50 = arith.addf %get3A_48, %dot_general3A_49 : vector<16x128xf32>
    %swap3A = arith.constant 0 : index
    %swap3A_51 = arith.constant 0 : index
    %swap3A_52 = vector.load %arg9[%swap3A, %swap3A_51] : memref<16x128xf32, #tpu.memory_space<vmem>>, vector<16x128xf32>
    tpu.vector_store %arg9[%swap3A, %swap3A_51], %add3A_50 {strides = array<i32>} : memref<16x128xf32, #tpu.memory_space<vmem>>, vector<16x128xf32>,
    %get3A_53 = arith.constant 0 : index
    %get3A_54 = arith.constant 0 : index
    %get3A_55 = vector.load %arg10[%get3A_53, %get3A_54] : memref<16x128xf32, #tpu.memory_space<vmem>>, vector<16x128xf32>
    %reduce_sum3A = arith.constant dense<0.000000e+00> : vector<16xf32>
    %reduce_sum3A_56 = vector.multi_reduction <add>, %convert_element_type3A_45, %reduce_sum3A [1] : vector<16x2000xf32> to vector<16xf32>
    %broadcast_in_dim3A = vector.shape_cast %reduce_sum3A_56 : vector<16xf32> to vector<16x1xf32>
    %add3A_57 = vector.broadcast %broadcast_in_dim3A : vector<16x1xf32> to vector<16x128xf32>
    %add3A_58 = arith.addf %get3A_55, %add3A_57 : vector<16x128xf32>
    %swap3A_59 = arith.constant 0 : index
    %swap3A_60 = arith.constant 0 : index
    %swap3A_61 = vector.load %arg10[%swap3A_59, %swap3A_60] : memref<16x128xf32, #tpu.memory_space<vmem>>, vector<16x128xf32>
    tpu.vector_store %arg10[%swap3A_59, %swap3A_60], %add3A_58 {strides = array<i32>} : memref<16x128xf32, #tpu.memory_space<vmem>>, vector<16x128xf32>,
    %eq3A_62 = arith.constant 4 : i32
    %eq3A_63 = arith.cmpi eq, %arg0, %eq3A_62 : i32
    %convert_element_type3A_64 = arith.extui %eq3A_63 : i1 to i32
    %cond3A_65 = arith.constant 0 : i32
    %cond3A_66 = arith.cmpi ne, %convert_element_type3A_64, %cond3A_65 : i32
    scf.if %cond3A_66 {
      %get3A_67 = arith.constant 0 : index
      %get3A_68 = arith.constant 0 : index
      %get3A_69 = vector.load %arg9[%get3A_67, %get3A_68] : memref<16x128xf32, #tpu.memory_space<vmem>>, vector<16x128xf32>
      %get3A_70 = arith.constant 0 : index
      %get3A_71 = arith.constant 0 : index
      %get3A_72 = vector.load %arg10[%get3A_70, %get3A_71] : memref<16x128xf32, #tpu.memory_space<vmem>>, vector<16x1xf32>
      %max3A_73 = arith.constant 1.000000e+00 : f32
      %max3A_74 = vector.broadcast %max3A_73 : f32 to vector<16x1xf32>
      %max3A_75 = arith.maximumf %get3A_72, %max3A_74 : vector<16x1xf32>
      %div3A = vector.broadcast %max3A_75 : vector<16x1xf32> to vector<16x128xf32>
      %div3A_76 = arith.divf %get3A_69, %div3A : vector<16x128xf32>
      %get3A_77 = arith.constant 0 : index
      %get3A_78 = arith.constant 0 : index
      %get3A_79 = vector.load %arg6[%get3A_77, %get3A_78] : memref<128x64xf32, #tpu.memory_space<vmem>>, vector<128x64xf32>
      %dot_general3A_80 = arith.constant dense<0.000000e+00> : vector<16x64xf32>
      %dot_general3A_81 = tpu.matmul %div3A_76, %get3A_79, %dot_general3A_80 {dimension_numbers = #tpu.dot_dimension_numbers<[1], [0], [0], [1], [0, 0, 1, 1], [], []>, precision = #tpu.contract_precision<fp32>, transpose_lhs_hint = false} : vector<16x128xf32>, vector<128x64xf32>, vector<16x64xf32> -> vector<16x64xf32>
      %get3A_82 = arith.constant 0 : index
      %get3A_83 = arith.constant 0 : index
      %get3A_84 = vector.load %arg7[%get3A_82, %get3A_83] : memref<1x64xf32, #tpu.memory_space<vmem>>, vector<1x64xf32>
      %add3A_85 = vector.broadcast %get3A_84 : vector<1x64xf32> to vector<16x64xf32>
      %add3A_86 = arith.addf %dot_general3A_81, %add3A_85 : vector<16x64xf32>
      %reduce_max3A = arith.constant dense<0xFF800000> : vector<16xf32>
      %reduce_max3A_87 = vector.multi_reduction <maximumf>, %add3A_86, %reduce_max3A [1] : vector<16x64xf32> to vector<16xf32>
      %broadcast_in_dim3A_88 = vector.shape_cast %reduce_max3A_87 : vector<16xf32> to vector<16x1xf32>
      %sub3A = vector.broadcast %broadcast_in_dim3A_88 : vector<16x1xf32> to vector<16x64xf32>
      %sub3A_89 = arith.subf %add3A_86, %sub3A : vector<16x64xf32>
      %exp3A = math.exp %sub3A_89 : vector<16x64xf32>
      %reduce_sum3A_90 = arith.constant dense<0.000000e+00> : vector<16xf32>
      %reduce_sum3A_91 = vector.multi_reduction <add>, %exp3A, %reduce_sum3A_90 [1] : vector<16x64xf32> to vector<16xf32>
      %broadcast_in_dim3A_92 = vector.shape_cast %reduce_sum3A_91 : vector<16xf32> to vector<16x1xf32>
      %log3A = math.log %broadcast_in_dim3A_92 : vector<16x1xf32>
      %sub3A_93 = vector.broadcast %log3A : vector<16x1xf32> to vector<16x64xf32>
      %sub3A_94 = arith.subf %sub3A_89, %sub3A_93 : vector<16x64xf32>
      %swap3A_95 = arith.constant 0 : index
      %swap3A_96 = arith.constant 0 : index
      %swap3A_97 = vector.load %arg8[%swap3A_95, %swap3A_96] : memref<16x64xf32, #tpu.memory_space<vmem>>, vector<16x64xf32>
      tpu.vector_store %arg8[%swap3A_95, %swap3A_96], %sub3A_94 {strides = array<i32>} : memref<16x64xf32, #tpu.memory_space<vmem>>, vector<16x64xf32>,
    } else {
    }
    return
  }
  func.func @transform_0(%arg0: i32) -> (i32, i32, i32) {
    %c0_i32 = arith.constant 0 : i32
    %c0_i32_0 = arith.constant 0 : i32
    %c0_i32_1 = arith.constant 0 : i32
    return %c0_i32, %arg0, %c0_i32_0 : i32, i32, i32
  }
  func.func @transform_1(%arg0: i32) -> (i32, i32) {
    %c0_i32 = arith.constant 0 : i32
    %c0_i32_0 = arith.constant 0 : i32
    return %arg0, %c0_i32 : i32, i32
  }
  func.func @transform_2(%arg0: i32) -> (i32, i32, i32) {
    %c0_i32 = arith.constant 0 : i32
    %c0_i32_0 = arith.constant 0 : i32
    %c0_i32_1 = arith.constant 0 : i32
    return %c0_i32, %arg0, %c0_i32_0 : i32, i32, i32
  }
  func.func @transform_3(%arg0: i32) -> (i32, i32) {
    %c0_i32 = arith.constant 0 : i32
    %c0_i32_0 = arith.constant 0 : i32
    %c0_i32_1 = arith.constant 0 : i32
    return %c0_i32, %c0_i32_0 : i32, i32
  }
  func.func @transform_4(%arg0: i32) -> (i32, i32, i32) {
    %c0_i32 = arith.constant 0 : i32
    %c0_i32_0 = arith.constant 0 : i32
    %c0_i32_1 = arith.constant 0 : i32
    return %arg0, %c0_i32, %c0_i32_0 : i32, i32, i32
  }
  func.func @transform_5(%arg0: i32) -> (i32, i32) {
    %c0_i32 = arith.constant 0 : i32
    %c0_i32_0 = arith.constant 0 : i32
    %c0_i32_1 = arith.constant 0 : i32
    return %c0_i32, %c0_i32_0 : i32, i32
  }
  func.func @transform_6(%arg0: i32) -> (i32, i32) {
    %c0_i32 = arith.constant 0 : i32
    %c0_i32_0 = arith.constant 0 : i32
    %c0_i32_1 = arith.constant 0 : i32
    return %c0_i32, %c0_i32_0 : i32, i32
  }
  func.func @transform_7(%arg0: i32) -> (i32, i32) {
    %c0_i32 = arith.constant 0 : i32
    %c0_i32_0 = arith.constant 0 : i32
    %c0_i32_1 = arith.constant 0 : i32
    return %c0_i32, %c0_i32_0 : i32, i32
  }
}

</mosaic_0001>

<sc_bundles>
// kernel: kernel.11.cloned.1.call-start
scs
__scs_entry_jumppad:
0x0: {  	(pc) =	sbr.rel $0x88, $3  }
0x1: {  	(tag) =	ssettag $0x0;
	lr =	simm.s32 $0x1  }
0x2: {  	[smem:$0x3F98] =	sst lr;
	_ =	strace $0xD0000000  }
0x3: {  	_ = 	snop  }
0x4: {  	_ = 	snop  }
0x5: {  	_ = 	snop  }
0x6: {  	_ = 	snop  }
0x7: {  	_ = 	snop  }
__scs_overlays_trampoline_lowered:
0x8: {  	[smem:$0x3FA7] =	sst s0  }
0x9: {  	[smem:$0x3FA8] =	sst s1  }
0xa: {  	[smem:$0x3FA9] =	sst s2  }
0xb: {  	[smem:$0x3FAA] =	sst s3  }
0xc: {  	[smem:$0x3FAB] =	sst s4  }
0xd: {  	[smem:$0x3FAC] =	sst s5  }
0xe: {  	[smem:$0x3FAD] =	sst s6  }
0xf: {  	[smem:$0x3FAE] =	sst s7  }
0x10: {  	[smem:$0x3FAF] =	sst s8  }
0x11: {  	[smem:$0x3FB0] =	sst s9;
	s0 =	simm.s32 @!p0 $0x0  }
0x12: {  	s1 =	sld [smem:$0x3F96];
	s0 =	simm.s32 @p0 $0x1  }
0x13: {  	[smem:$0x3FB1] =	sst s0;
	s0 =	simm.s32 @!p1 $0x0  }
0x14: {  	s2 =	sld [smem:$0x3F95];
	s0 =	simm.s32 @p1 $0x1  }
0x15: {  	[smem:$0x3FB2] =	sst s0;
	s0 =	simm.s32 @!p2 $0x0  }
0x16: {  	s3 =	sld [smem:$0x3FDB];
	s0 =	simm.s32 @p2 $0x1  }
0x17: {  	s4 =	simm.s32 $0x1BF5;
	[smem:$0x3FB4] =	sst s0  }
0x18: {  	s0 =	sld [smem:$0x3F97];
	_ =	swait.ge [sflag:s4], $0x0  }
0x19: {  	s7 =	sld [smem:$0x3F98]  }
0x1a: {  	s8 =	sadd.s32 $0xFFFFE003, lr  }
0x1b: {  	s9 =	sadd.s32 $0xFFFFFEF7, lr;
	s5 =	simm.s32 $0xFFFFFFFF;
	p2 =	slt.u32 s8, $0xFFFFF086  }
0x1c: {  	p1 =	slt.u32 s9, $0xF7A;
	s5 =	simm.s32 @!p2 $0x0  }
0x1d: {  	s5 =	simm.s32 @p1 $0x1;
	p0 =	seq.s32 s7, s2  }
0x1e: {  	s7 =	smul.u32 @!p0 $0xF7A, s2;
	p2 =	seq.s32 @!p0 s5, $0x0  }
0x1f: {  	s9 =	smul.u32 $0xF7A, s1;
	s8 =	simm.s32 @!p0 $0x1BF5;
	p2 =	por !p2, p0  }
0x20: {  	[sflag:s8] =	ssyncset.s32 @!p0 $0xFFFFF086;
	s6 =	sadd.s32 @!p0 s3, s7;
	s7 =	simm.s32 @!p0 $0x108  }
0x21: {  	s3 =	sadd.s32 s3, s9;
	s6 =	sadd.s32 @!p0 $0x88, s6;
	s7 =	simm.s32 @p2 $0x1082  }
0x22: {  	[simem:s7], [sflag:s8] =	dma.local @!p0 [hbm:s6], $0xF7A  }
0x23: {  	s9 =	sor.u32 $0xD0000000, s2;
	s6 =	simm.s32 $0x108;
	_ =	swait.ge @!p0 [sflag:s8], $0x0  }
0x24: {  	s3 =	sadd.s32 $0x88, s3;
	s6 =	simm.s32 @!p1 $0x1082;
	[sflag:s4] =	ssyncset.s32 $0xFFFFF086  }
0x25: {  	[simem:s6], [sflag:s4] =	dma.local [hbm:s3], $0xF7A  }
0x26: {  	[smem:$0x3F98] =	sst s1;
	(tag) =	ssettag s2;
	_ =	strace s9  }
0x27: {  	s1 =	sld [smem:$0x3FA8]  }
0x28: {  	s2 =	sld [smem:$0x3FA9]  }
0x29: {  	s4 =	sld [smem:$0x3FAB]  }
0x2a: {  	p0 =	seq.s32 s5, $0x0;
	s5 =	sld [smem:$0x3FAC]  }
0x2b: {  	s6 =	sld [smem:$0x3FAD]  }
0x2c: {  	s7 =	sld [smem:$0x3FAE]  }
0x2d: {  	s3 =	simm.s32 $0x108;
	s8 =	sld [smem:$0x3FAF]  }
0x2e: {  	s3 =	simm.s32 @!p0 $0x1082;
	s9 =	sld [smem:$0x3FB0]  }
0x2f: {  	lr =	sadd.s32 s0, s3;
	s0 =	sld [smem:$0x3FA7]  }
0x30: {  	s3 =	sld [smem:$0x3FAA]  }
0x31: {  	[smem:$0x3FB3] =	sst s10  }
0x32: {  	s10 =	sld [smem:$0x3FB1];
	_ =	sdelay $0x3  }
0x33: {  	p0 =	seq.s32 s10, $0x1;
	s10 =	sld [smem:$0x3FB3];
	_ =	sdelay $0x3  }
0x34: {  	[smem:$0x3FB3] =	sst s10  }
0x35: {  	s10 =	sld [smem:$0x3FB2];
	_ =	sdelay $0x3  }
0x36: {  	p1 =	seq.s32 s10, $0x1;
	s10 =	sld [smem:$0x3FB3];
	_ =	sdelay $0x3  }
0x37: {  	[smem:$0x3FB3] =	sst s10  }
0x38: {  	s10 =	sld [smem:$0x3FB4]  }
0x39: {  	_ = 	snop;
	(pc) =	sbr.ind lr, $3  }
0x3a: {  	_ = 	snop  }
0x3b: {  	_ = 	snop  }
0x3c: {  	p2 =	seq.s32 s10, $0x1;
	s10 =	sld [smem:$0x3FB3]  }
0x3d: {  	_ =	shalt  }
0x3e: {  	_ =	shalt  }
0x3f: {  	_ =	shalt  }
0x40: {  	_ =	shalt  }
0x41: {  	_ =	shalt  }
0x42: {  	_ =	shalt  }
0x43: {  	_ =	shalt  }
0x44: {  	_ =	shalt  }
0x45: {  	_ =	shalt  }
0x46: {  	_ =	shalt  }
0x47: {  	_ =	shalt  }
0x48: {  	_ =	shalt  }
0x49: {  	_ =	shalt  }
0x4a: {  	_ =	shalt  }
0x4b: {  	_ =	shalt  }
0x4c: {  	_ =	shalt  }
0x4d: {  	_ =	shalt  }
0x4e: {  	_ =	shalt  }
0x4f: {  	_ =	shalt  }
0x50: {  	_ =	shalt  }
0x51: {  	_ =	shalt  }
0x52: {  	_ =	shalt  }
0x53: {  	_ =	shalt  }
0x54: {  	_ =	shalt  }
0x55: {  	_ =	shalt  }
0x56: {  	_ =	shalt  }
0x57: {  	_ =	shalt  }
0x58: {  	_ =	shalt  }
0x59: {  	_ =	shalt  }
0x5a: {  	_ =	shalt  }
0x5b: {  	_ =	shalt  }
0x5c: {  	_ =	shalt  }
0x5d: {  	_ =	shalt  }
0x5e: {  	_ =	shalt  }
0x5f: {  	_ =	shalt  }
0x60: {  	_ =	shalt  }
0x61: {  	_ =	shalt  }
0x62: {  	_ =	shalt  }
0x63: {  	_ =	shalt  }
0x64: {  	_ =	shalt  }
0x65: {  	_ =	shalt  }
0x66: {  	_ =	shalt  }
0x67: {  	_ =	shalt  }
0x68: {  	_ =	shalt  }
0x69: {  	_ =	shalt  }
0x6a: {  	_ =	shalt  }
0x6b: {  	_ =	shalt  }
0x6c: {  	_ =	shalt  }
0x6d: {  	_ =	shalt  }
0x6e: {  	_ =	shalt  }
0x6f: {  	_ =	shalt  }
0x70: {  	_ =	shalt  }
0x71: {  	_ =	shalt  }
0x72: {  	_ =	shalt  }
0x73: {  	_ =	shalt  }
0x74: {  	_ =	shalt  }
0x75: {  	_ =	shalt  }
0x76: {  	_ =	shalt  }
0x77: {  	_ =	shalt  }
0x78: {  	_ =	shalt  }
0x79: {  	_ =	shalt  }
0x7a: {  	_ =	shalt  }
0x7b: {  	_ =	shalt  }
0x7c: {  	_ =	shalt  }
0x7d: {  	_ =	shalt  }
0x7e: {  	_ =	shalt  }
0x7f: {  	_ =	shalt  }
0x80: {  	_ =	shalt  }
0x81: {  	_ =	shalt  }
0x82: {  	_ =	shalt  }
0x83: {  	_ =	shalt  }
0x84: {  	_ =	shalt  }
0x85: {  	_ =	shalt  }
0x86: {  	_ =	shalt  }
0x87: {  	_ =	shalt  }
.Lfunc_end0:
.L_simem_size_0:
called_computation.1_lowered:
.L_overlay_start_0:
0x88: {  	s2 =	sld [smem:$0x3FD9]  }
0x89: {  	s3 =	sld [smem:$0x3FFE];
	_ =	sdelay $0x1  }
0x8a: {  	s1 =	srdreg.scid  }
0x8b: {  	s0 =	sand.u32 $0x1, s1  }
0x8c: {  	s16 =	sshll.u32 s0, $0xA;
	s2 =	sadd.s32 s3, s2  }
0x8d: {  	s2 =	sadd.s32 s2, s16  }
0x8e: {  	[smem:$0x3FBF] =	sst s2  }
0x8f: {  	_ = 	snop  }
0x90: {  	(tm) =	ssettm $0x1  }
0x91: {  	s17 =	sld [smem:$0x3FFB];
	_ =	sdelay $0x3  }
0x92: {  	_ =	strace s17  }
0x93: {  	s2 =	sld [smem:$0x3FFC];
	_ =	sdelay $0x3  }
0x94: {  	_ =	strace s2  }
0x95: {  	s2 =	sld [smem:$0x3FFD];
	_ =	sdelay $0x3  }
0x96: {  	_ =	strace s2  }
0x97: {  	_ =	strace $0x8FFFFFFF  }
0x98: {  	s18 =	sld [smem:$0x3FDB];
	_ =	sdelay $0x1  }
0x99: {  	s19 =	simm.s32 $_scs_section_size  }
0x9a: {  	s4 =	simm.s32 $_size__tile_overlayer_lowered;
	s5 =	simm.s32 $_tile_overlayer_lowered  }
0x9b: {  	s22 =	simm.s32 $0x1BFF;
	s21 =	sshll.u32 s5, $0x1;
	s2 =	sadd.s32 s19, s18  }
0x9c: {  	s6 =	simm.s32 $0x0;
	s20 =	sshll.u32 s4, $0x1;
	s4 =	sadd.s32 s21, s2  }
0x9d: {  	[timem:s6], [sflag:s22] =	dma.local [hbm:s4], s20  }
0x9e: {  	_ =	swait.ge [sflag:s22], s20  }
0x9f: {  	s3 =	ssub.s32 $0x0, s20;
	[sflag:s22] =	ssyncset.done $0x0  }
0xa0: {  	[sflag:s22] =	ssyncadd.s32 s3;
	_ =	sdelay $0x1  }
0xa1: {  	s23 =	simm.s32 $0x1B8B  }
0xa2: {  	_ =	swait.ge [sflag:s23], $0x1  }
0xa3: {  	[sflag:s23] =	ssyncset.done $0x0  }
0xa4: {  	s25 =	simm.s32 $0x1B8E;
	s24 =	sld [smem:$0x3FFE];
	[sflag:s23] =	ssyncadd.s32 $0xFFFFFFFF  }
0xa5: {  	s26 =	simm.s32 $execute0_lowered;
	[smem:$0x3FD2] =	sst s25  }
0xa6: {  	s4 =	sshll.u32 s26, $0x1;
	_ =	strace $0x80000049;
	[dreg:$0x1] =	wrdreg $0xFFFFFFFF  }
0xa7: {  	s28 =	simm.s32 $_size_execute0_lowered;
	s2 =	sadd.s32 s2, s4;
	[dreg:$0x0] =	wrdreg $0x0  }
0xa8: {  	s4 =	sshll.u32 s28, $0x1;
	[dreg:$0x2] =	wrdreg s2  }
0xa9: {  	[dreg:$0x3] =	wrdreg s4  }
0xaa: {  	[dreg:$0x4] =	wrdreg $0xC0  }
0xab: {  	_ =	task [dreg:s6], $0x5FFFF  }
0xac: {  	[dreg:$0x1] =	wrdreg $0xFFFFFFFF  }
0xad: {  	[dreg:$0x0] =	wrdreg $0x60  }
0xae: {  	[dreg:$0x2] =	wrdreg s24  }
0xaf: {  	[dreg:$0x3] =	wrdreg $0x7E000  }
0xb0: {  	[dreg:$0x4] =	wrdreg $0x9  }
0xb1: {  	_ =	task.clear_ibuf [dreg:s6], $0x5FFFF;
	_ =	strace $0x90000049  }
0xb2: {  	s29 =	simm.s32 $0x9;
	_ =	strace $0x8000004B  }
0xb3: {  	_ =	swait.ge [sflag:s29], $0x1  }
0xb4: {  	[sflag:s29] =	ssyncadd.s32 $0xFFFFFFFF  }
0xb5: {  	_ =	strace $0x9000004B  }
0xb6: {  	_ =	sfence  }
0xb7: {  	s30 =	sld [smem:$0x0];
	_ =	sdelay $0x2  }
0xb8: {  	s31 =	sshll.u32 s1, $0xD;
	s1 =	sshrl.u32 s1, $0x2  }
0xb9: {  	s3 =	sand.u32 $0x4000, s31;
	s1 =	sadd.s32 s1, s30  }
0xba: {  	s0 =	sor.u32 s3, s0;
	s1 =	sshll.u32 s1, $0x11  }
0xbb: {  	s0 =	sor.u32 s1, s0  }
0xbc: {  	s0 =	sadd.s32 $0x8F2B, s0  }
0xbd: {  	[sflag:s0] =	ssyncadd.remote.s32 $0x1  }
0xbe: {  	_ =	sfence.sel $0xFFFF  }
0xbf: {  	[dreg:$0x0] =	wrdreg $0xFFFFFFFF;
	(pc) =	sbr.abs _section_cstart, $3  }
0xc0: {  	[dreg:$0x1] =	wrdreg $0xFFFFFFFF  }
0xc1: {  	_ =	task.clear_ibuf [dreg:s6], $0x2FFFF;
	_ =	strace $0x9FFFFFFF  }
0xc2: {  	(tm) =	ssettm $0x7FFFFFFF  }
0xc3: {  	_ =	shalt  }
tec
execute0_lowered:
.L_overlay_start_1:
0x0: {  	(tag) =	ssettag $0x1  }
0x1: {  	s0 =	rddreg [dreg:$0x0]  }
0x2: {  	s1 =	rddreg [dreg:$0x1]  }
0x3: {  	s3 =	simm.s32 $0x0;
	s2 =	srdreg.scid;
	s10 =	stileid.u32  }
0x4: {  	[smem:$0x7FF] =	sst s3;
	s5 =	smul.u32 $0x14000, s10  }
0x5: {  	s6 =	sand.u32 $0x1, s2;
	s4 =	sadd.s32 $0x66A00, s0;
	s24 =	smul.u32 $0x50000, s10  }
0x6: {  	s11 =	sadd.s32 $0x2E00, s0;
	s13 =	sadd.s32 $0xCC00, s0;
	s17 =	smul.u32 $0x2710, s10  }
0x7: {  	s8 =	sadd.s32 $0x8DC00, s0;
	s2 =	smul.u32 $0x140000, s6;
	_ =	strace $0x8000004A  }
0x8: {  	s7 =	sshll.u32 s6, $0x4;
	s25 =	ssub.s32 $0x2, s6;
	s6 =	smul.u32 $0x27100, s6  }
0x9: {  	[dreg:$0xd] =	wrdreg s8;
	s7 =	sor.u32 s10, s7;
	s9 =	sshrl.u32 s24, $0x2  }
0xa: {  	s26 =	sshrl.u32 s25, $0x1;
	s9 =	sadd.s32 s9, s1;
	s6 =	sadd.s32 s17, s6  }
0xb: {  	s2 =	sadd.s32 s5, s2;
	[dreg:$0xe] =	wrdreg s9;
	s9 =	sadd.s32 $0x370, s6  }
0xc: {  	s7 =	smul.u32 $0x2710, s7;
	s2 =	sshrl.u32 s2, $0x3;
	s24 =	sshrl.u32 s9, $0x3  }
0xd: {  	s0 =	sadd.s32 s2, s0;
	s2 =	ssub.s32 s25, s26;
	s25 =	sadd.s32 s24, s13  }
0xe: {  	s5 =	sshrl.u32 s7, $0x3;
	s0 =	sadd.s32 $0x90400, s0;
	[dreg:$0x3] =	wrdreg s25  }
0xf: {  	s12 =	sadd.s32 $0xA, s5;
	s2 =	smax.u32 s2, $0x1;
	[smem:$0x7F9] =	sst s0  }
0x10: {  	s14 =	sadd.s32 s11, s12;
	[smem:$0x7FA] =	sst s2  }
0x11: {  	s15 =	sadd.s32 $0x14, s5;
	s7 =	sadd.s32 s13, s12;
	[dreg:$0xf] =	wrdreg s14  }
0x12: {  	s16 =	sadd.s32 $0x1E, s5;
	s12 =	sadd.s32 s11, s15;
	[dreg:$0x10] =	wrdreg s7  }
0x13: {  	s18 =	sadd.s32 s11, s16;
	[dreg:$0x11] =	wrdreg s12  }
0x14: {  	s20 =	sadd.s32 $0x28, s5;
	s19 =	sadd.s32 s13, s16;
	[dreg:$0x13] =	wrdreg s18  }
0x15: {  	s22 =	sadd.s32 $0x32, s5;
	s21 =	sadd.s32 s11, s20;
	[dreg:$0x14] =	wrdreg s19  }
0x16: {  	s28 =	simm.s32 $0x5600;
	s23 =	sadd.s32 s11, s22;
	[dreg:$0x15] =	wrdreg s21  }
0x17: {  	s26 =	sadd.s32 $0x320, s6;
	s8 =	sadd.s32 s13, s22;
	[dreg:$0x17] =	wrdreg s23  }
0x18: {  	s9 =	sshrl.u32 s26, $0x3;
	s7 =	sadd.s32 s13, s15;
	[dreg:$0x18] =	wrdreg s8  }
0x19: {  	s30 =	simm.s32 $0x7;
	s12 =	sadd.s32 s9, s13;
	[dreg:$0x12] =	wrdreg s7  }
0x1a: {  	s31 =	simm.s32 $0xB;
	s15 =	sadd.s32 s9, s11;
	[dreg:$0x5] =	wrdreg s12  }
0x1b: {  	s25 =	sadd.s32 $0x4B0, s5;
	s7 =	sadd.s32 s13, s20;
	[dreg:$0x6] =	wrdreg s15  }
0x1c: {  	s29 =	simm.s32 $0x6;
	s12 =	sadd.s32 s11, s25;
	[dreg:$0x16] =	wrdreg s7  }
0x1d: {  	s22 =	sadd.s32 $0x230, s6;
	s15 =	sadd.s32 s13, s25;
	[dreg:$0x19] =	wrdreg s12  }
0x1e: {  	s14 =	sadd.s32 $0x2D0, s6;
	s25 =	sshll.u32 s10, $0x6;
	[dreg:$0x1a] =	wrdreg s15  }
0x1f: {  	s16 =	sshrl.u32 s14, $0x3;
	s7 =	sadd.s32 s24, s11;
	[smem:$0x7FC] =	sst s25  }
0x20: {  	s18 =	sadd.s32 $0x280, s6;
	s17 =	sadd.s32 s16, s13;
	[dreg:$0x4] =	wrdreg s7  }
0x21: {  	s20 =	sshrl.u32 s18, $0x3;
	s19 =	sadd.s32 s16, s11;
	[dreg:$0x7] =	wrdreg s17  }
0x22: {  	s2 =	simm.s32 $0x9;
	s21 =	sadd.s32 s20, s13;
	[dreg:$0x8] =	wrdreg s19  }
0x23: {  	s9 =	simm.s32 $0x5;
	s23 =	sadd.s32 s20, s11;
	[dreg:$0x9] =	wrdreg s21  }
0x24: {  	s18 =	sadd.s32 $0x4C4, s5;
	s20 =	sadd.s32 s11, s5;
	[dreg:$0xa] =	wrdreg s23  }
0x25: {  	s24 =	sshrl.u32 s22, $0x3;
	s0 =	sor.u32 $0x1C0A, s25;
	[dreg:$0x1f] =	wrdreg s20  }
0x26: {  	s16 =	sadd.s32 $0x4BA, s5;
	s26 =	sadd.s32 s24, s13;
	[smem:$0x7FD] =	sst s0  }
0x27: {  	s22 =	sadd.s32 $0x4CE, s5;
	s14 =	sadd.s32 s24, s11;
	[dreg:$0xb] =	wrdreg s26  }
0x28: {  	s25 =	simm.s32 $0x2E00;
	s17 =	sadd.s32 s11, s16;
	[dreg:$0xc] =	wrdreg s14  }
0x29: {  	s7 =	sadd.s32 s13, s16;
	s19 =	sadd.s32 s11, s18;
	[dreg:$0x1b] =	wrdreg s17  }
0x2a: {  	s21 =	sadd.s32 s13, s5;
	s5 =	sadd.s32 $0x4D8, s5;
	[dreg:$0x1c] =	wrdreg s7  }
0x2b: {  	s23 =	sadd.s32 s11, s22;
	s20 =	simm.s32 $0x580;
	[dreg:$0x1d] =	wrdreg s19  }
0x2c: {  	s0 =	simm.s32 $0x4;
	s7 =	sadd.s32 s13, s18;
	[smem:$0x7F4] =	sst s21  }
0x2d: {  	[smem:$0x7F5] =	sst s23;
	s24 =	sadd.s32 s11, s5;
	s5 =	sadd.s32 s13, s5  }
0x2e: {  	s26 =	sadd.s32 $0x1E0, s6;
	s19 =	simm.s32 $0x280;
	[dreg:$0x1e] =	wrdreg s7  }
0x2f: {  	s21 =	simm.s32 $0x1;
	s23 =	simm.s32 $0x600;
	[smem:$0x7F7] =	sst s24  }
0x30: {  	s6 =	simm.s32 $0x0;
	s7 =	sadd.s32 s13, s22;
	[smem:$0x7F8] =	sst s5  }
0x31: {  	[smem:$0x7FB] =	sst s26;
	s22 =	simm.s32 $0x50;
	s24 =	simm.s32 $0x2  }
0x32: {  	s26 =	simm.s32 $0x3;
	[smem:$0x7F6] =	sst s7;
	s7 =	simm.s32 $0x8  }
.LBB2_1:
0x33: {  	[smem:$0x7F2] =	sst s6  }
0x34: {  	s5 =	rddreg [dreg:$0xe]  }
0x35: {  	s18 =	sld [smem:$0x7FD]  }
0x36: {  	s17 =	rddreg [dreg:$0xd];
	s8 =	sshrl.u32 s5, $0x3  }
0x37: {  	[smem:$0x7F3] =	sst s8  }
0x38: {  	[spmem:s8], [sflag:s18] =	dma.local [hbm:s17], $0x2800  }
0x39: {  	s5 =	rddreg [dreg:$0x1f]  }
0x3a: {  	s10 =	sld [smem:$0x7F4]  }
0x3b: {  	[tilespmem:s3], [sflag:$0x1] =	stream.linear.gather [hbm4b:s5+s3], $0x50, $0x38;
	[tilespmem:$0x1BE00] =	vst v63  }
0x3c: {  	s8 =	simm.s32 $0x300  }
0x3d: {  	[tilespmem:s8], [sflag:$0x1] =	stream.linear.gather [hbm4b:s10+s3], $0x50, $0x38;
	[tilespmem:$0x1BE00] =	vst v63  }
0x3e: {  	s14 =	simm.s32 $0x80;
	s12 =	rddreg [dreg:$0xf]  }
0x3f: {  	[tilespmem:s14], [sflag:$0x2] =	stream.linear.gather [hbm4b:s12+s3], $0x50, $0x38;
	[tilespmem:$0x1BE00] =	vst v63  }
0x40: {  	s15 =	rddreg [dreg:$0x10];
	s14 =	simm.s32 $0x380  }
0x41: {  	[tilespmem:s14], [sflag:$0x2] =	stream.linear.gather [hbm4b:s15+s3], $0x50, $0x38;
	[tilespmem:$0x1BE00] =	vst v63  }
0x42: {  	s16 =	rddreg [dreg:$0x11];
	s15 =	simm.s32 $0x100  }
0x43: {  	[tilespmem:s15], [sflag:$0x3] =	stream.linear.gather [hbm4b:s16+s3], $0x50, $0x38;
	[tilespmem:$0x1BE00] =	vst v63  }
0x44: {  	s17 =	rddreg [dreg:$0x12];
	s16 =	simm.s32 $0x400  }
0x45: {  	[tilespmem:s16], [sflag:$0x3] =	stream.linear.gather [hbm4b:s17+s3], $0x50, $0x38;
	[tilespmem:$0x1BE00] =	vst v63  }
0x46: {  	s18 =	rddreg [dreg:$0x13];
	s12 =	simm.s32 $0x180  }
0x47: {  	[tilespmem:s12], [sflag:$0x4] =	stream.linear.gather [hbm4b:s18+s3], $0x50, $0x38;
	[tilespmem:$0x1BE00] =	vst v63  }
0x48: {  	s10 =	rddreg [dreg:$0x14];
	s17 =	simm.s32 $0x480  }
0x49: {  	[tilespmem:s17], [sflag:$0x4] =	stream.linear.gather [hbm4b:s10+s3], $0x50, $0x38;
	[tilespmem:$0x1BE00] =	vst v63  }
0x4a: {  	s18 =	rddreg [dreg:$0x15];
	s10 =	simm.s32 $0x200  }
0x4b: {  	[tilespmem:s10], [sflag:$0x5] =	stream.linear.gather [hbm4b:s18+s3], $0x50, $0x38;
	[tilespmem:$0x1BE00] =	vst v63  }
0x4c: {  	s10 =	rddreg [dreg:$0x16];
	s18 =	simm.s32 $0x500  }
0x4d: {  	[tilespmem:s18], [sflag:$0x5] =	stream.linear.gather [hbm4b:s10+s3], $0x50, $0x38;
	[tilespmem:$0x1BE00] =	vst v63  }
0x4e: {  	s10 =	rddreg [dreg:$0x17]  }
0x4f: {  	[tilespmem:s19], [sflag:$0x6] =	stream.linear.gather [hbm4b:s10+s3], $0x50, $0x38;
	[tilespmem:$0x1BE00] =	vst v63  }
0x50: {  	s18 =	rddreg [dreg:$0x18]  }
0x51: {  	[tilespmem:s20], [sflag:$0x6] =	stream.linear.gather [hbm4b:s18+s3], $0x50, $0x38;
	[tilespmem:$0x1BE00] =	vst v63  }
0x52: {  	_ =	swait.ge [sflag:s21], $0x50  }
0x53: {  	[sflag:s21] =	ssyncset.done $0x0  }
0x54: {  	[sflag:s21] =	ssyncadd.s32 $0xFFFFFFB0  }
0x55: {  	_ =	swait.ge [sflag:s21], $0x50  }
0x56: {  	[sflag:s21] =	ssyncset.done $0x0  }
0x57: {  	[sflag:s21] =	ssyncadd.s32 $0xFFFFFFB0  }
0x58: {  	[tilespmem:s23], [sflag:$0x7] =	stream.indirect.gather [hbm4b:s4+s22], $0x80, s3, s22, $0xb8;
	[tilespmem:$0x1BE00] =	vst v63  }
0x59: {  	_ =	swait.ge [sflag:s24], $0x50  }
0x5a: {  	[sflag:s24] =	ssyncset.done $0x0  }
0x5b: {  	[sflag:s24] =	ssyncadd.s32 $0xFFFFFFB0  }
0x5c: {  	_ =	swait.ge [sflag:s24], $0x50  }
0x5d: {  	[sflag:s24] =	ssyncset.done $0x0  }
0x5e: {  	s6 =	simm.s32 $0x80;
	[sflag:s24] =	ssyncadd.s32 $0xFFFFFFB0  }
0x5f: {  	[tilespmem:s25], [sflag:$0x8] =	stream.indirect.gather [hbm4b:s4+s22], $0x80, s6, s22, $0xb8;
	[tilespmem:$0x1BE00] =	vst v63  }
0x60: {  	_ =	swait.ge [sflag:s26], $0x50  }
0x61: {  	[sflag:s26] =	ssyncset.done $0x0  }
0x62: {  	[sflag:s26] =	ssyncadd.s32 $0xFFFFFFB0  }
0x63: {  	_ =	swait.ge [sflag:s26], $0x50  }
0x64: {  	[sflag:s26] =	ssyncset.done $0x0  }
0x65: {  	s10 =	simm.s32 $0xA;
	[sflag:s26] =	ssyncadd.s32 $0xFFFFFFB0  }
0x66: {  	[tilespmem:s28], [sflag:$0x9] =	stream.indirect.gather [hbm4b:s4+s22], $0x80, s15, s22, $0xb8;
	[tilespmem:$0x1BE00] =	vst v63  }
0x67: {  	_ =	swait.ge [sflag:s10], $0x2800  }
0x68: {  	[sflag:s10] =	ssyncset.done $0x0  }
0x69: {  	[sflag:s10] =	ssyncadd.s32 $0xFFFFD800  }
0x6a: {  	[bflag:$0x0] =	sbarrier.arrive $0xFFFF  }
0x6b: {  	_ =	swait.ge [sflag:s30], $0x2800  }
0x6c: {  	[sflag:s30] =	ssyncset.done $0x0  }
0x6d: {  	[sflag:s30] =	ssyncadd.s32 $0xFFFFD800  }
0x6e: {  	[spmem:s1] =	stream.indirect.scatter.add.f32 [tilespmem:s23], [sflag:$0xB], $0x80, s8, s22, $0xb8;
	[tilespmem:$0x1BE00] =	vst v63  }
0x6f: {  	_ =	swait.ge [sflag:s31], $0x2800  }
0x70: {  	s10 =	sld [smem:$0x7FB];
	_ =	sdelay $0x2  }
0x71: {  	[sflag:s31] =	ssyncset.done $0x0;
	s5 =	sshrl.u32 s10, $0x3  }
0x72: {  	[sflag:s31] =	ssyncadd.s32 $0xFFFFD800;
	s6 =	sadd.s32 s11, s5  }
0x73: {  	[tilespmem:s3], [sflag:$0x1] =	stream.linear.gather [hbm4b:s6+s3], $0x50, $0x38;
	[tilespmem:$0x1BE00] =	vst v63  }
0x74: {  	s5 =	sadd.s32 s13, s5  }
0x75: {  	[tilespmem:s8], [sflag:$0x1] =	stream.linear.gather [hbm4b:s5+s3], $0x50, $0x38;
	[tilespmem:$0x1BE00] =	vst v63  }
0x76: {  	_ =	swait.ge [sflag:s0], $0x50  }
0x77: {  	[sflag:s0] =	ssyncset.done $0x0  }
0x78: {  	[sflag:s0] =	ssyncadd.s32 $0xFFFFFFB0  }
0x79: {  	_ =	swait.ge [sflag:s0], $0x50  }
0x7a: {  	[sflag:s0] =	ssyncset.done $0x0  }
0x7b: {  	[sflag:s0] =	ssyncadd.s32 $0xFFFFFFB0  }
0x7c: {  	[tilespmem:s23], [sflag:$0x7] =	stream.indirect.gather [hbm4b:s4+s22], $0x80, s12, s22, $0xb8;
	[tilespmem:$0x1BE00] =	vst v63  }
0x7d: {  	_ =	swait.ge [sflag:s7], $0x2800  }
0x7e: {  	[sflag:s7] =	ssyncset.done $0x0  }
0x7f: {  	[sflag:s7] =	ssyncadd.s32 $0xFFFFD800  }
0x80: {  	[spmem:s1] =	stream.indirect.scatter.add.f32 [tilespmem:s25], [sflag:$0xB], $0x80, s14, s22, $0xb8;
	[tilespmem:$0x1BE00] =	vst v63  }
0x81: {  	_ =	swait.ge [sflag:s31], $0x2800  }
0x82: {  	s18 =	simm.s32 $0x80;
	s6 =	rddreg [dreg:$0xc];
	[sflag:s31] =	ssyncset.done $0x0  }
0x83: {  	s8 =	rddreg [dreg:$0xb];
	[sflag:s31] =	ssyncadd.s32 $0xFFFFD800;
	s5 =	sadd.s32 $0x0, s6  }
0x84: {  	[tilespmem:s18], [sflag:$0x2] =	stream.linear.gather [hbm4b:s5+s3], $0x50, $0x38;
	[tilespmem:$0x1BE00] =	vst v63  }
0x85: {  	s8 =	sadd.s32 $0x0, s8  }
0x86: {  	[tilespmem:s14], [sflag:$0x2] =	stream.linear.gather [hbm4b:s8+s3], $0x50, $0x38;
	[tilespmem:$0x1BE00] =	vst v63  }
0x87: {  	_ =	swait.ge [sflag:s9], $0x50  }
0x88: {  	[sflag:s9] =	ssyncset.done $0x0  }
0x89: {  	[sflag:s9] =	ssyncadd.s32 $0xFFFFFFB0  }
0x8a: {  	_ =	swait.ge [sflag:s9], $0x50  }
0x8b: {  	[sflag:s9] =	ssyncset.done $0x0  }
0x8c: {  	s14 =	simm.s32 $0x200;
	[sflag:s9] =	ssyncadd.s32 $0xFFFFFFB0  }
0x8d: {  	[tilespmem:s25], [sflag:$0x8] =	stream.indirect.gather [hbm4b:s4+s22], $0x80, s14, s22, $0xb8;
	[tilespmem:$0x1BE00] =	vst v63  }
0x8e: {  	_ =	swait.ge [sflag:s2], $0x2800  }
0x8f: {  	[sflag:s2] =	ssyncset.done $0x0  }
0x90: {  	[sflag:s2] =	ssyncadd.s32 $0xFFFFD800  }
0x91: {  	[spmem:s1] =	stream.indirect.scatter.add.f32 [tilespmem:s28], [sflag:$0xB], $0x80, s16, s22, $0xb8;
	[tilespmem:$0x1BE00] =	vst v63  }
0x92: {  	_ =	swait.ge [sflag:s31], $0x2800  }
0x93: {  	s6 =	rddreg [dreg:$0xa];
	[sflag:s31] =	ssyncset.done $0x0  }
0x94: {  	s14 =	rddreg [dreg:$0x9];
	[sflag:s31] =	ssyncadd.s32 $0xFFFFD800;
	s5 =	sadd.s32 $0x0, s6  }
0x95: {  	[tilespmem:s15], [sflag:$0x3] =	stream.linear.gather [hbm4b:s5+s3], $0x50, $0x38;
	[tilespmem:$0x1BE00] =	vst v63  }
0x96: {  	s6 =	sadd.s32 $0x0, s14  }
0x97: {  	[tilespmem:s16], [sflag:$0x3] =	stream.linear.gather [hbm4b:s6+s3], $0x50, $0x38;
	[tilespmem:$0x1BE00] =	vst v63  }
0x98: {  	_ =	swait.ge [sflag:s29], $0x50  }
0x99: {  	[sflag:s29] =	ssyncset.done $0x0  }
0x9a: {  	[sflag:s29] =	ssyncadd.s32 $0xFFFFFFB0  }
0x9b: {  	_ =	swait.ge [sflag:s29], $0x50  }
0x9c: {  	[sflag:s29] =	ssyncset.done $0x0  }
0x9d: {  	[sflag:s29] =	ssyncadd.s32 $0xFFFFFFB0  }
0x9e: {  	[tilespmem:s28], [sflag:$0x9] =	stream.indirect.gather [hbm4b:s4+s22], $0x80, s19, s22, $0xb8;
	[tilespmem:$0x1BE00] =	vst v63  }
0x9f: {  	_ =	swait.ge [sflag:s30], $0x2800  }
0xa0: {  	[sflag:s30] =	ssyncset.done $0x0  }
0xa1: {  	[sflag:s30] =	ssyncadd.s32 $0xFFFFD800  }
0xa2: {  	[spmem:s1] =	stream.indirect.scatter.add.f32 [tilespmem:s23], [sflag:$0xB], $0x80, s17, s22, $0xb8;
	[tilespmem:$0x1BE00] =	vst v63  }
0xa3: {  	_ =	swait.ge [sflag:s31], $0x2800  }
0xa4: {  	s14 =	rddreg [dreg:$0x8];
	[sflag:s31] =	ssyncset.done $0x0  }
0xa5: {  	s15 =	rddreg [dreg:$0x7];
	[sflag:s31] =	ssyncadd.s32 $0xFFFFD800;
	s5 =	sadd.s32 $0x0, s14  }
0xa6: {  	[tilespmem:s12], [sflag:$0x4] =	stream.linear.gather [hbm4b:s5+s3], $0x50, $0x38;
	[tilespmem:$0x1BE00] =	vst v63  }
0xa7: {  	s16 =	sadd.s32 $0x0, s15  }
0xa8: {  	[tilespmem:s17], [sflag:$0x4] =	stream.linear.gather [hbm4b:s16+s3], $0x50, $0x38;
	[tilespmem:$0x1BE00] =	vst v63  }
0xa9: {  	_ =	swait.ge [sflag:s21], $0x50  }
0xaa: {  	[sflag:s21] =	ssyncset.done $0x0  }
0xab: {  	[sflag:s21] =	ssyncadd.s32 $0xFFFFFFB0  }
0xac: {  	_ =	swait.ge [sflag:s21], $0x50  }
0xad: {  	[sflag:s21] =	ssyncset.done $0x0  }
0xae: {  	[sflag:s21] =	ssyncadd.s32 $0xFFFFFFB0  }
0xaf: {  	[tilespmem:s23], [sflag:$0x7] =	stream.indirect.gather [hbm4b:s4+s22], $0x80, s3, s22, $0xb8;
	[tilespmem:$0x1BE00] =	vst v63  }
0xb0: {  	_ =	swait.ge [sflag:s7], $0x2800  }
0xb1: {  	[sflag:s7] =	ssyncset.done $0x0  }
0xb2: {  	s17 =	simm.s32 $0x500;
	[sflag:s7] =	ssyncadd.s32 $0xFFFFD800  }
0xb3: {  	[spmem:s1] =	stream.indirect.scatter.add.f32 [tilespmem:s25], [sflag:$0xB], $0x80, s17, s22, $0xb8;
	[tilespmem:$0x1BE00] =	vst v63  }
0xb4: {  	_ =	swait.ge [sflag:s31], $0x2800  }
0xb5: {  	s8 =	simm.s32 $0x200;
	s6 =	rddreg [dreg:$0x6];
	[sflag:s31] =	ssyncset.done $0x0  }
0xb6: {  	s14 =	rddreg [dreg:$0x5];
	[sflag:s31] =	ssyncadd.s32 $0xFFFFD800;
	s5 =	sadd.s32 $0x0, s6  }
0xb7: {  	[tilespmem:s8], [sflag:$0x5] =	stream.linear.gather [hbm4b:s5+s3], $0x50, $0x38;
	[tilespmem:$0x1BE00] =	vst v63  }
0xb8: {  	s15 =	sadd.s32 $0x0, s14  }
0xb9: {  	[tilespmem:s17], [sflag:$0x5] =	stream.linear.gather [hbm4b:s15+s3], $0x50, $0x38;
	[tilespmem:$0x1BE00] =	vst v63  }
0xba: {  	_ =	swait.ge [sflag:s24], $0x50  }
0xbb: {  	[sflag:s24] =	ssyncset.done $0x0  }
0xbc: {  	[sflag:s24] =	ssyncadd.s32 $0xFFFFFFB0  }
0xbd: {  	_ =	swait.ge [sflag:s24], $0x50  }
0xbe: {  	[sflag:s24] =	ssyncset.done $0x0  }
0xbf: {  	s18 =	simm.s32 $0x80;
	[sflag:s24] =	ssyncadd.s32 $0xFFFFFFB0  }
0xc0: {  	[tilespmem:s25], [sflag:$0x8] =	stream.indirect.gather [hbm4b:s4+s22], $0x80, s18, s22, $0xb8;
	[tilespmem:$0x1BE00] =	vst v63  }
0xc1: {  	_ =	swait.ge [sflag:s2], $0x2800  }
0xc2: {  	[sflag:s2] =	ssyncset.done $0x0  }
0xc3: {  	[sflag:s2] =	ssyncadd.s32 $0xFFFFD800  }
0xc4: {  	[spmem:s1] =	stream.indirect.scatter.add.f32 [tilespmem:s28], [sflag:$0xB], $0x80, s20, s22, $0xb8;
	[tilespmem:$0x1BE00] =	vst v63  }
0xc5: {  	_ =	swait.ge [sflag:s31], $0x2800  }
0xc6: {  	s16 =	rddreg [dreg:$0x4];
	[sflag:s31] =	ssyncset.done $0x0  }
0xc7: {  	s17 =	rddreg [dreg:$0x3];
	[sflag:s31] =	ssyncadd.s32 $0xFFFFD800;
	s5 =	sadd.s32 $0x0, s16  }
0xc8: {  	[tilespmem:s19], [sflag:$0x6] =	stream.linear.gather [hbm4b:s5+s3], $0x50, $0x38;
	[tilespmem:$0x1BE00] =	vst v63  }
0xc9: {  	s18 =	sadd.s32 $0x0, s17  }
0xca: {  	[tilespmem:s20], [sflag:$0x6] =	stream.linear.gather [hbm4b:s18+s3], $0x50, $0x38;
	[tilespmem:$0x1BE00] =	vst v63  }
0xcb: {  	_ =	swait.ge [sflag:s26], $0x50  }
0xcc: {  	[sflag:s26] =	ssyncset.done $0x0  }
0xcd: {  	[sflag:s26] =	ssyncadd.s32 $0xFFFFFFB0  }
0xce: {  	_ =	swait.ge [sflag:s26], $0x50  }
0xcf: {  	[sflag:s26] =	ssyncset.done $0x0  }
0xd0: {  	s8 =	simm.s32 $0x3C;
	s5 =	sadd.s32 $0x1E0, s10;
	[sflag:s26] =	ssyncadd.s32 $0xFFFFFFB0  }
.LBB2_2:
0xd1: {  	s16 =	simm.s32 $0x100  }
0xd2: {  	[tilespmem:s28], [sflag:$0x9] =	stream.indirect.gather [hbm4b:s4+s22], $0x80, s16, s22, $0xb8;
	[tilespmem:$0x1BE00] =	vst v63  }
0xd3: {  	_ =	swait.ge [sflag:s30], $0x2800  }
0xd4: {  	[sflag:s30] =	ssyncset.done $0x0  }
0xd5: {  	s14 =	simm.s32 $0x300;
	[sflag:s30] =	ssyncadd.s32 $0xFFFFD800  }
0xd6: {  	[spmem:s1] =	stream.indirect.scatter.add.f32 [tilespmem:s23], [sflag:$0xB], $0x80, s14, s22, $0xb8;
	[tilespmem:$0x1BE00] =	vst v63  }
0xd7: {  	_ =	swait.ge [sflag:s31], $0x2800  }
0xd8: {  	s10 =	sshrl.u32 s5, $0x3;
	[sflag:s31] =	ssyncset.done $0x0  }
0xd9: {  	s18 =	sadd.s32 s11, s10;
	[sflag:s31] =	ssyncadd.s32 $0xFFFFD800  }
0xda: {  	[tilespmem:s3], [sflag:$0x1] =	stream.linear.gather [hbm4b:s18+s3], $0x50, $0x38;
	[tilespmem:$0x1BE00] =	vst v63  }
0xdb: {  	s10 =	sadd.s32 s13, s10  }
0xdc: {  	[tilespmem:s14], [sflag:$0x1] =	stream.linear.gather [hbm4b:s10+s3], $0x50, $0x38;
	[tilespmem:$0x1BE00] =	vst v63  }
0xdd: {  	_ =	swait.ge [sflag:s0], $0x50  }
0xde: {  	[sflag:s0] =	ssyncset.done $0x0  }
0xdf: {  	[sflag:s0] =	ssyncadd.s32 $0xFFFFFFB0  }
0xe0: {  	_ =	swait.ge [sflag:s0], $0x50  }
0xe1: {  	[sflag:s0] =	ssyncset.done $0x0  }
0xe2: {  	s17 =	simm.s32 $0x180;
	[sflag:s0] =	ssyncadd.s32 $0xFFFFFFB0  }
0xe3: {  	[tilespmem:s23], [sflag:$0x7] =	stream.indirect.gather [hbm4b:s4+s22], $0x80, s17, s22, $0xb8;
	[tilespmem:$0x1BE00] =	vst v63  }
0xe4: {  	_ =	swait.ge [sflag:s7], $0x2800  }
0xe5: {  	[sflag:s7] =	ssyncset.done $0x0  }
0xe6: {  	s15 =	simm.s32 $0x380;
	[sflag:s7] =	ssyncadd.s32 $0xFFFFD800  }
0xe7: {  	[spmem:s1] =	stream.indirect.scatter.add.f32 [tilespmem:s25], [sflag:$0xB], $0x80, s15, s22, $0xb8;
	[tilespmem:$0x1BE00] =	vst v63  }
0xe8: {  	_ =	swait.ge [sflag:s31], $0x2800  }
0xe9: {  	s14 =	rddreg [dreg:$0xc]  }
0xea: {  	s6 =	smov.u32 s8;
	[sflag:s31] =	ssyncset.done $0x0;
	s18 =	rddreg [dreg:$0xb]  }
0xeb: {  	[sflag:s31] =	ssyncadd.s32 $0xFFFFD800;
	s10 =	sadd.s32 s6, s14;
	s14 =	simm.s32 $0x80  }
0xec: {  	[tilespmem:s14], [sflag:$0x2] =	stream.linear.gather [hbm4b:s10+s3], $0x50, $0x38;
	[tilespmem:$0x1BE00] =	vst v63  }
0xed: {  	s12 =	smov.u32 s11;
	s11 =	sadd.s32 s6, s18  }
0xee: {  	[tilespmem:s15], [sflag:$0x2] =	stream.linear.gather [hbm4b:s11+s3], $0x50, $0x38;
	[tilespmem:$0x1BE00] =	vst v63  }
0xef: {  	_ =	swait.ge [sflag:s9], $0x50  }
0xf0: {  	[sflag:s9] =	ssyncset.done $0x0  }
0xf1: {  	[sflag:s9] =	ssyncadd.s32 $0xFFFFFFB0  }
0xf2: {  	_ =	swait.ge [sflag:s9], $0x50  }
0xf3: {  	[sflag:s9] =	ssyncset.done $0x0  }
0xf4: {  	s18 =	simm.s32 $0x200;
	[sflag:s9] =	ssyncadd.s32 $0xFFFFFFB0  }
0xf5: {  	[tilespmem:s25], [sflag:$0x8] =	stream.indirect.gather [hbm4b:s4+s22], $0x80, s18, s22, $0xb8;
	[tilespmem:$0x1BE00] =	vst v63  }
0xf6: {  	_ =	swait.ge [sflag:s2], $0x2800  }
0xf7: {  	[sflag:s2] =	ssyncset.done $0x0  }
0xf8: {  	s15 =	simm.s32 $0x400;
	[sflag:s2] =	ssyncadd.s32 $0xFFFFD800  }
0xf9: {  	[spmem:s1] =	stream.indirect.scatter.add.f32 [tilespmem:s28], [sflag:$0xB], $0x80, s15, s22, $0xb8;
	[tilespmem:$0x1BE00] =	vst v63  }
0xfa: {  	_ =	swait.ge [sflag:s31], $0x2800  }
0xfb: {  	s10 =	rddreg [dreg:$0xa];
	[sflag:s31] =	ssyncset.done $0x0  }
0xfc: {  	s11 =	rddreg [dreg:$0x9];
	[sflag:s31] =	ssyncadd.s32 $0xFFFFD800;
	s10 =	sadd.s32 s6, s10  }
0xfd: {  	[tilespmem:s16], [sflag:$0x3] =	stream.linear.gather [hbm4b:s10+s3], $0x50, $0x38;
	[tilespmem:$0x1BE00] =	vst v63  }
0xfe: {  	s16 =	sadd.s32 s6, s11  }
0xff: {  	[tilespmem:s15], [sflag:$0x3] =	stream.linear.gather [hbm4b:s16+s3], $0x50, $0x38;
	[tilespmem:$0x1BE00] =	vst v63  }
0x100: {  	_ =	swait.ge [sflag:s29], $0x50  }
0x101: {  	[sflag:s29] =	ssyncset.done $0x0  }
0x102: {  	[sflag:s29] =	ssyncadd.s32 $0xFFFFFFB0  }
0x103: {  	_ =	swait.ge [sflag:s29], $0x50  }
0x104: {  	[sflag:s29] =	ssyncset.done $0x0  }
0x105: {  	[sflag:s29] =	ssyncadd.s32 $0xFFFFFFB0  }
0x106: {  	[tilespmem:s28], [sflag:$0x9] =	stream.indirect.gather [hbm4b:s4+s22], $0x80, s19, s22, $0xb8;
	[tilespmem:$0x1BE00] =	vst v63  }
0x107: {  	_ =	swait.ge [sflag:s30], $0x2800  }
0x108: {  	[sflag:s30] =	ssyncset.done $0x0  }
0x109: {  	s15 =	simm.s32 $0x480;
	[sflag:s30] =	ssyncadd.s32 $0xFFFFD800  }
0x10a: {  	[spmem:s1] =	stream.indirect.scatter.add.f32 [tilespmem:s23], [sflag:$0xB], $0x80, s15, s22, $0xb8;
	[tilespmem:$0x1BE00] =	vst v63  }
0x10b: {  	_ =	swait.ge [sflag:s31], $0x2800  }
0x10c: {  	s11 =	rddreg [dreg:$0x8];
	[sflag:s31] =	ssyncset.done $0x0  }
0x10d: {  	s16 =	rddreg [dreg:$0x7];
	[sflag:s31] =	ssyncadd.s32 $0xFFFFD800;
	s10 =	sadd.s32 s6, s11  }
0x10e: {  	[tilespmem:s17], [sflag:$0x4] =	stream.linear.gather [hbm4b:s10+s3], $0x50, $0x38;
	[tilespmem:$0x1BE00] =	vst v63  }
0x10f: {  	s11 =	sadd.s32 s6, s16  }
0x110: {  	[tilespmem:s15], [sflag:$0x4] =	stream.linear.gather [hbm4b:s11+s3], $0x50, $0x38;
	[tilespmem:$0x1BE00] =	vst v63  }
0x111: {  	_ =	swait.ge [sflag:s21], $0x50  }
0x112: {  	[sflag:s21] =	ssyncset.done $0x0  }
0x113: {  	[sflag:s21] =	ssyncadd.s32 $0xFFFFFFB0  }
0x114: {  	_ =	swait.ge [sflag:s21], $0x50  }
0x115: {  	[sflag:s21] =	ssyncset.done $0x0  }
0x116: {  	[sflag:s21] =	ssyncadd.s32 $0xFFFFFFB0  }
0x117: {  	[tilespmem:s23], [sflag:$0x7] =	stream.indirect.gather [hbm4b:s4+s22], $0x80, s3, s22, $0xb8;
	[tilespmem:$0x1BE00] =	vst v63  }
0x118: {  	_ =	swait.ge [sflag:s7], $0x2800  }
0x119: {  	[sflag:s7] =	ssyncset.done $0x0  }
0x11a: {  	s15 =	simm.s32 $0x500;
	[sflag:s7] =	ssyncadd.s32 $0xFFFFD800  }
0x11b: {  	[spmem:s1] =	stream.indirect.scatter.add.f32 [tilespmem:s25], [sflag:$0xB], $0x80, s15, s22, $0xb8;
	[tilespmem:$0x1BE00] =	vst v63  }
0x11c: {  	_ =	swait.ge [sflag:s31], $0x2800  }
0x11d: {  	s16 =	rddreg [dreg:$0x6];
	[sflag:s31] =	ssyncset.done $0x0  }
0x11e: {  	s17 =	rddreg [dreg:$0x5];
	[sflag:s31] =	ssyncadd.s32 $0xFFFFD800;
	s10 =	sadd.s32 s6, s16  }
0x11f: {  	[tilespmem:s18], [sflag:$0x5] =	stream.linear.gather [hbm4b:s10+s3], $0x50, $0x38;
	[tilespmem:$0x1BE00] =	vst v63  }
0x120: {  	s16 =	sadd.s32 s6, s17  }
0x121: {  	[tilespmem:s15], [sflag:$0x5] =	stream.linear.gather [hbm4b:s16+s3], $0x50, $0x38;
	[tilespmem:$0x1BE00] =	vst v63  }
0x122: {  	_ =	swait.ge [sflag:s24], $0x50  }
0x123: {  	[sflag:s24] =	ssyncset.done $0x0  }
0x124: {  	[sflag:s24] =	ssyncadd.s32 $0xFFFFFFB0  }
0x125: {  	_ =	swait.ge [sflag:s24], $0x50  }
0x126: {  	[sflag:s24] =	ssyncset.done $0x0  }
0x127: {  	[sflag:s24] =	ssyncadd.s32 $0xFFFFFFB0  }
0x128: {  	[tilespmem:s25], [sflag:$0x8] =	stream.indirect.gather [hbm4b:s4+s22], $0x80, s14, s22, $0xb8;
	[tilespmem:$0x1BE00] =	vst v63  }
0x129: {  	_ =	swait.ge [sflag:s2], $0x2800  }
0x12a: {  	[sflag:s2] =	ssyncset.done $0x0  }
0x12b: {  	[sflag:s2] =	ssyncadd.s32 $0xFFFFD800  }
0x12c: {  	[spmem:s1] =	stream.indirect.scatter.add.f32 [tilespmem:s28], [sflag:$0xB], $0x80, s20, s22, $0xb8;
	[tilespmem:$0x1BE00] =	vst v63  }
0x12d: {  	_ =	swait.ge [sflag:s31], $0x2800  }
0x12e: {  	s17 =	rddreg [dreg:$0x4];
	[sflag:s31] =	ssyncset.done $0x0  }
0x12f: {  	s18 =	rddreg [dreg:$0x3];
	[sflag:s31] =	ssyncadd.s32 $0xFFFFD800;
	s10 =	sadd.s32 s6, s17  }
0x130: {  	[tilespmem:s19], [sflag:$0x6] =	stream.linear.gather [hbm4b:s10+s3], $0x50, $0x38;
	[tilespmem:$0x1BE00] =	vst v63  }
0x131: {  	s6 =	sadd.s32 s6, s18  }
0x132: {  	[tilespmem:s20], [sflag:$0x6] =	stream.linear.gather [hbm4b:s6+s3], $0x50, $0x38;
	[tilespmem:$0x1BE00] =	vst v63  }
0x133: {  	p0 =	sne.s32 s8, $0x438;
	_ =	swait.ge [sflag:s26], $0x50  }
.Ltmp0:
0x134: {  	[sflag:s26] =	ssyncset.done $0x0;
	(pc) =	sbr.rel @p0 .LBB2_2-.Ltmp0, $4  }
0x135: {  	[sflag:s26] =	ssyncadd.s32 $0xFFFFFFB0  }
0x136: {  	_ =	swait.ge [sflag:s26], $0x50  }
0x137: {  	s8 =	sadd.s32 $0x3C, s8;
	[sflag:s26] =	ssyncset.done $0x0  }
0x138: {  	s5 =	sadd.s32 $0x1E0, s5;
	s11 =	smov.u32 s12;
	[sflag:s26] =	ssyncadd.s32 $0xFFFFFFB0  }
0x139: {  	s12 =	simm.s32 $0x100  }
0x13a: {  	[tilespmem:s28], [sflag:$0x9] =	stream.indirect.gather [hbm4b:s4+s22], $0x80, s12, s22, $0xb8;
	[tilespmem:$0x1BE00] =	vst v63  }
0x13b: {  	_ =	swait.ge [sflag:s30], $0x2800  }
0x13c: {  	[sflag:s30] =	ssyncset.done $0x0  }
0x13d: {  	s6 =	simm.s32 $0x300;
	[sflag:s30] =	ssyncadd.s32 $0xFFFFD800  }
0x13e: {  	[spmem:s1] =	stream.indirect.scatter.add.f32 [tilespmem:s23], [sflag:$0xB], $0x80, s6, s22, $0xb8;
	[tilespmem:$0x1BE00] =	vst v63  }
0x13f: {  	_ =	swait.ge [sflag:s31], $0x2800  }
0x140: {  	[sflag:s31] =	ssyncset.done $0x0  }
0x141: {  	s5 =	rddreg [dreg:$0x19];
	[sflag:s31] =	ssyncadd.s32 $0xFFFFD800  }
0x142: {  	[tilespmem:s3], [sflag:$0x1] =	stream.linear.gather [hbm4b:s5+s3], $0x50, $0x38;
	[tilespmem:$0x1BE00] =	vst v63  }
0x143: {  	s15 =	rddreg [dreg:$0x1a]  }
0x144: {  	[tilespmem:s6], [sflag:$0x1] =	stream.linear.gather [hbm4b:s15+s3], $0x50, $0x38;
	[tilespmem:$0x1BE00] =	vst v63  }
0x145: {  	_ =	swait.ge [sflag:s0], $0x50  }
0x146: {  	[sflag:s0] =	ssyncset.done $0x0  }
0x147: {  	[sflag:s0] =	ssyncadd.s32 $0xFFFFFFB0  }
0x148: {  	_ =	swait.ge [sflag:s0], $0x50  }
0x149: {  	[sflag:s0] =	ssyncset.done $0x0  }
0x14a: {  	s15 =	simm.s32 $0x180;
	[sflag:s0] =	ssyncadd.s32 $0xFFFFFFB0  }
0x14b: {  	[tilespmem:s23], [sflag:$0x7] =	stream.indirect.gather [hbm4b:s4+s22], $0x80, s15, s22, $0xb8;
	[tilespmem:$0x1BE00] =	vst v63  }
0x14c: {  	_ =	swait.ge [sflag:s7], $0x2800  }
0x14d: {  	[sflag:s7] =	ssyncset.done $0x0  }
0x14e: {  	s10 =	simm.s32 $0x380;
	[sflag:s7] =	ssyncadd.s32 $0xFFFFD800  }
0x14f: {  	[spmem:s1] =	stream.indirect.scatter.add.f32 [tilespmem:s25], [sflag:$0xB], $0x80, s10, s22, $0xb8;
	[tilespmem:$0x1BE00] =	vst v63  }
0x150: {  	_ =	swait.ge [sflag:s31], $0x2800  }
0x151: {  	[sflag:s31] =	ssyncset.done $0x0  }
0x152: {  	s8 =	simm.s32 $0x80;
	s16 =	rddreg [dreg:$0x1b];
	[sflag:s31] =	ssyncadd.s32 $0xFFFFD800  }
0x153: {  	[tilespmem:s8], [sflag:$0x2] =	stream.linear.gather [hbm4b:s16+s3], $0x50, $0x38;
	[tilespmem:$0x1BE00] =	vst v63  }
0x154: {  	s17 =	rddreg [dreg:$0x1c]  }
0x155: {  	[tilespmem:s10], [sflag:$0x2] =	stream.linear.gather [hbm4b:s17+s3], $0x50, $0x38;
	[tilespmem:$0x1BE00] =	vst v63  }
0x156: {  	_ =	swait.ge [sflag:s9], $0x50  }
0x157: {  	[sflag:s9] =	ssyncset.done $0x0  }
0x158: {  	[sflag:s9] =	ssyncadd.s32 $0xFFFFFFB0  }
0x159: {  	_ =	swait.ge [sflag:s9], $0x50  }
0x15a: {  	[sflag:s9] =	ssyncset.done $0x0  }
0x15b: {  	s17 =	simm.s32 $0x200;
	[sflag:s9] =	ssyncadd.s32 $0xFFFFFFB0  }
0x15c: {  	[tilespmem:s25], [sflag:$0x8] =	stream.indirect.gather [hbm4b:s4+s22], $0x80, s17, s22, $0xb8;
	[tilespmem:$0x1BE00] =	vst v63  }
0x15d: {  	_ =	swait.ge [sflag:s2], $0x2800  }
0x15e: {  	[sflag:s2] =	ssyncset.done $0x0  }
0x15f: {  	s14 =	simm.s32 $0x400;
	[sflag:s2] =	ssyncadd.s32 $0xFFFFD800  }
0x160: {  	[spmem:s1] =	stream.indirect.scatter.add.f32 [tilespmem:s28], [sflag:$0xB], $0x80, s14, s22, $0xb8;
	[tilespmem:$0x1BE00] =	vst v63  }
0x161: {  	_ =	swait.ge [sflag:s31], $0x2800  }
0x162: {  	[sflag:s31] =	ssyncset.done $0x0  }
0x163: {  	s18 =	rddreg [dreg:$0x1d];
	[sflag:s31] =	ssyncadd.s32 $0xFFFFD800  }
0x164: {  	[tilespmem:s12], [sflag:$0x3] =	stream.linear.gather [hbm4b:s18+s3], $0x50, $0x38;
	[tilespmem:$0x1BE00] =	vst v63  }
0x165: {  	s16 =	rddreg [dreg:$0x1e]  }
0x166: {  	[tilespmem:s14], [sflag:$0x3] =	stream.linear.gather [hbm4b:s16+s3], $0x50, $0x38;
	[tilespmem:$0x1BE00] =	vst v63  }
0x167: {  	_ =	swait.ge [sflag:s29], $0x50  }
0x168: {  	[sflag:s29] =	ssyncset.done $0x0  }
0x169: {  	[sflag:s29] =	ssyncadd.s32 $0xFFFFFFB0  }
0x16a: {  	_ =	swait.ge [sflag:s29], $0x50  }
0x16b: {  	[sflag:s29] =	ssyncset.done $0x0  }
0x16c: {  	[sflag:s29] =	ssyncadd.s32 $0xFFFFFFB0  }
0x16d: {  	[tilespmem:s28], [sflag:$0x9] =	stream.indirect.gather [hbm4b:s4+s22], $0x80, s19, s22, $0xb8;
	[tilespmem:$0x1BE00] =	vst v63  }
0x16e: {  	_ =	swait.ge [sflag:s30], $0x2800  }
0x16f: {  	[sflag:s30] =	ssyncset.done $0x0  }
0x170: {  	s16 =	simm.s32 $0x480;
	[sflag:s30] =	ssyncadd.s32 $0xFFFFD800  }
0x171: {  	[spmem:s1] =	stream.indirect.scatter.add.f32 [tilespmem:s23], [sflag:$0xB], $0x80, s16, s22, $0xb8;
	[tilespmem:$0x1BE00] =	vst v63  }
0x172: {  	_ =	swait.ge [sflag:s31], $0x2800  }
0x173: {  	s18 =	sld [smem:$0x7F5]  }
0x174: {  	[sflag:s31] =	ssyncset.done $0x0  }
0x175: {  	[sflag:s31] =	ssyncadd.s32 $0xFFFFD800  }
0x176: {  	[tilespmem:s15], [sflag:$0x4] =	stream.linear.gather [hbm4b:s18+s3], $0x50, $0x38;
	[tilespmem:$0x1BE00] =	vst v63  }
0x177: {  	s18 =	sld [smem:$0x7F6];
	_ =	sdelay $0x2  }
0x178: {  	[tilespmem:s16], [sflag:$0x4] =	stream.linear.gather [hbm4b:s18+s3], $0x50, $0x38;
	[tilespmem:$0x1BE00] =	vst v63  }
0x179: {  	_ =	swait.ge [sflag:s21], $0x50  }
0x17a: {  	[sflag:s21] =	ssyncset.done $0x0  }
0x17b: {  	[sflag:s21] =	ssyncadd.s32 $0xFFFFFFB0  }
0x17c: {  	_ =	swait.ge [sflag:s21], $0x50  }
0x17d: {  	[sflag:s21] =	ssyncset.done $0x0  }
0x17e: {  	[sflag:s21] =	ssyncadd.s32 $0xFFFFFFB0  }
0x17f: {  	[tilespmem:s23], [sflag:$0x7] =	stream.indirect.gather [hbm4b:s4+s22], $0x80, s3, s22, $0xb8;
	[tilespmem:$0x1BE00] =	vst v63  }
0x180: {  	_ =	swait.ge [sflag:s7], $0x2800  }
0x181: {  	[sflag:s7] =	ssyncset.done $0x0  }
0x182: {  	s18 =	simm.s32 $0x500;
	[sflag:s7] =	ssyncadd.s32 $0xFFFFD800  }
0x183: {  	[spmem:s1] =	stream.indirect.scatter.add.f32 [tilespmem:s25], [sflag:$0xB], $0x80, s18, s22, $0xb8;
	[tilespmem:$0x1BE00] =	vst v63  }
0x184: {  	_ =	swait.ge [sflag:s31], $0x2800  }
0x185: {  	s5 =	sld [smem:$0x7F7]  }
0x186: {  	[sflag:s31] =	ssyncset.done $0x0  }
0x187: {  	[sflag:s31] =	ssyncadd.s32 $0xFFFFD800  }
0x188: {  	[tilespmem:s17], [sflag:$0x5] =	stream.linear.gather [hbm4b:s5+s3], $0x50, $0x38;
	[tilespmem:$0x1BE00] =	vst v63  }
0x189: {  	s5 =	sld [smem:$0x7F8];
	_ =	sdelay $0x2  }
0x18a: {  	[tilespmem:s18], [sflag:$0x5] =	stream.linear.gather [hbm4b:s5+s3], $0x50, $0x38;
	[tilespmem:$0x1BE00] =	vst v63  }
0x18b: {  	_ =	swait.ge [sflag:s24], $0x50  }
0x18c: {  	[sflag:s24] =	ssyncset.done $0x0  }
0x18d: {  	[sflag:s24] =	ssyncadd.s32 $0xFFFFFFB0  }
0x18e: {  	_ =	swait.ge [sflag:s24], $0x50  }
0x18f: {  	[sflag:s24] =	ssyncset.done $0x0  }
0x190: {  	[sflag:s24] =	ssyncadd.s32 $0xFFFFFFB0  }
0x191: {  	[tilespmem:s25], [sflag:$0x8] =	stream.indirect.gather [hbm4b:s4+s22], $0x80, s8, s22, $0xb8;
	[tilespmem:$0x1BE00] =	vst v63  }
0x192: {  	_ =	swait.ge [sflag:s2], $0x2800  }
0x193: {  	[sflag:s2] =	ssyncset.done $0x0  }
0x194: {  	[sflag:s2] =	ssyncadd.s32 $0xFFFFD800  }
0x195: {  	[spmem:s1] =	stream.indirect.scatter.add.f32 [tilespmem:s28], [sflag:$0xB], $0x80, s20, s22, $0xb8;
	[tilespmem:$0x1BE00] =	vst v63  }
0x196: {  	_ =	swait.ge [sflag:s31], $0x2800  }
0x197: {  	[sflag:s31] =	ssyncset.done $0x0  }
0x198: {  	[sflag:s31] =	ssyncadd.s32 $0xFFFFD800  }
0x199: {  	_ =	swait.ge [sflag:s26], $0x50  }
0x19a: {  	[sflag:s26] =	ssyncset.done $0x0  }
0x19b: {  	[sflag:s26] =	ssyncadd.s32 $0xFFFFFFB0  }
0x19c: {  	_ =	swait.ge [sflag:s26], $0x50  }
0x19d: {  	[sflag:s26] =	ssyncset.done $0x0  }
0x19e: {  	[sflag:s26] =	ssyncadd.s32 $0xFFFFFFB0  }
0x19f: {  	[tilespmem:s28], [sflag:$0x9] =	stream.indirect.gather [hbm4b:s4+s22], $0x80, s12, s22, $0xb8;
	[tilespmem:$0x1BE00] =	vst v63  }
0x1a0: {  	_ =	swait.ge [sflag:s30], $0x2800  }
0x1a1: {  	[sflag:s30] =	ssyncset.done $0x0  }
0x1a2: {  	[sflag:s30] =	ssyncadd.s32 $0xFFFFD800  }
0x1a3: {  	[spmem:s1] =	stream.indirect.scatter.add.f32 [tilespmem:s23], [sflag:$0xB], $0x80, s6, s22, $0xb8;
	[tilespmem:$0x1BE00] =	vst v63  }
0x1a4: {  	_ =	swait.ge [sflag:s31], $0x2800  }
0x1a5: {  	[sflag:s31] =	ssyncset.done $0x0  }
0x1a6: {  	[sflag:s31] =	ssyncadd.s32 $0xFFFFD800  }
0x1a7: {  	_ =	swait.ge [sflag:s0], $0x50  }
0x1a8: {  	[sflag:s0] =	ssyncset.done $0x0  }
0x1a9: {  	[sflag:s0] =	ssyncadd.s32 $0xFFFFFFB0  }
0x1aa: {  	_ =	swait.ge [sflag:s0], $0x50  }
0x1ab: {  	[sflag:s0] =	ssyncset.done $0x0  }
0x1ac: {  	[sflag:s0] =	ssyncadd.s32 $0xFFFFFFB0  }
0x1ad: {  	[tilespmem:s23], [sflag:$0x7] =	stream.indirect.gather [hbm4b:s4+s22], $0x80, s15, s22, $0xb8;
	[tilespmem:$0x1BE00] =	vst v63  }
0x1ae: {  	_ =	swait.ge [sflag:s7], $0x2800  }
0x1af: {  	[sflag:s7] =	ssyncset.done $0x0  }
0x1b0: {  	[sflag:s7] =	ssyncadd.s32 $0xFFFFD800  }
0x1b1: {  	[spmem:s1] =	stream.indirect.scatter.add.f32 [tilespmem:s25], [sflag:$0xB], $0x80, s10, s22, $0xb8;
	[tilespmem:$0x1BE00] =	vst v63  }
0x1b2: {  	_ =	swait.ge [sflag:s31], $0x2800  }
0x1b3: {  	[sflag:s31] =	ssyncset.done $0x0  }
0x1b4: {  	[sflag:s31] =	ssyncadd.s32 $0xFFFFD800  }
0x1b5: {  	_ =	swait.ge [sflag:s9], $0x50  }
0x1b6: {  	[sflag:s9] =	ssyncset.done $0x0  }
0x1b7: {  	[sflag:s9] =	ssyncadd.s32 $0xFFFFFFB0  }
0x1b8: {  	_ =	swait.ge [sflag:s9], $0x50  }
0x1b9: {  	[sflag:s9] =	ssyncset.done $0x0  }
0x1ba: {  	[sflag:s9] =	ssyncadd.s32 $0xFFFFFFB0  }
0x1bb: {  	[tilespmem:s25], [sflag:$0x8] =	stream.indirect.gather [hbm4b:s4+s22], $0x80, s17, s22, $0xb8;
	[tilespmem:$0x1BE00] =	vst v63  }
0x1bc: {  	_ =	swait.ge [sflag:s2], $0x2800  }
0x1bd: {  	[sflag:s2] =	ssyncset.done $0x0  }
0x1be: {  	[sflag:s2] =	ssyncadd.s32 $0xFFFFD800  }
0x1bf: {  	[spmem:s1] =	stream.indirect.scatter.add.f32 [tilespmem:s28], [sflag:$0xB], $0x80, s14, s22, $0xb8;
	[tilespmem:$0x1BE00] =	vst v63  }
0x1c0: {  	_ =	swait.ge [sflag:s31], $0x2800  }
0x1c1: {  	[sflag:s31] =	ssyncset.done $0x0  }
0x1c2: {  	[sflag:s31] =	ssyncadd.s32 $0xFFFFD800  }
0x1c3: {  	_ =	swait.ge [sflag:s30], $0x2800  }
0x1c4: {  	[sflag:s30] =	ssyncset.done $0x0  }
0x1c5: {  	[sflag:s30] =	ssyncadd.s32 $0xFFFFD800  }
0x1c6: {  	[spmem:s1] =	stream.indirect.scatter.add.f32 [tilespmem:s23], [sflag:$0xB], $0x80, s16, s22, $0xb8;
	[tilespmem:$0x1BE00] =	vst v63  }
0x1c7: {  	_ =	swait.ge [sflag:s31], $0x2800  }
0x1c8: {  	[sflag:s31] =	ssyncset.done $0x0  }
0x1c9: {  	[sflag:s31] =	ssyncadd.s32 $0xFFFFD800  }
0x1ca: {  	_ =	swait.ge [sflag:s7], $0x2800  }
0x1cb: {  	[sflag:s7] =	ssyncset.done $0x0  }
0x1cc: {  	[sflag:s7] =	ssyncadd.s32 $0xFFFFD800  }
0x1cd: {  	[spmem:s1] =	stream.indirect.scatter.add.f32 [tilespmem:s25], [sflag:$0xB], $0x80, s18, s22, $0xb8;
	[tilespmem:$0x1BE00] =	vst v63  }
0x1ce: {  	_ =	swait.ge [sflag:s31], $0x2800  }
0x1cf: {  	[sflag:s31] =	ssyncset.done $0x0  }
0x1d0: {  	[sflag:s31] =	ssyncadd.s32 $0xFFFFD800  }
0x1d1: {  	[bflag:$0x0] =	sbarrier.arrive $0xFFFF  }
0x1d2: {  	s14 =	sld [smem:$0x7FC]  }
0x1d3: {  	s15 =	sld [smem:$0x7F9]  }
0x1d4: {  	s16 =	sld [smem:$0x7F3];
	_ =	sdelay $0x1  }
0x1d5: {  	s5 =	sor.u32 $0x1C0B, s14  }
0x1d6: {  	[hbm:s15], [sflag:s5] =	dma.local [spmem:s16], $0x2800  }
0x1d7: {  	_ =	swait.ge [sflag:s31], $0x2800  }
0x1d8: {  	s17 =	sld [smem:$0x7F2]  }
0x1d9: {  	s18 =	sld [smem:$0x7FA];
	_ =	sdelay $0x1  }
0x1da: {  	s6 =	sadd.s32 $0x1, s17  }
0x1db: {  	p0 =	sne.s32 s6, s18  }
.Ltmp1:
0x1dc: {  	_ = 	snop;
	(pc) =	sbr.rel @p0 .LBB2_1-.Ltmp1, $3  }
0x1dd: {  	_ =	sdelay $0x1  }
0x1de: {  	[sflag:s31] =	ssyncset.done $0x0  }
0x1df: {  	[sflag:s31] =	ssyncadd.s32 $0xFFFFD800  }
0x1e0: {  	_ =	sfence.sel $0x180000  }
0x1e1: {  	[bflag:$0x0] =	sbarrier.arrive $0xFFFF  }
0x1e2: {  	_ =	strace $0x9000004A  }
0x1e3: {  	s0 =	stileid.u32;
	[bflag:$0x2] =	sbarrier.arrive $0xFFFF  }
0x1e4: {  	p0 =	sne.s32 s0, $0x0;
	s0 =	rddreg [dreg:$0x2]  }
0x1e5: {  	s0 =	sadd.s32 @!p0 $0x100000, s0  }
0x1e6: {  	[sflag:s0] =	ssyncadd.tile.s32 @!p0 $0x1;
	_ =	shalt  }
.Lfunc_end2:
_tile_overlayer_lowered:
.L_overlay_start_2:
0x1e7: {  	(tag) =	ssettag $0x2  }
0x1e8: {  	s0 =	rddreg [dreg:$0x0];
	s2 =	stileid.u32  }
0x1e9: {  	s1 =	rddreg [dreg:$0x1];
	p0 =	sne.s32 s2, $0x0  }
0x1ea: {  	s3 =	rddreg [dreg:$0x2];
	[bflag:$0x3] =	sbarrier.arrive $0xFFFF;
	s2 =	simm.s32 @!p0 $0x1C0B  }
0x1eb: {  	[timem:s3], [sflag:s2] =	dma.local @!p0 [hbm:s0], s1  }
0x1ec: {  	s0 =	simm.s32 @!p0 $0xB  }
0x1ed: {  	_ =	swait.ge @!p0 [sflag:s0], s1  }
0x1ee: {  	s1 =	ssub.s32 @!p0 $0x0, s1;
	[sflag:s0] =	ssyncset.done @!p0 $0x0  }
0x1ef: {  	[sflag:s0] =	ssyncadd.s32 @!p0 s1  }
0x1f0: {  	[bflag:$0x3] =	sbarrier.arrive $0xFFFF  }
0x1f1: {  	_ =	shalt  }

// kernel: kernel.14.cloned.1.call-start
scs
__scs_entry_jumppad:
0x0: {  	(pc) =	sbr.rel $0x88, $3  }
0x1: {  	(tag) =	ssettag $0x0;
	lr =	simm.s32 $0x1  }
0x2: {  	[smem:$0x3F98] =	sst lr;
	_ =	strace $0xD0000000  }
0x3: {  	_ = 	snop  }
0x4: {  	_ = 	snop  }
0x5: {  	_ = 	snop  }
0x6: {  	_ = 	snop  }
0x7: {  	_ = 	snop  }
__scs_overlays_trampoline_lowered:
0x8: {  	[smem:$0x3FA7] =	sst s0  }
0x9: {  	[smem:$0x3FA8] =	sst s1  }
0xa: {  	[smem:$0x3FA9] =	sst s2  }
0xb: {  	[smem:$0x3FAA] =	sst s3  }
0xc: {  	[smem:$0x3FAB] =	sst s4  }
0xd: {  	[smem:$0x3FAC] =	sst s5  }
0xe: {  	[smem:$0x3FAD] =	sst s6  }
0xf: {  	[smem:$0x3FAE] =	sst s7  }
0x10: {  	[smem:$0x3FAF] =	sst s8  }
0x11: {  	[smem:$0x3FB0] =	sst s9;
	s0 =	simm.s32 @!p0 $0x0  }
0x12: {  	s1 =	sld [smem:$0x3F96];
	s0 =	simm.s32 @p0 $0x1  }
0x13: {  	[smem:$0x3FB1] =	sst s0;
	s0 =	simm.s32 @!p1 $0x0  }
0x14: {  	s2 =	sld [smem:$0x3F95];
	s0 =	simm.s32 @p1 $0x1  }
0x15: {  	[smem:$0x3FB2] =	sst s0;
	s0 =	simm.s32 @!p2 $0x0  }
0x16: {  	s3 =	sld [smem:$0x3FDB];
	s0 =	simm.s32 @p2 $0x1  }
0x17: {  	s4 =	simm.s32 $0x1BF5;
	[smem:$0x3FB4] =	sst s0  }
0x18: {  	s0 =	sld [smem:$0x3F97];
	_ =	swait.ge [sflag:s4], $0x0  }
0x19: {  	s7 =	sld [smem:$0x3F98]  }
0x1a: {  	s8 =	sadd.s32 $0xFFFFE003, lr  }
0x1b: {  	s9 =	sadd.s32 $0xFFFFFEF7, lr;
	s5 =	simm.s32 $0xFFFFFFFF;
	p2 =	slt.u32 s8, $0xFFFFF086  }
0x1c: {  	p1 =	slt.u32 s9, $0xF7A;
	s5 =	simm.s32 @!p2 $0x0  }
0x1d: {  	s5 =	simm.s32 @p1 $0x1;
	p0 =	seq.s32 s7, s2  }
0x1e: {  	s7 =	smul.u32 @!p0 $0xF7A, s2;
	p2 =	seq.s32 @!p0 s5, $0x0  }
0x1f: {  	s9 =	smul.u32 $0xF7A, s1;
	s8 =	simm.s32 @!p0 $0x1BF5;
	p2 =	por !p2, p0  }
0x20: {  	[sflag:s8] =	ssyncset.s32 @!p0 $0xFFFFF086;
	s6 =	sadd.s32 @!p0 s3, s7;
	s7 =	simm.s32 @!p0 $0x108  }
0x21: {  	s3 =	sadd.s32 s3, s9;
	s6 =	sadd.s32 @!p0 $0x88, s6;
	s7 =	simm.s32 @p2 $0x1082  }
0x22: {  	[simem:s7], [sflag:s8] =	dma.local @!p0 [hbm:s6], $0xF7A  }
0x23: {  	s9 =	sor.u32 $0xD0000000, s2;
	s6 =	simm.s32 $0x108;
	_ =	swait.ge @!p0 [sflag:s8], $0x0  }
0x24: {  	s3 =	sadd.s32 $0x88, s3;
	s6 =	simm.s32 @!p1 $0x1082;
	[sflag:s4] =	ssyncset.s32 $0xFFFFF086  }
0x25: {  	[simem:s6], [sflag:s4] =	dma.local [hbm:s3], $0xF7A  }
0x26: {  	[smem:$0x3F98] =	sst s1;
	(tag) =	ssettag s2;
	_ =	strace s9  }
0x27: {  	s1 =	sld [smem:$0x3FA8]  }
0x28: {  	s2 =	sld [smem:$0x3FA9]  }
0x29: {  	s4 =	sld [smem:$0x3FAB]  }
0x2a: {  	p0 =	seq.s32 s5, $0x0;
	s5 =	sld [smem:$0x3FAC]  }
0x2b: {  	s6 =	sld [smem:$0x3FAD]  }
0x2c: {  	s7 =	sld [smem:$0x3FAE]  }
0x2d: {  	s3 =	simm.s32 $0x108;
	s8 =	sld [smem:$0x3FAF]  }
0x2e: {  	s3 =	simm.s32 @!p0 $0x1082;
	s9 =	sld [smem:$0x3FB0]  }
0x2f: {  	lr =	sadd.s32 s0, s3;
	s0 =	sld [smem:$0x3FA7]  }
0x30: {  	s3 =	sld [smem:$0x3FAA]  }
0x31: {  	[smem:$0x3FB3] =	sst s10  }
0x32: {  	s10 =	sld [smem:$0x3FB1];
	_ =	sdelay $0x3  }
0x33: {  	p0 =	seq.s32 s10, $0x1;
	s10 =	sld [smem:$0x3FB3];
	_ =	sdelay $0x3  }
0x34: {  	[smem:$0x3FB3] =	sst s10  }
0x35: {  	s10 =	sld [smem:$0x3FB2];
	_ =	sdelay $0x3  }
0x36: {  	p1 =	seq.s32 s10, $0x1;
	s10 =	sld [smem:$0x3FB3];
	_ =	sdelay $0x3  }
0x37: {  	[smem:$0x3FB3] =	sst s10  }
0x38: {  	s10 =	sld [smem:$0x3FB4]  }
0x39: {  	_ = 	snop;
	(pc) =	sbr.ind lr, $3  }
0x3a: {  	_ = 	snop  }
0x3b: {  	_ = 	snop  }
0x3c: {  	p2 =	seq.s32 s10, $0x1;
	s10 =	sld [smem:$0x3FB3]  }
0x3d: {  	_ =	shalt  }
0x3e: {  	_ =	shalt  }
0x3f: {  	_ =	shalt  }
0x40: {  	_ =	shalt  }
0x41: {  	_ =	shalt  }
0x42: {  	_ =	shalt  }
0x43: {  	_ =	shalt  }
0x44: {  	_ =	shalt  }
0x45: {  	_ =	shalt  }
0x46: {  	_ =	shalt  }
0x47: {  	_ =	shalt  }
0x48: {  	_ =	shalt  }
0x49: {  	_ =	shalt  }
0x4a: {  	_ =	shalt  }
0x4b: {  	_ =	shalt  }
0x4c: {  	_ =	shalt  }
0x4d: {  	_ =	shalt  }
0x4e: {  	_ =	shalt  }
0x4f: {  	_ =	shalt  }
0x50: {  	_ =	shalt  }
0x51: {  	_ =	shalt  }
0x52: {  	_ =	shalt  }
0x53: {  	_ =	shalt  }
0x54: {  	_ =	shalt  }
0x55: {  	_ =	shalt  }
0x56: {  	_ =	shalt  }
0x57: {  	_ =	shalt  }
0x58: {  	_ =	shalt  }
0x59: {  	_ =	shalt  }
0x5a: {  	_ =	shalt  }
0x5b: {  	_ =	shalt  }
0x5c: {  	_ =	shalt  }
0x5d: {  	_ =	shalt  }
0x5e: {  	_ =	shalt  }
0x5f: {  	_ =	shalt  }
0x60: {  	_ =	shalt  }
0x61: {  	_ =	shalt  }
0x62: {  	_ =	shalt  }
0x63: {  	_ =	shalt  }
0x64: {  	_ =	shalt  }
0x65: {  	_ =	shalt  }
0x66: {  	_ =	shalt  }
0x67: {  	_ =	shalt  }
0x68: {  	_ =	shalt  }
0x69: {  	_ =	shalt  }
0x6a: {  	_ =	shalt  }
0x6b: {  	_ =	shalt  }
0x6c: {  	_ =	shalt  }
0x6d: {  	_ =	shalt  }
0x6e: {  	_ =	shalt  }
0x6f: {  	_ =	shalt  }
0x70: {  	_ =	shalt  }
0x71: {  	_ =	shalt  }
0x72: {  	_ =	shalt  }
0x73: {  	_ =	shalt  }
0x74: {  	_ =	shalt  }
0x75: {  	_ =	shalt  }
0x76: {  	_ =	shalt  }
0x77: {  	_ =	shalt  }
0x78: {  	_ =	shalt  }
0x79: {  	_ =	shalt  }
0x7a: {  	_ =	shalt  }
0x7b: {  	_ =	shalt  }
0x7c: {  	_ =	shalt  }
0x7d: {  	_ =	shalt  }
0x7e: {  	_ =	shalt  }
0x7f: {  	_ =	shalt  }
0x80: {  	_ =	shalt  }
0x81: {  	_ =	shalt  }
0x82: {  	_ =	shalt  }
0x83: {  	_ =	shalt  }
0x84: {  	_ =	shalt  }
0x85: {  	_ =	shalt  }
0x86: {  	_ =	shalt  }
0x87: {  	_ =	shalt  }
.Lfunc_end0:
.L_simem_size_0:
called_computation.2_lowered:
.L_overlay_start_0:
0x88: {  	s2 =	sld [smem:$0x3FD9]  }
0x89: {  	s3 =	sld [smem:$0x3FFE];
	_ =	sdelay $0x1  }
0x8a: {  	s1 =	srdreg.scid  }
0x8b: {  	s0 =	sand.u32 $0x1, s1  }
0x8c: {  	s16 =	sshll.u32 s0, $0xA;
	s2 =	sadd.s32 s3, s2  }
0x8d: {  	s2 =	sadd.s32 s2, s16  }
0x8e: {  	[smem:$0x3FBF] =	sst s2  }
0x8f: {  	_ = 	snop  }
0x90: {  	(tm) =	ssettm $0x1  }
0x91: {  	s17 =	sld [smem:$0x3FFB];
	_ =	sdelay $0x3  }
0x92: {  	_ =	strace s17  }
0x93: {  	s2 =	sld [smem:$0x3FFC];
	_ =	sdelay $0x3  }
0x94: {  	_ =	strace s2  }
0x95: {  	s2 =	sld [smem:$0x3FFD];
	_ =	sdelay $0x3  }
0x96: {  	_ =	strace s2  }
0x97: {  	_ =	strace $0x8FFFFFFF  }
0x98: {  	s18 =	sld [smem:$0x3FDB];
	_ =	sdelay $0x1  }
0x99: {  	s19 =	simm.s32 $_scs_section_size  }
0x9a: {  	s4 =	simm.s32 $_size__tile_overlayer_lowered;
	s5 =	simm.s32 $_tile_overlayer_lowered  }
0x9b: {  	s22 =	simm.s32 $0x1BFF;
	s21 =	sshll.u32 s5, $0x1;
	s2 =	sadd.s32 s19, s18  }
0x9c: {  	s6 =	simm.s32 $0x0;
	s20 =	sshll.u32 s4, $0x1;
	s4 =	sadd.s32 s21, s2  }
0x9d: {  	[timem:s6], [sflag:s22] =	dma.local [hbm:s4], s20  }
0x9e: {  	_ =	swait.ge [sflag:s22], s20  }
0x9f: {  	s3 =	ssub.s32 $0x0, s20;
	[sflag:s22] =	ssyncset.done $0x0  }
0xa0: {  	[sflag:s22] =	ssyncadd.s32 s3;
	_ =	sdelay $0x1  }
0xa1: {  	s23 =	simm.s32 $0x1B8B  }
0xa2: {  	_ =	swait.ge [sflag:s23], $0x1  }
0xa3: {  	[sflag:s23] =	ssyncset.done $0x0  }
0xa4: {  	s25 =	simm.s32 $0x1B8E;
	s24 =	sld [smem:$0x3FFE];
	[sflag:s23] =	ssyncadd.s32 $0xFFFFFFFF  }
0xa5: {  	s26 =	simm.s32 $execute0_lowered;
	[smem:$0x3FD2] =	sst s25  }
0xa6: {  	s4 =	sshll.u32 s26, $0x1;
	_ =	strace $0x8000004C;
	[dreg:$0x1] =	wrdreg $0xFFFFFFFF  }
0xa7: {  	s28 =	simm.s32 $_size_execute0_lowered;
	s2 =	sadd.s32 s2, s4;
	[dreg:$0x0] =	wrdreg $0x0  }
0xa8: {  	s4 =	sshll.u32 s28, $0x1;
	[dreg:$0x2] =	wrdreg s2  }
0xa9: {  	[dreg:$0x3] =	wrdreg s4  }
0xaa: {  	[dreg:$0x4] =	wrdreg $0xC0  }
0xab: {  	_ =	task [dreg:s6], $0x5FFFF  }
0xac: {  	[dreg:$0x1] =	wrdreg $0xFFFFFFFF  }
0xad: {  	[dreg:$0x0] =	wrdreg $0x60  }
0xae: {  	[dreg:$0x2] =	wrdreg s24  }
0xaf: {  	[dreg:$0x3] =	wrdreg $0x7E000  }
0xb0: {  	[dreg:$0x4] =	wrdreg $0x9  }
0xb1: {  	_ =	task.clear_ibuf [dreg:s6], $0x5FFFF;
	_ =	strace $0x9000004C  }
0xb2: {  	s29 =	simm.s32 $0x9;
	_ =	strace $0x8000004E  }
0xb3: {  	_ =	swait.ge [sflag:s29], $0x1  }
0xb4: {  	[sflag:s29] =	ssyncadd.s32 $0xFFFFFFFF  }
0xb5: {  	_ =	strace $0x9000004E  }
0xb6: {  	_ =	sfence  }
0xb7: {  	s30 =	sld [smem:$0x0];
	_ =	sdelay $0x2  }
0xb8: {  	s31 =	sshll.u32 s1, $0xD;
	s1 =	sshrl.u32 s1, $0x2  }
0xb9: {  	s3 =	sand.u32 $0x4000, s31;
	s1 =	sadd.s32 s1, s30  }
0xba: {  	s0 =	sor.u32 s3, s0;
	s1 =	sshll.u32 s1, $0x11  }
0xbb: {  	s0 =	sor.u32 s1, s0  }
0xbc: {  	s0 =	sadd.s32 $0x8F2B, s0  }
0xbd: {  	[sflag:s0] =	ssyncadd.remote.s32 $0x1  }
0xbe: {  	_ =	sfence.sel $0xFFFF  }
0xbf: {  	[dreg:$0x0] =	wrdreg $0xFFFFFFFF;
	(pc) =	sbr.abs _section_cstart, $3  }
0xc0: {  	[dreg:$0x1] =	wrdreg $0xFFFFFFFF  }
0xc1: {  	_ =	task.clear_ibuf [dreg:s6], $0x2FFFF;
	_ =	strace $0x9FFFFFFF  }
0xc2: {  	(tm) =	ssettm $0x7FFFFFFF  }
0xc3: {  	_ =	shalt  }
tec
execute0_lowered:
.L_overlay_start_1:
0x0: {  	(tag) =	ssettag $0x1  }
0x1: {  	s0 =	rddreg [dreg:$0x0]  }
0x2: {  	s1 =	rddreg [dreg:$0x1]  }
0x3: {  	s3 =	simm.s32 $0x0;
	s2 =	srdreg.scid;
	s10 =	stileid.u32  }
0x4: {  	[smem:$0x7FF] =	sst s3;
	s5 =	smul.u32 $0x14000, s10  }
0x5: {  	s6 =	sand.u32 $0x1, s2;
	s4 =	sadd.s32 $0x66A00, s0;
	s24 =	smul.u32 $0x50000, s10  }
0x6: {  	s11 =	sadd.s32 $0x2E00, s0;
	s13 =	sadd.s32 $0xCC00, s0;
	s17 =	smul.u32 $0x2710, s10  }
0x7: {  	s8 =	sadd.s32 $0x8DC00, s0;
	s2 =	smul.u32 $0x140000, s6;
	_ =	strace $0x8000004D  }
0x8: {  	s7 =	sshll.u32 s6, $0x4;
	s25 =	ssub.s32 $0x2, s6;
	s6 =	smul.u32 $0x27100, s6  }
0x9: {  	[dreg:$0xd] =	wrdreg s8;
	s7 =	sor.u32 s10, s7;
	s9 =	sshrl.u32 s24, $0x2  }
0xa: {  	s26 =	sshrl.u32 s25, $0x1;
	s9 =	sadd.s32 s9, s1;
	s6 =	sadd.s32 s17, s6  }
0xb: {  	s2 =	sadd.s32 s5, s2;
	[dreg:$0xe] =	wrdreg s9;
	s9 =	sadd.s32 $0x370, s6  }
0xc: {  	s7 =	smul.u32 $0x2710, s7;
	s2 =	sshrl.u32 s2, $0x3;
	s24 =	sshrl.u32 s9, $0x3  }
0xd: {  	s0 =	sadd.s32 s2, s0;
	s2 =	ssub.s32 s25, s26;
	s25 =	sadd.s32 s24, s13  }
0xe: {  	s5 =	sshrl.u32 s7, $0x3;
	s0 =	sadd.s32 $0x90400, s0;
	[dreg:$0x3] =	wrdreg s25  }
0xf: {  	s12 =	sadd.s32 $0xA, s5;
	s2 =	smax.u32 s2, $0x1;
	[smem:$0x7F9] =	sst s0  }
0x10: {  	s14 =	sadd.s32 s11, s12;
	[smem:$0x7FA] =	sst s2  }
0x11: {  	s15 =	sadd.s32 $0x14, s5;
	s7 =	sadd.s32 s13, s12;
	[dreg:$0xf] =	wrdreg s14  }
0x12: {  	s16 =	sadd.s32 $0x1E, s5;
	s12 =	sadd.s32 s11, s15;
	[dreg:$0x10] =	wrdreg s7  }
0x13: {  	s18 =	sadd.s32 s11, s16;
	[dreg:$0x11] =	wrdreg s12  }
0x14: {  	s20 =	sadd.s32 $0x28, s5;
	s19 =	sadd.s32 s13, s16;
	[dreg:$0x13] =	wrdreg s18  }
0x15: {  	s22 =	sadd.s32 $0x32, s5;
	s21 =	sadd.s32 s11, s20;
	[dreg:$0x14] =	wrdreg s19  }
0x16: {  	s28 =	simm.s32 $0x5600;
	s23 =	sadd.s32 s11, s22;
	[dreg:$0x15] =	wrdreg s21  }
0x17: {  	s26 =	sadd.s32 $0x320, s6;
	s8 =	sadd.s32 s13, s22;
	[dreg:$0x17] =	wrdreg s23  }
0x18: {  	s9 =	sshrl.u32 s26, $0x3;
	s7 =	sadd.s32 s13, s15;
	[dreg:$0x18] =	wrdreg s8  }
0x19: {  	s30 =	simm.s32 $0x7;
	s12 =	sadd.s32 s9, s13;
	[dreg:$0x12] =	wrdreg s7  }
0x1a: {  	s31 =	simm.s32 $0xB;
	s15 =	sadd.s32 s9, s11;
	[dreg:$0x5] =	wrdreg s12  }
0x1b: {  	s25 =	sadd.s32 $0x4B0, s5;
	s7 =	sadd.s32 s13, s20;
	[dreg:$0x6] =	wrdreg s15  }
0x1c: {  	s29 =	simm.s32 $0x6;
	s12 =	sadd.s32 s11, s25;
	[dreg:$0x16] =	wrdreg s7  }
0x1d: {  	s22 =	sadd.s32 $0x230, s6;
	s15 =	sadd.s32 s13, s25;
	[dreg:$0x19] =	wrdreg s12  }
0x1e: {  	s14 =	sadd.s32 $0x2D0, s6;
	s25 =	sshll.u32 s10, $0x6;
	[dreg:$0x1a] =	wrdreg s15  }
0x1f: {  	s16 =	sshrl.u32 s14, $0x3;
	s7 =	sadd.s32 s24, s11;
	[smem:$0x7FC] =	sst s25  }
0x20: {  	s18 =	sadd.s32 $0x280, s6;
	s17 =	sadd.s32 s16, s13;
	[dreg:$0x4] =	wrdreg s7  }
0x21: {  	s20 =	sshrl.u32 s18, $0x3;
	s19 =	sadd.s32 s16, s11;
	[dreg:$0x7] =	wrdreg s17  }
0x22: {  	s2 =	simm.s32 $0x9;
	s21 =	sadd.s32 s20, s13;
	[dreg:$0x8] =	wrdreg s19  }
0x23: {  	s9 =	simm.s32 $0x5;
	s23 =	sadd.s32 s20, s11;
	[dreg:$0x9] =	wrdreg s21  }
0x24: {  	s18 =	sadd.s32 $0x4C4, s5;
	s20 =	sadd.s32 s11, s5;
	[dreg:$0xa] =	wrdreg s23  }
0x25: {  	s24 =	sshrl.u32 s22, $0x3;
	s0 =	sor.u32 $0x1C0A, s25;
	[dreg:$0x1f] =	wrdreg s20  }
0x26: {  	s16 =	sadd.s32 $0x4BA, s5;
	s26 =	sadd.s32 s24, s13;
	[smem:$0x7FD] =	sst s0  }
0x27: {  	s22 =	sadd.s32 $0x4CE, s5;
	s14 =	sadd.s32 s24, s11;
	[dreg:$0xb] =	wrdreg s26  }
0x28: {  	s25 =	simm.s32 $0x2E00;
	s17 =	sadd.s32 s11, s16;
	[dreg:$0xc] =	wrdreg s14  }
0x29: {  	s7 =	sadd.s32 s13, s16;
	s19 =	sadd.s32 s11, s18;
	[dreg:$0x1b] =	wrdreg s17  }
0x2a: {  	s21 =	sadd.s32 s13, s5;
	s5 =	sadd.s32 $0x4D8, s5;
	[dreg:$0x1c] =	wrdreg s7  }
0x2b: {  	s23 =	sadd.s32 s11, s22;
	s20 =	simm.s32 $0x580;
	[dreg:$0x1d] =	wrdreg s19  }
0x2c: {  	s0 =	simm.s32 $0x4;
	s7 =	sadd.s32 s13, s18;
	[smem:$0x7F4] =	sst s21  }
0x2d: {  	[smem:$0x7F5] =	sst s23;
	s24 =	sadd.s32 s11, s5;
	s5 =	sadd.s32 s13, s5  }
0x2e: {  	s26 =	sadd.s32 $0x1E0, s6;
	s19 =	simm.s32 $0x280;
	[dreg:$0x1e] =	wrdreg s7  }
0x2f: {  	s21 =	simm.s32 $0x1;
	s23 =	simm.s32 $0x600;
	[smem:$0x7F7] =	sst s24  }
0x30: {  	s6 =	simm.s32 $0x0;
	s7 =	sadd.s32 s13, s22;
	[smem:$0x7F8] =	sst s5  }
0x31: {  	[smem:$0x7FB] =	sst s26;
	s22 =	simm.s32 $0x50;
	s24 =	simm.s32 $0x2  }
0x32: {  	s26 =	simm.s32 $0x3;
	[smem:$0x7F6] =	sst s7;
	s7 =	simm.s32 $0x8  }
.LBB2_1:
0x33: {  	[smem:$0x7F2] =	sst s6  }
0x34: {  	s5 =	rddreg [dreg:$0xe]  }
0x35: {  	s18 =	sld [smem:$0x7FD]  }
0x36: {  	s17 =	rddreg [dreg:$0xd];
	s8 =	sshrl.u32 s5, $0x3  }
0x37: {  	[smem:$0x7F3] =	sst s8  }
0x38: {  	[spmem:s8], [sflag:s18] =	dma.local [hbm:s17], $0x2800  }
0x39: {  	s5 =	rddreg [dreg:$0x1f]  }
0x3a: {  	s10 =	sld [smem:$0x7F4]  }
0x3b: {  	[tilespmem:s3], [sflag:$0x1] =	stream.linear.gather [hbm4b:s5+s3], $0x50, $0x38;
	[tilespmem:$0x1BE00] =	vst v63  }
0x3c: {  	s8 =	simm.s32 $0x300  }
0x3d: {  	[tilespmem:s8], [sflag:$0x1] =	stream.linear.gather [hbm4b:s10+s3], $0x50, $0x38;
	[tilespmem:$0x1BE00] =	vst v63  }
0x3e: {  	s14 =	simm.s32 $0x80;
	s12 =	rddreg [dreg:$0xf]  }
0x3f: {  	[tilespmem:s14], [sflag:$0x2] =	stream.linear.gather [hbm4b:s12+s3], $0x50, $0x38;
	[tilespmem:$0x1BE00] =	vst v63  }
0x40: {  	s15 =	rddreg [dreg:$0x10];
	s14 =	simm.s32 $0x380  }
0x41: {  	[tilespmem:s14], [sflag:$0x2] =	stream.linear.gather [hbm4b:s15+s3], $0x50, $0x38;
	[tilespmem:$0x1BE00] =	vst v63  }
0x42: {  	s16 =	rddreg [dreg:$0x11];
	s15 =	simm.s32 $0x100  }
0x43: {  	[tilespmem:s15], [sflag:$0x3] =	stream.linear.gather [hbm4b:s16+s3], $0x50, $0x38;
	[tilespmem:$0x1BE00] =	vst v63  }
0x44: {  	s17 =	rddreg [dreg:$0x12];
	s16 =	simm.s32 $0x400  }
0x45: {  	[tilespmem:s16], [sflag:$0x3] =	stream.linear.gather [hbm4b:s17+s3], $0x50, $0x38;
	[tilespmem:$0x1BE00] =	vst v63  }
0x46: {  	s18 =	rddreg [dreg:$0x13];
	s12 =	simm.s32 $0x180  }
0x47: {  	[tilespmem:s12], [sflag:$0x4] =	stream.linear.gather [hbm4b:s18+s3], $0x50, $0x38;
	[tilespmem:$0x1BE00] =	vst v63  }
0x48: {  	s10 =	rddreg [dreg:$0x14];
	s17 =	simm.s32 $0x480  }
0x49: {  	[tilespmem:s17], [sflag:$0x4] =	stream.linear.gather [hbm4b:s10+s3], $0x50, $0x38;
	[tilespmem:$0x1BE00] =	vst v63  }
0x4a: {  	s18 =	rddreg [dreg:$0x15];
	s10 =	simm.s32 $0x200  }
0x4b: {  	[tilespmem:s10], [sflag:$0x5] =	stream.linear.gather [hbm4b:s18+s3], $0x50, $0x38;
	[tilespmem:$0x1BE00] =	vst v63  }
0x4c: {  	s10 =	rddreg [dreg:$0x16];
	s18 =	simm.s32 $0x500  }
0x4d: {  	[tilespmem:s18], [sflag:$0x5] =	stream.linear.gather [hbm4b:s10+s3], $0x50, $0x38;
	[tilespmem:$0x1BE00] =	vst v63  }
0x4e: {  	s10 =	rddreg [dreg:$0x17]  }
0x4f: {  	[tilespmem:s19], [sflag:$0x6] =	stream.linear.gather [hbm4b:s10+s3], $0x50, $0x38;
	[tilespmem:$0x1BE00] =	vst v63  }
0x50: {  	s18 =	rddreg [dreg:$0x18]  }
0x51: {  	[tilespmem:s20], [sflag:$0x6] =	stream.linear.gather [hbm4b:s18+s3], $0x50, $0x38;
	[tilespmem:$0x1BE00] =	vst v63  }
0x52: {  	_ =	swait.ge [sflag:s21], $0x50  }
0x53: {  	[sflag:s21] =	ssyncset.done $0x0  }
0x54: {  	[sflag:s21] =	ssyncadd.s32 $0xFFFFFFB0  }
0x55: {  	_ =	swait.ge [sflag:s21], $0x50  }
0x56: {  	[sflag:s21] =	ssyncset.done $0x0  }
0x57: {  	[sflag:s21] =	ssyncadd.s32 $0xFFFFFFB0  }
0x58: {  	[tilespmem:s23], [sflag:$0x7] =	stream.indirect.gather [hbm4b:s4+s22], $0x80, s3, s22, $0xb8;
	[tilespmem:$0x1BE00] =	vst v63  }
0x59: {  	_ =	swait.ge [sflag:s24], $0x50  }
0x5a: {  	[sflag:s24] =	ssyncset.done $0x0  }
0x5b: {  	[sflag:s24] =	ssyncadd.s32 $0xFFFFFFB0  }
0x5c: {  	_ =	swait.ge [sflag:s24], $0x50  }
0x5d: {  	[sflag:s24] =	ssyncset.done $0x0  }
0x5e: {  	s6 =	simm.s32 $0x80;
	[sflag:s24] =	ssyncadd.s32 $0xFFFFFFB0  }
0x5f: {  	[tilespmem:s25], [sflag:$0x8] =	stream.indirect.gather [hbm4b:s4+s22], $0x80, s6, s22, $0xb8;
	[tilespmem:$0x1BE00] =	vst v63  }
0x60: {  	_ =	swait.ge [sflag:s26], $0x50  }
0x61: {  	[sflag:s26] =	ssyncset.done $0x0  }
0x62: {  	[sflag:s26] =	ssyncadd.s32 $0xFFFFFFB0  }
0x63: {  	_ =	swait.ge [sflag:s26], $0x50  }
0x64: {  	[sflag:s26] =	ssyncset.done $0x0  }
0x65: {  	s10 =	simm.s32 $0xA;
	[sflag:s26] =	ssyncadd.s32 $0xFFFFFFB0  }
0x66: {  	[tilespmem:s28], [sflag:$0x9] =	stream.indirect.gather [hbm4b:s4+s22], $0x80, s15, s22, $0xb8;
	[tilespmem:$0x1BE00] =	vst v63  }
0x67: {  	_ =	swait.ge [sflag:s10], $0x2800  }
0x68: {  	[sflag:s10] =	ssyncset.done $0x0  }
0x69: {  	[sflag:s10] =	ssyncadd.s32 $0xFFFFD800  }
0x6a: {  	[bflag:$0x0] =	sbarrier.arrive $0xFFFF  }
0x6b: {  	_ =	swait.ge [sflag:s30], $0x2800  }
0x6c: {  	[sflag:s30] =	ssyncset.done $0x0  }
0x6d: {  	[sflag:s30] =	ssyncadd.s32 $0xFFFFD800  }
0x6e: {  	[spmem:s1] =	stream.indirect.scatter.add.f32 [tilespmem:s23], [sflag:$0xB], $0x80, s8, s22, $0xb8;
	[tilespmem:$0x1BE00] =	vst v63  }
0x6f: {  	_ =	swait.ge [sflag:s31], $0x2800  }
0x70: {  	s10 =	sld [smem:$0x7FB];
	_ =	sdelay $0x2  }
0x71: {  	[sflag:s31] =	ssyncset.done $0x0;
	s5 =	sshrl.u32 s10, $0x3  }
0x72: {  	[sflag:s31] =	ssyncadd.s32 $0xFFFFD800;
	s6 =	sadd.s32 s11, s5  }
0x73: {  	[tilespmem:s3], [sflag:$0x1] =	stream.linear.gather [hbm4b:s6+s3], $0x50, $0x38;
	[tilespmem:$0x1BE00] =	vst v63  }
0x74: {  	s5 =	sadd.s32 s13, s5  }
0x75: {  	[tilespmem:s8], [sflag:$0x1] =	stream.linear.gather [hbm4b:s5+s3], $0x50, $0x38;
	[tilespmem:$0x1BE00] =	vst v63  }
0x76: {  	_ =	swait.ge [sflag:s0], $0x50  }
0x77: {  	[sflag:s0] =	ssyncset.done $0x0  }
0x78: {  	[sflag:s0] =	ssyncadd.s32 $0xFFFFFFB0  }
0x79: {  	_ =	swait.ge [sflag:s0], $0x50  }
0x7a: {  	[sflag:s0] =	ssyncset.done $0x0  }
0x7b: {  	[sflag:s0] =	ssyncadd.s32 $0xFFFFFFB0  }
0x7c: {  	[tilespmem:s23], [sflag:$0x7] =	stream.indirect.gather [hbm4b:s4+s22], $0x80, s12, s22, $0xb8;
	[tilespmem:$0x1BE00] =	vst v63  }
0x7d: {  	_ =	swait.ge [sflag:s7], $0x2800  }
0x7e: {  	[sflag:s7] =	ssyncset.done $0x0  }
0x7f: {  	[sflag:s7] =	ssyncadd.s32 $0xFFFFD800  }
0x80: {  	[spmem:s1] =	stream.indirect.scatter.add.f32 [tilespmem:s25], [sflag:$0xB], $0x80, s14, s22, $0xb8;
	[tilespmem:$0x1BE00] =	vst v63  }
0x81: {  	_ =	swait.ge [sflag:s31], $0x2800  }
0x82: {  	s18 =	simm.s32 $0x80;
	s6 =	rddreg [dreg:$0xc];
	[sflag:s31] =	ssyncset.done $0x0  }
0x83: {  	s8 =	rddreg [dreg:$0xb];
	[sflag:s31] =	ssyncadd.s32 $0xFFFFD800;
	s5 =	sadd.s32 $0x0, s6  }
0x84: {  	[tilespmem:s18], [sflag:$0x2] =	stream.linear.gather [hbm4b:s5+s3], $0x50, $0x38;
	[tilespmem:$0x1BE00] =	vst v63  }
0x85: {  	s8 =	sadd.s32 $0x0, s8  }
0x86: {  	[tilespmem:s14], [sflag:$0x2] =	stream.linear.gather [hbm4b:s8+s3], $0x50, $0x38;
	[tilespmem:$0x1BE00] =	vst v63  }
0x87: {  	_ =	swait.ge [sflag:s9], $0x50  }
0x88: {  	[sflag:s9] =	ssyncset.done $0x0  }
0x89: {  	[sflag:s9] =	ssyncadd.s32 $0xFFFFFFB0  }
0x8a: {  	_ =	swait.ge [sflag:s9], $0x50  }
0x8b: {  	[sflag:s9] =	ssyncset.done $0x0  }
0x8c: {  	s14 =	simm.s32 $0x200;
	[sflag:s9] =	ssyncadd.s32 $0xFFFFFFB0  }
0x8d: {  	[tilespmem:s25], [sflag:$0x8] =	stream.indirect.gather [hbm4b:s4+s22], $0x80, s14, s22, $0xb8;
	[tilespmem:$0x1BE00] =	vst v63  }
0x8e: {  	_ =	swait.ge [sflag:s2], $0x2800  }
0x8f: {  	[sflag:s2] =	ssyncset.done $0x0  }
0x90: {  	[sflag:s2] =	ssyncadd.s32 $0xFFFFD800  }
0x91: {  	[spmem:s1] =	stream.indirect.scatter.add.f32 [tilespmem:s28], [sflag:$0xB], $0x80, s16, s22, $0xb8;
	[tilespmem:$0x1BE00] =	vst v63  }
0x92: {  	_ =	swait.ge [sflag:s31], $0x2800  }
0x93: {  	s6 =	rddreg [dreg:$0xa];
	[sflag:s31] =	ssyncset.done $0x0  }
0x94: {  	s14 =	rddreg [dreg:$0x9];
	[sflag:s31] =	ssyncadd.s32 $0xFFFFD800;
	s5 =	sadd.s32 $0x0, s6  }
0x95: {  	[tilespmem:s15], [sflag:$0x3] =	stream.linear.gather [hbm4b:s5+s3], $0x50, $0x38;
	[tilespmem:$0x1BE00] =	vst v63  }
0x96: {  	s6 =	sadd.s32 $0x0, s14  }
0x97: {  	[tilespmem:s16], [sflag:$0x3] =	stream.linear.gather [hbm4b:s6+s3], $0x50, $0x38;
	[tilespmem:$0x1BE00] =	vst v63  }
0x98: {  	_ =	swait.ge [sflag:s29], $0x50  }
0x99: {  	[sflag:s29] =	ssyncset.done $0x0  }
0x9a: {  	[sflag:s29] =	ssyncadd.s32 $0xFFFFFFB0  }
0x9b: {  	_ =	swait.ge [sflag:s29], $0x50  }
0x9c: {  	[sflag:s29] =	ssyncset.done $0x0  }
0x9d: {  	[sflag:s29] =	ssyncadd.s32 $0xFFFFFFB0  }
0x9e: {  	[tilespmem:s28], [sflag:$0x9] =	stream.indirect.gather [hbm4b:s4+s22], $0x80, s19, s22, $0xb8;
	[tilespmem:$0x1BE00] =	vst v63  }
0x9f: {  	_ =	swait.ge [sflag:s30], $0x2800  }
0xa0: {  	[sflag:s30] =	ssyncset.done $0x0  }
0xa1: {  	[sflag:s30] =	ssyncadd.s32 $0xFFFFD800  }
0xa2: {  	[spmem:s1] =	stream.indirect.scatter.add.f32 [tilespmem:s23], [sflag:$0xB], $0x80, s17, s22, $0xb8;
	[tilespmem:$0x1BE00] =	vst v63  }
0xa3: {  	_ =	swait.ge [sflag:s31], $0x2800  }
0xa4: {  	s14 =	rddreg [dreg:$0x8];
	[sflag:s31] =	ssyncset.done $0x0  }
0xa5: {  	s15 =	rddreg [dreg:$0x7];
	[sflag:s31] =	ssyncadd.s32 $0xFFFFD800;
	s5 =	sadd.s32 $0x0, s14  }
0xa6: {  	[tilespmem:s12], [sflag:$0x4] =	stream.linear.gather [hbm4b:s5+s3], $0x50, $0x38;
	[tilespmem:$0x1BE00] =	vst v63  }
0xa7: {  	s16 =	sadd.s32 $0x0, s15  }
0xa8: {  	[tilespmem:s17], [sflag:$0x4] =	stream.linear.gather [hbm4b:s16+s3], $0x50, $0x38;
	[tilespmem:$0x1BE00] =	vst v63  }
0xa9: {  	_ =	swait.ge [sflag:s21], $0x50  }
0xaa: {  	[sflag:s21] =	ssyncset.done $0x0  }
0xab: {  	[sflag:s21] =	ssyncadd.s32 $0xFFFFFFB0  }
0xac: {  	_ =	swait.ge [sflag:s21], $0x50  }
0xad: {  	[sflag:s21] =	ssyncset.done $0x0  }
0xae: {  	[sflag:s21] =	ssyncadd.s32 $0xFFFFFFB0  }
0xaf: {  	[tilespmem:s23], [sflag:$0x7] =	stream.indirect.gather [hbm4b:s4+s22], $0x80, s3, s22, $0xb8;
	[tilespmem:$0x1BE00] =	vst v63  }
0xb0: {  	_ =	swait.ge [sflag:s7], $0x2800  }
0xb1: {  	[sflag:s7] =	ssyncset.done $0x0  }
0xb2: {  	s17 =	simm.s32 $0x500;
	[sflag:s7] =	ssyncadd.s32 $0xFFFFD800  }
0xb3: {  	[spmem:s1] =	stream.indirect.scatter.add.f32 [tilespmem:s25], [sflag:$0xB], $0x80, s17, s22, $0xb8;
	[tilespmem:$0x1BE00] =	vst v63  }
0xb4: {  	_ =	swait.ge [sflag:s31], $0x2800  }
0xb5: {  	s8 =	simm.s32 $0x200;
	s6 =	rddreg [dreg:$0x6];
	[sflag:s31] =	ssyncset.done $0x0  }
0xb6: {  	s14 =	rddreg [dreg:$0x5];
	[sflag:s31] =	ssyncadd.s32 $0xFFFFD800;
	s5 =	sadd.s32 $0x0, s6  }
0xb7: {  	[tilespmem:s8], [sflag:$0x5] =	stream.linear.gather [hbm4b:s5+s3], $0x50, $0x38;
	[tilespmem:$0x1BE00] =	vst v63  }
0xb8: {  	s15 =	sadd.s32 $0x0, s14  }
0xb9: {  	[tilespmem:s17], [sflag:$0x5] =	stream.linear.gather [hbm4b:s15+s3], $0x50, $0x38;
	[tilespmem:$0x1BE00] =	vst v63  }
0xba: {  	_ =	swait.ge [sflag:s24], $0x50  }
0xbb: {  	[sflag:s24] =	ssyncset.done $0x0  }
0xbc: {  	[sflag:s24] =	ssyncadd.s32 $0xFFFFFFB0  }
0xbd: {  	_ =	swait.ge [sflag:s24], $0x50  }
0xbe: {  	[sflag:s24] =	ssyncset.done $0x0  }
0xbf: {  	s18 =	simm.s32 $0x80;
	[sflag:s24] =	ssyncadd.s32 $0xFFFFFFB0  }
0xc0: {  	[tilespmem:s25], [sflag:$0x8] =	stream.indirect.gather [hbm4b:s4+s22], $0x80, s18, s22, $0xb8;
	[tilespmem:$0x1BE00] =	vst v63  }
0xc1: {  	_ =	swait.ge [sflag:s2], $0x2800  }
0xc2: {  	[sflag:s2] =	ssyncset.done $0x0  }
0xc3: {  	[sflag:s2] =	ssyncadd.s32 $0xFFFFD800  }
0xc4: {  	[spmem:s1] =	stream.indirect.scatter.add.f32 [tilespmem:s28], [sflag:$0xB], $0x80, s20, s22, $0xb8;
	[tilespmem:$0x1BE00] =	vst v63  }
0xc5: {  	_ =	swait.ge [sflag:s31], $0x2800  }
0xc6: {  	s16 =	rddreg [dreg:$0x4];
	[sflag:s31] =	ssyncset.done $0x0  }
0xc7: {  	s17 =	rddreg [dreg:$0x3];
	[sflag:s31] =	ssyncadd.s32 $0xFFFFD800;
	s5 =	sadd.s32 $0x0, s16  }
0xc8: {  	[tilespmem:s19], [sflag:$0x6] =	stream.linear.gather [hbm4b:s5+s3], $0x50, $0x38;
	[tilespmem:$0x1BE00] =	vst v63  }
0xc9: {  	s18 =	sadd.s32 $0x0, s17  }
0xca: {  	[tilespmem:s20], [sflag:$0x6] =	stream.linear.gather [hbm4b:s18+s3], $0x50, $0x38;
	[tilespmem:$0x1BE00] =	vst v63  }
0xcb: {  	_ =	swait.ge [sflag:s26], $0x50  }
0xcc: {  	[sflag:s26] =	ssyncset.done $0x0  }
0xcd: {  	[sflag:s26] =	ssyncadd.s32 $0xFFFFFFB0  }
0xce: {  	_ =	swait.ge [sflag:s26], $0x50  }
0xcf: {  	[sflag:s26] =	ssyncset.done $0x0  }
0xd0: {  	s8 =	simm.s32 $0x3C;
	s5 =	sadd.s32 $0x1E0, s10;
	[sflag:s26] =	ssyncadd.s32 $0xFFFFFFB0  }
.LBB2_2:
0xd1: {  	s16 =	simm.s32 $0x100  }
0xd2: {  	[tilespmem:s28], [sflag:$0x9] =	stream.indirect.gather [hbm4b:s4+s22], $0x80, s16, s22, $0xb8;
	[tilespmem:$0x1BE00] =	vst v63  }
0xd3: {  	_ =	swait.ge [sflag:s30], $0x2800  }
0xd4: {  	[sflag:s30] =	ssyncset.done $0x0  }
0xd5: {  	s14 =	simm.s32 $0x300;
	[sflag:s30] =	ssyncadd.s32 $0xFFFFD800  }
0xd6: {  	[spmem:s1] =	stream.indirect.scatter.add.f32 [tilespmem:s23], [sflag:$0xB], $0x80, s14, s22, $0xb8;
	[tilespmem:$0x1BE00] =	vst v63  }
0xd7: {  	_ =	swait.ge [sflag:s31], $0x2800  }
0xd8: {  	s10 =	sshrl.u32 s5, $0x3;
	[sflag:s31] =	ssyncset.done $0x0  }
0xd9: {  	s18 =	sadd.s32 s11, s10;
	[sflag:s31] =	ssyncadd.s32 $0xFFFFD800  }
0xda: {  	[tilespmem:s3], [sflag:$0x1] =	stream.linear.gather [hbm4b:s18+s3], $0x50, $0x38;
	[tilespmem:$0x1BE00] =	vst v63  }
0xdb: {  	s10 =	sadd.s32 s13, s10  }
0xdc: {  	[tilespmem:s14], [sflag:$0x1] =	stream.linear.gather [hbm4b:s10+s3], $0x50, $0x38;
	[tilespmem:$0x1BE00] =	vst v63  }
0xdd: {  	_ =	swait.ge [sflag:s0], $0x50  }
0xde: {  	[sflag:s0] =	ssyncset.done $0x0  }
0xdf: {  	[sflag:s0] =	ssyncadd.s32 $0xFFFFFFB0  }
0xe0: {  	_ =	swait.ge [sflag:s0], $0x50  }
0xe1: {  	[sflag:s0] =	ssyncset.done $0x0  }
0xe2: {  	s17 =	simm.s32 $0x180;
	[sflag:s0] =	ssyncadd.s32 $0xFFFFFFB0  }
0xe3: {  	[tilespmem:s23], [sflag:$0x7] =	stream.indirect.gather [hbm4b:s4+s22], $0x80, s17, s22, $0xb8;
	[tilespmem:$0x1BE00] =	vst v63  }
0xe4: {  	_ =	swait.ge [sflag:s7], $0x2800  }
0xe5: {  	[sflag:s7] =	ssyncset.done $0x0  }
0xe6: {  	s15 =	simm.s32 $0x380;
	[sflag:s7] =	ssyncadd.s32 $0xFFFFD800  }
0xe7: {  	[spmem:s1] =	stream.indirect.scatter.add.f32 [tilespmem:s25], [sflag:$0xB], $0x80, s15, s22, $0xb8;
	[tilespmem:$0x1BE00] =	vst v63  }
0xe8: {  	_ =	swait.ge [sflag:s31], $0x2800  }
0xe9: {  	s14 =	rddreg [dreg:$0xc]  }
0xea: {  	s6 =	smov.u32 s8;
	[sflag:s31] =	ssyncset.done $0x0;
	s18 =	rddreg [dreg:$0xb]  }
0xeb: {  	[sflag:s31] =	ssyncadd.s32 $0xFFFFD800;
	s10 =	sadd.s32 s6, s14;
	s14 =	simm.s32 $0x80  }
0xec: {  	[tilespmem:s14], [sflag:$0x2] =	stream.linear.gather [hbm4b:s10+s3], $0x50, $0x38;
	[tilespmem:$0x1BE00] =	vst v63  }
0xed: {  	s12 =	smov.u32 s11;
	s11 =	sadd.s32 s6, s18  }
0xee: {  	[tilespmem:s15], [sflag:$0x2] =	stream.linear.gather [hbm4b:s11+s3], $0x50, $0x38;
	[tilespmem:$0x1BE00] =	vst v63  }
0xef: {  	_ =	swait.ge [sflag:s9], $0x50  }
0xf0: {  	[sflag:s9] =	ssyncset.done $0x0  }
0xf1: {  	[sflag:s9] =	ssyncadd.s32 $0xFFFFFFB0  }
0xf2: {  	_ =	swait.ge [sflag:s9], $0x50  }
0xf3: {  	[sflag:s9] =	ssyncset.done $0x0  }
0xf4: {  	s18 =	simm.s32 $0x200;
	[sflag:s9] =	ssyncadd.s32 $0xFFFFFFB0  }
0xf5: {  	[tilespmem:s25], [sflag:$0x8] =	stream.indirect.gather [hbm4b:s4+s22], $0x80, s18, s22, $0xb8;
	[tilespmem:$0x1BE00] =	vst v63  }
0xf6: {  	_ =	swait.ge [sflag:s2], $0x2800  }
0xf7: {  	[sflag:s2] =	ssyncset.done $0x0  }
0xf8: {  	s15 =	simm.s32 $0x400;
	[sflag:s2] =	ssyncadd.s32 $0xFFFFD800  }
0xf9: {  	[spmem:s1] =	stream.indirect.scatter.add.f32 [tilespmem:s28], [sflag:$0xB], $0x80, s15, s22, $0xb8;
	[tilespmem:$0x1BE00] =	vst v63  }
0xfa: {  	_ =	swait.ge [sflag:s31], $0x2800  }
0xfb: {  	s10 =	rddreg [dreg:$0xa];
	[sflag:s31] =	ssyncset.done $0x0  }
0xfc: {  	s11 =	rddreg [dreg:$0x9];
	[sflag:s31] =	ssyncadd.s32 $0xFFFFD800;
	s10 =	sadd.s32 s6, s10  }
0xfd: {  	[tilespmem:s16], [sflag:$0x3] =	stream.linear.gather [hbm4b:s10+s3], $0x50, $0x38;
	[tilespmem:$0x1BE00] =	vst v63  }
0xfe: {  	s16 =	sadd.s32 s6, s11  }
0xff: {  	[tilespmem:s15], [sflag:$0x3] =	stream.linear.gather [hbm4b:s16+s3], $0x50, $0x38;
	[tilespmem:$0x1BE00] =	vst v63  }
0x100: {  	_ =	swait.ge [sflag:s29], $0x50  }
0x101: {  	[sflag:s29] =	ssyncset.done $0x0  }
0x102: {  	[sflag:s29] =	ssyncadd.s32 $0xFFFFFFB0  }
0x103: {  	_ =	swait.ge [sflag:s29], $0x50  }
0x104: {  	[sflag:s29] =	ssyncset.done $0x0  }
0x105: {  	[sflag:s29] =	ssyncadd.s32 $0xFFFFFFB0  }
0x106: {  	[tilespmem:s28], [sflag:$0x9] =	stream.indirect.gather [hbm4b:s4+s22], $0x80, s19, s22, $0xb8;
	[tilespmem:$0x1BE00] =	vst v63  }
0x107: {  	_ =	swait.ge [sflag:s30], $0x2800  }
0x108: {  	[sflag:s30] =	ssyncset.done $0x0  }
0x109: {  	s15 =	simm.s32 $0x480;
	[sflag:s30] =	ssyncadd.s32 $0xFFFFD800  }
0x10a: {  	[spmem:s1] =	stream.indirect.scatter.add.f32 [tilespmem:s23], [sflag:$0xB], $0x80, s15, s22, $0xb8;
	[tilespmem:$0x1BE00] =	vst v63  }
0x10b: {  	_ =	swait.ge [sflag:s31], $0x2800  }
0x10c: {  	s11 =	rddreg [dreg:$0x8];
	[sflag:s31] =	ssyncset.done $0x0  }
0x10d: {  	s16 =	rddreg [dreg:$0x7];
	[sflag:s31] =	ssyncadd.s32 $0xFFFFD800;
	s10 =	sadd.s32 s6, s11  }
0x10e: {  	[tilespmem:s17], [sflag:$0x4] =	stream.linear.gather [hbm4b:s10+s3], $0x50, $0x38;
	[tilespmem:$0x1BE00] =	vst v63  }
0x10f: {  	s11 =	sadd.s32 s6, s16  }
0x110: {  	[tilespmem:s15], [sflag:$0x4] =	stream.linear.gather [hbm4b:s11+s3], $0x50, $0x38;
	[tilespmem:$0x1BE00] =	vst v63  }
0x111: {  	_ =	swait.ge [sflag:s21], $0x50  }
0x112: {  	[sflag:s21] =	ssyncset.done $0x0  }
0x113: {  	[sflag:s21] =	ssyncadd.s32 $0xFFFFFFB0  }
0x114: {  	_ =	swait.ge [sflag:s21], $0x50  }
0x115: {  	[sflag:s21] =	ssyncset.done $0x0  }
0x116: {  	[sflag:s21] =	ssyncadd.s32 $0xFFFFFFB0  }
0x117: {  	[tilespmem:s23], [sflag:$0x7] =	stream.indirect.gather [hbm4b:s4+s22], $0x80, s3, s22, $0xb8;
	[tilespmem:$0x1BE00] =	vst v63  }
0x118: {  	_ =	swait.ge [sflag:s7], $0x2800  }
0x119: {  	[sflag:s7] =	ssyncset.done $0x0  }
0x11a: {  	s15 =	simm.s32 $0x500;
	[sflag:s7] =	ssyncadd.s32 $0xFFFFD800  }
0x11b: {  	[spmem:s1] =	stream.indirect.scatter.add.f32 [tilespmem:s25], [sflag:$0xB], $0x80, s15, s22, $0xb8;
	[tilespmem:$0x1BE00] =	vst v63  }
0x11c: {  	_ =	swait.ge [sflag:s31], $0x2800  }
0x11d: {  	s16 =	rddreg [dreg:$0x6];
	[sflag:s31] =	ssyncset.done $0x0  }
0x11e: {  	s17 =	rddreg [dreg:$0x5];
	[sflag:s31] =	ssyncadd.s32 $0xFFFFD800;
	s10 =	sadd.s32 s6, s16  }
0x11f: {  	[tilespmem:s18], [sflag:$0x5] =	stream.linear.gather [hbm4b:s10+s3], $0x50, $0x38;
	[tilespmem:$0x1BE00] =	vst v63  }
0x120: {  	s16 =	sadd.s32 s6, s17  }
0x121: {  	[tilespmem:s15], [sflag:$0x5] =	stream.linear.gather [hbm4b:s16+s3], $0x50, $0x38;
	[tilespmem:$0x1BE00] =	vst v63  }
0x122: {  	_ =	swait.ge [sflag:s24], $0x50  }
0x123: {  	[sflag:s24] =	ssyncset.done $0x0  }
0x124: {  	[sflag:s24] =	ssyncadd.s32 $0xFFFFFFB0  }
0x125: {  	_ =	swait.ge [sflag:s24], $0x50  }
0x126: {  	[sflag:s24] =	ssyncset.done $0x0  }
0x127: {  	[sflag:s24] =	ssyncadd.s32 $0xFFFFFFB0  }
0x128: {  	[tilespmem:s25], [sflag:$0x8] =	stream.indirect.gather [hbm4b:s4+s22], $0x80, s14, s22, $0xb8;
	[tilespmem:$0x1BE00] =	vst v63  }
0x129: {  	_ =	swait.ge [sflag:s2], $0x2800  }
0x12a: {  	[sflag:s2] =	ssyncset.done $0x0  }
0x12b: {  	[sflag:s2] =	ssyncadd.s32 $0xFFFFD800  }
0x12c: {  	[spmem:s1] =	stream.indirect.scatter.add.f32 [tilespmem:s28], [sflag:$0xB], $0x80, s20, s22, $0xb8;
	[tilespmem:$0x1BE00] =	vst v63  }
0x12d: {  	_ =	swait.ge [sflag:s31], $0x2800  }
0x12e: {  	s17 =	rddreg [dreg:$0x4];
	[sflag:s31] =	ssyncset.done $0x0  }
0x12f: {  	s18 =	rddreg [dreg:$0x3];
	[sflag:s31] =	ssyncadd.s32 $0xFFFFD800;
	s10 =	sadd.s32 s6, s17  }
0x130: {  	[tilespmem:s19], [sflag:$0x6] =	stream.linear.gather [hbm4b:s10+s3], $0x50, $0x38;
	[tilespmem:$0x1BE00] =	vst v63  }
0x131: {  	s6 =	sadd.s32 s6, s18  }
0x132: {  	[tilespmem:s20], [sflag:$0x6] =	stream.linear.gather [hbm4b:s6+s3], $0x50, $0x38;
	[tilespmem:$0x1BE00] =	vst v63  }
0x133: {  	p0 =	sne.s32 s8, $0x438;
	_ =	swait.ge [sflag:s26], $0x50  }
.Ltmp0:
0x134: {  	[sflag:s26] =	ssyncset.done $0x0;
	(pc) =	sbr.rel @p0 .LBB2_2-.Ltmp0, $4  }
0x135: {  	[sflag:s26] =	ssyncadd.s32 $0xFFFFFFB0  }
0x136: {  	_ =	swait.ge [sflag:s26], $0x50  }
0x137: {  	s8 =	sadd.s32 $0x3C, s8;
	[sflag:s26] =	ssyncset.done $0x0  }
0x138: {  	s5 =	sadd.s32 $0x1E0, s5;
	s11 =	smov.u32 s12;
	[sflag:s26] =	ssyncadd.s32 $0xFFFFFFB0  }
0x139: {  	s12 =	simm.s32 $0x100  }
0x13a: {  	[tilespmem:s28], [sflag:$0x9] =	stream.indirect.gather [hbm4b:s4+s22], $0x80, s12, s22, $0xb8;
	[tilespmem:$0x1BE00] =	vst v63  }
0x13b: {  	_ =	swait.ge [sflag:s30], $0x2800  }
0x13c: {  	[sflag:s30] =	ssyncset.done $0x0  }
0x13d: {  	s6 =	simm.s32 $0x300;
	[sflag:s30] =	ssyncadd.s32 $0xFFFFD800  }
0x13e: {  	[spmem:s1] =	stream.indirect.scatter.add.f32 [tilespmem:s23], [sflag:$0xB], $0x80, s6, s22, $0xb8;
	[tilespmem:$0x1BE00] =	vst v63  }
0x13f: {  	_ =	swait.ge [sflag:s31], $0x2800  }
0x140: {  	[sflag:s31] =	ssyncset.done $0x0  }
0x141: {  	s5 =	rddreg [dreg:$0x19];
	[sflag:s31] =	ssyncadd.s32 $0xFFFFD800  }
0x142: {  	[tilespmem:s3], [sflag:$0x1] =	stream.linear.gather [hbm4b:s5+s3], $0x50, $0x38;
	[tilespmem:$0x1BE00] =	vst v63  }
0x143: {  	s15 =	rddreg [dreg:$0x1a]  }
0x144: {  	[tilespmem:s6], [sflag:$0x1] =	stream.linear.gather [hbm4b:s15+s3], $0x50, $0x38;
	[tilespmem:$0x1BE00] =	vst v63  }
0x145: {  	_ =	swait.ge [sflag:s0], $0x50  }
0x146: {  	[sflag:s0] =	ssyncset.done $0x0  }
0x147: {  	[sflag:s0] =	ssyncadd.s32 $0xFFFFFFB0  }
0x148: {  	_ =	swait.ge [sflag:s0], $0x50  }
0x149: {  	[sflag:s0] =	ssyncset.done $0x0  }
0x14a: {  	s15 =	simm.s32 $0x180;
	[sflag:s0] =	ssyncadd.s32 $0xFFFFFFB0  }
0x14b: {  	[tilespmem:s23], [sflag:$0x7] =	stream.indirect.gather [hbm4b:s4+s22], $0x80, s15, s22, $0xb8;
	[tilespmem:$0x1BE00] =	vst v63  }
0x14c: {  	_ =	swait.ge [sflag:s7], $0x2800  }
0x14d: {  	[sflag:s7] =	ssyncset.done $0x0  }
0x14e: {  	s10 =	simm.s32 $0x380;
	[sflag:s7] =	ssyncadd.s32 $0xFFFFD800  }
0x14f: {  	[spmem:s1] =	stream.indirect.scatter.add.f32 [tilespmem:s25], [sflag:$0xB], $0x80, s10, s22, $0xb8;
	[tilespmem:$0x1BE00] =	vst v63  }
0x150: {  	_ =	swait.ge [sflag:s31], $0x2800  }
0x151: {  	[sflag:s31] =	ssyncset.done $0x0  }
0x152: {  	s8 =	simm.s32 $0x80;
	s16 =	rddreg [dreg:$0x1b];
	[sflag:s31] =	ssyncadd.s32 $0xFFFFD800  }
0x153: {  	[tilespmem:s8], [sflag:$0x2] =	stream.linear.gather [hbm4b:s16+s3], $0x50, $0x38;
	[tilespmem:$0x1BE00] =	vst v63  }
0x154: {  	s17 =	rddreg [dreg:$0x1c]  }
0x155: {  	[tilespmem:s10], [sflag:$0x2] =	stream.linear.gather [hbm4b:s17+s3], $0x50, $0x38;
	[tilespmem:$0x1BE00] =	vst v63  }
0x156: {  	_ =	swait.ge [sflag:s9], $0x50  }
0x157: {  	[sflag:s9] =	ssyncset.done $0x0  }
0x158: {  	[sflag:s9] =	ssyncadd.s32 $0xFFFFFFB0  }
0x159: {  	_ =	swait.ge [sflag:s9], $0x50  }
0x15a: {  	[sflag:s9] =	ssyncset.done $0x0  }
0x15b: {  	s17 =	simm.s32 $0x200;
	[sflag:s9] =	ssyncadd.s32 $0xFFFFFFB0  }
0x15c: {  	[tilespmem:s25], [sflag:$0x8] =	stream.indirect.gather [hbm4b:s4+s22], $0x80, s17, s22, $0xb8;
	[tilespmem:$0x1BE00] =	vst v63  }
0x15d: {  	_ =	swait.ge [sflag:s2], $0x2800  }
0x15e: {  	[sflag:s2] =	ssyncset.done $0x0  }
0x15f: {  	s14 =	simm.s32 $0x400;
	[sflag:s2] =	ssyncadd.s32 $0xFFFFD800  }
0x160: {  	[spmem:s1] =	stream.indirect.scatter.add.f32 [tilespmem:s28], [sflag:$0xB], $0x80, s14, s22, $0xb8;
	[tilespmem:$0x1BE00] =	vst v63  }
0x161: {  	_ =	swait.ge [sflag:s31], $0x2800  }
0x162: {  	[sflag:s31] =	ssyncset.done $0x0  }
0x163: {  	s18 =	rddreg [dreg:$0x1d];
	[sflag:s31] =	ssyncadd.s32 $0xFFFFD800  }
0x164: {  	[tilespmem:s12], [sflag:$0x3] =	stream.linear.gather [hbm4b:s18+s3], $0x50, $0x38;
	[tilespmem:$0x1BE00] =	vst v63  }
0x165: {  	s16 =	rddreg [dreg:$0x1e]  }
0x166: {  	[tilespmem:s14], [sflag:$0x3] =	stream.linear.gather [hbm4b:s16+s3], $0x50, $0x38;
	[tilespmem:$0x1BE00] =	vst v63  }
0x167: {  	_ =	swait.ge [sflag:s29], $0x50  }
0x168: {  	[sflag:s29] =	ssyncset.done $0x0  }
0x169: {  	[sflag:s29] =	ssyncadd.s32 $0xFFFFFFB0  }
0x16a: {  	_ =	swait.ge [sflag:s29], $0x50  }
0x16b: {  	[sflag:s29] =	ssyncset.done $0x0  }
0x16c: {  	[sflag:s29] =	ssyncadd.s32 $0xFFFFFFB0  }
0x16d: {  	[tilespmem:s28], [sflag:$0x9] =	stream.indirect.gather [hbm4b:s4+s22], $0x80, s19, s22, $0xb8;
	[tilespmem:$0x1BE00] =	vst v63  }
0x16e: {  	_ =	swait.ge [sflag:s30], $0x2800  }
0x16f: {  	[sflag:s30] =	ssyncset.done $0x0  }
0x170: {  	s16 =	simm.s32 $0x480;
	[sflag:s30] =	ssyncadd.s32 $0xFFFFD800  }
0x171: {  	[spmem:s1] =	stream.indirect.scatter.add.f32 [tilespmem:s23], [sflag:$0xB], $0x80, s16, s22, $0xb8;
	[tilespmem:$0x1BE00] =	vst v63  }
0x172: {  	_ =	swait.ge [sflag:s31], $0x2800  }
0x173: {  	s18 =	sld [smem:$0x7F5]  }
0x174: {  	[sflag:s31] =	ssyncset.done $0x0  }
0x175: {  	[sflag:s31] =	ssyncadd.s32 $0xFFFFD800  }
0x176: {  	[tilespmem:s15], [sflag:$0x4] =	stream.linear.gather [hbm4b:s18+s3], $0x50, $0x38;
	[tilespmem:$0x1BE00] =	vst v63  }
0x177: {  	s18 =	sld [smem:$0x7F6];
	_ =	sdelay $0x2  }
0x178: {  	[tilespmem:s16], [sflag:$0x4] =	stream.linear.gather [hbm4b:s18+s3], $0x50, $0x38;
	[tilespmem:$0x1BE00] =	vst v63  }
0x179: {  	_ =	swait.ge [sflag:s21], $0x50  }
0x17a: {  	[sflag:s21] =	ssyncset.done $0x0  }
0x17b: {  	[sflag:s21] =	ssyncadd.s32 $0xFFFFFFB0  }
0x17c: {  	_ =	swait.ge [sflag:s21], $0x50  }
0x17d: {  	[sflag:s21] =	ssyncset.done $0x0  }
0x17e: {  	[sflag:s21] =	ssyncadd.s32 $0xFFFFFFB0  }
0x17f: {  	[tilespmem:s23], [sflag:$0x7] =	stream.indirect.gather [hbm4b:s4+s22], $0x80, s3, s22, $0xb8;
	[tilespmem:$0x1BE00] =	vst v63  }
0x180: {  	_ =	swait.ge [sflag:s7], $0x2800  }
0x181: {  	[sflag:s7] =	ssyncset.done $0x0  }
0x182: {  	s18 =	simm.s32 $0x500;
	[sflag:s7] =	ssyncadd.s32 $0xFFFFD800  }
0x183: {  	[spmem:s1] =	stream.indirect.scatter.add.f32 [tilespmem:s25], [sflag:$0xB], $0x80, s18, s22, $0xb8;
	[tilespmem:$0x1BE00] =	vst v63  }
0x184: {  	_ =	swait.ge [sflag:s31], $0x2800  }
0x185: {  	s5 =	sld [smem:$0x7F7]  }
0x186: {  	[sflag:s31] =	ssyncset.done $0x0  }
0x187: {  	[sflag:s31] =	ssyncadd.s32 $0xFFFFD800  }
0x188: {  	[tilespmem:s17], [sflag:$0x5] =	stream.linear.gather [hbm4b:s5+s3], $0x50, $0x38;
	[tilespmem:$0x1BE00] =	vst v63  }
0x189: {  	s5 =	sld [smem:$0x7F8];
	_ =	sdelay $0x2  }
0x18a: {  	[tilespmem:s18], [sflag:$0x5] =	stream.linear.gather [hbm4b:s5+s3], $0x50, $0x38;
	[tilespmem:$0x1BE00] =	vst v63  }
0x18b: {  	_ =	swait.ge [sflag:s24], $0x50  }
0x18c: {  	[sflag:s24] =	ssyncset.done $0x0  }
0x18d: {  	[sflag:s24] =	ssyncadd.s32 $0xFFFFFFB0  }
0x18e: {  	_ =	swait.ge [sflag:s24], $0x50  }
0x18f: {  	[sflag:s24] =	ssyncset.done $0x0  }
0x190: {  	[sflag:s24] =	ssyncadd.s32 $0xFFFFFFB0  }
0x191: {  	[tilespmem:s25], [sflag:$0x8] =	stream.indirect.gather [hbm4b:s4+s22], $0x80, s8, s22, $0xb8;
	[tilespmem:$0x1BE00] =	vst v63  }
0x192: {  	_ =	swait.ge [sflag:s2], $0x2800  }
0x193: {  	[sflag:s2] =	ssyncset.done $0x0  }
0x194: {  	[sflag:s2] =	ssyncadd.s32 $0xFFFFD800  }
0x195: {  	[spmem:s1] =	stream.indirect.scatter.add.f32 [tilespmem:s28], [sflag:$0xB], $0x80, s20, s22, $0xb8;
	[tilespmem:$0x1BE00] =	vst v63  }
0x196: {  	_ =	swait.ge [sflag:s31], $0x2800  }
0x197: {  	[sflag:s31] =	ssyncset.done $0x0  }
0x198: {  	[sflag:s31] =	ssyncadd.s32 $0xFFFFD800  }
0x199: {  	_ =	swait.ge [sflag:s26], $0x50  }
0x19a: {  	[sflag:s26] =	ssyncset.done $0x0  }
0x19b: {  	[sflag:s26] =	ssyncadd.s32 $0xFFFFFFB0  }
0x19c: {  	_ =	swait.ge [sflag:s26], $0x50  }
0x19d: {  	[sflag:s26] =	ssyncset.done $0x0  }
0x19e: {  	[sflag:s26] =	ssyncadd.s32 $0xFFFFFFB0  }
0x19f: {  	[tilespmem:s28], [sflag:$0x9] =	stream.indirect.gather [hbm4b:s4+s22], $0x80, s12, s22, $0xb8;
	[tilespmem:$0x1BE00] =	vst v63  }
0x1a0: {  	_ =	swait.ge [sflag:s30], $0x2800  }
0x1a1: {  	[sflag:s30] =	ssyncset.done $0x0  }
0x1a2: {  	[sflag:s30] =	ssyncadd.s32 $0xFFFFD800  }
0x1a3: {  	[spmem:s1] =	stream.indirect.scatter.add.f32 [tilespmem:s23], [sflag:$0xB], $0x80, s6, s22, $0xb8;
	[tilespmem:$0x1BE00] =	vst v63  }
0x1a4: {  	_ =	swait.ge [sflag:s31], $0x2800  }
0x1a5: {  	[sflag:s31] =	ssyncset.done $0x0  }
0x1a6: {  	[sflag:s31] =	ssyncadd.s32 $0xFFFFD800  }
0x1a7: {  	_ =	swait.ge [sflag:s0], $0x50  }
0x1a8: {  	[sflag:s0] =	ssyncset.done $0x0  }
0x1a9: {  	[sflag:s0] =	ssyncadd.s32 $0xFFFFFFB0  }
0x1aa: {  	_ =	swait.ge [sflag:s0], $0x50  }
0x1ab: {  	[sflag:s0] =	ssyncset.done $0x0  }
0x1ac: {  	[sflag:s0] =	ssyncadd.s32 $0xFFFFFFB0  }
0x1ad: {  	[tilespmem:s23], [sflag:$0x7] =	stream.indirect.gather [hbm4b:s4+s22], $0x80, s15, s22, $0xb8;
	[tilespmem:$0x1BE00] =	vst v63  }
0x1ae: {  	_ =	swait.ge [sflag:s7], $0x2800  }
0x1af: {  	[sflag:s7] =	ssyncset.done $0x0  }
0x1b0: {  	[sflag:s7] =	ssyncadd.s32 $0xFFFFD800  }
0x1b1: {  	[spmem:s1] =	stream.indirect.scatter.add.f32 [tilespmem:s25], [sflag:$0xB], $0x80, s10, s22, $0xb8;
	[tilespmem:$0x1BE00] =	vst v63  }
0x1b2: {  	_ =	swait.ge [sflag:s31], $0x2800  }
0x1b3: {  	[sflag:s31] =	ssyncset.done $0x0  }
0x1b4: {  	[sflag:s31] =	ssyncadd.s32 $0xFFFFD800  }
0x1b5: {  	_ =	swait.ge [sflag:s9], $0x50  }
0x1b6: {  	[sflag:s9] =	ssyncset.done $0x0  }
0x1b7: {  	[sflag:s9] =	ssyncadd.s32 $0xFFFFFFB0  }
0x1b8: {  	_ =	swait.ge [sflag:s9], $0x50  }
0x1b9: {  	[sflag:s9] =	ssyncset.done $0x0  }
0x1ba: {  	[sflag:s9] =	ssyncadd.s32 $0xFFFFFFB0  }
0x1bb: {  	[tilespmem:s25], [sflag:$0x8] =	stream.indirect.gather [hbm4b:s4+s22], $0x80, s17, s22, $0xb8;
	[tilespmem:$0x1BE00] =	vst v63  }
0x1bc: {  	_ =	swait.ge [sflag:s2], $0x2800  }
0x1bd: {  	[sflag:s2] =	ssyncset.done $0x0  }
0x1be: {  	[sflag:s2] =	ssyncadd.s32 $0xFFFFD800  }
0x1bf: {  	[spmem:s1] =	stream.indirect.scatter.add.f32 [tilespmem:s28], [sflag:$0xB], $0x80, s14, s22, $0xb8;
	[tilespmem:$0x1BE00] =	vst v63  }
0x1c0: {  	_ =	swait.ge [sflag:s31], $0x2800  }
0x1c1: {  	[sflag:s31] =	ssyncset.done $0x0  }
0x1c2: {  	[sflag:s31] =	ssyncadd.s32 $0xFFFFD800  }
0x1c3: {  	_ =	swait.ge [sflag:s30], $0x2800  }
0x1c4: {  	[sflag:s30] =	ssyncset.done $0x0  }
0x1c5: {  	[sflag:s30] =	ssyncadd.s32 $0xFFFFD800  }
0x1c6: {  	[spmem:s1] =	stream.indirect.scatter.add.f32 [tilespmem:s23], [sflag:$0xB], $0x80, s16, s22, $0xb8;
	[tilespmem:$0x1BE00] =	vst v63  }
0x1c7: {  	_ =	swait.ge [sflag:s31], $0x2800  }
0x1c8: {  	[sflag:s31] =	ssyncset.done $0x0  }
0x1c9: {  	[sflag:s31] =	ssyncadd.s32 $0xFFFFD800  }
0x1ca: {  	_ =	swait.ge [sflag:s7], $0x2800  }
0x1cb: {  	[sflag:s7] =	ssyncset.done $0x0  }
0x1cc: {  	[sflag:s7] =	ssyncadd.s32 $0xFFFFD800  }
0x1cd: {  	[spmem:s1] =	stream.indirect.scatter.add.f32 [tilespmem:s25], [sflag:$0xB], $0x80, s18, s22, $0xb8;
	[tilespmem:$0x1BE00] =	vst v63  }
0x1ce: {  	_ =	swait.ge [sflag:s31], $0x2800  }
0x1cf: {  	[sflag:s31] =	ssyncset.done $0x0  }
0x1d0: {  	[sflag:s31] =	ssyncadd.s32 $0xFFFFD800  }
0x1d1: {  	[bflag:$0x0] =	sbarrier.arrive $0xFFFF  }
0x1d2: {  	s14 =	sld [smem:$0x7FC]  }
0x1d3: {  	s15 =	sld [smem:$0x7F9]  }
0x1d4: {  	s16 =	sld [smem:$0x7F3];
	_ =	sdelay $0x1  }
0x1d5: {  	s5 =	sor.u32 $0x1C0B, s14  }
0x1d6: {  	[hbm:s15], [sflag:s5] =	dma.local [spmem:s16], $0x2800  }
0x1d7: {  	_ =	swait.ge [sflag:s31], $0x2800  }
0x1d8: {  	s17 =	sld [smem:$0x7F2]  }
0x1d9: {  	s18 =	sld [smem:$0x7FA];
	_ =	sdelay $0x1  }
0x1da: {  	s6 =	sadd.s32 $0x1, s17  }
0x1db: {  	p0 =	sne.s32 s6, s18  }
.Ltmp1:
0x1dc: {  	_ = 	snop;
	(pc) =	sbr.rel @p0 .LBB2_1-.Ltmp1, $3  }
0x1dd: {  	_ =	sdelay $0x1  }
0x1de: {  	[sflag:s31] =	ssyncset.done $0x0  }
0x1df: {  	[sflag:s31] =	ssyncadd.s32 $0xFFFFD800  }
0x1e0: {  	_ =	sfence.sel $0x180000  }
0x1e1: {  	[bflag:$0x0] =	sbarrier.arrive $0xFFFF  }
0x1e2: {  	_ =	strace $0x9000004D  }
0x1e3: {  	s0 =	stileid.u32;
	[bflag:$0x2] =	sbarrier.arrive $0xFFFF  }
0x1e4: {  	p0 =	sne.s32 s0, $0x0;
	s0 =	rddreg [dreg:$0x2]  }
0x1e5: {  	s0 =	sadd.s32 @!p0 $0x100000, s0  }
0x1e6: {  	[sflag:s0] =	ssyncadd.tile.s32 @!p0 $0x1;
	_ =	shalt  }
.Lfunc_end2:
_tile_overlayer_lowered:
.L_overlay_start_2:
0x1e7: {  	(tag) =	ssettag $0x2  }
0x1e8: {  	s0 =	rddreg [dreg:$0x0];
	s2 =	stileid.u32  }
0x1e9: {  	s1 =	rddreg [dreg:$0x1];
	p0 =	sne.s32 s2, $0x0  }
0x1ea: {  	s3 =	rddreg [dreg:$0x2];
	[bflag:$0x3] =	sbarrier.arrive $0xFFFF;
	s2 =	simm.s32 @!p0 $0x1C0B  }
0x1eb: {  	[timem:s3], [sflag:s2] =	dma.local @!p0 [hbm:s0], s1  }
0x1ec: {  	s0 =	simm.s32 @!p0 $0xB  }
0x1ed: {  	_ =	swait.ge @!p0 [sflag:s0], s1  }
0x1ee: {  	s1 =	ssub.s32 @!p0 $0x0, s1;
	[sflag:s0] =	ssyncset.done @!p0 $0x0  }
0x1ef: {  	[sflag:s0] =	ssyncadd.s32 @!p0 s1  }
0x1f0: {  	[bflag:$0x3] =	sbarrier.arrive $0xFFFF  }
0x1f1: {  	_ =	shalt  }

// kernel: kernel.8.cloned.1.call-start
scs
__scs_entry_jumppad:
0x0: {  	(pc) =	sbr.rel $0x88, $3  }
0x1: {  	(tag) =	ssettag $0x0;
	lr =	simm.s32 $0x1  }
0x2: {  	[smem:$0x3F98] =	sst lr;
	_ =	strace $0xD0000000  }
0x3: {  	_ = 	snop  }
0x4: {  	_ = 	snop  }
0x5: {  	_ = 	snop  }
0x6: {  	_ = 	snop  }
0x7: {  	_ = 	snop  }
__scs_overlays_trampoline_lowered:
0x8: {  	[smem:$0x3FA7] =	sst s0  }
0x9: {  	[smem:$0x3FA8] =	sst s1  }
0xa: {  	[smem:$0x3FA9] =	sst s2  }
0xb: {  	[smem:$0x3FAA] =	sst s3  }
0xc: {  	[smem:$0x3FAB] =	sst s4  }
0xd: {  	[smem:$0x3FAC] =	sst s5  }
0xe: {  	[smem:$0x3FAD] =	sst s6  }
0xf: {  	[smem:$0x3FAE] =	sst s7  }
0x10: {  	[smem:$0x3FAF] =	sst s8  }
0x11: {  	[smem:$0x3FB0] =	sst s9;
	s0 =	simm.s32 @!p0 $0x0  }
0x12: {  	s1 =	sld [smem:$0x3F96];
	s0 =	simm.s32 @p0 $0x1  }
0x13: {  	[smem:$0x3FB1] =	sst s0;
	s0 =	simm.s32 @!p1 $0x0  }
0x14: {  	s2 =	sld [smem:$0x3F95];
	s0 =	simm.s32 @p1 $0x1  }
0x15: {  	[smem:$0x3FB2] =	sst s0;
	s0 =	simm.s32 @!p2 $0x0  }
0x16: {  	s3 =	sld [smem:$0x3FDB];
	s0 =	simm.s32 @p2 $0x1  }
0x17: {  	s4 =	simm.s32 $0x1BF5;
	[smem:$0x3FB4] =	sst s0  }
0x18: {  	s0 =	sld [smem:$0x3F97];
	_ =	swait.ge [sflag:s4], $0x0  }
0x19: {  	s7 =	sld [smem:$0x3F98]  }
0x1a: {  	s8 =	sadd.s32 $0xFFFFE003, lr  }
0x1b: {  	s9 =	sadd.s32 $0xFFFFFEF7, lr;
	s5 =	simm.s32 $0xFFFFFFFF;
	p2 =	slt.u32 s8, $0xFFFFF086  }
0x1c: {  	p1 =	slt.u32 s9, $0xF7A;
	s5 =	simm.s32 @!p2 $0x0  }
0x1d: {  	s5 =	simm.s32 @p1 $0x1;
	p0 =	seq.s32 s7, s2  }
0x1e: {  	s7 =	smul.u32 @!p0 $0xF7A, s2;
	p2 =	seq.s32 @!p0 s5, $0x0  }
0x1f: {  	s9 =	smul.u32 $0xF7A, s1;
	s8 =	simm.s32 @!p0 $0x1BF5;
	p2 =	por !p2, p0  }
0x20: {  	[sflag:s8] =	ssyncset.s32 @!p0 $0xFFFFF086;
	s6 =	sadd.s32 @!p0 s3, s7;
	s7 =	simm.s32 @!p0 $0x108  }
0x21: {  	s3 =	sadd.s32 s3, s9;
	s6 =	sadd.s32 @!p0 $0x88, s6;
	s7 =	simm.s32 @p2 $0x1082  }
0x22: {  	[simem:s7], [sflag:s8] =	dma.local @!p0 [hbm:s6], $0xF7A  }
0x23: {  	s9 =	sor.u32 $0xD0000000, s2;
	s6 =	simm.s32 $0x108;
	_ =	swait.ge @!p0 [sflag:s8], $0x0  }
0x24: {  	s3 =	sadd.s32 $0x88, s3;
	s6 =	simm.s32 @!p1 $0x1082;
	[sflag:s4] =	ssyncset.s32 $0xFFFFF086  }
0x25: {  	[simem:s6], [sflag:s4] =	dma.local [hbm:s3], $0xF7A  }
0x26: {  	[smem:$0x3F98] =	sst s1;
	(tag) =	ssettag s2;
	_ =	strace s9  }
0x27: {  	s1 =	sld [smem:$0x3FA8]  }
0x28: {  	s2 =	sld [smem:$0x3FA9]  }
0x29: {  	s4 =	sld [smem:$0x3FAB]  }
0x2a: {  	p0 =	seq.s32 s5, $0x0;
	s5 =	sld [smem:$0x3FAC]  }
0x2b: {  	s6 =	sld [smem:$0x3FAD]  }
0x2c: {  	s7 =	sld [smem:$0x3FAE]  }
0x2d: {  	s3 =	simm.s32 $0x108;
	s8 =	sld [smem:$0x3FAF]  }
0x2e: {  	s3 =	simm.s32 @!p0 $0x1082;
	s9 =	sld [smem:$0x3FB0]  }
0x2f: {  	lr =	sadd.s32 s0, s3;
	s0 =	sld [smem:$0x3FA7]  }
0x30: {  	s3 =	sld [smem:$0x3FAA]  }
0x31: {  	[smem:$0x3FB3] =	sst s10  }
0x32: {  	s10 =	sld [smem:$0x3FB1];
	_ =	sdelay $0x3  }
0x33: {  	p0 =	seq.s32 s10, $0x1;
	s10 =	sld [smem:$0x3FB3];
	_ =	sdelay $0x3  }
0x34: {  	[smem:$0x3FB3] =	sst s10  }
0x35: {  	s10 =	sld [smem:$0x3FB2];
	_ =	sdelay $0x3  }
0x36: {  	p1 =	seq.s32 s10, $0x1;
	s10 =	sld [smem:$0x3FB3];
	_ =	sdelay $0x3  }
0x37: {  	[smem:$0x3FB3] =	sst s10  }
0x38: {  	s10 =	sld [smem:$0x3FB4]  }
0x39: {  	_ = 	snop;
	(pc) =	sbr.ind lr, $3  }
0x3a: {  	_ = 	snop  }
0x3b: {  	_ = 	snop  }
0x3c: {  	p2 =	seq.s32 s10, $0x1;
	s10 =	sld [smem:$0x3FB3]  }
0x3d: {  	_ =	shalt  }
0x3e: {  	_ =	shalt  }
0x3f: {  	_ =	shalt  }
0x40: {  	_ =	shalt  }
0x41: {  	_ =	shalt  }
0x42: {  	_ =	shalt  }
0x43: {  	_ =	shalt  }
0x44: {  	_ =	shalt  }
0x45: {  	_ =	shalt  }
0x46: {  	_ =	shalt  }
0x47: {  	_ =	shalt  }
0x48: {  	_ =	shalt  }
0x49: {  	_ =	shalt  }
0x4a: {  	_ =	shalt  }
0x4b: {  	_ =	shalt  }
0x4c: {  	_ =	shalt  }
0x4d: {  	_ =	shalt  }
0x4e: {  	_ =	shalt  }
0x4f: {  	_ =	shalt  }
0x50: {  	_ =	shalt  }
0x51: {  	_ =	shalt  }
0x52: {  	_ =	shalt  }
0x53: {  	_ =	shalt  }
0x54: {  	_ =	shalt  }
0x55: {  	_ =	shalt  }
0x56: {  	_ =	shalt  }
0x57: {  	_ =	shalt  }
0x58: {  	_ =	shalt  }
0x59: {  	_ =	shalt  }
0x5a: {  	_ =	shalt  }
0x5b: {  	_ =	shalt  }
0x5c: {  	_ =	shalt  }
0x5d: {  	_ =	shalt  }
0x5e: {  	_ =	shalt  }
0x5f: {  	_ =	shalt  }
0x60: {  	_ =	shalt  }
0x61: {  	_ =	shalt  }
0x62: {  	_ =	shalt  }
0x63: {  	_ =	shalt  }
0x64: {  	_ =	shalt  }
0x65: {  	_ =	shalt  }
0x66: {  	_ =	shalt  }
0x67: {  	_ =	shalt  }
0x68: {  	_ =	shalt  }
0x69: {  	_ =	shalt  }
0x6a: {  	_ =	shalt  }
0x6b: {  	_ =	shalt  }
0x6c: {  	_ =	shalt  }
0x6d: {  	_ =	shalt  }
0x6e: {  	_ =	shalt  }
0x6f: {  	_ =	shalt  }
0x70: {  	_ =	shalt  }
0x71: {  	_ =	shalt  }
0x72: {  	_ =	shalt  }
0x73: {  	_ =	shalt  }
0x74: {  	_ =	shalt  }
0x75: {  	_ =	shalt  }
0x76: {  	_ =	shalt  }
0x77: {  	_ =	shalt  }
0x78: {  	_ =	shalt  }
0x79: {  	_ =	shalt  }
0x7a: {  	_ =	shalt  }
0x7b: {  	_ =	shalt  }
0x7c: {  	_ =	shalt  }
0x7d: {  	_ =	shalt  }
0x7e: {  	_ =	shalt  }
0x7f: {  	_ =	shalt  }
0x80: {  	_ =	shalt  }
0x81: {  	_ =	shalt  }
0x82: {  	_ =	shalt  }
0x83: {  	_ =	shalt  }
0x84: {  	_ =	shalt  }
0x85: {  	_ =	shalt  }
0x86: {  	_ =	shalt  }
0x87: {  	_ =	shalt  }
.Lfunc_end0:
.L_simem_size_0:
called_computation_lowered:
.L_overlay_start_0:
0x88: {  	s2 =	sld [smem:$0x3FD9]  }
0x89: {  	s3 =	sld [smem:$0x3FFE];
	_ =	sdelay $0x1  }
0x8a: {  	s1 =	srdreg.scid  }
0x8b: {  	s0 =	sand.u32 $0x1, s1  }
0x8c: {  	s16 =	sshll.u32 s0, $0xA;
	s2 =	sadd.s32 s3, s2  }
0x8d: {  	s2 =	sadd.s32 s2, s16  }
0x8e: {  	[smem:$0x3FBF] =	sst s2  }
0x8f: {  	_ = 	snop  }
0x90: {  	(tm) =	ssettm $0x1  }
0x91: {  	s17 =	sld [smem:$0x3FFB];
	_ =	sdelay $0x3  }
0x92: {  	_ =	strace s17  }
0x93: {  	s2 =	sld [smem:$0x3FFC];
	_ =	sdelay $0x3  }
0x94: {  	_ =	strace s2  }
0x95: {  	s2 =	sld [smem:$0x3FFD];
	_ =	sdelay $0x3  }
0x96: {  	_ =	strace s2  }
0x97: {  	_ =	strace $0x8FFFFFFF  }
0x98: {  	s18 =	sld [smem:$0x3FDB];
	_ =	sdelay $0x1  }
0x99: {  	s19 =	simm.s32 $_scs_section_size  }
0x9a: {  	s4 =	simm.s32 $_size__tile_overlayer_lowered;
	s5 =	simm.s32 $_tile_overlayer_lowered  }
0x9b: {  	s22 =	simm.s32 $0x1BFF;
	s21 =	sshll.u32 s5, $0x1;
	s2 =	sadd.s32 s19, s18  }
0x9c: {  	s6 =	simm.s32 $0x0;
	s20 =	sshll.u32 s4, $0x1;
	s4 =	sadd.s32 s21, s2  }
0x9d: {  	[timem:s6], [sflag:s22] =	dma.local [hbm:s4], s20  }
0x9e: {  	_ =	swait.ge [sflag:s22], s20  }
0x9f: {  	s3 =	ssub.s32 $0x0, s20;
	[sflag:s22] =	ssyncset.done $0x0  }
0xa0: {  	[sflag:s22] =	ssyncadd.s32 s3;
	_ =	sdelay $0x1  }
0xa1: {  	s23 =	simm.s32 $0x1B8B  }
0xa2: {  	_ =	swait.ge [sflag:s23], $0x1  }
0xa3: {  	[sflag:s23] =	ssyncset.done $0x0  }
0xa4: {  	s25 =	simm.s32 $0x1B8E;
	s24 =	sld [smem:$0x3FFE];
	[sflag:s23] =	ssyncadd.s32 $0xFFFFFFFF  }
0xa5: {  	s26 =	simm.s32 $execute0_lowered;
	[smem:$0x3FD2] =	sst s25  }
0xa6: {  	s4 =	sshll.u32 s26, $0x1;
	_ =	strace $0x80000046;
	[dreg:$0x1] =	wrdreg $0xFFFFFFFF  }
0xa7: {  	s28 =	simm.s32 $_size_execute0_lowered;
	s2 =	sadd.s32 s2, s4;
	[dreg:$0x0] =	wrdreg $0x0  }
0xa8: {  	s4 =	sshll.u32 s28, $0x1;
	[dreg:$0x2] =	wrdreg s2  }
0xa9: {  	[dreg:$0x3] =	wrdreg s4  }
0xaa: {  	[dreg:$0x4] =	wrdreg $0xC0  }
0xab: {  	_ =	task [dreg:s6], $0x5FFFF  }
0xac: {  	[dreg:$0x1] =	wrdreg $0xFFFFFFFF  }
0xad: {  	[dreg:$0x0] =	wrdreg $0x60  }
0xae: {  	[dreg:$0x2] =	wrdreg s24  }
0xaf: {  	[dreg:$0x3] =	wrdreg $0x2C100  }
0xb0: {  	[dreg:$0x4] =	wrdreg $0x9  }
0xb1: {  	_ =	task.clear_ibuf [dreg:s6], $0x5FFFF;
	_ =	strace $0x90000046  }
0xb2: {  	s29 =	simm.s32 $0x9;
	_ =	strace $0x80000048  }
0xb3: {  	_ =	swait.ge [sflag:s29], $0x1  }
0xb4: {  	[sflag:s29] =	ssyncadd.s32 $0xFFFFFFFF  }
0xb5: {  	_ =	strace $0x90000048  }
0xb6: {  	_ =	sfence  }
0xb7: {  	s30 =	sld [smem:$0x0];
	_ =	sdelay $0x2  }
0xb8: {  	s31 =	sshll.u32 s1, $0xD;
	s1 =	sshrl.u32 s1, $0x2  }
0xb9: {  	s3 =	sand.u32 $0x4000, s31;
	s1 =	sadd.s32 s1, s30  }
0xba: {  	s0 =	sor.u32 s3, s0;
	s1 =	sshll.u32 s1, $0x11  }
0xbb: {  	s0 =	sor.u32 s1, s0  }
0xbc: {  	s0 =	sadd.s32 $0x8F2B, s0  }
0xbd: {  	[sflag:s0] =	ssyncadd.remote.s32 $0x1  }
0xbe: {  	_ =	sfence.sel $0xFFFF  }
0xbf: {  	[dreg:$0x0] =	wrdreg $0xFFFFFFFF;
	(pc) =	sbr.abs _section_cstart, $3  }
0xc0: {  	[dreg:$0x1] =	wrdreg $0xFFFFFFFF  }
0xc1: {  	_ =	task.clear_ibuf [dreg:s6], $0x2FFFF;
	_ =	strace $0x9FFFFFFF  }
0xc2: {  	(tm) =	ssettm $0x7FFFFFFF  }
0xc3: {  	_ =	shalt  }
tec
execute0_lowered:
.L_overlay_start_1:
0x0: {  	(tag) =	ssettag $0x1  }
0x1: {  	s0 =	srdreg.scid;
	s5 =	rddreg [dreg:$0x0]  }
0x2: {  	s2 =	rddreg [dreg:$0x1];
	s3 =	simm.s32 $0x0;
	s11 =	simm.s32 $0x2  }
0x3: {  	s12 =	simm.s32 $0x10;
	s4 =	sand.u32 $0x1, s0;
	s0 =	stileid.u32  }
0x4: {  	s13 =	simm.s32 $0x50;
	s14 =	simm.s32 $0x2710;
	s7 =	smul.u32 $0x2800, s0  }
0x5: {  	[smem:$0x7FF] =	sst s3;
	s1 =	sshll.u32 s4, $0x4;
	s8 =	smul.u32 $0x28000, s4  }
0x6: {  	s9 =	ssub.s32 $0x2, s4;
	s4 =	sadd.s32 $0x16A00, s5;
	s1 =	sor.u32 s0, s1  }
0x7: {  	s15 =	sshll.u32 s0, $0x6;
	s10 =	sshrl.u32 s9, $0x1;
	s6 =	smul.u32 $0x4E2, s1  }
0x8: {  	s1 =	rddreg [dreg:$0x2];
	_ =	strace $0x80000047;
	s8 =	sadd.s32 s7, s8  }
0x9: {  	s9 =	ssub.s32 s9, s10;
	s31 =	sadd.s32 s7, s2;
	s8 =	sshrl.u32 s8, $0x3  }
0xa: {  	s10 =	simm.s32 $0x1;
	s6 =	sadd.s32 s6, s5;
	s8 =	sadd.s32 s8, s5  }
0xb: {  	s5 =	sor.u32 $0x1C01, s15;
	s15 =	sor.u32 $0x1C02, s15;
	s6 =	sadd.s32 $0xCC00, s6  }
0xc: {  	v0 =	vimm.f32 $1.000000000e+00;
	s7 =	sadd.s32 $0x19200, s8;
	s8 =	smax.u32 s9, $0x1;
	s9 =	sshrl.u32 s31, $0x3  }
.LBB2_1:
0xd: {  	[spmem:s9@s11], [sflag:s5] =	dma.strided [hbm:s4@s12], $0x500, s10, $0x2   }
0xe: {  	s16 =	simm.s32 $0x40;
	s17 =	simm.s32 $0x0  }
.LBB2_2:
0xf: {  	p0 =	sne.s32 s16, $0x13C0;
	[tilespmem:s17+$0x2710] =	vst v0;
	s17 =	smov.u32 s16;
	s16 =	sadd.s32 $0x40, s16  }
.Ltmp0:
0x10: {  	(pc) =	sbr.rel @p0 .LBB2_2-.Ltmp0, $2  }
0x11: {  	_ =	sdelay $0x2  }
0x12: {  	s17 =	sshra.s32 s17, $0x2  }
0x13: {  	[tilespmem:s17+$0x2710] =	vst v0;
	s16 =	simm.s32 $0x0  }
0x14: {  	[tilespmem:s16], [sflag:$0x2] =	stream.linear.gather [hbm4b:s6+s16], $0x2710, $0x38;
	[tilespmem:$0x5410] =	vst v63  }
0x15: {  	_ =	swait.ge [sflag:s11], $0x2710  }
0x16: {  	[sflag:s11] =	ssyncset.done $0x0  }
0x17: {  	[sflag:s11] =	ssyncadd.s32 $0xFFFFD8F0  }
0x18: {  	_ =	swait.ge [sflag:s10], $0x500  }
0x19: {  	[sflag:s10] =	ssyncset.done $0x0  }
0x1a: {  	[sflag:s10] =	ssyncadd.s32 $0xFFFFFB00  }
0x1b: {  	s26 =	simm.s32 $0x0;
	[bflag:$0x0] =	sbarrier.arrive $0xFFFF  }
0x1c: {  	[spmem:s2] =	stream.indirect.scatter.add.f32 [tilespmem:s14], [sflag:$0x1], $0x10, s26, s13, $0xb8;
	[tilespmem:$0x5410] =	vst v63  }
0x1d: {  	s28 =	simm.s32 $0x50  }
0x1e: {  	[spmem:s2] =	stream.indirect.scatter.add.f32 [tilespmem:s14], [sflag:$0x1], $0x10, s28, s13, $0xb8;
	[tilespmem:$0x5410] =	vst v63  }
0x1f: {  	s29 =	simm.s32 $0xA0  }
0x20: {  	[spmem:s2] =	stream.indirect.scatter.add.f32 [tilespmem:s14], [sflag:$0x1], $0x10, s29, s13, $0xb8;
	[tilespmem:$0x5410] =	vst v63  }
0x21: {  	s30 =	simm.s32 $0xF0  }
0x22: {  	[spmem:s2] =	stream.indirect.scatter.add.f32 [tilespmem:s14], [sflag:$0x1], $0x10, s30, s13, $0xb8;
	[tilespmem:$0x5410] =	vst v63  }
0x23: {  	s31 =	simm.s32 $0x140  }
0x24: {  	[spmem:s2] =	stream.indirect.scatter.add.f32 [tilespmem:s14], [sflag:$0x1], $0x10, s31, s13, $0xb8;
	[tilespmem:$0x5410] =	vst v63  }
0x25: {  	_ =	swait.ge [sflag:s10], $0x500  }
0x26: {  	[sflag:s10] =	ssyncset.done $0x0  }
0x27: {  	[sflag:s10] =	ssyncadd.s32 $0xFFFFFB00  }
0x28: {  	_ =	swait.ge [sflag:s10], $0x500  }
0x29: {  	[sflag:s10] =	ssyncset.done $0x0  }
0x2a: {  	[sflag:s10] =	ssyncadd.s32 $0xFFFFFB00  }
0x2b: {  	_ =	swait.ge [sflag:s10], $0x500  }
0x2c: {  	[sflag:s10] =	ssyncset.done $0x0  }
0x2d: {  	[sflag:s10] =	ssyncadd.s32 $0xFFFFFB00  }
0x2e: {  	_ =	swait.ge [sflag:s10], $0x500  }
0x2f: {  	[sflag:s10] =	ssyncset.done $0x0  }
0x30: {  	[sflag:s10] =	ssyncadd.s32 $0xFFFFFB00  }
0x31: {  	_ =	swait.ge [sflag:s10], $0x500  }
0x32: {  	s17 =	simm.s32 $0xC80;
	s16 =	simm.s32 $0x640;
	[sflag:s10] =	ssyncset.done $0x0  }
.LBB2_4:
0x33: {  	s18 =	sshra.s32 s16, $0x2  }
0x34: {  	[sflag:s10] =	ssyncadd.s32 $0xFFFFFB00;
	s16 =	smov.u32 s17;
	s19 =	sadd.s32 $0x640, s17  }
0x35: {  	[spmem:s2] =	stream.indirect.scatter.add.f32 [tilespmem:s14], [sflag:$0x1], $0x10, s18, s13, $0xb8;
	[tilespmem:$0x5410] =	vst v63  }
0x36: {  	p0 =	sne.s32 s17, $0x9600;
	s17 =	sadd.s32 $0x50, s18  }
0x37: {  	[spmem:s2] =	stream.indirect.scatter.add.f32 [tilespmem:s14], [sflag:$0x1], $0x10, s17, s13, $0xb8;
	[tilespmem:$0x5410] =	vst v63  }
0x38: {  	s17 =	sadd.s32 $0xA0, s18  }
0x39: {  	[spmem:s2] =	stream.indirect.scatter.add.f32 [tilespmem:s14], [sflag:$0x1], $0x10, s17, s13, $0xb8;
	[tilespmem:$0x5410] =	vst v63  }
0x3a: {  	s17 =	sadd.s32 $0xF0, s18  }
0x3b: {  	[spmem:s2] =	stream.indirect.scatter.add.f32 [tilespmem:s14], [sflag:$0x1], $0x10, s17, s13, $0xb8;
	[tilespmem:$0x5410] =	vst v63  }
0x3c: {  	s17 =	sadd.s32 $0x140, s18  }
0x3d: {  	[spmem:s2] =	stream.indirect.scatter.add.f32 [tilespmem:s14], [sflag:$0x1], $0x10, s17, s13, $0xb8;
	[tilespmem:$0x5410] =	vst v63  }
0x3e: {  	_ =	swait.ge [sflag:s10], $0x500  }
0x3f: {  	[sflag:s10] =	ssyncset.done $0x0  }
0x40: {  	[sflag:s10] =	ssyncadd.s32 $0xFFFFFB00  }
0x41: {  	_ =	swait.ge [sflag:s10], $0x500  }
0x42: {  	[sflag:s10] =	ssyncset.done $0x0  }
0x43: {  	[sflag:s10] =	ssyncadd.s32 $0xFFFFFB00  }
0x44: {  	_ =	swait.ge [sflag:s10], $0x500  }
0x45: {  	[sflag:s10] =	ssyncset.done $0x0  }
0x46: {  	[sflag:s10] =	ssyncadd.s32 $0xFFFFFB00  }
.Ltmp1:
0x47: {  	_ =	swait.ge [sflag:s10], $0x500;
	(pc) =	sbr.rel @p0 .LBB2_4-.Ltmp1, $4  }
0x48: {  	[sflag:s10] =	ssyncset.done $0x0  }
0x49: {  	[sflag:s10] =	ssyncadd.s32 $0xFFFFFB00  }
0x4a: {  	_ =	swait.ge [sflag:s10], $0x500  }
0x4b: {  	s17 =	smov.u32 s19;
	[sflag:s10] =	ssyncset.done $0x0  }
0x4c: {  	s16 =	sshra.s32 s16, $0x2;
	[sflag:s10] =	ssyncadd.s32 $0xFFFFFB00  }
0x4d: {  	[spmem:s2] =	stream.indirect.scatter.add.f32 [tilespmem:s14], [sflag:$0x1], $0x10, s16, s13, $0xb8;
	[tilespmem:$0x5410] =	vst v63  }
0x4e: {  	s17 =	sadd.s32 $0x50, s16  }
0x4f: {  	[spmem:s2] =	stream.indirect.scatter.add.f32 [tilespmem:s14], [sflag:$0x1], $0x10, s17, s13, $0xb8;
	[tilespmem:$0x5410] =	vst v63  }
0x50: {  	s30 =	sadd.s32 $0xA0, s16  }
0x51: {  	[spmem:s2] =	stream.indirect.scatter.add.f32 [tilespmem:s14], [sflag:$0x1], $0x10, s30, s13, $0xb8;
	[tilespmem:$0x5410] =	vst v63  }
0x52: {  	s31 =	sadd.s32 $0xF0, s16  }
0x53: {  	[spmem:s2] =	stream.indirect.scatter.add.f32 [tilespmem:s14], [sflag:$0x1], $0x10, s31, s13, $0xb8;
	[tilespmem:$0x5410] =	vst v63  }
0x54: {  	s16 =	sadd.s32 $0x140, s16  }
0x55: {  	[spmem:s2] =	stream.indirect.scatter.add.f32 [tilespmem:s14], [sflag:$0x1], $0x10, s16, s13, $0xb8;
	[tilespmem:$0x5410] =	vst v63  }
0x56: {  	_ =	swait.ge [sflag:s10], $0x500  }
0x57: {  	[sflag:s10] =	ssyncset.done $0x0  }
0x58: {  	[sflag:s10] =	ssyncadd.s32 $0xFFFFFB00  }
0x59: {  	_ =	swait.ge [sflag:s10], $0x500  }
0x5a: {  	[sflag:s10] =	ssyncset.done $0x0  }
0x5b: {  	[sflag:s10] =	ssyncadd.s32 $0xFFFFFB00  }
0x5c: {  	_ =	swait.ge [sflag:s10], $0x500  }
0x5d: {  	[sflag:s10] =	ssyncset.done $0x0  }
0x5e: {  	[sflag:s10] =	ssyncadd.s32 $0xFFFFFB00  }
0x5f: {  	_ =	swait.ge [sflag:s10], $0x500  }
0x60: {  	[sflag:s10] =	ssyncset.done $0x0  }
0x61: {  	[sflag:s10] =	ssyncadd.s32 $0xFFFFFB00  }
0x62: {  	_ =	swait.ge [sflag:s10], $0x500  }
0x63: {  	s3 =	sadd.s32 $0x1, s3;
	[sflag:s10] =	ssyncset.done $0x0  }
0x64: {  	p0 =	sne.s32 s3, s8;
	[sflag:s10] =	ssyncadd.s32 $0xFFFFFB00  }
.Ltmp2:
0x65: {  	[bflag:$0x0] =	sbarrier.arrive $0xFFFF;
	(pc) =	sbr.rel @p0 .LBB2_1-.Ltmp2, $4  }
0x66: {  	[hbm:s7], [sflag:s15] =	dma.local [spmem:s9], $0x500  }
0x67: {  	_ =	swait.ge [sflag:s11], $0x500  }
0x68: {  	[sflag:s11] =	ssyncset.done $0x0  }
0x69: {  	[sflag:s11] =	ssyncadd.s32 $0xFFFFFB00  }
0x6a: {  	_ =	sfence.sel $0x180000  }
0x6b: {  	[bflag:$0x0] =	sbarrier.arrive $0xFFFF  }
0x6c: {  	p0 =	sne.s32 s0, $0x0;
	_ =	strace $0x90000047  }
0x6d: {  	s0 =	sadd.s32 @!p0 $0x100000, s1;
	[bflag:$0x2] =	sbarrier.arrive $0xFFFF  }
0x6e: {  	[sflag:s0] =	ssyncadd.tile.s32 @!p0 $0x1;
	_ =	shalt  }
.Lfunc_end2:
_tile_overlayer_lowered:
.L_overlay_start_2:
0x6f: {  	(tag) =	ssettag $0x2  }
0x70: {  	s0 =	rddreg [dreg:$0x0];
	s2 =	stileid.u32  }
0x71: {  	s1 =	rddreg [dreg:$0x1];
	p0 =	sne.s32 s2, $0x0  }
0x72: {  	s3 =	rddreg [dreg:$0x2];
	[bflag:$0x3] =	sbarrier.arrive $0xFFFF;
	s2 =	simm.s32 @!p0 $0x1C02  }
0x73: {  	[timem:s3], [sflag:s2] =	dma.local @!p0 [hbm:s0], s1  }
0x74: {  	s0 =	simm.s32 @!p0 $0x2  }
0x75: {  	_ =	swait.ge @!p0 [sflag:s0], s1  }
0x76: {  	s1 =	ssub.s32 @!p0 $0x0, s1;
	[sflag:s0] =	ssyncset.done @!p0 $0x0  }
0x77: {  	[sflag:s0] =	ssyncadd.s32 @!p0 s1  }
0x78: {  	[bflag:$0x3] =	sbarrier.arrive $0xFFFF  }
0x79: {  	_ =	shalt  }

</sc_bundles>
